<compile_context>
chip_gen: v7x
topology: tpu7x:2x2x1
jax: 0.10.2.dev20260603
libtpu: 0.0.44.dev20260713+nightly
codegen_flags: <defaults>
</compile_context>

<pallas_src>
import functools

import jax
import jax.numpy as jnp
from jax import lax
from jax.experimental import pallas as pl
from jax.experimental.pallas import tpu as pltpu
from jax.experimental.pallas import tpu_sc as plsc

_N = 10000
_E = 320000
_D = 128
_H = 128
_G = 512

_CH = 128
_NBUF = 2
_NW = 32
_NCH = 160
_CPP = 40
_NPHT = _NCH // _CPP
_C0PH = 3
_EPAD = 16 * _NCH * _CH
_NP = 10240
_RPT = _NP // 16
_RB = 128
_NRB = _RPT // _RB
_DRB = 64
_NB = 1000
_NG = _N // _NB

_f32 = jnp.float32



def _deg_body(z_hbm, dst_hbm, out_hbm, didx, ones_v, bounce, cnt):
    c = lax.axis_index("c")
    s = lax.axis_index("s")

    def fill_ones(i, _):
        k = i // 8
        l = i % 8
        ones_v[k, pl.ds(l * 16, 16)] = jnp.ones((16,), _f32)
        return _
    lax.fori_loop(0, _CH * 8, fill_ones, None)

    def zinit(k, _):
        r0 = s * _RPT + k * _RB
        pltpu.sync_copy(z_hbm.at[pl.ds(r0, _RB)], bounce)
        pltpu.sync_copy(bounce, cnt.at[pl.ds(r0, _RB)])
        return _
    lax.fori_loop(0, _NRB, zinit, None)
    plsc.subcore_barrier()

    for p in range(_NPHT // 2):
        pltpu.sync_copy(
            dst_hbm.at[s, pl.ds(c * (_NCH // 2) + p * _CPP, _CPP)], didx)

        def chunk(j, _):
            pltpu.sync_copy(ones_v, cnt.at[didx.at[j]], add=True)
            return _
        lax.fori_loop(0, _CPP, chunk, None)
    plsc.subcore_barrier()

    def wo(k, _):
        r0 = s * _RPT + k * _RB
        pltpu.sync_copy(cnt.at[pl.ds(r0, _RB)], bounce)
        pltpu.sync_copy(bounce, out_hbm.at[c].at[pl.ds(r0, _RB)])
        return _
    lax.fori_loop(0, _NRB, wo, None)


@functools.cache
def _deg_call():
    return pl.kernel(
        _deg_body,
        out_type=jax.ShapeDtypeStruct((2, _NP, _H), _f32),
        mesh=plsc.VectorSubcoreMesh(core_axis_name="c", subcore_axis_name="s"),
        scratch_types=[
            pltpu.VMEM((_CPP, _CH), jnp.int32),
            pltpu.VMEM((_CH, _H), _f32),
            pltpu.VMEM((_RB, _H), _f32),
            pltpu.VMEM_SHARED((_NP, _H), _f32),
        ],
    )


def _agg_pipeline(hp_hbm, src_hbm, dst_hbm, sidx, didx, bufs, acc, sems,
                  s, row0, nphases):
    for p in range(nphases):
        pltpu.sync_copy(src_hbm.at[s, pl.ds(row0 + p * _CPP, _CPP)], sidx)
        pltpu.sync_copy(dst_hbm.at[s, pl.ds(row0 + p * _CPP, _CPP)], didx)

        for b in range(_NBUF):
            pltpu.make_async_copy(
                hp_hbm.at[sidx.at[b]], bufs.at[b], sems.at[b]).start()

        def body(i, _):
            for b in range(_NBUF):
                j = _NBUF * i + b
                buf = bufs.at[b]
                sem = sems.at[b]
                pltpu.make_async_copy(hp_hbm.at[sidx.at[j]], buf, sem).wait()
                pltpu.sync_copy(buf, acc.at[didx.at[j]], add=True)

                @pl.when(j + _NBUF < _CPP)
                def _():
                    pltpu.make_async_copy(
                        hp_hbm.at[sidx.at[j + _NBUF]], buf, sem).start()
            return _
        lax.fori_loop(0, _CPP // _NBUF, body, None)


def _agg_body(hp_hbm, z_hbm, src_hbm, dst_hbm, out_hbm,
              sidx, didx, bufs, acc, sems):
    c = lax.axis_index("c")
    s = lax.axis_index("s")

    def init(k, _):
        r0 = s * _RPT + k * _RB
        pltpu.sync_copy(z_hbm.at[pl.ds(r0, _RB)], bufs.at[0])
        pltpu.sync_copy(bufs.at[0], acc.at[pl.ds(r0, _RB)])
        return _
    lax.fori_loop(0, _NRB, init, None)

    plsc.subcore_barrier()

    @pl.when(c == 0)
    def _():
        _agg_pipeline(hp_hbm, src_hbm, dst_hbm, sidx, didx, bufs, acc, sems,
                      s, 0, _C0PH)

    @pl.when(c != 0)
    def _():
        _agg_pipeline(hp_hbm, src_hbm, dst_hbm, sidx, didx, bufs, acc, sems,
                      s, _C0PH * _CPP, _NPHT - _C0PH)

    plsc.subcore_barrier()

    def wo(k, _):
        r0 = s * _RPT + k * _RB
        pltpu.sync_copy(acc.at[pl.ds(r0, _RB)], bufs.at[0])
        pltpu.sync_copy(bufs.at[0], out_hbm.at[c].at[pl.ds(r0, _RB)])
        return _
    lax.fori_loop(0, _NRB, wo, None)


@functools.cache
def _agg_call():
    return pl.kernel(
        _agg_body,
        out_type=jax.ShapeDtypeStruct((2, _NP, _H), _f32),
        mesh=plsc.VectorSubcoreMesh(core_axis_name="c", subcore_axis_name="s"),
        scratch_types=[
            pltpu.VMEM((_CPP, _CH), jnp.int32),
            pltpu.VMEM((_CPP, _CH), jnp.int32),
            pltpu.VMEM((_NBUF, _CH, _H), _f32),
            pltpu.VMEM_SHARED((_NP, _H), _f32),
            pltpu.SemaphoreType.DMA((_NBUF,)),
        ],
    )



def _tc1_body(dp_ref, x_ref, w_ref, h1p_ref, dinv_ref):
    deg = dp_ref[0, :, 0:1] + dp_ref[1, :, 0:1] + 1.0
    dv = lax.rsqrt(deg)
    h = jnp.dot(x_ref[...], w_ref[...], precision=lax.Precision.HIGHEST,
                preferred_element_type=_f32)
    h1p_ref[...] = h * dv
    dinv_ref[...] = dv


def _tc1(degparts, x, w1):
    return pl.pallas_call(
        _tc1_body,
        grid=(_NG,),
        in_specs=[
            pl.BlockSpec((2, _NB, _H), lambda i: (0, i, 0)),
            pl.BlockSpec((_NB, _D), lambda i: (i, 0)),
            pl.BlockSpec((_D, _H), lambda i: (0, 0)),
        ],
        out_specs=[
            pl.BlockSpec((_NB, _H), lambda i: (i, 0)),
            pl.BlockSpec((_NB, 1), lambda i: (i, 0)),
        ],
        out_shape=[
            jax.ShapeDtypeStruct((_N, _H), _f32),
            jax.ShapeDtypeStruct((_N, 1), _f32),
        ],
    )(degparts, x, w1)


def _norm_relu(parts_blk, hp_blk, dinv_blk, b, g, beta):
    agg = (parts_blk[0] + parts_blk[1] + hp_blk) * dinv_blk + b
    mu = jnp.mean(agg, axis=-1, keepdims=True)
    xc = agg - mu
    var = jnp.mean(xc * xc, axis=-1, keepdims=True)
    t = xc * lax.rsqrt(var + 1e-5) * g + beta
    return jnp.maximum(t, 0.0)


def _tc_mid_body(p_ref, hp_ref, dinv_ref, b_ref, g_ref, be_ref, w_ref, out_ref):
    dv = dinv_ref[...]
    r = _norm_relu(p_ref[...], hp_ref[...], dv, b_ref[...], g_ref[...], be_ref[...])
    h2 = jnp.dot(r, w_ref[...], precision=lax.Precision.HIGHEST,
                 preferred_element_type=_f32)
    out_ref[...] = h2 * dv


def _tc_mid(parts, h1p, dinv, b1, g1, beta1, w2):
    return pl.pallas_call(
        _tc_mid_body,
        grid=(_NG,),
        in_specs=[
            pl.BlockSpec((2, _NB, _H), lambda i: (0, i, 0)),
            pl.BlockSpec((_NB, _H), lambda i: (i, 0)),
            pl.BlockSpec((_NB, 1), lambda i: (i, 0)),
            pl.BlockSpec((1, _H), lambda i: (0, 0)),
            pl.BlockSpec((1, _H), lambda i: (0, 0)),
            pl.BlockSpec((1, _H), lambda i: (0, 0)),
            pl.BlockSpec((_H, _H), lambda i: (0, 0)),
        ],
        out_specs=pl.BlockSpec((_NB, _H), lambda i: (i, 0)),
        out_shape=jax.ShapeDtypeStruct((_N, _H), _f32),
    )(parts, h1p, dinv, b1, g1, beta1, w2)


def _tc_final_body(p_ref, hp_ref, dinv_ref, b_ref, g_ref, be_ref,
                   batch_ref, fcw_ref, fcb_ref, out_ref, pool_ref):
    i = pl.program_id(0)
    r = _norm_relu(p_ref[...], hp_ref[...], dinv_ref[...],
                   b_ref[...], g_ref[...], be_ref[...])
    bv = batch_ref[0, 0, :]
    gid = lax.broadcasted_iota(jnp.int32, (_NB, _G), 1)
    oh = jnp.where(bv[:, None] == gid, 1.0, 0.0).astype(_f32)
    hx = jnp.concatenate([r, jnp.ones_like(r)], axis=1)

    @pl.when(i == 0)
    def _():
        pool_ref[...] = jnp.zeros_like(pool_ref)

    pool_ref[...] += lax.dot_general(
        oh, hx, (((0,), (0,)), ((), ())),
        precision=lax.Precision.HIGHEST, preferred_element_type=_f32)

    @pl.when(i == _NG - 1)
    def _():
        ps = pool_ref[:, 0:_H]
        cnt = pool_ref[:, _H:2 * _H]
        mean = ps / jnp.maximum(cnt, 1.0)
        logit = jnp.dot(mean, fcw_ref[...], precision=lax.Precision.HIGHEST,
                        preferred_element_type=_f32) + fcb_ref[0, 0]
        out_ref[...] = jax.nn.sigmoid(logit)


def _tc_final(parts, h2p, dinv, b2, g2, beta2, batch3, fcw, fcb):
    return pl.pallas_call(
        _tc_final_body,
        grid=(_NG,),
        in_specs=[
            pl.BlockSpec((2, _NB, _H), lambda i: (0, i, 0)),
            pl.BlockSpec((_NB, _H), lambda i: (i, 0)),
            pl.BlockSpec((_NB, 1), lambda i: (i, 0)),
            pl.BlockSpec((1, _H), lambda i: (0, 0)),
            pl.BlockSpec((1, _H), lambda i: (0, 0)),
            pl.BlockSpec((1, _H), lambda i: (0, 0)),
            pl.BlockSpec((1, 1, _NB), lambda i: (i, 0, 0)),
            pl.BlockSpec((_H, 1), lambda i: (0, 0)),
            pl.BlockSpec((1, 1), lambda i: (0, 0)),
        ],
        out_specs=pl.BlockSpec((_G, 1), lambda i: (0, 0)),
        out_shape=jax.ShapeDtypeStruct((_G, 1), _f32),
        scratch_shapes=[pltpu.VMEM((_G, 2 * _H), _f32)],
    )(parts, h2p, dinv, b2, g2, beta2, batch3, fcw, fcb)



def kernel(x, edge_index, batch, W1, b1, g1, beta1, W2, b2, g2, beta2, fcW, fcb):
    pad = _EPAD - _E
    srcp = jnp.concatenate([edge_index[0], jnp.zeros((pad,), jnp.int32)])
    dstp = jnp.concatenate([edge_index[1], jnp.full((pad,), _NP - 1, jnp.int32)])
    src3 = srcp.reshape(16, _NCH, _CH)
    dst3 = dstp.reshape(16, _NCH, _CH)
    batch3 = batch.reshape(_NG, 1, _NB)
    z = jnp.zeros((_NP, _H), _f32)

    degparts = _deg_call()(z, dst3)
    h1p, dinv = _tc1(degparts, x, W1)
    parts1 = _agg_call()(h1p, z, src3, dst3)
    h2p = _tc_mid(parts1, h1p, dinv, b1.reshape(1, _H), g1.reshape(1, _H),
                  beta1.reshape(1, _H), W2)
    parts2 = _agg_call()(h2p, z, src3, dst3)
    out2 = _tc_final(parts2, h2p, dinv, b2.reshape(1, _H), g2.reshape(1, _H),
                     beta2.reshape(1, _H), batch3, fcW, fcb.reshape(1, 1))
    return out2[:, 0]

# --- scband reference (transcript-rebuilt; emitter-appended) ---
"""Pipeline reference for scband-team-win-predictor-25658134627030 (READ-ONLY COPY).

The authoritative reference and input builder live on the scoring server;
editing this copy changes nothing except your own understanding.
"""

import jax, jax.numpy as jnp
import numpy as np

N = 10000
E = 320000
D = 128
H = 128
G = 512


def setup_inputs(seed: int = 0) -> dict:
    key = jax.random.key(seed)
    ks = jax.random.split(key, 14)
    x = jax.random.normal(ks[0], (N, D), dtype=jnp.float32)
    edge_index = jax.random.randint(ks[1], (2, E), 0, N, dtype=jnp.int32)
    batch = jnp.sort(jax.random.randint(ks[2], (N,), 0, G, dtype=jnp.int32))
    s = 0.05
    W1 = jax.random.normal(ks[3], (D, H), dtype=jnp.float32) * s
    b1 = jnp.zeros((H,), dtype=jnp.float32)
    g1 = jnp.ones((H,), dtype=jnp.float32)
    beta1 = jnp.zeros((H,), dtype=jnp.float32)
    W2 = jax.random.normal(ks[4], (H, H), dtype=jnp.float32) * s
    b2 = jnp.zeros((H,), dtype=jnp.float32)
    g2 = jnp.ones((H,), dtype=jnp.float32)
    beta2 = jnp.zeros((H,), dtype=jnp.float32)
    fcW = jax.random.normal(ks[5], (H, 1), dtype=jnp.float32) * s
    fcb = jnp.zeros((1,), dtype=jnp.float32)
    return {"x": x, "edge_index": edge_index, "batch": batch,
            "W1": W1, "b1": b1, "g1": g1, "beta1": beta1,
            "W2": W2, "b2": b2, "g2": g2, "beta2": beta2,
            "fcW": fcW, "fcb": fcb}


def _gcn_conv(x, edge_index, W, b):
    src = edge_index[0]
    dst = edge_index[1]
    loop = jnp.arange(N, dtype=src.dtype)
    s = jnp.concatenate([src, loop])
    d = jnp.concatenate([dst, loop])
    deg = jnp.zeros((N,), x.dtype).at[d].add(1.0)
    dinv = jnp.where(deg > 0, 1.0 / jnp.sqrt(deg), 0.0)
    norm = dinv[s] * dinv[d]
    h = x @ W
    msg = h[s] * norm[:, None]
    out = jnp.zeros((N, W.shape[1]), x.dtype).at[d].add(msg)
    return out + b


def _layer_norm(x, g, beta, eps=1e-5):
    mu = jnp.mean(x, axis=-1, keepdims=True)
    var = jnp.mean((x - mu) ** 2, axis=-1, keepdims=True)
    return (x - mu) / jnp.sqrt(var + eps) * g + beta


def reference(x, edge_index, batch, W1, b1, g1, beta1, W2, b2, g2, beta2, fcW, fcb):
    h = _gcn_conv(x, edge_index, W1, b1)
    h = _layer_norm(h, g1, beta1)
    h = jax.nn.relu(h)
    h = _gcn_conv(h, edge_index, W2, b2)
    h = _layer_norm(h, g2, beta2)
    h = jax.nn.relu(h)
    pooled_sum = jax.ops.segment_sum(h, batch, num_segments=G)
    counts = jax.ops.segment_sum(jnp.ones((N, 1), h.dtype), batch, num_segments=G)
    pooled = pooled_sum / jnp.maximum(counts, 1.0)
    out = pooled @ fcW + fcb
    return jax.nn.sigmoid(out).squeeze()

if __name__ == "__main__":
    import jax
    _d = setup_inputs()
    print(jax.jit(kernel)(*tuple(_d.values())))

</pallas_src>

<mosaic_0001>
#map = affine_map<(d0, d1) -> (0, 0)>
#map1 = affine_map<(d0, d1) -> (0, 0, 0)>
module attributes {stable_mosaic.version = 14 : i64} {
  func.func @_agg_body(%arg0: i32, %arg1: i32, %arg2: memref<10000x128xf32, #tpu.memory_space<hbm>>, %arg3: memref<10240x128xf32, #tpu.memory_space<hbm>>, %arg4: memref<16x160x128xi32, #tpu.memory_space<hbm>>, %arg5: memref<16x160x128xi32, #tpu.memory_space<hbm>>, %arg6: memref<2x10240x128xf32, #tpu.memory_space<hbm>>, %arg7: memref<40x128xi32, #tpu.memory_space<vmem>>, %arg8: memref<40x128xi32, #tpu.memory_space<vmem>>, %arg9: memref<2x128x128xf32, #tpu.memory_space<vmem>>, %arg10: memref<10240x128xf32, #tpu.memory_space<vmem_shared>>, %arg11: memref<2x!tpu.dma_semaphore, #tpu.memory_space<semaphore_mem>>) attributes {dimension_semantics = [#tpu.dimension_semantics<core_parallel>, #tpu.dimension_semantics<subcore_parallel>], iteration_bounds = array<i64: 2, 16>, scalar_prefetch = 0 : i64, scratch_operands = 5 : i64, tpu.core_type = #tpu.core_type<sc_vector_subcore>, window_params = [{transform_indices = #map}, {transform_indices = #map}, {transform_indices = #map1}, {transform_indices = #map1}, {transform_indices = #map1}]} {
    %scan3A = arith.constant 0 : i32
    %scan3A_0 = arith.constant 5 : i32
    %scan3A_1 = arith.addi %scan3A, %scan3A_0 : i32
    %scan3A_2 = arith.constant 1 : i32
    scf.for %scan3A_16 = %scan3A to %scan3A_1 step %scan3A_2  : i32 {
      %mul3A = arith.constant 640 : i32
      %mul3A_17 = arith.muli %arg1, %mul3A : i32
      %mul3A_18 = arith.constant 128 : i32
      %mul3A_19 = arith.muli %scan3A_16, %mul3A_18 : i32
      %add3A = arith.addi %mul3A_17, %mul3A_19 : i32
      %run_scoped3A = arith.constant 0 : i32
      "tpu.region"() ({
        %run_scoped3A_21 = tpu.sem_alloc : memref<!tpu.dma_semaphore, #tpu.memory_space<semaphore_mem>>
        %dma_start3A = arith.constant 0 : i32
        %dma_start3A_22 = arith.constant 0 : i32
        %dma_start3A_23 = tpu.memref_slice %arg9[%run_scoped3A, %dma_start3A, %dma_start3A_22] : memref<2x128x128xf32, #tpu.memory_space<vmem>> -> memref<1x128x128xf32, #tpu.memory_space<vmem>>
        %dma_start3A_24 = tpu.memref_squeeze %dma_start3A_23 : memref<1x128x128xf32, #tpu.memory_space<vmem>> -> memref<128x128xf32, #tpu.memory_space<vmem>>
        %dma_start3A_25 = arith.constant 0 : i32
        %dma_start3A_26 = tpu.memref_slice %arg3[%add3A, %dma_start3A_25] : memref<10240x128xf32, #tpu.memory_space<hbm>> -> memref<128x128xf32, #tpu.memory_space<hbm>>
        %dma_start3A_27 = arith.constant 0 : i32
        %dma_start3A_28 = arith.constant 0 : i32
        %dma_start3A_29 = tpu.memref_slice %arg9[%run_scoped3A, %dma_start3A_27, %dma_start3A_28] : memref<2x128x128xf32, #tpu.memory_space<vmem>> -> memref<1x128x128xf32, #tpu.memory_space<vmem>>
        %dma_start3A_30 = tpu.memref_squeeze %dma_start3A_29 : memref<1x128x128xf32, #tpu.memory_space<vmem>> -> memref<128x128xf32, #tpu.memory_space<vmem>>
        %dma_start3A_31 = arith.constant 0 : i32
        %dma_start3A_32 = tpu.memref_slice %arg3[%add3A, %dma_start3A_31] : memref<10240x128xf32, #tpu.memory_space<hbm>> -> memref<128x128xf32, #tpu.memory_space<hbm>>
        tpu.enqueue_dma source(%dma_start3A_32 : memref<128x128xf32, #tpu.memory_space<hbm>>) target(%dma_start3A_30 : memref<128x128xf32, #tpu.memory_space<vmem>>) target_semaphore(%run_scoped3A_21 : memref<!tpu.dma_semaphore, #tpu.memory_space<semaphore_mem>>)
        %dma_wait3A = arith.constant 0 : i32
        %dma_wait3A_33 = arith.constant 0 : i32
        %dma_wait3A_34 = tpu.memref_slice %arg9[%run_scoped3A, %dma_wait3A, %dma_wait3A_33] : memref<2x128x128xf32, #tpu.memory_space<vmem>> -> memref<1x128x128xf32, #tpu.memory_space<vmem>>
        %dma_wait3A_35 = tpu.memref_squeeze %dma_wait3A_34 : memref<1x128x128xf32, #tpu.memory_space<vmem>> -> memref<128x128xf32, #tpu.memory_space<vmem>>
        %dma_wait3A_36 = arith.constant 0 : i32
        %dma_wait3A_37 = tpu.memref_slice %arg3[%add3A, %dma_wait3A_36] : memref<10240x128xf32, #tpu.memory_space<hbm>> -> memref<128x128xf32, #tpu.memory_space<hbm>>
        %dma_wait3A_38 = arith.constant 0 : i32
        %dma_wait3A_39 = arith.constant 0 : i32
        %dma_wait3A_40 = tpu.memref_slice %arg9[%run_scoped3A, %dma_wait3A_38, %dma_wait3A_39] : memref<2x128x128xf32, #tpu.memory_space<vmem>> -> memref<1x128x128xf32, #tpu.memory_space<vmem>>
        %dma_wait3A_41 = tpu.memref_squeeze %dma_wait3A_40 : memref<1x128x128xf32, #tpu.memory_space<vmem>> -> memref<128x128xf32, #tpu.memory_space<vmem>>
        %dma_wait3A_42 = arith.constant 0 : i32
        %dma_wait3A_43 = tpu.memref_slice %arg3[%add3A, %dma_wait3A_42] : memref<10240x128xf32, #tpu.memory_space<hbm>> -> memref<128x128xf32, #tpu.memory_space<hbm>>
        tpu.wait_dma2 semaphore(%run_scoped3A_21 : memref<!tpu.dma_semaphore, #tpu.memory_space<semaphore_mem>>) src(%dma_wait3A_43 : memref<128x128xf32, #tpu.memory_space<hbm>>) dst(%dma_wait3A_41 : memref<128x128xf32, #tpu.memory_space<vmem>>)
        tpu.yield
      }) : () -> ()
      %run_scoped3A_20 = arith.constant 0 : i32
      "tpu.region"() ({
        %run_scoped3A_21 = tpu.sem_alloc : memref<!tpu.dma_semaphore, #tpu.memory_space<semaphore_mem>>
        %dma_start3A = arith.constant 0 : i32
        %dma_start3A_22 = arith.constant 0 : i32
        %dma_start3A_23 = tpu.memref_slice %arg9[%run_scoped3A_20, %dma_start3A, %dma_start3A_22] : memref<2x128x128xf32, #tpu.memory_space<vmem>> -> memref<1x128x128xf32, #tpu.memory_space<vmem>>
        %dma_start3A_24 = tpu.memref_squeeze %dma_start3A_23 : memref<1x128x128xf32, #tpu.memory_space<vmem>> -> memref<128x128xf32, #tpu.memory_space<vmem>>
        %dma_start3A_25 = arith.constant 0 : i32
        %dma_start3A_26 = tpu.memref_slice %arg10[%add3A, %dma_start3A_25] : memref<10240x128xf32, #tpu.memory_space<vmem_shared>> -> memref<128x128xf32, #tpu.memory_space<vmem_shared>>
        %dma_start3A_27 = arith.constant 0 : i32
        %dma_start3A_28 = tpu.memref_slice %arg10[%add3A, %dma_start3A_27] : memref<10240x128xf32, #tpu.memory_space<vmem_shared>> -> memref<128x128xf32, #tpu.memory_space<vmem_shared>>
        %dma_start3A_29 = arith.constant 0 : i32
        %dma_start3A_30 = arith.constant 0 : i32
        %dma_start3A_31 = tpu.memref_slice %arg9[%run_scoped3A_20, %dma_start3A_29, %dma_start3A_30] : memref<2x128x128xf32, #tpu.memory_space<vmem>> -> memref<1x128x128xf32, #tpu.memory_space<vmem>>
        %dma_start3A_32 = tpu.memref_squeeze %dma_start3A_31 : memref<1x128x128xf32, #tpu.memory_space<vmem>> -> memref<128x128xf32, #tpu.memory_space<vmem>>
        tpu.enqueue_dma source(%dma_start3A_32 : memref<128x128xf32, #tpu.memory_space<vmem>>) target(%dma_start3A_28 : memref<128x128xf32, #tpu.memory_space<vmem_shared>>) target_semaphore(%run_scoped3A_21 : memref<!tpu.dma_semaphore, #tpu.memory_space<semaphore_mem>>)
        %dma_wait3A = arith.constant 0 : i32
        %dma_wait3A_33 = arith.constant 0 : i32
        %dma_wait3A_34 = tpu.memref_slice %arg9[%run_scoped3A_20, %dma_wait3A, %dma_wait3A_33] : memref<2x128x128xf32, #tpu.memory_space<vmem>> -> memref<1x128x128xf32, #tpu.memory_space<vmem>>
        %dma_wait3A_35 = tpu.memref_squeeze %dma_wait3A_34 : memref<1x128x128xf32, #tpu.memory_space<vmem>> -> memref<128x128xf32, #tpu.memory_space<vmem>>
        %dma_wait3A_36 = arith.constant 0 : i32
        %dma_wait3A_37 = tpu.memref_slice %arg10[%add3A, %dma_wait3A_36] : memref<10240x128xf32, #tpu.memory_space<vmem_shared>> -> memref<128x128xf32, #tpu.memory_space<vmem_shared>>
        %dma_wait3A_38 = arith.constant 0 : i32
        %dma_wait3A_39 = tpu.memref_slice %arg10[%add3A, %dma_wait3A_38] : memref<10240x128xf32, #tpu.memory_space<vmem_shared>> -> memref<128x128xf32, #tpu.memory_space<vmem_shared>>
        %dma_wait3A_40 = arith.constant 0 : i32
        %dma_wait3A_41 = arith.constant 0 : i32
        %dma_wait3A_42 = tpu.memref_slice %arg9[%run_scoped3A_20, %dma_wait3A_40, %dma_wait3A_41] : memref<2x128x128xf32, #tpu.memory_space<vmem>> -> memref<1x128x128xf32, #tpu.memory_space<vmem>>
        %dma_wait3A_43 = tpu.memref_squeeze %dma_wait3A_42 : memref<1x128x128xf32, #tpu.memory_space<vmem>> -> memref<128x128xf32, #tpu.memory_space<vmem>>
        tpu.wait_dma2 semaphore(%run_scoped3A_21 : memref<!tpu.dma_semaphore, #tpu.memory_space<semaphore_mem>>) src(%dma_wait3A_43 : memref<128x128xf32, #tpu.memory_space<vmem>>) dst(%dma_wait3A_39 : memref<128x128xf32, #tpu.memory_space<vmem_shared>>)
        tpu.yield
      }) : () -> ()
    }
    %scan3A_3 = arith.constant 5 : i32
    %barrier3A = arith.constant 0 : index
    tpu.barrier barrier_id(%barrier3A)
    %eq3A = arith.constant 0 : i32
    %eq3A_4 = arith.cmpi eq, %arg0, %eq3A : i32
    %convert_element_type3A = arith.extui %eq3A_4 : i1 to i32
    %cond3A = arith.constant 0 : i32
    %cond3A_5 = arith.cmpi ne, %convert_element_type3A, %cond3A : i32
    scf.if %cond3A_5 {
      "tpu.region"() ({
        %run_scoped3A = tpu.sem_alloc : memref<!tpu.dma_semaphore, #tpu.memory_space<semaphore_mem>>
        %dma_start3A_120 = arith.constant 0 : i32
        %dma_start3A_121 = arith.constant 0 : i32
        %dma_start3A_122 = tpu.memref_slice %arg4[%arg1, %dma_start3A_120, %dma_start3A_121] : memref<16x160x128xi32, #tpu.memory_space<hbm>> -> memref<1x40x128xi32, #tpu.memory_space<hbm>>
        %dma_start3A_123 = tpu.memref_squeeze %dma_start3A_122 : memref<1x40x128xi32, #tpu.memory_space<hbm>> -> memref<40x128xi32, #tpu.memory_space<hbm>>
        %dma_start3A_124 = arith.constant 0 : i32
        %dma_start3A_125 = arith.constant 0 : i32
        %dma_start3A_126 = tpu.memref_slice %arg4[%arg1, %dma_start3A_124, %dma_start3A_125] : memref<16x160x128xi32, #tpu.memory_space<hbm>> -> memref<1x40x128xi32, #tpu.memory_space<hbm>>
        %dma_start3A_127 = tpu.memref_squeeze %dma_start3A_126 : memref<1x40x128xi32, #tpu.memory_space<hbm>> -> memref<40x128xi32, #tpu.memory_space<hbm>>
        tpu.enqueue_dma source(%dma_start3A_127 : memref<40x128xi32, #tpu.memory_space<hbm>>) target(%arg7 : memref<40x128xi32, #tpu.memory_space<vmem>>) target_semaphore(%run_scoped3A : memref<!tpu.dma_semaphore, #tpu.memory_space<semaphore_mem>>)
        %dma_wait3A = arith.constant 0 : i32
        %dma_wait3A_128 = arith.constant 0 : i32
        %dma_wait3A_129 = tpu.memref_slice %arg4[%arg1, %dma_wait3A, %dma_wait3A_128] : memref<16x160x128xi32, #tpu.memory_space<hbm>> -> memref<1x40x128xi32, #tpu.memory_space<hbm>>
        %dma_wait3A_130 = tpu.memref_squeeze %dma_wait3A_129 : memref<1x40x128xi32, #tpu.memory_space<hbm>> -> memref<40x128xi32, #tpu.memory_space<hbm>>
        %dma_wait3A_131 = arith.constant 0 : i32
        %dma_wait3A_132 = arith.constant 0 : i32
        %dma_wait3A_133 = tpu.memref_slice %arg4[%arg1, %dma_wait3A_131, %dma_wait3A_132] : memref<16x160x128xi32, #tpu.memory_space<hbm>> -> memref<1x40x128xi32, #tpu.memory_space<hbm>>
        %dma_wait3A_134 = tpu.memref_squeeze %dma_wait3A_133 : memref<1x40x128xi32, #tpu.memory_space<hbm>> -> memref<40x128xi32, #tpu.memory_space<hbm>>
        tpu.wait_dma2 semaphore(%run_scoped3A : memref<!tpu.dma_semaphore, #tpu.memory_space<semaphore_mem>>) src(%dma_wait3A_134 : memref<40x128xi32, #tpu.memory_space<hbm>>) dst(%arg7 : memref<40x128xi32, #tpu.memory_space<vmem>>)
        tpu.yield
      }) : () -> ()
      "tpu.region"() ({
        %run_scoped3A = tpu.sem_alloc : memref<!tpu.dma_semaphore, #tpu.memory_space<semaphore_mem>>
        %dma_start3A_120 = arith.constant 0 : i32
        %dma_start3A_121 = arith.constant 0 : i32
        %dma_start3A_122 = tpu.memref_slice %arg5[%arg1, %dma_start3A_120, %dma_start3A_121] : memref<16x160x128xi32, #tpu.memory_space<hbm>> -> memref<1x40x128xi32, #tpu.memory_space<hbm>>
        %dma_start3A_123 = tpu.memref_squeeze %dma_start3A_122 : memref<1x40x128xi32, #tpu.memory_space<hbm>> -> memref<40x128xi32, #tpu.memory_space<hbm>>
        %dma_start3A_124 = arith.constant 0 : i32
        %dma_start3A_125 = arith.constant 0 : i32
        %dma_start3A_126 = tpu.memref_slice %arg5[%arg1, %dma_start3A_124, %dma_start3A_125] : memref<16x160x128xi32, #tpu.memory_space<hbm>> -> memref<1x40x128xi32, #tpu.memory_space<hbm>>
        %dma_start3A_127 = tpu.memref_squeeze %dma_start3A_126 : memref<1x40x128xi32, #tpu.memory_space<hbm>> -> memref<40x128xi32, #tpu.memory_space<hbm>>
        tpu.enqueue_dma source(%dma_start3A_127 : memref<40x128xi32, #tpu.memory_space<hbm>>) target(%arg8 : memref<40x128xi32, #tpu.memory_space<vmem>>) target_semaphore(%run_scoped3A : memref<!tpu.dma_semaphore, #tpu.memory_space<semaphore_mem>>)
        %dma_wait3A = arith.constant 0 : i32
        %dma_wait3A_128 = arith.constant 0 : i32
        %dma_wait3A_129 = tpu.memref_slice %arg5[%arg1, %dma_wait3A, %dma_wait3A_128] : memref<16x160x128xi32, #tpu.memory_space<hbm>> -> memref<1x40x128xi32, #tpu.memory_space<hbm>>
        %dma_wait3A_130 = tpu.memref_squeeze %dma_wait3A_129 : memref<1x40x128xi32, #tpu.memory_space<hbm>> -> memref<40x128xi32, #tpu.memory_space<hbm>>
        %dma_wait3A_131 = arith.constant 0 : i32
        %dma_wait3A_132 = arith.constant 0 : i32
        %dma_wait3A_133 = tpu.memref_slice %arg5[%arg1, %dma_wait3A_131, %dma_wait3A_132] : memref<16x160x128xi32, #tpu.memory_space<hbm>> -> memref<1x40x128xi32, #tpu.memory_space<hbm>>
        %dma_wait3A_134 = tpu.memref_squeeze %dma_wait3A_133 : memref<1x40x128xi32, #tpu.memory_space<hbm>> -> memref<40x128xi32, #tpu.memory_space<hbm>>
        tpu.wait_dma2 semaphore(%run_scoped3A : memref<!tpu.dma_semaphore, #tpu.memory_space<semaphore_mem>>) src(%dma_wait3A_134 : memref<40x128xi32, #tpu.memory_space<hbm>>) dst(%arg8 : memref<40x128xi32, #tpu.memory_space<vmem>>)
        tpu.yield
      }) : () -> ()
      %dma_start3A = arith.constant 0 : i32
      %dma_start3A_16 = arith.constant 0 : i32
      %dma_start3A_17 = arith.constant 0 : i32
      %dma_start3A_18 = arith.constant 0 : i32
      %dma_start3A_19 = arith.constant 0 : i32
      %dma_start3A_20 = tpu.memref_slice %arg9[%dma_start3A_16, %dma_start3A_18, %dma_start3A_19] : memref<2x128x128xf32, #tpu.memory_space<vmem>> -> memref<1x128x128xf32, #tpu.memory_space<vmem>>
      %dma_start3A_21 = tpu.memref_squeeze %dma_start3A_20 : memref<1x128x128xf32, #tpu.memory_space<vmem>> -> memref<128x128xf32, #tpu.memory_space<vmem>>
      %dma_start3A_22 = arith.constant 0 : i32
      %dma_start3A_23 = tpu.memref_slice %arg7[%dma_start3A, %dma_start3A_22] : memref<40x128xi32, #tpu.memory_space<vmem>> -> memref<1x128xi32, #tpu.memory_space<vmem>>
      %dma_start3A_24 = tpu.memref_squeeze %dma_start3A_23 : memref<1x128xi32, #tpu.memory_space<vmem>> -> memref<128xi32, #tpu.memory_space<vmem>>
      %dma_start3A_25 = arith.constant 0 : i32
      %dma_start3A_26 = arith.constant 0 : i32
      %dma_start3A_27 = tpu.memref_slice %arg2[%dma_start3A_25, %dma_start3A_26] : memref<10000x128xf32, #tpu.memory_space<hbm>> -> memref<10000x128xf32, #tpu.memory_space<hbm>>
      %dma_start3A_28 = tpu.memref_slice %arg11[%dma_start3A_17] : memref<2x!tpu.dma_semaphore, #tpu.memory_space<semaphore_mem>> -> memref<1x!tpu.dma_semaphore, #tpu.memory_space<semaphore_mem>>
      %dma_start3A_29 = tpu.memref_squeeze %dma_start3A_28 : memref<1x!tpu.dma_semaphore, #tpu.memory_space<semaphore_mem>> -> memref<!tpu.dma_semaphore, #tpu.memory_space<semaphore_mem>>
      tpu.enqueue_indirect_dma source(%dma_start3A_27 : memref<10000x128xf32, #tpu.memory_space<hbm>>) target(%dma_start3A_21 : memref<128x128xf32, #tpu.memory_space<vmem>>) offsets(%dma_start3A_24 : memref<128xi32, #tpu.memory_space<vmem>>) semaphore(%dma_start3A_29 : memref<!tpu.dma_semaphore, #tpu.memory_space<semaphore_mem>>)
      %dma_start3A_30 = arith.constant 1 : i32
      %dma_start3A_31 = arith.constant 1 : i32
      %dma_start3A_32 = arith.constant 1 : i32
      %dma_start3A_33 = arith.constant 0 : i32
      %dma_start3A_34 = arith.constant 0 : i32
      %dma_start3A_35 = tpu.memref_slice %arg9[%dma_start3A_31, %dma_start3A_33, %dma_start3A_34] : memref<2x128x128xf32, #tpu.memory_space<vmem>> -> memref<1x128x128xf32, #tpu.memory_space<vmem>>
      %dma_start3A_36 = tpu.memref_squeeze %dma_start3A_35 : memref<1x128x128xf32, #tpu.memory_space<vmem>> -> memref<128x128xf32, #tpu.memory_space<vmem>>
      %dma_start3A_37 = arith.constant 0 : i32
      %dma_start3A_38 = tpu.memref_slice %arg7[%dma_start3A_30, %dma_start3A_37] : memref<40x128xi32, #tpu.memory_space<vmem>> -> memref<1x128xi32, #tpu.memory_space<vmem>>
      %dma_start3A_39 = tpu.memref_squeeze %dma_start3A_38 : memref<1x128xi32, #tpu.memory_space<vmem>> -> memref<128xi32, #tpu.memory_space<vmem>>
      %dma_start3A_40 = arith.constant 0 : i32
      %dma_start3A_41 = arith.constant 0 : i32
      %dma_start3A_42 = tpu.memref_slice %arg2[%dma_start3A_40, %dma_start3A_41] : memref<10000x128xf32, #tpu.memory_space<hbm>> -> memref<10000x128xf32, #tpu.memory_space<hbm>>
      %dma_start3A_43 = tpu.memref_slice %arg11[%dma_start3A_32] : memref<2x!tpu.dma_semaphore, #tpu.memory_space<semaphore_mem>> -> memref<1x!tpu.dma_semaphore, #tpu.memory_space<semaphore_mem>>
      %dma_start3A_44 = tpu.memref_squeeze %dma_start3A_43 : memref<1x!tpu.dma_semaphore, #tpu.memory_space<semaphore_mem>> -> memref<!tpu.dma_semaphore, #tpu.memory_space<semaphore_mem>>
      tpu.enqueue_indirect_dma source(%dma_start3A_42 : memref<10000x128xf32, #tpu.memory_space<hbm>>) target(%dma_start3A_36 : memref<128x128xf32, #tpu.memory_space<vmem>>) offsets(%dma_start3A_39 : memref<128xi32, #tpu.memory_space<vmem>>) semaphore(%dma_start3A_44 : memref<!tpu.dma_semaphore, #tpu.memory_space<semaphore_mem>>)
      %scan3A_45 = arith.constant 0 : i32
      %scan3A_46 = arith.constant 20 : i32
      %scan3A_47 = arith.addi %scan3A_45, %scan3A_46 : i32
      %scan3A_48 = arith.constant 1 : i32
      scf.for %scan3A_120 = %scan3A_45 to %scan3A_47 step %scan3A_48  : i32 {
        %mul3A = arith.constant 2 : i32
        %mul3A_121 = arith.muli %mul3A, %scan3A_120 : i32
        %add3A = arith.constant 0 : i32
        %add3A_122 = arith.addi %mul3A_121, %add3A : i32
        %dma_wait3A = arith.constant 0 : i32
        %dma_wait3A_123 = arith.constant 0 : i32
        %dma_wait3A_124 = arith.constant 0 : i32
        %dma_wait3A_125 = arith.constant 0 : i32
        %dma_wait3A_126 = tpu.memref_slice %arg9[%dma_wait3A, %dma_wait3A_124, %dma_wait3A_125] : memref<2x128x128xf32, #tpu.memory_space<vmem>> -> memref<1x128x128xf32, #tpu.memory_space<vmem>>
        %dma_wait3A_127 = tpu.memref_squeeze %dma_wait3A_126 : memref<1x128x128xf32, #tpu.memory_space<vmem>> -> memref<128x128xf32, #tpu.memory_space<vmem>>
        %dma_wait3A_128 = arith.constant 0 : i32
        %dma_wait3A_129 = tpu.memref_slice %arg7[%add3A_122, %dma_wait3A_128] : memref<40x128xi32, #tpu.memory_space<vmem>> -> memref<1x128xi32, #tpu.memory_space<vmem>>
        %dma_wait3A_130 = tpu.memref_squeeze %dma_wait3A_129 : memref<1x128xi32, #tpu.memory_space<vmem>> -> memref<128xi32, #tpu.memory_space<vmem>>
        %dma_wait3A_131 = arith.constant 0 : i32
        %dma_wait3A_132 = arith.constant 0 : i32
        %dma_wait3A_133 = tpu.memref_slice %arg2[%dma_wait3A_131, %dma_wait3A_132] : memref<10000x128xf32, #tpu.memory_space<hbm>> -> memref<10000x128xf32, #tpu.memory_space<hbm>>
        %dma_wait3A_134 = tpu.memref_slice %arg11[%dma_wait3A_123] : memref<2x!tpu.dma_semaphore, #tpu.memory_space<semaphore_mem>> -> memref<1x!tpu.dma_semaphore, #tpu.memory_space<semaphore_mem>>
        %dma_wait3A_135 = tpu.memref_squeeze %dma_wait3A_134 : memref<1x!tpu.dma_semaphore, #tpu.memory_space<semaphore_mem>> -> memref<!tpu.dma_semaphore, #tpu.memory_space<semaphore_mem>>
        tpu.wait_indirect_dma semaphore(%dma_wait3A_135 : memref<!tpu.dma_semaphore, #tpu.memory_space<semaphore_mem>>) src(%dma_wait3A_133 : memref<10000x128xf32, #tpu.memory_space<hbm>>) dst(%dma_wait3A_127 : memref<128x128xf32, #tpu.memory_space<vmem>>)
        %run_scoped3A = arith.constant 0 : i32
        "tpu.region"() ({
          %run_scoped3A_172 = tpu.sem_alloc : memref<!tpu.dma_semaphore, #tpu.memory_space<semaphore_mem>>
          %dma_start3A_173 = arith.constant 0 : i32
          %dma_start3A_174 = arith.constant 0 : i32
          %dma_start3A_175 = tpu.memref_slice %arg9[%run_scoped3A, %dma_start3A_173, %dma_start3A_174] : memref<2x128x128xf32, #tpu.memory_space<vmem>> -> memref<1x128x128xf32, #tpu.memory_space<vmem>>
          %dma_start3A_176 = tpu.memref_squeeze %dma_start3A_175 : memref<1x128x128xf32, #tpu.memory_space<vmem>> -> memref<128x128xf32, #tpu.memory_space<vmem>>
          %dma_start3A_177 = arith.constant 0 : i32
          %dma_start3A_178 = tpu.memref_slice %arg8[%add3A_122, %dma_start3A_177] : memref<40x128xi32, #tpu.memory_space<vmem>> -> memref<1x128xi32, #tpu.memory_space<vmem>>
          %dma_start3A_179 = tpu.memref_squeeze %dma_start3A_178 : memref<1x128xi32, #tpu.memory_space<vmem>> -> memref<128xi32, #tpu.memory_space<vmem>>
          %dma_start3A_180 = arith.constant 0 : i32
          %dma_start3A_181 = arith.constant 0 : i32
          %dma_start3A_182 = tpu.memref_slice %arg10[%dma_start3A_180, %dma_start3A_181] : memref<10240x128xf32, #tpu.memory_space<vmem_shared>> -> memref<10240x128xf32, #tpu.memory_space<vmem_shared>>
          tpu.enqueue_indirect_dma source(%dma_start3A_176 : memref<128x128xf32, #tpu.memory_space<vmem>>) target(%dma_start3A_182 : memref<10240x128xf32, #tpu.memory_space<vmem_shared>>) offsets(%dma_start3A_179 : memref<128xi32, #tpu.memory_space<vmem>>) semaphore(%run_scoped3A_172 : memref<!tpu.dma_semaphore, #tpu.memory_space<semaphore_mem>>) {add = true}
          %dma_wait3A_183 = arith.constant 0 : i32
          %dma_wait3A_184 = arith.constant 0 : i32
          %dma_wait3A_185 = tpu.memref_slice %arg9[%run_scoped3A, %dma_wait3A_183, %dma_wait3A_184] : memref<2x128x128xf32, #tpu.memory_space<vmem>> -> memref<1x128x128xf32, #tpu.memory_space<vmem>>
          %dma_wait3A_186 = tpu.memref_squeeze %dma_wait3A_185 : memref<1x128x128xf32, #tpu.memory_space<vmem>> -> memref<128x128xf32, #tpu.memory_space<vmem>>
          %dma_wait3A_187 = arith.constant 0 : i32
          %dma_wait3A_188 = tpu.memref_slice %arg8[%add3A_122, %dma_wait3A_187] : memref<40x128xi32, #tpu.memory_space<vmem>> -> memref<1x128xi32, #tpu.memory_space<vmem>>
          %dma_wait3A_189 = tpu.memref_squeeze %dma_wait3A_188 : memref<1x128xi32, #tpu.memory_space<vmem>> -> memref<128xi32, #tpu.memory_space<vmem>>
          %dma_wait3A_190 = arith.constant 0 : i32
          %dma_wait3A_191 = arith.constant 0 : i32
          %dma_wait3A_192 = tpu.memref_slice %arg10[%dma_wait3A_190, %dma_wait3A_191] : memref<10240x128xf32, #tpu.memory_space<vmem_shared>> -> memref<10240x128xf32, #tpu.memory_space<vmem_shared>>
          tpu.wait_indirect_dma semaphore(%run_scoped3A_172 : memref<!tpu.dma_semaphore, #tpu.memory_space<semaphore_mem>>) src(%dma_wait3A_186 : memref<128x128xf32, #tpu.memory_space<vmem>>) dst(%dma_wait3A_192 : memref<10240x128xf32, #tpu.memory_space<vmem_shared>>)
          tpu.yield
        }) : () -> ()
        %add3A_136 = arith.constant 2 : i32
        %add3A_137 = arith.addi %add3A_122, %add3A_136 : i32
        %lt3A = arith.constant 40 : i32
        %lt3A_138 = arith.cmpi slt, %add3A_137, %lt3A : i32
        %convert_element_type3A_139 = arith.extui %lt3A_138 : i1 to i32
        %cond3A_140 = arith.constant 0 : i32
        %cond3A_141 = arith.constant 0 : i32
        %cond3A_142 = arith.constant 0 : i32
        %cond3A_143 = arith.cmpi ne, %convert_element_type3A_139, %cond3A_142 : i32
        scf.if %cond3A_143 {
          %add3A_172 = arith.constant 2 : i32
          %add3A_173 = arith.addi %add3A_122, %add3A_172 : i32
          %dma_start3A_174 = arith.constant 0 : i32
          %dma_start3A_175 = arith.constant 0 : i32
          %dma_start3A_176 = tpu.memref_slice %arg9[%cond3A_140, %dma_start3A_174, %dma_start3A_175] : memref<2x128x128xf32, #tpu.memory_space<vmem>> -> memref<1x128x128xf32, #tpu.memory_space<vmem>>
          %dma_start3A_177 = tpu.memref_squeeze %dma_start3A_176 : memref<1x128x128xf32, #tpu.memory_space<vmem>> -> memref<128x128xf32, #tpu.memory_space<vmem>>
          %dma_start3A_178 = arith.constant 0 : i32
          %dma_start3A_179 = tpu.memref_slice %arg7[%add3A_173, %dma_start3A_178] : memref<40x128xi32, #tpu.memory_space<vmem>> -> memref<1x128xi32, #tpu.memory_space<vmem>>
          %dma_start3A_180 = tpu.memref_squeeze %dma_start3A_179 : memref<1x128xi32, #tpu.memory_space<vmem>> -> memref<128xi32, #tpu.memory_space<vmem>>
          %dma_start3A_181 = arith.constant 0 : i32
          %dma_start3A_182 = arith.constant 0 : i32
          %dma_start3A_183 = tpu.memref_slice %arg2[%dma_start3A_181, %dma_start3A_182] : memref<10000x128xf32, #tpu.memory_space<hbm>> -> memref<10000x128xf32, #tpu.memory_space<hbm>>
          %dma_start3A_184 = tpu.memref_slice %arg11[%cond3A_141] : memref<2x!tpu.dma_semaphore, #tpu.memory_space<semaphore_mem>> -> memref<1x!tpu.dma_semaphore, #tpu.memory_space<semaphore_mem>>
          %dma_start3A_185 = tpu.memref_squeeze %dma_start3A_184 : memref<1x!tpu.dma_semaphore, #tpu.memory_space<semaphore_mem>> -> memref<!tpu.dma_semaphore, #tpu.memory_space<semaphore_mem>>
          tpu.enqueue_indirect_dma source(%dma_start3A_183 : memref<10000x128xf32, #tpu.memory_space<hbm>>) target(%dma_start3A_177 : memref<128x128xf32, #tpu.memory_space<vmem>>) offsets(%dma_start3A_180 : memref<128xi32, #tpu.memory_space<vmem>>) semaphore(%dma_start3A_185 : memref<!tpu.dma_semaphore, #tpu.memory_space<semaphore_mem>>)
        } else {
        }
        %mul3A_144 = arith.constant 2 : i32
        %mul3A_145 = arith.muli %mul3A_144, %scan3A_120 : i32
        %add3A_146 = arith.constant 1 : i32
        %add3A_147 = arith.addi %mul3A_145, %add3A_146 : i32
        %dma_wait3A_148 = arith.constant 1 : i32
        %dma_wait3A_149 = arith.constant 1 : i32
        %dma_wait3A_150 = arith.constant 0 : i32
        %dma_wait3A_151 = arith.constant 0 : i32
        %dma_wait3A_152 = tpu.memref_slice %arg9[%dma_wait3A_148, %dma_wait3A_150, %dma_wait3A_151] : memref<2x128x128xf32, #tpu.memory_space<vmem>> -> memref<1x128x128xf32, #tpu.memory_space<vmem>>
        %dma_wait3A_153 = tpu.memref_squeeze %dma_wait3A_152 : memref<1x128x128xf32, #tpu.memory_space<vmem>> -> memref<128x128xf32, #tpu.memory_space<vmem>>
        %dma_wait3A_154 = arith.constant 0 : i32
        %dma_wait3A_155 = tpu.memref_slice %arg7[%add3A_147, %dma_wait3A_154] : memref<40x128xi32, #tpu.memory_space<vmem>> -> memref<1x128xi32, #tpu.memory_space<vmem>>
        %dma_wait3A_156 = tpu.memref_squeeze %dma_wait3A_155 : memref<1x128xi32, #tpu.memory_space<vmem>> -> memref<128xi32, #tpu.memory_space<vmem>>
        %dma_wait3A_157 = arith.constant 0 : i32
        %dma_wait3A_158 = arith.constant 0 : i32
        %dma_wait3A_159 = tpu.memref_slice %arg2[%dma_wait3A_157, %dma_wait3A_158] : memref<10000x128xf32, #tpu.memory_space<hbm>> -> memref<10000x128xf32, #tpu.memory_space<hbm>>
        %dma_wait3A_160 = tpu.memref_slice %arg11[%dma_wait3A_149] : memref<2x!tpu.dma_semaphore, #tpu.memory_space<semaphore_mem>> -> memref<1x!tpu.dma_semaphore, #tpu.memory_space<semaphore_mem>>
        %dma_wait3A_161 = tpu.memref_squeeze %dma_wait3A_160 : memref<1x!tpu.dma_semaphore, #tpu.memory_space<semaphore_mem>> -> memref<!tpu.dma_semaphore, #tpu.memory_space<semaphore_mem>>
        tpu.wait_indirect_dma semaphore(%dma_wait3A_161 : memref<!tpu.dma_semaphore, #tpu.memory_space<semaphore_mem>>) src(%dma_wait3A_159 : memref<10000x128xf32, #tpu.memory_space<hbm>>) dst(%dma_wait3A_153 : memref<128x128xf32, #tpu.memory_space<vmem>>)
        %run_scoped3A_162 = arith.constant 1 : i32
        "tpu.region"() ({
          %run_scoped3A_172 = tpu.sem_alloc : memref<!tpu.dma_semaphore, #tpu.memory_space<semaphore_mem>>
          %dma_start3A_173 = arith.constant 0 : i32
          %dma_start3A_174 = arith.constant 0 : i32
          %dma_start3A_175 = tpu.memref_slice %arg9[%run_scoped3A_162, %dma_start3A_173, %dma_start3A_174] : memref<2x128x128xf32, #tpu.memory_space<vmem>> -> memref<1x128x128xf32, #tpu.memory_space<vmem>>
          %dma_start3A_176 = tpu.memref_squeeze %dma_start3A_175 : memref<1x128x128xf32, #tpu.memory_space<vmem>> -> memref<128x128xf32, #tpu.memory_space<vmem>>
          %dma_start3A_177 = arith.constant 0 : i32
          %dma_start3A_178 = tpu.memref_slice %arg8[%add3A_147, %dma_start3A_177] : memref<40x128xi32, #tpu.memory_space<vmem>> -> memref<1x128xi32, #tpu.memory_space<vmem>>
          %dma_start3A_179 = tpu.memref_squeeze %dma_start3A_178 : memref<1x128xi32, #tpu.memory_space<vmem>> -> memref<128xi32, #tpu.memory_space<vmem>>
          %dma_start3A_180 = arith.constant 0 : i32
          %dma_start3A_181 = arith.constant 0 : i32
          %dma_start3A_182 = tpu.memref_slice %arg10[%dma_start3A_180, %dma_start3A_181] : memref<10240x128xf32, #tpu.memory_space<vmem_shared>> -> memref<10240x128xf32, #tpu.memory_space<vmem_shared>>
          tpu.enqueue_indirect_dma source(%dma_start3A_176 : memref<128x128xf32, #tpu.memory_space<vmem>>) target(%dma_start3A_182 : memref<10240x128xf32, #tpu.memory_space<vmem_shared>>) offsets(%dma_start3A_179 : memref<128xi32, #tpu.memory_space<vmem>>) semaphore(%run_scoped3A_172 : memref<!tpu.dma_semaphore, #tpu.memory_space<semaphore_mem>>) {add = true}
          %dma_wait3A_183 = arith.constant 0 : i32
          %dma_wait3A_184 = arith.constant 0 : i32
          %dma_wait3A_185 = tpu.memref_slice %arg9[%run_scoped3A_162, %dma_wait3A_183, %dma_wait3A_184] : memref<2x128x128xf32, #tpu.memory_space<vmem>> -> memref<1x128x128xf32, #tpu.memory_space<vmem>>
          %dma_wait3A_186 = tpu.memref_squeeze %dma_wait3A_185 : memref<1x128x128xf32, #tpu.memory_space<vmem>> -> memref<128x128xf32, #tpu.memory_space<vmem>>
          %dma_wait3A_187 = arith.constant 0 : i32
          %dma_wait3A_188 = tpu.memref_slice %arg8[%add3A_147, %dma_wait3A_187] : memref<40x128xi32, #tpu.memory_space<vmem>> -> memref<1x128xi32, #tpu.memory_space<vmem>>
          %dma_wait3A_189 = tpu.memref_squeeze %dma_wait3A_188 : memref<1x128xi32, #tpu.memory_space<vmem>> -> memref<128xi32, #tpu.memory_space<vmem>>
          %dma_wait3A_190 = arith.constant 0 : i32
          %dma_wait3A_191 = arith.constant 0 : i32
          %dma_wait3A_192 = tpu.memref_slice %arg10[%dma_wait3A_190, %dma_wait3A_191] : memref<10240x128xf32, #tpu.memory_space<vmem_shared>> -> memref<10240x128xf32, #tpu.memory_space<vmem_shared>>
          tpu.wait_indirect_dma semaphore(%run_scoped3A_172 : memref<!tpu.dma_semaphore, #tpu.memory_space<semaphore_mem>>) src(%dma_wait3A_186 : memref<128x128xf32, #tpu.memory_space<vmem>>) dst(%dma_wait3A_192 : memref<10240x128xf32, #tpu.memory_space<vmem_shared>>)
          tpu.yield
        }) : () -> ()
        %add3A_163 = arith.constant 2 : i32
        %add3A_164 = arith.addi %add3A_147, %add3A_163 : i32
        %lt3A_165 = arith.constant 40 : i32
        %lt3A_166 = arith.cmpi slt, %add3A_164, %lt3A_165 : i32
        %convert_element_type3A_167 = arith.extui %lt3A_166 : i1 to i32
        %cond3A_168 = arith.constant 1 : i32
        %cond3A_169 = arith.constant 1 : i32
        %cond3A_170 = arith.constant 0 : i32
        %cond3A_171 = arith.cmpi ne, %convert_element_type3A_167, %cond3A_170 : i32
        scf.if %cond3A_171 {
          %add3A_172 = arith.constant 2 : i32
          %add3A_173 = arith.addi %add3A_147, %add3A_172 : i32
          %dma_start3A_174 = arith.constant 0 : i32
          %dma_start3A_175 = arith.constant 0 : i32
          %dma_start3A_176 = tpu.memref_slice %arg9[%cond3A_168, %dma_start3A_174, %dma_start3A_175] : memref<2x128x128xf32, #tpu.memory_space<vmem>> -> memref<1x128x128xf32, #tpu.memory_space<vmem>>
          %dma_start3A_177 = tpu.memref_squeeze %dma_start3A_176 : memref<1x128x128xf32, #tpu.memory_space<vmem>> -> memref<128x128xf32, #tpu.memory_space<vmem>>
          %dma_start3A_178 = arith.constant 0 : i32
          %dma_start3A_179 = tpu.memref_slice %arg7[%add3A_173, %dma_start3A_178] : memref<40x128xi32, #tpu.memory_space<vmem>> -> memref<1x128xi32, #tpu.memory_space<vmem>>
          %dma_start3A_180 = tpu.memref_squeeze %dma_start3A_179 : memref<1x128xi32, #tpu.memory_space<vmem>> -> memref<128xi32, #tpu.memory_space<vmem>>
          %dma_start3A_181 = arith.constant 0 : i32
          %dma_start3A_182 = arith.constant 0 : i32
          %dma_start3A_183 = tpu.memref_slice %arg2[%dma_start3A_181, %dma_start3A_182] : memref<10000x128xf32, #tpu.memory_space<hbm>> -> memref<10000x128xf32, #tpu.memory_space<hbm>>
          %dma_start3A_184 = tpu.memref_slice %arg11[%cond3A_169] : memref<2x!tpu.dma_semaphore, #tpu.memory_space<semaphore_mem>> -> memref<1x!tpu.dma_semaphore, #tpu.memory_space<semaphore_mem>>
          %dma_start3A_185 = tpu.memref_squeeze %dma_start3A_184 : memref<1x!tpu.dma_semaphore, #tpu.memory_space<semaphore_mem>> -> memref<!tpu.dma_semaphore, #tpu.memory_space<semaphore_mem>>
          tpu.enqueue_indirect_dma source(%dma_start3A_183 : memref<10000x128xf32, #tpu.memory_space<hbm>>) target(%dma_start3A_177 : memref<128x128xf32, #tpu.memory_space<vmem>>) offsets(%dma_start3A_180 : memref<128xi32, #tpu.memory_space<vmem>>) semaphore(%dma_start3A_185 : memref<!tpu.dma_semaphore, #tpu.memory_space<semaphore_mem>>)
        } else {
        }
      }
      %scan3A_49 = arith.constant 20 : i32
      "tpu.region"() ({
        %run_scoped3A = tpu.sem_alloc : memref<!tpu.dma_semaphore, #tpu.memory_space<semaphore_mem>>
        %dma_start3A_120 = arith.constant 40 : i32
        %dma_start3A_121 = arith.constant 0 : i32
        %dma_start3A_122 = tpu.memref_slice %arg4[%arg1, %dma_start3A_120, %dma_start3A_121] : memref<16x160x128xi32, #tpu.memory_space<hbm>> -> memref<1x40x128xi32, #tpu.memory_space<hbm>>
        %dma_start3A_123 = tpu.memref_squeeze %dma_start3A_122 : memref<1x40x128xi32, #tpu.memory_space<hbm>> -> memref<40x128xi32, #tpu.memory_space<hbm>>
        %dma_start3A_124 = arith.constant 40 : i32
        %dma_start3A_125 = arith.constant 0 : i32
        %dma_start3A_126 = tpu.memref_slice %arg4[%arg1, %dma_start3A_124, %dma_start3A_125] : memref<16x160x128xi32, #tpu.memory_space<hbm>> -> memref<1x40x128xi32, #tpu.memory_space<hbm>>
        %dma_start3A_127 = tpu.memref_squeeze %dma_start3A_126 : memref<1x40x128xi32, #tpu.memory_space<hbm>> -> memref<40x128xi32, #tpu.memory_space<hbm>>
        tpu.enqueue_dma source(%dma_start3A_127 : memref<40x128xi32, #tpu.memory_space<hbm>>) target(%arg7 : memref<40x128xi32, #tpu.memory_space<vmem>>) target_semaphore(%run_scoped3A : memref<!tpu.dma_semaphore, #tpu.memory_space<semaphore_mem>>)
        %dma_wait3A = arith.constant 40 : i32
        %dma_wait3A_128 = arith.constant 0 : i32
        %dma_wait3A_129 = tpu.memref_slice %arg4[%arg1, %dma_wait3A, %dma_wait3A_128] : memref<16x160x128xi32, #tpu.memory_space<hbm>> -> memref<1x40x128xi32, #tpu.memory_space<hbm>>
        %dma_wait3A_130 = tpu.memref_squeeze %dma_wait3A_129 : memref<1x40x128xi32, #tpu.memory_space<hbm>> -> memref<40x128xi32, #tpu.memory_space<hbm>>
        %dma_wait3A_131 = arith.constant 40 : i32
        %dma_wait3A_132 = arith.constant 0 : i32
        %dma_wait3A_133 = tpu.memref_slice %arg4[%arg1, %dma_wait3A_131, %dma_wait3A_132] : memref<16x160x128xi32, #tpu.memory_space<hbm>> -> memref<1x40x128xi32, #tpu.memory_space<hbm>>
        %dma_wait3A_134 = tpu.memref_squeeze %dma_wait3A_133 : memref<1x40x128xi32, #tpu.memory_space<hbm>> -> memref<40x128xi32, #tpu.memory_space<hbm>>
        tpu.wait_dma2 semaphore(%run_scoped3A : memref<!tpu.dma_semaphore, #tpu.memory_space<semaphore_mem>>) src(%dma_wait3A_134 : memref<40x128xi32, #tpu.memory_space<hbm>>) dst(%arg7 : memref<40x128xi32, #tpu.memory_space<vmem>>)
        tpu.yield
      }) : () -> ()
      "tpu.region"() ({
        %run_scoped3A = tpu.sem_alloc : memref<!tpu.dma_semaphore, #tpu.memory_space<semaphore_mem>>
        %dma_start3A_120 = arith.constant 40 : i32
        %dma_start3A_121 = arith.constant 0 : i32
        %dma_start3A_122 = tpu.memref_slice %arg5[%arg1, %dma_start3A_120, %dma_start3A_121] : memref<16x160x128xi32, #tpu.memory_space<hbm>> -> memref<1x40x128xi32, #tpu.memory_space<hbm>>
        %dma_start3A_123 = tpu.memref_squeeze %dma_start3A_122 : memref<1x40x128xi32, #tpu.memory_space<hbm>> -> memref<40x128xi32, #tpu.memory_space<hbm>>
        %dma_start3A_124 = arith.constant 40 : i32
        %dma_start3A_125 = arith.constant 0 : i32
        %dma_start3A_126 = tpu.memref_slice %arg5[%arg1, %dma_start3A_124, %dma_start3A_125] : memref<16x160x128xi32, #tpu.memory_space<hbm>> -> memref<1x40x128xi32, #tpu.memory_space<hbm>>
        %dma_start3A_127 = tpu.memref_squeeze %dma_start3A_126 : memref<1x40x128xi32, #tpu.memory_space<hbm>> -> memref<40x128xi32, #tpu.memory_space<hbm>>
        tpu.enqueue_dma source(%dma_start3A_127 : memref<40x128xi32, #tpu.memory_space<hbm>>) target(%arg8 : memref<40x128xi32, #tpu.memory_space<vmem>>) target_semaphore(%run_scoped3A : memref<!tpu.dma_semaphore, #tpu.memory_space<semaphore_mem>>)
        %dma_wait3A = arith.constant 40 : i32
        %dma_wait3A_128 = arith.constant 0 : i32
        %dma_wait3A_129 = tpu.memref_slice %arg5[%arg1, %dma_wait3A, %dma_wait3A_128] : memref<16x160x128xi32, #tpu.memory_space<hbm>> -> memref<1x40x128xi32, #tpu.memory_space<hbm>>
        %dma_wait3A_130 = tpu.memref_squeeze %dma_wait3A_129 : memref<1x40x128xi32, #tpu.memory_space<hbm>> -> memref<40x128xi32, #tpu.memory_space<hbm>>
        %dma_wait3A_131 = arith.constant 40 : i32
        %dma_wait3A_132 = arith.constant 0 : i32
        %dma_wait3A_133 = tpu.memref_slice %arg5[%arg1, %dma_wait3A_131, %dma_wait3A_132] : memref<16x160x128xi32, #tpu.memory_space<hbm>> -> memref<1x40x128xi32, #tpu.memory_space<hbm>>
        %dma_wait3A_134 = tpu.memref_squeeze %dma_wait3A_133 : memref<1x40x128xi32, #tpu.memory_space<hbm>> -> memref<40x128xi32, #tpu.memory_space<hbm>>
        tpu.wait_dma2 semaphore(%run_scoped3A : memref<!tpu.dma_semaphore, #tpu.memory_space<semaphore_mem>>) src(%dma_wait3A_134 : memref<40x128xi32, #tpu.memory_space<hbm>>) dst(%arg8 : memref<40x128xi32, #tpu.memory_space<vmem>>)
        tpu.yield
      }) : () -> ()
      %dma_start3A_50 = arith.constant 0 : i32
      %dma_start3A_51 = arith.constant 0 : i32
      %dma_start3A_52 = arith.constant 0 : i32
      %dma_start3A_53 = arith.constant 0 : i32
      %dma_start3A_54 = arith.constant 0 : i32
      %dma_start3A_55 = tpu.memref_slice %arg9[%dma_start3A_51, %dma_start3A_53, %dma_start3A_54] : memref<2x128x128xf32, #tpu.memory_space<vmem>> -> memref<1x128x128xf32, #tpu.memory_space<vmem>>
      %dma_start3A_56 = tpu.memref_squeeze %dma_start3A_55 : memref<1x128x128xf32, #tpu.memory_space<vmem>> -> memref<128x128xf32, #tpu.memory_space<vmem>>
      %dma_start3A_57 = arith.constant 0 : i32
      %dma_start3A_58 = tpu.memref_slice %arg7[%dma_start3A_50, %dma_start3A_57] : memref<40x128xi32, #tpu.memory_space<vmem>> -> memref<1x128xi32, #tpu.memory_space<vmem>>
      %dma_start3A_59 = tpu.memref_squeeze %dma_start3A_58 : memref<1x128xi32, #tpu.memory_space<vmem>> -> memref<128xi32, #tpu.memory_space<vmem>>
      %dma_start3A_60 = arith.constant 0 : i32
      %dma_start3A_61 = arith.constant 0 : i32
      %dma_start3A_62 = tpu.memref_slice %arg2[%dma_start3A_60, %dma_start3A_61] : memref<10000x128xf32, #tpu.memory_space<hbm>> -> memref<10000x128xf32, #tpu.memory_space<hbm>>
      %dma_start3A_63 = tpu.memref_slice %arg11[%dma_start3A_52] : memref<2x!tpu.dma_semaphore, #tpu.memory_space<semaphore_mem>> -> memref<1x!tpu.dma_semaphore, #tpu.memory_space<semaphore_mem>>
      %dma_start3A_64 = tpu.memref_squeeze %dma_start3A_63 : memref<1x!tpu.dma_semaphore, #tpu.memory_space<semaphore_mem>> -> memref<!tpu.dma_semaphore, #tpu.memory_space<semaphore_mem>>
      tpu.enqueue_indirect_dma source(%dma_start3A_62 : memref<10000x128xf32, #tpu.memory_space<hbm>>) target(%dma_start3A_56 : memref<128x128xf32, #tpu.memory_space<vmem>>) offsets(%dma_start3A_59 : memref<128xi32, #tpu.memory_space<vmem>>) semaphore(%dma_start3A_64 : memref<!tpu.dma_semaphore, #tpu.memory_space<semaphore_mem>>)
      %dma_start3A_65 = arith.constant 1 : i32
      %dma_start3A_66 = arith.constant 1 : i32
      %dma_start3A_67 = arith.constant 1 : i32
      %dma_start3A_68 = arith.constant 0 : i32
      %dma_start3A_69 = arith.constant 0 : i32
      %dma_start3A_70 = tpu.memref_slice %arg9[%dma_start3A_66, %dma_start3A_68, %dma_start3A_69] : memref<2x128x128xf32, #tpu.memory_space<vmem>> -> memref<1x128x128xf32, #tpu.memory_space<vmem>>
      %dma_start3A_71 = tpu.memref_squeeze %dma_start3A_70 : memref<1x128x128xf32, #tpu.memory_space<vmem>> -> memref<128x128xf32, #tpu.memory_space<vmem>>
      %dma_start3A_72 = arith.constant 0 : i32
      %dma_start3A_73 = tpu.memref_slice %arg7[%dma_start3A_65, %dma_start3A_72] : memref<40x128xi32, #tpu.memory_space<vmem>> -> memref<1x128xi32, #tpu.memory_space<vmem>>
      %dma_start3A_74 = tpu.memref_squeeze %dma_start3A_73 : memref<1x128xi32, #tpu.memory_space<vmem>> -> memref<128xi32, #tpu.memory_space<vmem>>
      %dma_start3A_75 = arith.constant 0 : i32
      %dma_start3A_76 = arith.constant 0 : i32
      %dma_start3A_77 = tpu.memref_slice %arg2[%dma_start3A_75, %dma_start3A_76] : memref<10000x128xf32, #tpu.memory_space<hbm>> -> memref<10000x128xf32, #tpu.memory_space<hbm>>
      %dma_start3A_78 = tpu.memref_slice %arg11[%dma_start3A_67] : memref<2x!tpu.dma_semaphore, #tpu.memory_space<semaphore_mem>> -> memref<1x!tpu.dma_semaphore, #tpu.memory_space<semaphore_mem>>
      %dma_start3A_79 = tpu.memref_squeeze %dma_start3A_78 : memref<1x!tpu.dma_semaphore, #tpu.memory_space<semaphore_mem>> -> memref<!tpu.dma_semaphore, #tpu.memory_space<semaphore_mem>>
      tpu.enqueue_indirect_dma source(%dma_start3A_77 : memref<10000x128xf32, #tpu.memory_space<hbm>>) target(%dma_start3A_71 : memref<128x128xf32, #tpu.memory_space<vmem>>) offsets(%dma_start3A_74 : memref<128xi32, #tpu.memory_space<vmem>>) semaphore(%dma_start3A_79 : memref<!tpu.dma_semaphore, #tpu.memory_space<semaphore_mem>>)
      %scan3A_80 = arith.constant 0 : i32
      %scan3A_81 = arith.constant 20 : i32
      %scan3A_82 = arith.addi %scan3A_80, %scan3A_81 : i32
      %scan3A_83 = arith.constant 1 : i32
      scf.for %scan3A_120 = %scan3A_80 to %scan3A_82 step %scan3A_83  : i32 {
        %mul3A = arith.constant 2 : i32
        %mul3A_121 = arith.muli %mul3A, %scan3A_120 : i32
        %add3A = arith.constant 0 : i32
        %add3A_122 = arith.addi %mul3A_121, %add3A : i32
        %dma_wait3A = arith.constant 0 : i32
        %dma_wait3A_123 = arith.constant 0 : i32
        %dma_wait3A_124 = arith.constant 0 : i32
        %dma_wait3A_125 = arith.constant 0 : i32
        %dma_wait3A_126 = tpu.memref_slice %arg9[%dma_wait3A, %dma_wait3A_124, %dma_wait3A_125] : memref<2x128x128xf32, #tpu.memory_space<vmem>> -> memref<1x128x128xf32, #tpu.memory_space<vmem>>
        %dma_wait3A_127 = tpu.memref_squeeze %dma_wait3A_126 : memref<1x128x128xf32, #tpu.memory_space<vmem>> -> memref<128x128xf32, #tpu.memory_space<vmem>>
        %dma_wait3A_128 = arith.constant 0 : i32
        %dma_wait3A_129 = tpu.memref_slice %arg7[%add3A_122, %dma_wait3A_128] : memref<40x128xi32, #tpu.memory_space<vmem>> -> memref<1x128xi32, #tpu.memory_space<vmem>>
        %dma_wait3A_130 = tpu.memref_squeeze %dma_wait3A_129 : memref<1x128xi32, #tpu.memory_space<vmem>> -> memref<128xi32, #tpu.memory_space<vmem>>
        %dma_wait3A_131 = arith.constant 0 : i32
        %dma_wait3A_132 = arith.constant 0 : i32
        %dma_wait3A_133 = tpu.memref_slice %arg2[%dma_wait3A_131, %dma_wait3A_132] : memref<10000x128xf32, #tpu.memory_space<hbm>> -> memref<10000x128xf32, #tpu.memory_space<hbm>>
        %dma_wait3A_134 = tpu.memref_slice %arg11[%dma_wait3A_123] : memref<2x!tpu.dma_semaphore, #tpu.memory_space<semaphore_mem>> -> memref<1x!tpu.dma_semaphore, #tpu.memory_space<semaphore_mem>>
        %dma_wait3A_135 = tpu.memref_squeeze %dma_wait3A_134 : memref<1x!tpu.dma_semaphore, #tpu.memory_space<semaphore_mem>> -> memref<!tpu.dma_semaphore, #tpu.memory_space<semaphore_mem>>
        tpu.wait_indirect_dma semaphore(%dma_wait3A_135 : memref<!tpu.dma_semaphore, #tpu.memory_space<semaphore_mem>>) src(%dma_wait3A_133 : memref<10000x128xf32, #tpu.memory_space<hbm>>) dst(%dma_wait3A_127 : memref<128x128xf32, #tpu.memory_space<vmem>>)
        %run_scoped3A = arith.constant 0 : i32
        "tpu.region"() ({
          %run_scoped3A_172 = tpu.sem_alloc : memref<!tpu.dma_semaphore, #tpu.memory_space<semaphore_mem>>
          %dma_start3A_173 = arith.constant 0 : i32
          %dma_start3A_174 = arith.constant 0 : i32
          %dma_start3A_175 = tpu.memref_slice %arg9[%run_scoped3A, %dma_start3A_173, %dma_start3A_174] : memref<2x128x128xf32, #tpu.memory_space<vmem>> -> memref<1x128x128xf32, #tpu.memory_space<vmem>>
          %dma_start3A_176 = tpu.memref_squeeze %dma_start3A_175 : memref<1x128x128xf32, #tpu.memory_space<vmem>> -> memref<128x128xf32, #tpu.memory_space<vmem>>
          %dma_start3A_177 = arith.constant 0 : i32
          %dma_start3A_178 = tpu.memref_slice %arg8[%add3A_122, %dma_start3A_177] : memref<40x128xi32, #tpu.memory_space<vmem>> -> memref<1x128xi32, #tpu.memory_space<vmem>>
          %dma_start3A_179 = tpu.memref_squeeze %dma_start3A_178 : memref<1x128xi32, #tpu.memory_space<vmem>> -> memref<128xi32, #tpu.memory_space<vmem>>
          %dma_start3A_180 = arith.constant 0 : i32
          %dma_start3A_181 = arith.constant 0 : i32
          %dma_start3A_182 = tpu.memref_slice %arg10[%dma_start3A_180, %dma_start3A_181] : memref<10240x128xf32, #tpu.memory_space<vmem_shared>> -> memref<10240x128xf32, #tpu.memory_space<vmem_shared>>
          tpu.enqueue_indirect_dma source(%dma_start3A_176 : memref<128x128xf32, #tpu.memory_space<vmem>>) target(%dma_start3A_182 : memref<10240x128xf32, #tpu.memory_space<vmem_shared>>) offsets(%dma_start3A_179 : memref<128xi32, #tpu.memory_space<vmem>>) semaphore(%run_scoped3A_172 : memref<!tpu.dma_semaphore, #tpu.memory_space<semaphore_mem>>) {add = true}
          %dma_wait3A_183 = arith.constant 0 : i32
          %dma_wait3A_184 = arith.constant 0 : i32
          %dma_wait3A_185 = tpu.memref_slice %arg9[%run_scoped3A, %dma_wait3A_183, %dma_wait3A_184] : memref<2x128x128xf32, #tpu.memory_space<vmem>> -> memref<1x128x128xf32, #tpu.memory_space<vmem>>
          %dma_wait3A_186 = tpu.memref_squeeze %dma_wait3A_185 : memref<1x128x128xf32, #tpu.memory_space<vmem>> -> memref<128x128xf32, #tpu.memory_space<vmem>>
          %dma_wait3A_187 = arith.constant 0 : i32
          %dma_wait3A_188 = tpu.memref_slice %arg8[%add3A_122, %dma_wait3A_187] : memref<40x128xi32, #tpu.memory_space<vmem>> -> memref<1x128xi32, #tpu.memory_space<vmem>>
          %dma_wait3A_189 = tpu.memref_squeeze %dma_wait3A_188 : memref<1x128xi32, #tpu.memory_space<vmem>> -> memref<128xi32, #tpu.memory_space<vmem>>
          %dma_wait3A_190 = arith.constant 0 : i32
          %dma_wait3A_191 = arith.constant 0 : i32
          %dma_wait3A_192 = tpu.memref_slice %arg10[%dma_wait3A_190, %dma_wait3A_191] : memref<10240x128xf32, #tpu.memory_space<vmem_shared>> -> memref<10240x128xf32, #tpu.memory_space<vmem_shared>>
          tpu.wait_indirect_dma semaphore(%run_scoped3A_172 : memref<!tpu.dma_semaphore, #tpu.memory_space<semaphore_mem>>) src(%dma_wait3A_186 : memref<128x128xf32, #tpu.memory_space<vmem>>) dst(%dma_wait3A_192 : memref<10240x128xf32, #tpu.memory_space<vmem_shared>>)
          tpu.yield
        }) : () -> ()
        %add3A_136 = arith.constant 2 : i32
        %add3A_137 = arith.addi %add3A_122, %add3A_136 : i32
        %lt3A = arith.constant 40 : i32
        %lt3A_138 = arith.cmpi slt, %add3A_137, %lt3A : i32
        %convert_element_type3A_139 = arith.extui %lt3A_138 : i1 to i32
        %cond3A_140 = arith.constant 0 : i32
        %cond3A_141 = arith.constant 0 : i32
        %cond3A_142 = arith.constant 0 : i32
        %cond3A_143 = arith.cmpi ne, %convert_element_type3A_139, %cond3A_142 : i32
        scf.if %cond3A_143 {
          %add3A_172 = arith.constant 2 : i32
          %add3A_173 = arith.addi %add3A_122, %add3A_172 : i32
          %dma_start3A_174 = arith.constant 0 : i32
          %dma_start3A_175 = arith.constant 0 : i32
          %dma_start3A_176 = tpu.memref_slice %arg9[%cond3A_140, %dma_start3A_174, %dma_start3A_175] : memref<2x128x128xf32, #tpu.memory_space<vmem>> -> memref<1x128x128xf32, #tpu.memory_space<vmem>>
          %dma_start3A_177 = tpu.memref_squeeze %dma_start3A_176 : memref<1x128x128xf32, #tpu.memory_space<vmem>> -> memref<128x128xf32, #tpu.memory_space<vmem>>
          %dma_start3A_178 = arith.constant 0 : i32
          %dma_start3A_179 = tpu.memref_slice %arg7[%add3A_173, %dma_start3A_178] : memref<40x128xi32, #tpu.memory_space<vmem>> -> memref<1x128xi32, #tpu.memory_space<vmem>>
          %dma_start3A_180 = tpu.memref_squeeze %dma_start3A_179 : memref<1x128xi32, #tpu.memory_space<vmem>> -> memref<128xi32, #tpu.memory_space<vmem>>
          %dma_start3A_181 = arith.constant 0 : i32
          %dma_start3A_182 = arith.constant 0 : i32
          %dma_start3A_183 = tpu.memref_slice %arg2[%dma_start3A_181, %dma_start3A_182] : memref<10000x128xf32, #tpu.memory_space<hbm>> -> memref<10000x128xf32, #tpu.memory_space<hbm>>
          %dma_start3A_184 = tpu.memref_slice %arg11[%cond3A_141] : memref<2x!tpu.dma_semaphore, #tpu.memory_space<semaphore_mem>> -> memref<1x!tpu.dma_semaphore, #tpu.memory_space<semaphore_mem>>
          %dma_start3A_185 = tpu.memref_squeeze %dma_start3A_184 : memref<1x!tpu.dma_semaphore, #tpu.memory_space<semaphore_mem>> -> memref<!tpu.dma_semaphore, #tpu.memory_space<semaphore_mem>>
          tpu.enqueue_indirect_dma source(%dma_start3A_183 : memref<10000x128xf32, #tpu.memory_space<hbm>>) target(%dma_start3A_177 : memref<128x128xf32, #tpu.memory_space<vmem>>) offsets(%dma_start3A_180 : memref<128xi32, #tpu.memory_space<vmem>>) semaphore(%dma_start3A_185 : memref<!tpu.dma_semaphore, #tpu.memory_space<semaphore_mem>>)
        } else {
        }
        %mul3A_144 = arith.constant 2 : i32
        %mul3A_145 = arith.muli %mul3A_144, %scan3A_120 : i32
        %add3A_146 = arith.constant 1 : i32
        %add3A_147 = arith.addi %mul3A_145, %add3A_146 : i32
        %dma_wait3A_148 = arith.constant 1 : i32
        %dma_wait3A_149 = arith.constant 1 : i32
        %dma_wait3A_150 = arith.constant 0 : i32
        %dma_wait3A_151 = arith.constant 0 : i32
        %dma_wait3A_152 = tpu.memref_slice %arg9[%dma_wait3A_148, %dma_wait3A_150, %dma_wait3A_151] : memref<2x128x128xf32, #tpu.memory_space<vmem>> -> memref<1x128x128xf32, #tpu.memory_space<vmem>>
        %dma_wait3A_153 = tpu.memref_squeeze %dma_wait3A_152 : memref<1x128x128xf32, #tpu.memory_space<vmem>> -> memref<128x128xf32, #tpu.memory_space<vmem>>
        %dma_wait3A_154 = arith.constant 0 : i32
        %dma_wait3A_155 = tpu.memref_slice %arg7[%add3A_147, %dma_wait3A_154] : memref<40x128xi32, #tpu.memory_space<vmem>> -> memref<1x128xi32, #tpu.memory_space<vmem>>
        %dma_wait3A_156 = tpu.memref_squeeze %dma_wait3A_155 : memref<1x128xi32, #tpu.memory_space<vmem>> -> memref<128xi32, #tpu.memory_space<vmem>>
        %dma_wait3A_157 = arith.constant 0 : i32
        %dma_wait3A_158 = arith.constant 0 : i32
        %dma_wait3A_159 = tpu.memref_slice %arg2[%dma_wait3A_157, %dma_wait3A_158] : memref<10000x128xf32, #tpu.memory_space<hbm>> -> memref<10000x128xf32, #tpu.memory_space<hbm>>
        %dma_wait3A_160 = tpu.memref_slice %arg11[%dma_wait3A_149] : memref<2x!tpu.dma_semaphore, #tpu.memory_space<semaphore_mem>> -> memref<1x!tpu.dma_semaphore, #tpu.memory_space<semaphore_mem>>
        %dma_wait3A_161 = tpu.memref_squeeze %dma_wait3A_160 : memref<1x!tpu.dma_semaphore, #tpu.memory_space<semaphore_mem>> -> memref<!tpu.dma_semaphore, #tpu.memory_space<semaphore_mem>>
        tpu.wait_indirect_dma semaphore(%dma_wait3A_161 : memref<!tpu.dma_semaphore, #tpu.memory_space<semaphore_mem>>) src(%dma_wait3A_159 : memref<10000x128xf32, #tpu.memory_space<hbm>>) dst(%dma_wait3A_153 : memref<128x128xf32, #tpu.memory_space<vmem>>)
        %run_scoped3A_162 = arith.constant 1 : i32
        "tpu.region"() ({
          %run_scoped3A_172 = tpu.sem_alloc : memref<!tpu.dma_semaphore, #tpu.memory_space<semaphore_mem>>
          %dma_start3A_173 = arith.constant 0 : i32
          %dma_start3A_174 = arith.constant 0 : i32
          %dma_start3A_175 = tpu.memref_slice %arg9[%run_scoped3A_162, %dma_start3A_173, %dma_start3A_174] : memref<2x128x128xf32, #tpu.memory_space<vmem>> -> memref<1x128x128xf32, #tpu.memory_space<vmem>>
          %dma_start3A_176 = tpu.memref_squeeze %dma_start3A_175 : memref<1x128x128xf32, #tpu.memory_space<vmem>> -> memref<128x128xf32, #tpu.memory_space<vmem>>
          %dma_start3A_177 = arith.constant 0 : i32
          %dma_start3A_178 = tpu.memref_slice %arg8[%add3A_147, %dma_start3A_177] : memref<40x128xi32, #tpu.memory_space<vmem>> -> memref<1x128xi32, #tpu.memory_space<vmem>>
          %dma_start3A_179 = tpu.memref_squeeze %dma_start3A_178 : memref<1x128xi32, #tpu.memory_space<vmem>> -> memref<128xi32, #tpu.memory_space<vmem>>
          %dma_start3A_180 = arith.constant 0 : i32
          %dma_start3A_181 = arith.constant 0 : i32
          %dma_start3A_182 = tpu.memref_slice %arg10[%dma_start3A_180, %dma_start3A_181] : memref<10240x128xf32, #tpu.memory_space<vmem_shared>> -> memref<10240x128xf32, #tpu.memory_space<vmem_shared>>
          tpu.enqueue_indirect_dma source(%dma_start3A_176 : memref<128x128xf32, #tpu.memory_space<vmem>>) target(%dma_start3A_182 : memref<10240x128xf32, #tpu.memory_space<vmem_shared>>) offsets(%dma_start3A_179 : memref<128xi32, #tpu.memory_space<vmem>>) semaphore(%run_scoped3A_172 : memref<!tpu.dma_semaphore, #tpu.memory_space<semaphore_mem>>) {add = true}
          %dma_wait3A_183 = arith.constant 0 : i32
          %dma_wait3A_184 = arith.constant 0 : i32
          %dma_wait3A_185 = tpu.memref_slice %arg9[%run_scoped3A_162, %dma_wait3A_183, %dma_wait3A_184] : memref<2x128x128xf32, #tpu.memory_space<vmem>> -> memref<1x128x128xf32, #tpu.memory_space<vmem>>
          %dma_wait3A_186 = tpu.memref_squeeze %dma_wait3A_185 : memref<1x128x128xf32, #tpu.memory_space<vmem>> -> memref<128x128xf32, #tpu.memory_space<vmem>>
          %dma_wait3A_187 = arith.constant 0 : i32
          %dma_wait3A_188 = tpu.memref_slice %arg8[%add3A_147, %dma_wait3A_187] : memref<40x128xi32, #tpu.memory_space<vmem>> -> memref<1x128xi32, #tpu.memory_space<vmem>>
          %dma_wait3A_189 = tpu.memref_squeeze %dma_wait3A_188 : memref<1x128xi32, #tpu.memory_space<vmem>> -> memref<128xi32, #tpu.memory_space<vmem>>
          %dma_wait3A_190 = arith.constant 0 : i32
          %dma_wait3A_191 = arith.constant 0 : i32
          %dma_wait3A_192 = tpu.memref_slice %arg10[%dma_wait3A_190, %dma_wait3A_191] : memref<10240x128xf32, #tpu.memory_space<vmem_shared>> -> memref<10240x128xf32, #tpu.memory_space<vmem_shared>>
          tpu.wait_indirect_dma semaphore(%run_scoped3A_172 : memref<!tpu.dma_semaphore, #tpu.memory_space<semaphore_mem>>) src(%dma_wait3A_186 : memref<128x128xf32, #tpu.memory_space<vmem>>) dst(%dma_wait3A_192 : memref<10240x128xf32, #tpu.memory_space<vmem_shared>>)
          tpu.yield
        }) : () -> ()
        %add3A_163 = arith.constant 2 : i32
        %add3A_164 = arith.addi %add3A_147, %add3A_163 : i32
        %lt3A_165 = arith.constant 40 : i32
        %lt3A_166 = arith.cmpi slt, %add3A_164, %lt3A_165 : i32
        %convert_element_type3A_167 = arith.extui %lt3A_166 : i1 to i32
        %cond3A_168 = arith.constant 1 : i32
        %cond3A_169 = arith.constant 1 : i32
        %cond3A_170 = arith.constant 0 : i32
        %cond3A_171 = arith.cmpi ne, %convert_element_type3A_167, %cond3A_170 : i32
        scf.if %cond3A_171 {
          %add3A_172 = arith.constant 2 : i32
          %add3A_173 = arith.addi %add3A_147, %add3A_172 : i32
          %dma_start3A_174 = arith.constant 0 : i32
          %dma_start3A_175 = arith.constant 0 : i32
          %dma_start3A_176 = tpu.memref_slice %arg9[%cond3A_168, %dma_start3A_174, %dma_start3A_175] : memref<2x128x128xf32, #tpu.memory_space<vmem>> -> memref<1x128x128xf32, #tpu.memory_space<vmem>>
          %dma_start3A_177 = tpu.memref_squeeze %dma_start3A_176 : memref<1x128x128xf32, #tpu.memory_space<vmem>> -> memref<128x128xf32, #tpu.memory_space<vmem>>
          %dma_start3A_178 = arith.constant 0 : i32
          %dma_start3A_179 = tpu.memref_slice %arg7[%add3A_173, %dma_start3A_178] : memref<40x128xi32, #tpu.memory_space<vmem>> -> memref<1x128xi32, #tpu.memory_space<vmem>>
          %dma_start3A_180 = tpu.memref_squeeze %dma_start3A_179 : memref<1x128xi32, #tpu.memory_space<vmem>> -> memref<128xi32, #tpu.memory_space<vmem>>
          %dma_start3A_181 = arith.constant 0 : i32
          %dma_start3A_182 = arith.constant 0 : i32
          %dma_start3A_183 = tpu.memref_slice %arg2[%dma_start3A_181, %dma_start3A_182] : memref<10000x128xf32, #tpu.memory_space<hbm>> -> memref<10000x128xf32, #tpu.memory_space<hbm>>
          %dma_start3A_184 = tpu.memref_slice %arg11[%cond3A_169] : memref<2x!tpu.dma_semaphore, #tpu.memory_space<semaphore_mem>> -> memref<1x!tpu.dma_semaphore, #tpu.memory_space<semaphore_mem>>
          %dma_start3A_185 = tpu.memref_squeeze %dma_start3A_184 : memref<1x!tpu.dma_semaphore, #tpu.memory_space<semaphore_mem>> -> memref<!tpu.dma_semaphore, #tpu.memory_space<semaphore_mem>>
          tpu.enqueue_indirect_dma source(%dma_start3A_183 : memref<10000x128xf32, #tpu.memory_space<hbm>>) target(%dma_start3A_177 : memref<128x128xf32, #tpu.memory_space<vmem>>) offsets(%dma_start3A_180 : memref<128xi32, #tpu.memory_space<vmem>>) semaphore(%dma_start3A_185 : memref<!tpu.dma_semaphore, #tpu.memory_space<semaphore_mem>>)
        } else {
        }
      }
      %scan3A_84 = arith.constant 20 : i32
      "tpu.region"() ({
        %run_scoped3A = tpu.sem_alloc : memref<!tpu.dma_semaphore, #tpu.memory_space<semaphore_mem>>
        %dma_start3A_120 = arith.constant 80 : i32
        %dma_start3A_121 = arith.constant 0 : i32
        %dma_start3A_122 = tpu.memref_slice %arg4[%arg1, %dma_start3A_120, %dma_start3A_121] : memref<16x160x128xi32, #tpu.memory_space<hbm>> -> memref<1x40x128xi32, #tpu.memory_space<hbm>>
        %dma_start3A_123 = tpu.memref_squeeze %dma_start3A_122 : memref<1x40x128xi32, #tpu.memory_space<hbm>> -> memref<40x128xi32, #tpu.memory_space<hbm>>
        %dma_start3A_124 = arith.constant 80 : i32
        %dma_start3A_125 = arith.constant 0 : i32
        %dma_start3A_126 = tpu.memref_slice %arg4[%arg1, %dma_start3A_124, %dma_start3A_125] : memref<16x160x128xi32, #tpu.memory_space<hbm>> -> memref<1x40x128xi32, #tpu.memory_space<hbm>>
        %dma_start3A_127 = tpu.memref_squeeze %dma_start3A_126 : memref<1x40x128xi32, #tpu.memory_space<hbm>> -> memref<40x128xi32, #tpu.memory_space<hbm>>
        tpu.enqueue_dma source(%dma_start3A_127 : memref<40x128xi32, #tpu.memory_space<hbm>>) target(%arg7 : memref<40x128xi32, #tpu.memory_space<vmem>>) target_semaphore(%run_scoped3A : memref<!tpu.dma_semaphore, #tpu.memory_space<semaphore_mem>>)
        %dma_wait3A = arith.constant 80 : i32
        %dma_wait3A_128 = arith.constant 0 : i32
        %dma_wait3A_129 = tpu.memref_slice %arg4[%arg1, %dma_wait3A, %dma_wait3A_128] : memref<16x160x128xi32, #tpu.memory_space<hbm>> -> memref<1x40x128xi32, #tpu.memory_space<hbm>>
        %dma_wait3A_130 = tpu.memref_squeeze %dma_wait3A_129 : memref<1x40x128xi32, #tpu.memory_space<hbm>> -> memref<40x128xi32, #tpu.memory_space<hbm>>
        %dma_wait3A_131 = arith.constant 80 : i32
        %dma_wait3A_132 = arith.constant 0 : i32
        %dma_wait3A_133 = tpu.memref_slice %arg4[%arg1, %dma_wait3A_131, %dma_wait3A_132] : memref<16x160x128xi32, #tpu.memory_space<hbm>> -> memref<1x40x128xi32, #tpu.memory_space<hbm>>
        %dma_wait3A_134 = tpu.memref_squeeze %dma_wait3A_133 : memref<1x40x128xi32, #tpu.memory_space<hbm>> -> memref<40x128xi32, #tpu.memory_space<hbm>>
        tpu.wait_dma2 semaphore(%run_scoped3A : memref<!tpu.dma_semaphore, #tpu.memory_space<semaphore_mem>>) src(%dma_wait3A_134 : memref<40x128xi32, #tpu.memory_space<hbm>>) dst(%arg7 : memref<40x128xi32, #tpu.memory_space<vmem>>)
        tpu.yield
      }) : () -> ()
      "tpu.region"() ({
        %run_scoped3A = tpu.sem_alloc : memref<!tpu.dma_semaphore, #tpu.memory_space<semaphore_mem>>
        %dma_start3A_120 = arith.constant 80 : i32
        %dma_start3A_121 = arith.constant 0 : i32
        %dma_start3A_122 = tpu.memref_slice %arg5[%arg1, %dma_start3A_120, %dma_start3A_121] : memref<16x160x128xi32, #tpu.memory_space<hbm>> -> memref<1x40x128xi32, #tpu.memory_space<hbm>>
        %dma_start3A_123 = tpu.memref_squeeze %dma_start3A_122 : memref<1x40x128xi32, #tpu.memory_space<hbm>> -> memref<40x128xi32, #tpu.memory_space<hbm>>
        %dma_start3A_124 = arith.constant 80 : i32
        %dma_start3A_125 = arith.constant 0 : i32
        %dma_start3A_126 = tpu.memref_slice %arg5[%arg1, %dma_start3A_124, %dma_start3A_125] : memref<16x160x128xi32, #tpu.memory_space<hbm>> -> memref<1x40x128xi32, #tpu.memory_space<hbm>>
        %dma_start3A_127 = tpu.memref_squeeze %dma_start3A_126 : memref<1x40x128xi32, #tpu.memory_space<hbm>> -> memref<40x128xi32, #tpu.memory_space<hbm>>
        tpu.enqueue_dma source(%dma_start3A_127 : memref<40x128xi32, #tpu.memory_space<hbm>>) target(%arg8 : memref<40x128xi32, #tpu.memory_space<vmem>>) target_semaphore(%run_scoped3A : memref<!tpu.dma_semaphore, #tpu.memory_space<semaphore_mem>>)
        %dma_wait3A = arith.constant 80 : i32
        %dma_wait3A_128 = arith.constant 0 : i32
        %dma_wait3A_129 = tpu.memref_slice %arg5[%arg1, %dma_wait3A, %dma_wait3A_128] : memref<16x160x128xi32, #tpu.memory_space<hbm>> -> memref<1x40x128xi32, #tpu.memory_space<hbm>>
        %dma_wait3A_130 = tpu.memref_squeeze %dma_wait3A_129 : memref<1x40x128xi32, #tpu.memory_space<hbm>> -> memref<40x128xi32, #tpu.memory_space<hbm>>
        %dma_wait3A_131 = arith.constant 80 : i32
        %dma_wait3A_132 = arith.constant 0 : i32
        %dma_wait3A_133 = tpu.memref_slice %arg5[%arg1, %dma_wait3A_131, %dma_wait3A_132] : memref<16x160x128xi32, #tpu.memory_space<hbm>> -> memref<1x40x128xi32, #tpu.memory_space<hbm>>
        %dma_wait3A_134 = tpu.memref_squeeze %dma_wait3A_133 : memref<1x40x128xi32, #tpu.memory_space<hbm>> -> memref<40x128xi32, #tpu.memory_space<hbm>>
        tpu.wait_dma2 semaphore(%run_scoped3A : memref<!tpu.dma_semaphore, #tpu.memory_space<semaphore_mem>>) src(%dma_wait3A_134 : memref<40x128xi32, #tpu.memory_space<hbm>>) dst(%arg8 : memref<40x128xi32, #tpu.memory_space<vmem>>)
        tpu.yield
      }) : () -> ()
      %dma_start3A_85 = arith.constant 0 : i32
      %dma_start3A_86 = arith.constant 0 : i32
      %dma_start3A_87 = arith.constant 0 : i32
      %dma_start3A_88 = arith.constant 0 : i32
      %dma_start3A_89 = arith.constant 0 : i32
      %dma_start3A_90 = tpu.memref_slice %arg9[%dma_start3A_86, %dma_start3A_88, %dma_start3A_89] : memref<2x128x128xf32, #tpu.memory_space<vmem>> -> memref<1x128x128xf32, #tpu.memory_space<vmem>>
      %dma_start3A_91 = tpu.memref_squeeze %dma_start3A_90 : memref<1x128x128xf32, #tpu.memory_space<vmem>> -> memref<128x128xf32, #tpu.memory_space<vmem>>
      %dma_start3A_92 = arith.constant 0 : i32
      %dma_start3A_93 = tpu.memref_slice %arg7[%dma_start3A_85, %dma_start3A_92] : memref<40x128xi32, #tpu.memory_space<vmem>> -> memref<1x128xi32, #tpu.memory_space<vmem>>
      %dma_start3A_94 = tpu.memref_squeeze %dma_start3A_93 : memref<1x128xi32, #tpu.memory_space<vmem>> -> memref<128xi32, #tpu.memory_space<vmem>>
      %dma_start3A_95 = arith.constant 0 : i32
      %dma_start3A_96 = arith.constant 0 : i32
      %dma_start3A_97 = tpu.memref_slice %arg2[%dma_start3A_95, %dma_start3A_96] : memref<10000x128xf32, #tpu.memory_space<hbm>> -> memref<10000x128xf32, #tpu.memory_space<hbm>>
      %dma_start3A_98 = tpu.memref_slice %arg11[%dma_start3A_87] : memref<2x!tpu.dma_semaphore, #tpu.memory_space<semaphore_mem>> -> memref<1x!tpu.dma_semaphore, #tpu.memory_space<semaphore_mem>>
      %dma_start3A_99 = tpu.memref_squeeze %dma_start3A_98 : memref<1x!tpu.dma_semaphore, #tpu.memory_space<semaphore_mem>> -> memref<!tpu.dma_semaphore, #tpu.memory_space<semaphore_mem>>
      tpu.enqueue_indirect_dma source(%dma_start3A_97 : memref<10000x128xf32, #tpu.memory_space<hbm>>) target(%dma_start3A_91 : memref<128x128xf32, #tpu.memory_space<vmem>>) offsets(%dma_start3A_94 : memref<128xi32, #tpu.memory_space<vmem>>) semaphore(%dma_start3A_99 : memref<!tpu.dma_semaphore, #tpu.memory_space<semaphore_mem>>)
      %dma_start3A_100 = arith.constant 1 : i32
      %dma_start3A_101 = arith.constant 1 : i32
      %dma_start3A_102 = arith.constant 1 : i32
      %dma_start3A_103 = arith.constant 0 : i32
      %dma_start3A_104 = arith.constant 0 : i32
      %dma_start3A_105 = tpu.memref_slice %arg9[%dma_start3A_101, %dma_start3A_103, %dma_start3A_104] : memref<2x128x128xf32, #tpu.memory_space<vmem>> -> memref<1x128x128xf32, #tpu.memory_space<vmem>>
      %dma_start3A_106 = tpu.memref_squeeze %dma_start3A_105 : memref<1x128x128xf32, #tpu.memory_space<vmem>> -> memref<128x128xf32, #tpu.memory_space<vmem>>
      %dma_start3A_107 = arith.constant 0 : i32
      %dma_start3A_108 = tpu.memref_slice %arg7[%dma_start3A_100, %dma_start3A_107] : memref<40x128xi32, #tpu.memory_space<vmem>> -> memref<1x128xi32, #tpu.memory_space<vmem>>
      %dma_start3A_109 = tpu.memref_squeeze %dma_start3A_108 : memref<1x128xi32, #tpu.memory_space<vmem>> -> memref<128xi32, #tpu.memory_space<vmem>>
      %dma_start3A_110 = arith.constant 0 : i32
      %dma_start3A_111 = arith.constant 0 : i32
      %dma_start3A_112 = tpu.memref_slice %arg2[%dma_start3A_110, %dma_start3A_111] : memref<10000x128xf32, #tpu.memory_space<hbm>> -> memref<10000x128xf32, #tpu.memory_space<hbm>>
      %dma_start3A_113 = tpu.memref_slice %arg11[%dma_start3A_102] : memref<2x!tpu.dma_semaphore, #tpu.memory_space<semaphore_mem>> -> memref<1x!tpu.dma_semaphore, #tpu.memory_space<semaphore_mem>>
      %dma_start3A_114 = tpu.memref_squeeze %dma_start3A_113 : memref<1x!tpu.dma_semaphore, #tpu.memory_space<semaphore_mem>> -> memref<!tpu.dma_semaphore, #tpu.memory_space<semaphore_mem>>
      tpu.enqueue_indirect_dma source(%dma_start3A_112 : memref<10000x128xf32, #tpu.memory_space<hbm>>) target(%dma_start3A_106 : memref<128x128xf32, #tpu.memory_space<vmem>>) offsets(%dma_start3A_109 : memref<128xi32, #tpu.memory_space<vmem>>) semaphore(%dma_start3A_114 : memref<!tpu.dma_semaphore, #tpu.memory_space<semaphore_mem>>)
      %scan3A_115 = arith.constant 0 : i32
      %scan3A_116 = arith.constant 20 : i32
      %scan3A_117 = arith.addi %scan3A_115, %scan3A_116 : i32
      %scan3A_118 = arith.constant 1 : i32
      scf.for %scan3A_120 = %scan3A_115 to %scan3A_117 step %scan3A_118  : i32 {
        %mul3A = arith.constant 2 : i32
        %mul3A_121 = arith.muli %mul3A, %scan3A_120 : i32
        %add3A = arith.constant 0 : i32
        %add3A_122 = arith.addi %mul3A_121, %add3A : i32
        %dma_wait3A = arith.constant 0 : i32
        %dma_wait3A_123 = arith.constant 0 : i32
        %dma_wait3A_124 = arith.constant 0 : i32
        %dma_wait3A_125 = arith.constant 0 : i32
        %dma_wait3A_126 = tpu.memref_slice %arg9[%dma_wait3A, %dma_wait3A_124, %dma_wait3A_125] : memref<2x128x128xf32, #tpu.memory_space<vmem>> -> memref<1x128x128xf32, #tpu.memory_space<vmem>>
        %dma_wait3A_127 = tpu.memref_squeeze %dma_wait3A_126 : memref<1x128x128xf32, #tpu.memory_space<vmem>> -> memref<128x128xf32, #tpu.memory_space<vmem>>
        %dma_wait3A_128 = arith.constant 0 : i32
        %dma_wait3A_129 = tpu.memref_slice %arg7[%add3A_122, %dma_wait3A_128] : memref<40x128xi32, #tpu.memory_space<vmem>> -> memref<1x128xi32, #tpu.memory_space<vmem>>
        %dma_wait3A_130 = tpu.memref_squeeze %dma_wait3A_129 : memref<1x128xi32, #tpu.memory_space<vmem>> -> memref<128xi32, #tpu.memory_space<vmem>>
        %dma_wait3A_131 = arith.constant 0 : i32
        %dma_wait3A_132 = arith.constant 0 : i32
        %dma_wait3A_133 = tpu.memref_slice %arg2[%dma_wait3A_131, %dma_wait3A_132] : memref<10000x128xf32, #tpu.memory_space<hbm>> -> memref<10000x128xf32, #tpu.memory_space<hbm>>
        %dma_wait3A_134 = tpu.memref_slice %arg11[%dma_wait3A_123] : memref<2x!tpu.dma_semaphore, #tpu.memory_space<semaphore_mem>> -> memref<1x!tpu.dma_semaphore, #tpu.memory_space<semaphore_mem>>
        %dma_wait3A_135 = tpu.memref_squeeze %dma_wait3A_134 : memref<1x!tpu.dma_semaphore, #tpu.memory_space<semaphore_mem>> -> memref<!tpu.dma_semaphore, #tpu.memory_space<semaphore_mem>>
        tpu.wait_indirect_dma semaphore(%dma_wait3A_135 : memref<!tpu.dma_semaphore, #tpu.memory_space<semaphore_mem>>) src(%dma_wait3A_133 : memref<10000x128xf32, #tpu.memory_space<hbm>>) dst(%dma_wait3A_127 : memref<128x128xf32, #tpu.memory_space<vmem>>)
        %run_scoped3A = arith.constant 0 : i32
        "tpu.region"() ({
          %run_scoped3A_172 = tpu.sem_alloc : memref<!tpu.dma_semaphore, #tpu.memory_space<semaphore_mem>>
          %dma_start3A_173 = arith.constant 0 : i32
          %dma_start3A_174 = arith.constant 0 : i32
          %dma_start3A_175 = tpu.memref_slice %arg9[%run_scoped3A, %dma_start3A_173, %dma_start3A_174] : memref<2x128x128xf32, #tpu.memory_space<vmem>> -> memref<1x128x128xf32, #tpu.memory_space<vmem>>
          %dma_start3A_176 = tpu.memref_squeeze %dma_start3A_175 : memref<1x128x128xf32, #tpu.memory_space<vmem>> -> memref<128x128xf32, #tpu.memory_space<vmem>>
          %dma_start3A_177 = arith.constant 0 : i32
          %dma_start3A_178 = tpu.memref_slice %arg8[%add3A_122, %dma_start3A_177] : memref<40x128xi32, #tpu.memory_space<vmem>> -> memref<1x128xi32, #tpu.memory_space<vmem>>
          %dma_start3A_179 = tpu.memref_squeeze %dma_start3A_178 : memref<1x128xi32, #tpu.memory_space<vmem>> -> memref<128xi32, #tpu.memory_space<vmem>>
          %dma_start3A_180 = arith.constant 0 : i32
          %dma_start3A_181 = arith.constant 0 : i32
          %dma_start3A_182 = tpu.memref_slice %arg10[%dma_start3A_180, %dma_start3A_181] : memref<10240x128xf32, #tpu.memory_space<vmem_shared>> -> memref<10240x128xf32, #tpu.memory_space<vmem_shared>>
          tpu.enqueue_indirect_dma source(%dma_start3A_176 : memref<128x128xf32, #tpu.memory_space<vmem>>) target(%dma_start3A_182 : memref<10240x128xf32, #tpu.memory_space<vmem_shared>>) offsets(%dma_start3A_179 : memref<128xi32, #tpu.memory_space<vmem>>) semaphore(%run_scoped3A_172 : memref<!tpu.dma_semaphore, #tpu.memory_space<semaphore_mem>>) {add = true}
          %dma_wait3A_183 = arith.constant 0 : i32
          %dma_wait3A_184 = arith.constant 0 : i32
          %dma_wait3A_185 = tpu.memref_slice %arg9[%run_scoped3A, %dma_wait3A_183, %dma_wait3A_184] : memref<2x128x128xf32, #tpu.memory_space<vmem>> -> memref<1x128x128xf32, #tpu.memory_space<vmem>>
          %dma_wait3A_186 = tpu.memref_squeeze %dma_wait3A_185 : memref<1x128x128xf32, #tpu.memory_space<vmem>> -> memref<128x128xf32, #tpu.memory_space<vmem>>
          %dma_wait3A_187 = arith.constant 0 : i32
          %dma_wait3A_188 = tpu.memref_slice %arg8[%add3A_122, %dma_wait3A_187] : memref<40x128xi32, #tpu.memory_space<vmem>> -> memref<1x128xi32, #tpu.memory_space<vmem>>
          %dma_wait3A_189 = tpu.memref_squeeze %dma_wait3A_188 : memref<1x128xi32, #tpu.memory_space<vmem>> -> memref<128xi32, #tpu.memory_space<vmem>>
          %dma_wait3A_190 = arith.constant 0 : i32
          %dma_wait3A_191 = arith.constant 0 : i32
          %dma_wait3A_192 = tpu.memref_slice %arg10[%dma_wait3A_190, %dma_wait3A_191] : memref<10240x128xf32, #tpu.memory_space<vmem_shared>> -> memref<10240x128xf32, #tpu.memory_space<vmem_shared>>
          tpu.wait_indirect_dma semaphore(%run_scoped3A_172 : memref<!tpu.dma_semaphore, #tpu.memory_space<semaphore_mem>>) src(%dma_wait3A_186 : memref<128x128xf32, #tpu.memory_space<vmem>>) dst(%dma_wait3A_192 : memref<10240x128xf32, #tpu.memory_space<vmem_shared>>)
          tpu.yield
        }) : () -> ()
        %add3A_136 = arith.constant 2 : i32
        %add3A_137 = arith.addi %add3A_122, %add3A_136 : i32
        %lt3A = arith.constant 40 : i32
        %lt3A_138 = arith.cmpi slt, %add3A_137, %lt3A : i32
        %convert_element_type3A_139 = arith.extui %lt3A_138 : i1 to i32
        %cond3A_140 = arith.constant 0 : i32
        %cond3A_141 = arith.constant 0 : i32
        %cond3A_142 = arith.constant 0 : i32
        %cond3A_143 = arith.cmpi ne, %convert_element_type3A_139, %cond3A_142 : i32
        scf.if %cond3A_143 {
          %add3A_172 = arith.constant 2 : i32
          %add3A_173 = arith.addi %add3A_122, %add3A_172 : i32
          %dma_start3A_174 = arith.constant 0 : i32
          %dma_start3A_175 = arith.constant 0 : i32
          %dma_start3A_176 = tpu.memref_slice %arg9[%cond3A_140, %dma_start3A_174, %dma_start3A_175] : memref<2x128x128xf32, #tpu.memory_space<vmem>> -> memref<1x128x128xf32, #tpu.memory_space<vmem>>
          %dma_start3A_177 = tpu.memref_squeeze %dma_start3A_176 : memref<1x128x128xf32, #tpu.memory_space<vmem>> -> memref<128x128xf32, #tpu.memory_space<vmem>>
          %dma_start3A_178 = arith.constant 0 : i32
          %dma_start3A_179 = tpu.memref_slice %arg7[%add3A_173, %dma_start3A_178] : memref<40x128xi32, #tpu.memory_space<vmem>> -> memref<1x128xi32, #tpu.memory_space<vmem>>
          %dma_start3A_180 = tpu.memref_squeeze %dma_start3A_179 : memref<1x128xi32, #tpu.memory_space<vmem>> -> memref<128xi32, #tpu.memory_space<vmem>>
          %dma_start3A_181 = arith.constant 0 : i32
          %dma_start3A_182 = arith.constant 0 : i32
          %dma_start3A_183 = tpu.memref_slice %arg2[%dma_start3A_181, %dma_start3A_182] : memref<10000x128xf32, #tpu.memory_space<hbm>> -> memref<10000x128xf32, #tpu.memory_space<hbm>>
          %dma_start3A_184 = tpu.memref_slice %arg11[%cond3A_141] : memref<2x!tpu.dma_semaphore, #tpu.memory_space<semaphore_mem>> -> memref<1x!tpu.dma_semaphore, #tpu.memory_space<semaphore_mem>>
          %dma_start3A_185 = tpu.memref_squeeze %dma_start3A_184 : memref<1x!tpu.dma_semaphore, #tpu.memory_space<semaphore_mem>> -> memref<!tpu.dma_semaphore, #tpu.memory_space<semaphore_mem>>
          tpu.enqueue_indirect_dma source(%dma_start3A_183 : memref<10000x128xf32, #tpu.memory_space<hbm>>) target(%dma_start3A_177 : memref<128x128xf32, #tpu.memory_space<vmem>>) offsets(%dma_start3A_180 : memref<128xi32, #tpu.memory_space<vmem>>) semaphore(%dma_start3A_185 : memref<!tpu.dma_semaphore, #tpu.memory_space<semaphore_mem>>)
        } else {
        }
        %mul3A_144 = arith.constant 2 : i32
        %mul3A_145 = arith.muli %mul3A_144, %scan3A_120 : i32
        %add3A_146 = arith.constant 1 : i32
        %add3A_147 = arith.addi %mul3A_145, %add3A_146 : i32
        %dma_wait3A_148 = arith.constant 1 : i32
        %dma_wait3A_149 = arith.constant 1 : i32
        %dma_wait3A_150 = arith.constant 0 : i32
        %dma_wait3A_151 = arith.constant 0 : i32
        %dma_wait3A_152 = tpu.memref_slice %arg9[%dma_wait3A_148, %dma_wait3A_150, %dma_wait3A_151] : memref<2x128x128xf32, #tpu.memory_space<vmem>> -> memref<1x128x128xf32, #tpu.memory_space<vmem>>
        %dma_wait3A_153 = tpu.memref_squeeze %dma_wait3A_152 : memref<1x128x128xf32, #tpu.memory_space<vmem>> -> memref<128x128xf32, #tpu.memory_space<vmem>>
        %dma_wait3A_154 = arith.constant 0 : i32
        %dma_wait3A_155 = tpu.memref_slice %arg7[%add3A_147, %dma_wait3A_154] : memref<40x128xi32, #tpu.memory_space<vmem>> -> memref<1x128xi32, #tpu.memory_space<vmem>>
        %dma_wait3A_156 = tpu.memref_squeeze %dma_wait3A_155 : memref<1x128xi32, #tpu.memory_space<vmem>> -> memref<128xi32, #tpu.memory_space<vmem>>
        %dma_wait3A_157 = arith.constant 0 : i32
        %dma_wait3A_158 = arith.constant 0 : i32
        %dma_wait3A_159 = tpu.memref_slice %arg2[%dma_wait3A_157, %dma_wait3A_158] : memref<10000x128xf32, #tpu.memory_space<hbm>> -> memref<10000x128xf32, #tpu.memory_space<hbm>>
        %dma_wait3A_160 = tpu.memref_slice %arg11[%dma_wait3A_149] : memref<2x!tpu.dma_semaphore, #tpu.memory_space<semaphore_mem>> -> memref<1x!tpu.dma_semaphore, #tpu.memory_space<semaphore_mem>>
        %dma_wait3A_161 = tpu.memref_squeeze %dma_wait3A_160 : memref<1x!tpu.dma_semaphore, #tpu.memory_space<semaphore_mem>> -> memref<!tpu.dma_semaphore, #tpu.memory_space<semaphore_mem>>
        tpu.wait_indirect_dma semaphore(%dma_wait3A_161 : memref<!tpu.dma_semaphore, #tpu.memory_space<semaphore_mem>>) src(%dma_wait3A_159 : memref<10000x128xf32, #tpu.memory_space<hbm>>) dst(%dma_wait3A_153 : memref<128x128xf32, #tpu.memory_space<vmem>>)
        %run_scoped3A_162 = arith.constant 1 : i32
        "tpu.region"() ({
          %run_scoped3A_172 = tpu.sem_alloc : memref<!tpu.dma_semaphore, #tpu.memory_space<semaphore_mem>>
          %dma_start3A_173 = arith.constant 0 : i32
          %dma_start3A_174 = arith.constant 0 : i32
          %dma_start3A_175 = tpu.memref_slice %arg9[%run_scoped3A_162, %dma_start3A_173, %dma_start3A_174] : memref<2x128x128xf32, #tpu.memory_space<vmem>> -> memref<1x128x128xf32, #tpu.memory_space<vmem>>
          %dma_start3A_176 = tpu.memref_squeeze %dma_start3A_175 : memref<1x128x128xf32, #tpu.memory_space<vmem>> -> memref<128x128xf32, #tpu.memory_space<vmem>>
          %dma_start3A_177 = arith.constant 0 : i32
          %dma_start3A_178 = tpu.memref_slice %arg8[%add3A_147, %dma_start3A_177] : memref<40x128xi32, #tpu.memory_space<vmem>> -> memref<1x128xi32, #tpu.memory_space<vmem>>
          %dma_start3A_179 = tpu.memref_squeeze %dma_start3A_178 : memref<1x128xi32, #tpu.memory_space<vmem>> -> memref<128xi32, #tpu.memory_space<vmem>>
          %dma_start3A_180 = arith.constant 0 : i32
          %dma_start3A_181 = arith.constant 0 : i32
          %dma_start3A_182 = tpu.memref_slice %arg10[%dma_start3A_180, %dma_start3A_181] : memref<10240x128xf32, #tpu.memory_space<vmem_shared>> -> memref<10240x128xf32, #tpu.memory_space<vmem_shared>>
          tpu.enqueue_indirect_dma source(%dma_start3A_176 : memref<128x128xf32, #tpu.memory_space<vmem>>) target(%dma_start3A_182 : memref<10240x128xf32, #tpu.memory_space<vmem_shared>>) offsets(%dma_start3A_179 : memref<128xi32, #tpu.memory_space<vmem>>) semaphore(%run_scoped3A_172 : memref<!tpu.dma_semaphore, #tpu.memory_space<semaphore_mem>>) {add = true}
          %dma_wait3A_183 = arith.constant 0 : i32
          %dma_wait3A_184 = arith.constant 0 : i32
          %dma_wait3A_185 = tpu.memref_slice %arg9[%run_scoped3A_162, %dma_wait3A_183, %dma_wait3A_184] : memref<2x128x128xf32, #tpu.memory_space<vmem>> -> memref<1x128x128xf32, #tpu.memory_space<vmem>>
          %dma_wait3A_186 = tpu.memref_squeeze %dma_wait3A_185 : memref<1x128x128xf32, #tpu.memory_space<vmem>> -> memref<128x128xf32, #tpu.memory_space<vmem>>
          %dma_wait3A_187 = arith.constant 0 : i32
          %dma_wait3A_188 = tpu.memref_slice %arg8[%add3A_147, %dma_wait3A_187] : memref<40x128xi32, #tpu.memory_space<vmem>> -> memref<1x128xi32, #tpu.memory_space<vmem>>
          %dma_wait3A_189 = tpu.memref_squeeze %dma_wait3A_188 : memref<1x128xi32, #tpu.memory_space<vmem>> -> memref<128xi32, #tpu.memory_space<vmem>>
          %dma_wait3A_190 = arith.constant 0 : i32
          %dma_wait3A_191 = arith.constant 0 : i32
          %dma_wait3A_192 = tpu.memref_slice %arg10[%dma_wait3A_190, %dma_wait3A_191] : memref<10240x128xf32, #tpu.memory_space<vmem_shared>> -> memref<10240x128xf32, #tpu.memory_space<vmem_shared>>
          tpu.wait_indirect_dma semaphore(%run_scoped3A_172 : memref<!tpu.dma_semaphore, #tpu.memory_space<semaphore_mem>>) src(%dma_wait3A_186 : memref<128x128xf32, #tpu.memory_space<vmem>>) dst(%dma_wait3A_192 : memref<10240x128xf32, #tpu.memory_space<vmem_shared>>)
          tpu.yield
        }) : () -> ()
        %add3A_163 = arith.constant 2 : i32
        %add3A_164 = arith.addi %add3A_147, %add3A_163 : i32
        %lt3A_165 = arith.constant 40 : i32
        %lt3A_166 = arith.cmpi slt, %add3A_164, %lt3A_165 : i32
        %convert_element_type3A_167 = arith.extui %lt3A_166 : i1 to i32
        %cond3A_168 = arith.constant 1 : i32
        %cond3A_169 = arith.constant 1 : i32
        %cond3A_170 = arith.constant 0 : i32
        %cond3A_171 = arith.cmpi ne, %convert_element_type3A_167, %cond3A_170 : i32
        scf.if %cond3A_171 {
          %add3A_172 = arith.constant 2 : i32
          %add3A_173 = arith.addi %add3A_147, %add3A_172 : i32
          %dma_start3A_174 = arith.constant 0 : i32
          %dma_start3A_175 = arith.constant 0 : i32
          %dma_start3A_176 = tpu.memref_slice %arg9[%cond3A_168, %dma_start3A_174, %dma_start3A_175] : memref<2x128x128xf32, #tpu.memory_space<vmem>> -> memref<1x128x128xf32, #tpu.memory_space<vmem>>
          %dma_start3A_177 = tpu.memref_squeeze %dma_start3A_176 : memref<1x128x128xf32, #tpu.memory_space<vmem>> -> memref<128x128xf32, #tpu.memory_space<vmem>>
          %dma_start3A_178 = arith.constant 0 : i32
          %dma_start3A_179 = tpu.memref_slice %arg7[%add3A_173, %dma_start3A_178] : memref<40x128xi32, #tpu.memory_space<vmem>> -> memref<1x128xi32, #tpu.memory_space<vmem>>
          %dma_start3A_180 = tpu.memref_squeeze %dma_start3A_179 : memref<1x128xi32, #tpu.memory_space<vmem>> -> memref<128xi32, #tpu.memory_space<vmem>>
          %dma_start3A_181 = arith.constant 0 : i32
          %dma_start3A_182 = arith.constant 0 : i32
          %dma_start3A_183 = tpu.memref_slice %arg2[%dma_start3A_181, %dma_start3A_182] : memref<10000x128xf32, #tpu.memory_space<hbm>> -> memref<10000x128xf32, #tpu.memory_space<hbm>>
          %dma_start3A_184 = tpu.memref_slice %arg11[%cond3A_169] : memref<2x!tpu.dma_semaphore, #tpu.memory_space<semaphore_mem>> -> memref<1x!tpu.dma_semaphore, #tpu.memory_space<semaphore_mem>>
          %dma_start3A_185 = tpu.memref_squeeze %dma_start3A_184 : memref<1x!tpu.dma_semaphore, #tpu.memory_space<semaphore_mem>> -> memref<!tpu.dma_semaphore, #tpu.memory_space<semaphore_mem>>
          tpu.enqueue_indirect_dma source(%dma_start3A_183 : memref<10000x128xf32, #tpu.memory_space<hbm>>) target(%dma_start3A_177 : memref<128x128xf32, #tpu.memory_space<vmem>>) offsets(%dma_start3A_180 : memref<128xi32, #tpu.memory_space<vmem>>) semaphore(%dma_start3A_185 : memref<!tpu.dma_semaphore, #tpu.memory_space<semaphore_mem>>)
        } else {
        }
      }
      %scan3A_119 = arith.constant 20 : i32
    } else {
    }
    %ne3A = arith.constant 0 : i32
    %ne3A_6 = arith.cmpi ne, %arg0, %ne3A : i32
    %convert_element_type3A_7 = arith.extui %ne3A_6 : i1 to i32
    %cond3A_8 = arith.constant 0 : i32
    %cond3A_9 = arith.cmpi ne, %convert_element_type3A_7, %cond3A_8 : i32
    scf.if %cond3A_9 {
      "tpu.region"() ({
        %run_scoped3A = tpu.sem_alloc : memref<!tpu.dma_semaphore, #tpu.memory_space<semaphore_mem>>
        %dma_start3A_50 = arith.constant 120 : i32
        %dma_start3A_51 = arith.constant 0 : i32
        %dma_start3A_52 = tpu.memref_slice %arg4[%arg1, %dma_start3A_50, %dma_start3A_51] : memref<16x160x128xi32, #tpu.memory_space<hbm>> -> memref<1x40x128xi32, #tpu.memory_space<hbm>>
        %dma_start3A_53 = tpu.memref_squeeze %dma_start3A_52 : memref<1x40x128xi32, #tpu.memory_space<hbm>> -> memref<40x128xi32, #tpu.memory_space<hbm>>
        %dma_start3A_54 = arith.constant 120 : i32
        %dma_start3A_55 = arith.constant 0 : i32
        %dma_start3A_56 = tpu.memref_slice %arg4[%arg1, %dma_start3A_54, %dma_start3A_55] : memref<16x160x128xi32, #tpu.memory_space<hbm>> -> memref<1x40x128xi32, #tpu.memory_space<hbm>>
        %dma_start3A_57 = tpu.memref_squeeze %dma_start3A_56 : memref<1x40x128xi32, #tpu.memory_space<hbm>> -> memref<40x128xi32, #tpu.memory_space<hbm>>
        tpu.enqueue_dma source(%dma_start3A_57 : memref<40x128xi32, #tpu.memory_space<hbm>>) target(%arg7 : memref<40x128xi32, #tpu.memory_space<vmem>>) target_semaphore(%run_scoped3A : memref<!tpu.dma_semaphore, #tpu.memory_space<semaphore_mem>>)
        %dma_wait3A = arith.constant 120 : i32
        %dma_wait3A_58 = arith.constant 0 : i32
        %dma_wait3A_59 = tpu.memref_slice %arg4[%arg1, %dma_wait3A, %dma_wait3A_58] : memref<16x160x128xi32, #tpu.memory_space<hbm>> -> memref<1x40x128xi32, #tpu.memory_space<hbm>>
        %dma_wait3A_60 = tpu.memref_squeeze %dma_wait3A_59 : memref<1x40x128xi32, #tpu.memory_space<hbm>> -> memref<40x128xi32, #tpu.memory_space<hbm>>
        %dma_wait3A_61 = arith.constant 120 : i32
        %dma_wait3A_62 = arith.constant 0 : i32
        %dma_wait3A_63 = tpu.memref_slice %arg4[%arg1, %dma_wait3A_61, %dma_wait3A_62] : memref<16x160x128xi32, #tpu.memory_space<hbm>> -> memref<1x40x128xi32, #tpu.memory_space<hbm>>
        %dma_wait3A_64 = tpu.memref_squeeze %dma_wait3A_63 : memref<1x40x128xi32, #tpu.memory_space<hbm>> -> memref<40x128xi32, #tpu.memory_space<hbm>>
        tpu.wait_dma2 semaphore(%run_scoped3A : memref<!tpu.dma_semaphore, #tpu.memory_space<semaphore_mem>>) src(%dma_wait3A_64 : memref<40x128xi32, #tpu.memory_space<hbm>>) dst(%arg7 : memref<40x128xi32, #tpu.memory_space<vmem>>)
        tpu.yield
      }) : () -> ()
      "tpu.region"() ({
        %run_scoped3A = tpu.sem_alloc : memref<!tpu.dma_semaphore, #tpu.memory_space<semaphore_mem>>
        %dma_start3A_50 = arith.constant 120 : i32
        %dma_start3A_51 = arith.constant 0 : i32
        %dma_start3A_52 = tpu.memref_slice %arg5[%arg1, %dma_start3A_50, %dma_start3A_51] : memref<16x160x128xi32, #tpu.memory_space<hbm>> -> memref<1x40x128xi32, #tpu.memory_space<hbm>>
        %dma_start3A_53 = tpu.memref_squeeze %dma_start3A_52 : memref<1x40x128xi32, #tpu.memory_space<hbm>> -> memref<40x128xi32, #tpu.memory_space<hbm>>
        %dma_start3A_54 = arith.constant 120 : i32
        %dma_start3A_55 = arith.constant 0 : i32
        %dma_start3A_56 = tpu.memref_slice %arg5[%arg1, %dma_start3A_54, %dma_start3A_55] : memref<16x160x128xi32, #tpu.memory_space<hbm>> -> memref<1x40x128xi32, #tpu.memory_space<hbm>>
        %dma_start3A_57 = tpu.memref_squeeze %dma_start3A_56 : memref<1x40x128xi32, #tpu.memory_space<hbm>> -> memref<40x128xi32, #tpu.memory_space<hbm>>
        tpu.enqueue_dma source(%dma_start3A_57 : memref<40x128xi32, #tpu.memory_space<hbm>>) target(%arg8 : memref<40x128xi32, #tpu.memory_space<vmem>>) target_semaphore(%run_scoped3A : memref<!tpu.dma_semaphore, #tpu.memory_space<semaphore_mem>>)
        %dma_wait3A = arith.constant 120 : i32
        %dma_wait3A_58 = arith.constant 0 : i32
        %dma_wait3A_59 = tpu.memref_slice %arg5[%arg1, %dma_wait3A, %dma_wait3A_58] : memref<16x160x128xi32, #tpu.memory_space<hbm>> -> memref<1x40x128xi32, #tpu.memory_space<hbm>>
        %dma_wait3A_60 = tpu.memref_squeeze %dma_wait3A_59 : memref<1x40x128xi32, #tpu.memory_space<hbm>> -> memref<40x128xi32, #tpu.memory_space<hbm>>
        %dma_wait3A_61 = arith.constant 120 : i32
        %dma_wait3A_62 = arith.constant 0 : i32
        %dma_wait3A_63 = tpu.memref_slice %arg5[%arg1, %dma_wait3A_61, %dma_wait3A_62] : memref<16x160x128xi32, #tpu.memory_space<hbm>> -> memref<1x40x128xi32, #tpu.memory_space<hbm>>
        %dma_wait3A_64 = tpu.memref_squeeze %dma_wait3A_63 : memref<1x40x128xi32, #tpu.memory_space<hbm>> -> memref<40x128xi32, #tpu.memory_space<hbm>>
        tpu.wait_dma2 semaphore(%run_scoped3A : memref<!tpu.dma_semaphore, #tpu.memory_space<semaphore_mem>>) src(%dma_wait3A_64 : memref<40x128xi32, #tpu.memory_space<hbm>>) dst(%arg8 : memref<40x128xi32, #tpu.memory_space<vmem>>)
        tpu.yield
      }) : () -> ()
      %dma_start3A = arith.constant 0 : i32
      %dma_start3A_16 = arith.constant 0 : i32
      %dma_start3A_17 = arith.constant 0 : i32
      %dma_start3A_18 = arith.constant 0 : i32
      %dma_start3A_19 = arith.constant 0 : i32
      %dma_start3A_20 = tpu.memref_slice %arg9[%dma_start3A_16, %dma_start3A_18, %dma_start3A_19] : memref<2x128x128xf32, #tpu.memory_space<vmem>> -> memref<1x128x128xf32, #tpu.memory_space<vmem>>
      %dma_start3A_21 = tpu.memref_squeeze %dma_start3A_20 : memref<1x128x128xf32, #tpu.memory_space<vmem>> -> memref<128x128xf32, #tpu.memory_space<vmem>>
      %dma_start3A_22 = arith.constant 0 : i32
      %dma_start3A_23 = tpu.memref_slice %arg7[%dma_start3A, %dma_start3A_22] : memref<40x128xi32, #tpu.memory_space<vmem>> -> memref<1x128xi32, #tpu.memory_space<vmem>>
      %dma_start3A_24 = tpu.memref_squeeze %dma_start3A_23 : memref<1x128xi32, #tpu.memory_space<vmem>> -> memref<128xi32, #tpu.memory_space<vmem>>
      %dma_start3A_25 = arith.constant 0 : i32
      %dma_start3A_26 = arith.constant 0 : i32
      %dma_start3A_27 = tpu.memref_slice %arg2[%dma_start3A_25, %dma_start3A_26] : memref<10000x128xf32, #tpu.memory_space<hbm>> -> memref<10000x128xf32, #tpu.memory_space<hbm>>
      %dma_start3A_28 = tpu.memref_slice %arg11[%dma_start3A_17] : memref<2x!tpu.dma_semaphore, #tpu.memory_space<semaphore_mem>> -> memref<1x!tpu.dma_semaphore, #tpu.memory_space<semaphore_mem>>
      %dma_start3A_29 = tpu.memref_squeeze %dma_start3A_28 : memref<1x!tpu.dma_semaphore, #tpu.memory_space<semaphore_mem>> -> memref<!tpu.dma_semaphore, #tpu.memory_space<semaphore_mem>>
      tpu.enqueue_indirect_dma source(%dma_start3A_27 : memref<10000x128xf32, #tpu.memory_space<hbm>>) target(%dma_start3A_21 : memref<128x128xf32, #tpu.memory_space<vmem>>) offsets(%dma_start3A_24 : memref<128xi32, #tpu.memory_space<vmem>>) semaphore(%dma_start3A_29 : memref<!tpu.dma_semaphore, #tpu.memory_space<semaphore_mem>>)
      %dma_start3A_30 = arith.constant 1 : i32
      %dma_start3A_31 = arith.constant 1 : i32
      %dma_start3A_32 = arith.constant 1 : i32
      %dma_start3A_33 = arith.constant 0 : i32
      %dma_start3A_34 = arith.constant 0 : i32
      %dma_start3A_35 = tpu.memref_slice %arg9[%dma_start3A_31, %dma_start3A_33, %dma_start3A_34] : memref<2x128x128xf32, #tpu.memory_space<vmem>> -> memref<1x128x128xf32, #tpu.memory_space<vmem>>
      %dma_start3A_36 = tpu.memref_squeeze %dma_start3A_35 : memref<1x128x128xf32, #tpu.memory_space<vmem>> -> memref<128x128xf32, #tpu.memory_space<vmem>>
      %dma_start3A_37 = arith.constant 0 : i32
      %dma_start3A_38 = tpu.memref_slice %arg7[%dma_start3A_30, %dma_start3A_37] : memref<40x128xi32, #tpu.memory_space<vmem>> -> memref<1x128xi32, #tpu.memory_space<vmem>>
      %dma_start3A_39 = tpu.memref_squeeze %dma_start3A_38 : memref<1x128xi32, #tpu.memory_space<vmem>> -> memref<128xi32, #tpu.memory_space<vmem>>
      %dma_start3A_40 = arith.constant 0 : i32
      %dma_start3A_41 = arith.constant 0 : i32
      %dma_start3A_42 = tpu.memref_slice %arg2[%dma_start3A_40, %dma_start3A_41] : memref<10000x128xf32, #tpu.memory_space<hbm>> -> memref<10000x128xf32, #tpu.memory_space<hbm>>
      %dma_start3A_43 = tpu.memref_slice %arg11[%dma_start3A_32] : memref<2x!tpu.dma_semaphore, #tpu.memory_space<semaphore_mem>> -> memref<1x!tpu.dma_semaphore, #tpu.memory_space<semaphore_mem>>
      %dma_start3A_44 = tpu.memref_squeeze %dma_start3A_43 : memref<1x!tpu.dma_semaphore, #tpu.memory_space<semaphore_mem>> -> memref<!tpu.dma_semaphore, #tpu.memory_space<semaphore_mem>>
      tpu.enqueue_indirect_dma source(%dma_start3A_42 : memref<10000x128xf32, #tpu.memory_space<hbm>>) target(%dma_start3A_36 : memref<128x128xf32, #tpu.memory_space<vmem>>) offsets(%dma_start3A_39 : memref<128xi32, #tpu.memory_space<vmem>>) semaphore(%dma_start3A_44 : memref<!tpu.dma_semaphore, #tpu.memory_space<semaphore_mem>>)
      %scan3A_45 = arith.constant 0 : i32
      %scan3A_46 = arith.constant 20 : i32
      %scan3A_47 = arith.addi %scan3A_45, %scan3A_46 : i32
      %scan3A_48 = arith.constant 1 : i32
      scf.for %scan3A_50 = %scan3A_45 to %scan3A_47 step %scan3A_48  : i32 {
        %mul3A = arith.constant 2 : i32
        %mul3A_51 = arith.muli %mul3A, %scan3A_50 : i32
        %add3A = arith.constant 0 : i32
        %add3A_52 = arith.addi %mul3A_51, %add3A : i32
        %dma_wait3A = arith.constant 0 : i32
        %dma_wait3A_53 = arith.constant 0 : i32
        %dma_wait3A_54 = arith.constant 0 : i32
        %dma_wait3A_55 = arith.constant 0 : i32
        %dma_wait3A_56 = tpu.memref_slice %arg9[%dma_wait3A, %dma_wait3A_54, %dma_wait3A_55] : memref<2x128x128xf32, #tpu.memory_space<vmem>> -> memref<1x128x128xf32, #tpu.memory_space<vmem>>
        %dma_wait3A_57 = tpu.memref_squeeze %dma_wait3A_56 : memref<1x128x128xf32, #tpu.memory_space<vmem>> -> memref<128x128xf32, #tpu.memory_space<vmem>>
        %dma_wait3A_58 = arith.constant 0 : i32
        %dma_wait3A_59 = tpu.memref_slice %arg7[%add3A_52, %dma_wait3A_58] : memref<40x128xi32, #tpu.memory_space<vmem>> -> memref<1x128xi32, #tpu.memory_space<vmem>>
        %dma_wait3A_60 = tpu.memref_squeeze %dma_wait3A_59 : memref<1x128xi32, #tpu.memory_space<vmem>> -> memref<128xi32, #tpu.memory_space<vmem>>
        %dma_wait3A_61 = arith.constant 0 : i32
        %dma_wait3A_62 = arith.constant 0 : i32
        %dma_wait3A_63 = tpu.memref_slice %arg2[%dma_wait3A_61, %dma_wait3A_62] : memref<10000x128xf32, #tpu.memory_space<hbm>> -> memref<10000x128xf32, #tpu.memory_space<hbm>>
        %dma_wait3A_64 = tpu.memref_slice %arg11[%dma_wait3A_53] : memref<2x!tpu.dma_semaphore, #tpu.memory_space<semaphore_mem>> -> memref<1x!tpu.dma_semaphore, #tpu.memory_space<semaphore_mem>>
        %dma_wait3A_65 = tpu.memref_squeeze %dma_wait3A_64 : memref<1x!tpu.dma_semaphore, #tpu.memory_space<semaphore_mem>> -> memref<!tpu.dma_semaphore, #tpu.memory_space<semaphore_mem>>
        tpu.wait_indirect_dma semaphore(%dma_wait3A_65 : memref<!tpu.dma_semaphore, #tpu.memory_space<semaphore_mem>>) src(%dma_wait3A_63 : memref<10000x128xf32, #tpu.memory_space<hbm>>) dst(%dma_wait3A_57 : memref<128x128xf32, #tpu.memory_space<vmem>>)
        %run_scoped3A = arith.constant 0 : i32
        "tpu.region"() ({
          %run_scoped3A_102 = tpu.sem_alloc : memref<!tpu.dma_semaphore, #tpu.memory_space<semaphore_mem>>
          %dma_start3A_103 = arith.constant 0 : i32
          %dma_start3A_104 = arith.constant 0 : i32
          %dma_start3A_105 = tpu.memref_slice %arg9[%run_scoped3A, %dma_start3A_103, %dma_start3A_104] : memref<2x128x128xf32, #tpu.memory_space<vmem>> -> memref<1x128x128xf32, #tpu.memory_space<vmem>>
          %dma_start3A_106 = tpu.memref_squeeze %dma_start3A_105 : memref<1x128x128xf32, #tpu.memory_space<vmem>> -> memref<128x128xf32, #tpu.memory_space<vmem>>
          %dma_start3A_107 = arith.constant 0 : i32
          %dma_start3A_108 = tpu.memref_slice %arg8[%add3A_52, %dma_start3A_107] : memref<40x128xi32, #tpu.memory_space<vmem>> -> memref<1x128xi32, #tpu.memory_space<vmem>>
          %dma_start3A_109 = tpu.memref_squeeze %dma_start3A_108 : memref<1x128xi32, #tpu.memory_space<vmem>> -> memref<128xi32, #tpu.memory_space<vmem>>
          %dma_start3A_110 = arith.constant 0 : i32
          %dma_start3A_111 = arith.constant 0 : i32
          %dma_start3A_112 = tpu.memref_slice %arg10[%dma_start3A_110, %dma_start3A_111] : memref<10240x128xf32, #tpu.memory_space<vmem_shared>> -> memref<10240x128xf32, #tpu.memory_space<vmem_shared>>
          tpu.enqueue_indirect_dma source(%dma_start3A_106 : memref<128x128xf32, #tpu.memory_space<vmem>>) target(%dma_start3A_112 : memref<10240x128xf32, #tpu.memory_space<vmem_shared>>) offsets(%dma_start3A_109 : memref<128xi32, #tpu.memory_space<vmem>>) semaphore(%run_scoped3A_102 : memref<!tpu.dma_semaphore, #tpu.memory_space<semaphore_mem>>) {add = true}
          %dma_wait3A_113 = arith.constant 0 : i32
          %dma_wait3A_114 = arith.constant 0 : i32
          %dma_wait3A_115 = tpu.memref_slice %arg9[%run_scoped3A, %dma_wait3A_113, %dma_wait3A_114] : memref<2x128x128xf32, #tpu.memory_space<vmem>> -> memref<1x128x128xf32, #tpu.memory_space<vmem>>
          %dma_wait3A_116 = tpu.memref_squeeze %dma_wait3A_115 : memref<1x128x128xf32, #tpu.memory_space<vmem>> -> memref<128x128xf32, #tpu.memory_space<vmem>>
          %dma_wait3A_117 = arith.constant 0 : i32
          %dma_wait3A_118 = tpu.memref_slice %arg8[%add3A_52, %dma_wait3A_117] : memref<40x128xi32, #tpu.memory_space<vmem>> -> memref<1x128xi32, #tpu.memory_space<vmem>>
          %dma_wait3A_119 = tpu.memref_squeeze %dma_wait3A_118 : memref<1x128xi32, #tpu.memory_space<vmem>> -> memref<128xi32, #tpu.memory_space<vmem>>
          %dma_wait3A_120 = arith.constant 0 : i32
          %dma_wait3A_121 = arith.constant 0 : i32
          %dma_wait3A_122 = tpu.memref_slice %arg10[%dma_wait3A_120, %dma_wait3A_121] : memref<10240x128xf32, #tpu.memory_space<vmem_shared>> -> memref<10240x128xf32, #tpu.memory_space<vmem_shared>>
          tpu.wait_indirect_dma semaphore(%run_scoped3A_102 : memref<!tpu.dma_semaphore, #tpu.memory_space<semaphore_mem>>) src(%dma_wait3A_116 : memref<128x128xf32, #tpu.memory_space<vmem>>) dst(%dma_wait3A_122 : memref<10240x128xf32, #tpu.memory_space<vmem_shared>>)
          tpu.yield
        }) : () -> ()
        %add3A_66 = arith.constant 2 : i32
        %add3A_67 = arith.addi %add3A_52, %add3A_66 : i32
        %lt3A = arith.constant 40 : i32
        %lt3A_68 = arith.cmpi slt, %add3A_67, %lt3A : i32
        %convert_element_type3A_69 = arith.extui %lt3A_68 : i1 to i32
        %cond3A_70 = arith.constant 0 : i32
        %cond3A_71 = arith.constant 0 : i32
        %cond3A_72 = arith.constant 0 : i32
        %cond3A_73 = arith.cmpi ne, %convert_element_type3A_69, %cond3A_72 : i32
        scf.if %cond3A_73 {
          %add3A_102 = arith.constant 2 : i32
          %add3A_103 = arith.addi %add3A_52, %add3A_102 : i32
          %dma_start3A_104 = arith.constant 0 : i32
          %dma_start3A_105 = arith.constant 0 : i32
          %dma_start3A_106 = tpu.memref_slice %arg9[%cond3A_70, %dma_start3A_104, %dma_start3A_105] : memref<2x128x128xf32, #tpu.memory_space<vmem>> -> memref<1x128x128xf32, #tpu.memory_space<vmem>>
          %dma_start3A_107 = tpu.memref_squeeze %dma_start3A_106 : memref<1x128x128xf32, #tpu.memory_space<vmem>> -> memref<128x128xf32, #tpu.memory_space<vmem>>
          %dma_start3A_108 = arith.constant 0 : i32
          %dma_start3A_109 = tpu.memref_slice %arg7[%add3A_103, %dma_start3A_108] : memref<40x128xi32, #tpu.memory_space<vmem>> -> memref<1x128xi32, #tpu.memory_space<vmem>>
          %dma_start3A_110 = tpu.memref_squeeze %dma_start3A_109 : memref<1x128xi32, #tpu.memory_space<vmem>> -> memref<128xi32, #tpu.memory_space<vmem>>
          %dma_start3A_111 = arith.constant 0 : i32
          %dma_start3A_112 = arith.constant 0 : i32
          %dma_start3A_113 = tpu.memref_slice %arg2[%dma_start3A_111, %dma_start3A_112] : memref<10000x128xf32, #tpu.memory_space<hbm>> -> memref<10000x128xf32, #tpu.memory_space<hbm>>
          %dma_start3A_114 = tpu.memref_slice %arg11[%cond3A_71] : memref<2x!tpu.dma_semaphore, #tpu.memory_space<semaphore_mem>> -> memref<1x!tpu.dma_semaphore, #tpu.memory_space<semaphore_mem>>
          %dma_start3A_115 = tpu.memref_squeeze %dma_start3A_114 : memref<1x!tpu.dma_semaphore, #tpu.memory_space<semaphore_mem>> -> memref<!tpu.dma_semaphore, #tpu.memory_space<semaphore_mem>>
          tpu.enqueue_indirect_dma source(%dma_start3A_113 : memref<10000x128xf32, #tpu.memory_space<hbm>>) target(%dma_start3A_107 : memref<128x128xf32, #tpu.memory_space<vmem>>) offsets(%dma_start3A_110 : memref<128xi32, #tpu.memory_space<vmem>>) semaphore(%dma_start3A_115 : memref<!tpu.dma_semaphore, #tpu.memory_space<semaphore_mem>>)
        } else {
        }
        %mul3A_74 = arith.constant 2 : i32
        %mul3A_75 = arith.muli %mul3A_74, %scan3A_50 : i32
        %add3A_76 = arith.constant 1 : i32
        %add3A_77 = arith.addi %mul3A_75, %add3A_76 : i32
        %dma_wait3A_78 = arith.constant 1 : i32
        %dma_wait3A_79 = arith.constant 1 : i32
        %dma_wait3A_80 = arith.constant 0 : i32
        %dma_wait3A_81 = arith.constant 0 : i32
        %dma_wait3A_82 = tpu.memref_slice %arg9[%dma_wait3A_78, %dma_wait3A_80, %dma_wait3A_81] : memref<2x128x128xf32, #tpu.memory_space<vmem>> -> memref<1x128x128xf32, #tpu.memory_space<vmem>>
        %dma_wait3A_83 = tpu.memref_squeeze %dma_wait3A_82 : memref<1x128x128xf32, #tpu.memory_space<vmem>> -> memref<128x128xf32, #tpu.memory_space<vmem>>
        %dma_wait3A_84 = arith.constant 0 : i32
        %dma_wait3A_85 = tpu.memref_slice %arg7[%add3A_77, %dma_wait3A_84] : memref<40x128xi32, #tpu.memory_space<vmem>> -> memref<1x128xi32, #tpu.memory_space<vmem>>
        %dma_wait3A_86 = tpu.memref_squeeze %dma_wait3A_85 : memref<1x128xi32, #tpu.memory_space<vmem>> -> memref<128xi32, #tpu.memory_space<vmem>>
        %dma_wait3A_87 = arith.constant 0 : i32
        %dma_wait3A_88 = arith.constant 0 : i32
        %dma_wait3A_89 = tpu.memref_slice %arg2[%dma_wait3A_87, %dma_wait3A_88] : memref<10000x128xf32, #tpu.memory_space<hbm>> -> memref<10000x128xf32, #tpu.memory_space<hbm>>
        %dma_wait3A_90 = tpu.memref_slice %arg11[%dma_wait3A_79] : memref<2x!tpu.dma_semaphore, #tpu.memory_space<semaphore_mem>> -> memref<1x!tpu.dma_semaphore, #tpu.memory_space<semaphore_mem>>
        %dma_wait3A_91 = tpu.memref_squeeze %dma_wait3A_90 : memref<1x!tpu.dma_semaphore, #tpu.memory_space<semaphore_mem>> -> memref<!tpu.dma_semaphore, #tpu.memory_space<semaphore_mem>>
        tpu.wait_indirect_dma semaphore(%dma_wait3A_91 : memref<!tpu.dma_semaphore, #tpu.memory_space<semaphore_mem>>) src(%dma_wait3A_89 : memref<10000x128xf32, #tpu.memory_space<hbm>>) dst(%dma_wait3A_83 : memref<128x128xf32, #tpu.memory_space<vmem>>)
        %run_scoped3A_92 = arith.constant 1 : i32
        "tpu.region"() ({
          %run_scoped3A_102 = tpu.sem_alloc : memref<!tpu.dma_semaphore, #tpu.memory_space<semaphore_mem>>
          %dma_start3A_103 = arith.constant 0 : i32
          %dma_start3A_104 = arith.constant 0 : i32
          %dma_start3A_105 = tpu.memref_slice %arg9[%run_scoped3A_92, %dma_start3A_103, %dma_start3A_104] : memref<2x128x128xf32, #tpu.memory_space<vmem>> -> memref<1x128x128xf32, #tpu.memory_space<vmem>>
          %dma_start3A_106 = tpu.memref_squeeze %dma_start3A_105 : memref<1x128x128xf32, #tpu.memory_space<vmem>> -> memref<128x128xf32, #tpu.memory_space<vmem>>
          %dma_start3A_107 = arith.constant 0 : i32
          %dma_start3A_108 = tpu.memref_slice %arg8[%add3A_77, %dma_start3A_107] : memref<40x128xi32, #tpu.memory_space<vmem>> -> memref<1x128xi32, #tpu.memory_space<vmem>>
          %dma_start3A_109 = tpu.memref_squeeze %dma_start3A_108 : memref<1x128xi32, #tpu.memory_space<vmem>> -> memref<128xi32, #tpu.memory_space<vmem>>
          %dma_start3A_110 = arith.constant 0 : i32
          %dma_start3A_111 = arith.constant 0 : i32
          %dma_start3A_112 = tpu.memref_slice %arg10[%dma_start3A_110, %dma_start3A_111] : memref<10240x128xf32, #tpu.memory_space<vmem_shared>> -> memref<10240x128xf32, #tpu.memory_space<vmem_shared>>
          tpu.enqueue_indirect_dma source(%dma_start3A_106 : memref<128x128xf32, #tpu.memory_space<vmem>>) target(%dma_start3A_112 : memref<10240x128xf32, #tpu.memory_space<vmem_shared>>) offsets(%dma_start3A_109 : memref<128xi32, #tpu.memory_space<vmem>>) semaphore(%run_scoped3A_102 : memref<!tpu.dma_semaphore, #tpu.memory_space<semaphore_mem>>) {add = true}
          %dma_wait3A_113 = arith.constant 0 : i32
          %dma_wait3A_114 = arith.constant 0 : i32
          %dma_wait3A_115 = tpu.memref_slice %arg9[%run_scoped3A_92, %dma_wait3A_113, %dma_wait3A_114] : memref<2x128x128xf32, #tpu.memory_space<vmem>> -> memref<1x128x128xf32, #tpu.memory_space<vmem>>
          %dma_wait3A_116 = tpu.memref_squeeze %dma_wait3A_115 : memref<1x128x128xf32, #tpu.memory_space<vmem>> -> memref<128x128xf32, #tpu.memory_space<vmem>>
          %dma_wait3A_117 = arith.constant 0 : i32
          %dma_wait3A_118 = tpu.memref_slice %arg8[%add3A_77, %dma_wait3A_117] : memref<40x128xi32, #tpu.memory_space<vmem>> -> memref<1x128xi32, #tpu.memory_space<vmem>>
          %dma_wait3A_119 = tpu.memref_squeeze %dma_wait3A_118 : memref<1x128xi32, #tpu.memory_space<vmem>> -> memref<128xi32, #tpu.memory_space<vmem>>
          %dma_wait3A_120 = arith.constant 0 : i32
          %dma_wait3A_121 = arith.constant 0 : i32
          %dma_wait3A_122 = tpu.memref_slice %arg10[%dma_wait3A_120, %dma_wait3A_121] : memref<10240x128xf32, #tpu.memory_space<vmem_shared>> -> memref<10240x128xf32, #tpu.memory_space<vmem_shared>>
          tpu.wait_indirect_dma semaphore(%run_scoped3A_102 : memref<!tpu.dma_semaphore, #tpu.memory_space<semaphore_mem>>) src(%dma_wait3A_116 : memref<128x128xf32, #tpu.memory_space<vmem>>) dst(%dma_wait3A_122 : memref<10240x128xf32, #tpu.memory_space<vmem_shared>>)
          tpu.yield
        }) : () -> ()
        %add3A_93 = arith.constant 2 : i32
        %add3A_94 = arith.addi %add3A_77, %add3A_93 : i32
        %lt3A_95 = arith.constant 40 : i32
        %lt3A_96 = arith.cmpi slt, %add3A_94, %lt3A_95 : i32
        %convert_element_type3A_97 = arith.extui %lt3A_96 : i1 to i32
        %cond3A_98 = arith.constant 1 : i32
        %cond3A_99 = arith.constant 1 : i32
        %cond3A_100 = arith.constant 0 : i32
        %cond3A_101 = arith.cmpi ne, %convert_element_type3A_97, %cond3A_100 : i32
        scf.if %cond3A_101 {
          %add3A_102 = arith.constant 2 : i32
          %add3A_103 = arith.addi %add3A_77, %add3A_102 : i32
          %dma_start3A_104 = arith.constant 0 : i32
          %dma_start3A_105 = arith.constant 0 : i32
          %dma_start3A_106 = tpu.memref_slice %arg9[%cond3A_98, %dma_start3A_104, %dma_start3A_105] : memref<2x128x128xf32, #tpu.memory_space<vmem>> -> memref<1x128x128xf32, #tpu.memory_space<vmem>>
          %dma_start3A_107 = tpu.memref_squeeze %dma_start3A_106 : memref<1x128x128xf32, #tpu.memory_space<vmem>> -> memref<128x128xf32, #tpu.memory_space<vmem>>
          %dma_start3A_108 = arith.constant 0 : i32
          %dma_start3A_109 = tpu.memref_slice %arg7[%add3A_103, %dma_start3A_108] : memref<40x128xi32, #tpu.memory_space<vmem>> -> memref<1x128xi32, #tpu.memory_space<vmem>>
          %dma_start3A_110 = tpu.memref_squeeze %dma_start3A_109 : memref<1x128xi32, #tpu.memory_space<vmem>> -> memref<128xi32, #tpu.memory_space<vmem>>
          %dma_start3A_111 = arith.constant 0 : i32
          %dma_start3A_112 = arith.constant 0 : i32
          %dma_start3A_113 = tpu.memref_slice %arg2[%dma_start3A_111, %dma_start3A_112] : memref<10000x128xf32, #tpu.memory_space<hbm>> -> memref<10000x128xf32, #tpu.memory_space<hbm>>
          %dma_start3A_114 = tpu.memref_slice %arg11[%cond3A_99] : memref<2x!tpu.dma_semaphore, #tpu.memory_space<semaphore_mem>> -> memref<1x!tpu.dma_semaphore, #tpu.memory_space<semaphore_mem>>
          %dma_start3A_115 = tpu.memref_squeeze %dma_start3A_114 : memref<1x!tpu.dma_semaphore, #tpu.memory_space<semaphore_mem>> -> memref<!tpu.dma_semaphore, #tpu.memory_space<semaphore_mem>>
          tpu.enqueue_indirect_dma source(%dma_start3A_113 : memref<10000x128xf32, #tpu.memory_space<hbm>>) target(%dma_start3A_107 : memref<128x128xf32, #tpu.memory_space<vmem>>) offsets(%dma_start3A_110 : memref<128xi32, #tpu.memory_space<vmem>>) semaphore(%dma_start3A_115 : memref<!tpu.dma_semaphore, #tpu.memory_space<semaphore_mem>>)
        } else {
        }
      }
      %scan3A_49 = arith.constant 20 : i32
    } else {
    }
    %barrier3A_10 = arith.constant 0 : index
    tpu.barrier barrier_id(%barrier3A_10)
    %scan3A_11 = arith.constant 0 : i32
    %scan3A_12 = arith.constant 5 : i32
    %scan3A_13 = arith.addi %scan3A_11, %scan3A_12 : i32
    %scan3A_14 = arith.constant 1 : i32
    scf.for %scan3A_16 = %scan3A_11 to %scan3A_13 step %scan3A_14  : i32 {
      %mul3A = arith.constant 640 : i32
      %mul3A_17 = arith.muli %arg1, %mul3A : i32
      %mul3A_18 = arith.constant 128 : i32
      %mul3A_19 = arith.muli %scan3A_16, %mul3A_18 : i32
      %add3A = arith.addi %mul3A_17, %mul3A_19 : i32
      %run_scoped3A = arith.constant 0 : i32
      "tpu.region"() ({
        %run_scoped3A_21 = tpu.sem_alloc : memref<!tpu.dma_semaphore, #tpu.memory_space<semaphore_mem>>
        %dma_start3A = arith.constant 0 : i32
        %dma_start3A_22 = arith.constant 0 : i32
        %dma_start3A_23 = tpu.memref_slice %arg9[%run_scoped3A, %dma_start3A, %dma_start3A_22] : memref<2x128x128xf32, #tpu.memory_space<vmem>> -> memref<1x128x128xf32, #tpu.memory_space<vmem>>
        %dma_start3A_24 = tpu.memref_squeeze %dma_start3A_23 : memref<1x128x128xf32, #tpu.memory_space<vmem>> -> memref<128x128xf32, #tpu.memory_space<vmem>>
        %dma_start3A_25 = arith.constant 0 : i32
        %dma_start3A_26 = tpu.memref_slice %arg10[%add3A, %dma_start3A_25] : memref<10240x128xf32, #tpu.memory_space<vmem_shared>> -> memref<128x128xf32, #tpu.memory_space<vmem_shared>>
        %dma_start3A_27 = arith.constant 0 : i32
        %dma_start3A_28 = arith.constant 0 : i32
        %dma_start3A_29 = tpu.memref_slice %arg9[%run_scoped3A, %dma_start3A_27, %dma_start3A_28] : memref<2x128x128xf32, #tpu.memory_space<vmem>> -> memref<1x128x128xf32, #tpu.memory_space<vmem>>
        %dma_start3A_30 = tpu.memref_squeeze %dma_start3A_29 : memref<1x128x128xf32, #tpu.memory_space<vmem>> -> memref<128x128xf32, #tpu.memory_space<vmem>>
        %dma_start3A_31 = arith.constant 0 : i32
        %dma_start3A_32 = tpu.memref_slice %arg10[%add3A, %dma_start3A_31] : memref<10240x128xf32, #tpu.memory_space<vmem_shared>> -> memref<128x128xf32, #tpu.memory_space<vmem_shared>>
        tpu.enqueue_dma source(%dma_start3A_32 : memref<128x128xf32, #tpu.memory_space<vmem_shared>>) target(%dma_start3A_30 : memref<128x128xf32, #tpu.memory_space<vmem>>) target_semaphore(%run_scoped3A_21 : memref<!tpu.dma_semaphore, #tpu.memory_space<semaphore_mem>>)
        %dma_wait3A = arith.constant 0 : i32
        %dma_wait3A_33 = arith.constant 0 : i32
        %dma_wait3A_34 = tpu.memref_slice %arg9[%run_scoped3A, %dma_wait3A, %dma_wait3A_33] : memref<2x128x128xf32, #tpu.memory_space<vmem>> -> memref<1x128x128xf32, #tpu.memory_space<vmem>>
        %dma_wait3A_35 = tpu.memref_squeeze %dma_wait3A_34 : memref<1x128x128xf32, #tpu.memory_space<vmem>> -> memref<128x128xf32, #tpu.memory_space<vmem>>
        %dma_wait3A_36 = arith.constant 0 : i32
        %dma_wait3A_37 = tpu.memref_slice %arg10[%add3A, %dma_wait3A_36] : memref<10240x128xf32, #tpu.memory_space<vmem_shared>> -> memref<128x128xf32, #tpu.memory_space<vmem_shared>>
        %dma_wait3A_38 = arith.constant 0 : i32
        %dma_wait3A_39 = arith.constant 0 : i32
        %dma_wait3A_40 = tpu.memref_slice %arg9[%run_scoped3A, %dma_wait3A_38, %dma_wait3A_39] : memref<2x128x128xf32, #tpu.memory_space<vmem>> -> memref<1x128x128xf32, #tpu.memory_space<vmem>>
        %dma_wait3A_41 = tpu.memref_squeeze %dma_wait3A_40 : memref<1x128x128xf32, #tpu.memory_space<vmem>> -> memref<128x128xf32, #tpu.memory_space<vmem>>
        %dma_wait3A_42 = arith.constant 0 : i32
        %dma_wait3A_43 = tpu.memref_slice %arg10[%add3A, %dma_wait3A_42] : memref<10240x128xf32, #tpu.memory_space<vmem_shared>> -> memref<128x128xf32, #tpu.memory_space<vmem_shared>>
        tpu.wait_dma2 semaphore(%run_scoped3A_21 : memref<!tpu.dma_semaphore, #tpu.memory_space<semaphore_mem>>) src(%dma_wait3A_43 : memref<128x128xf32, #tpu.memory_space<vmem_shared>>) dst(%dma_wait3A_41 : memref<128x128xf32, #tpu.memory_space<vmem>>)
        tpu.yield
      }) : () -> ()
      %run_scoped3A_20 = arith.constant 0 : i32
      "tpu.region"() ({
        %run_scoped3A_21 = tpu.sem_alloc : memref<!tpu.dma_semaphore, #tpu.memory_space<semaphore_mem>>
        %dma_start3A = arith.constant 0 : i32
        %dma_start3A_22 = arith.constant 0 : i32
        %dma_start3A_23 = tpu.memref_slice %arg9[%run_scoped3A_20, %dma_start3A, %dma_start3A_22] : memref<2x128x128xf32, #tpu.memory_space<vmem>> -> memref<1x128x128xf32, #tpu.memory_space<vmem>>
        %dma_start3A_24 = tpu.memref_squeeze %dma_start3A_23 : memref<1x128x128xf32, #tpu.memory_space<vmem>> -> memref<128x128xf32, #tpu.memory_space<vmem>>
        %dma_start3A_25 = arith.constant 0 : i32
        %dma_start3A_26 = arith.constant 0 : i32
        %dma_start3A_27 = tpu.memref_slice %arg6[%arg0, %dma_start3A_25, %dma_start3A_26] : memref<2x10240x128xf32, #tpu.memory_space<hbm>> -> memref<1x10240x128xf32, #tpu.memory_space<hbm>>
        %dma_start3A_28 = tpu.memref_squeeze %dma_start3A_27 : memref<1x10240x128xf32, #tpu.memory_space<hbm>> -> memref<10240x128xf32, #tpu.memory_space<hbm>>
        %dma_start3A_29 = arith.constant 0 : i32
        %dma_start3A_30 = tpu.memref_slice %dma_start3A_28[%add3A, %dma_start3A_29] : memref<10240x128xf32, #tpu.memory_space<hbm>> -> memref<128x128xf32, #tpu.memory_space<hbm>>
        %dma_start3A_31 = arith.constant 0 : i32
        %dma_start3A_32 = arith.constant 0 : i32
        %dma_start3A_33 = tpu.memref_slice %arg6[%arg0, %dma_start3A_31, %dma_start3A_32] : memref<2x10240x128xf32, #tpu.memory_space<hbm>> -> memref<1x10240x128xf32, #tpu.memory_space<hbm>>
        %dma_start3A_34 = tpu.memref_squeeze %dma_start3A_33 : memref<1x10240x128xf32, #tpu.memory_space<hbm>> -> memref<10240x128xf32, #tpu.memory_space<hbm>>
        %dma_start3A_35 = arith.constant 0 : i32
        %dma_start3A_36 = tpu.memref_slice %dma_start3A_34[%add3A, %dma_start3A_35] : memref<10240x128xf32, #tpu.memory_space<hbm>> -> memref<128x128xf32, #tpu.memory_space<hbm>>
        %dma_start3A_37 = arith.constant 0 : i32
        %dma_start3A_38 = arith.constant 0 : i32
        %dma_start3A_39 = tpu.memref_slice %arg9[%run_scoped3A_20, %dma_start3A_37, %dma_start3A_38] : memref<2x128x128xf32, #tpu.memory_space<vmem>> -> memref<1x128x128xf32, #tpu.memory_space<vmem>>
        %dma_start3A_40 = tpu.memref_squeeze %dma_start3A_39 : memref<1x128x128xf32, #tpu.memory_space<vmem>> -> memref<128x128xf32, #tpu.memory_space<vmem>>
        tpu.enqueue_dma source(%dma_start3A_40 : memref<128x128xf32, #tpu.memory_space<vmem>>) target(%dma_start3A_36 : memref<128x128xf32, #tpu.memory_space<hbm>>) target_semaphore(%run_scoped3A_21 : memref<!tpu.dma_semaphore, #tpu.memory_space<semaphore_mem>>)
        %dma_wait3A = arith.constant 0 : i32
        %dma_wait3A_41 = arith.constant 0 : i32
        %dma_wait3A_42 = tpu.memref_slice %arg9[%run_scoped3A_20, %dma_wait3A, %dma_wait3A_41] : memref<2x128x128xf32, #tpu.memory_space<vmem>> -> memref<1x128x128xf32, #tpu.memory_space<vmem>>
        %dma_wait3A_43 = tpu.memref_squeeze %dma_wait3A_42 : memref<1x128x128xf32, #tpu.memory_space<vmem>> -> memref<128x128xf32, #tpu.memory_space<vmem>>
        %dma_wait3A_44 = arith.constant 0 : i32
        %dma_wait3A_45 = arith.constant 0 : i32
        %dma_wait3A_46 = tpu.memref_slice %arg6[%arg0, %dma_wait3A_44, %dma_wait3A_45] : memref<2x10240x128xf32, #tpu.memory_space<hbm>> -> memref<1x10240x128xf32, #tpu.memory_space<hbm>>
        %dma_wait3A_47 = tpu.memref_squeeze %dma_wait3A_46 : memref<1x10240x128xf32, #tpu.memory_space<hbm>> -> memref<10240x128xf32, #tpu.memory_space<hbm>>
        %dma_wait3A_48 = arith.constant 0 : i32
        %dma_wait3A_49 = tpu.memref_slice %dma_wait3A_47[%add3A, %dma_wait3A_48] : memref<10240x128xf32, #tpu.memory_space<hbm>> -> memref<128x128xf32, #tpu.memory_space<hbm>>
        %dma_wait3A_50 = arith.constant 0 : i32
        %dma_wait3A_51 = arith.constant 0 : i32
        %dma_wait3A_52 = tpu.memref_slice %arg6[%arg0, %dma_wait3A_50, %dma_wait3A_51] : memref<2x10240x128xf32, #tpu.memory_space<hbm>> -> memref<1x10240x128xf32, #tpu.memory_space<hbm>>
        %dma_wait3A_53 = tpu.memref_squeeze %dma_wait3A_52 : memref<1x10240x128xf32, #tpu.memory_space<hbm>> -> memref<10240x128xf32, #tpu.memory_space<hbm>>
        %dma_wait3A_54 = arith.constant 0 : i32
        %dma_wait3A_55 = tpu.memref_slice %dma_wait3A_53[%add3A, %dma_wait3A_54] : memref<10240x128xf32, #tpu.memory_space<hbm>> -> memref<128x128xf32, #tpu.memory_space<hbm>>
        %dma_wait3A_56 = arith.constant 0 : i32
        %dma_wait3A_57 = arith.constant 0 : i32
        %dma_wait3A_58 = tpu.memref_slice %arg9[%run_scoped3A_20, %dma_wait3A_56, %dma_wait3A_57] : memref<2x128x128xf32, #tpu.memory_space<vmem>> -> memref<1x128x128xf32, #tpu.memory_space<vmem>>
        %dma_wait3A_59 = tpu.memref_squeeze %dma_wait3A_58 : memref<1x128x128xf32, #tpu.memory_space<vmem>> -> memref<128x128xf32, #tpu.memory_space<vmem>>
        tpu.wait_dma2 semaphore(%run_scoped3A_21 : memref<!tpu.dma_semaphore, #tpu.memory_space<semaphore_mem>>) src(%dma_wait3A_59 : memref<128x128xf32, #tpu.memory_space<vmem>>) dst(%dma_wait3A_55 : memref<128x128xf32, #tpu.memory_space<hbm>>)
        tpu.yield
      }) : () -> ()
    }
    %scan3A_15 = arith.constant 5 : i32
    return
  }
}

#map = affine_map<(d0, d1) -> (0, 0)>
#map1 = affine_map<(d0, d1) -> (0, 0, 0)>
module attributes {stable_mosaic.version = 14 : i64} {
  func.func @_deg_body(%arg0: i32, %arg1: i32, %arg2: memref<10240x128xf32, #tpu.memory_space<hbm>>, %arg3: memref<16x160x128xi32, #tpu.memory_space<hbm>>, %arg4: memref<2x10240x128xf32, #tpu.memory_space<hbm>>, %arg5: memref<40x128xi32, #tpu.memory_space<vmem>>, %arg6: memref<128x128xf32, #tpu.memory_space<vmem>>, %arg7: memref<128x128xf32, #tpu.memory_space<vmem>>, %arg8: memref<10240x128xf32, #tpu.memory_space<vmem_shared>>) attributes {dimension_semantics = [#tpu.dimension_semantics<core_parallel>, #tpu.dimension_semantics<subcore_parallel>], iteration_bounds = array<i64: 2, 16>, scalar_prefetch = 0 : i64, scratch_operands = 4 : i64, tpu.core_type = #tpu.core_type<sc_vector_subcore>, window_params = [{transform_indices = #map}, {transform_indices = #map1}, {transform_indices = #map1}]} {
    %scan3A = arith.constant 0 : i32
    %scan3A_0 = arith.constant 1024 : i32
    %scan3A_1 = arith.addi %scan3A, %scan3A_0 : i32
    %scan3A_2 = arith.constant 1 : i32
    scf.for %scan3A_31 = %scan3A to %scan3A_1 step %scan3A_2  : i32 {
      %jit3A = arith.constant 8 : i32
      %div3A = arith.divsi %scan3A_31, %jit3A : i32
      %sign3A = arith.constant 0 : i32
      %sign3A_32 = arith.cmpi sgt, %scan3A_31, %sign3A : i32
      %sign3A_33 = arith.extui %sign3A_32 : i1 to i32
      %sign3A_34 = arith.constant 0 : i32
      %sign3A_35 = arith.cmpi slt, %scan3A_31, %sign3A_34 : i32
      %sign3A_36 = arith.extui %sign3A_35 : i1 to i32
      %sign3A_37 = arith.subi %sign3A_33, %sign3A_36 : i32
      %sign3A_38 = arith.constant 0 : i32
      %sign3A_39 = arith.cmpi sgt, %jit3A, %sign3A_38 : i32
      %sign3A_40 = arith.extui %sign3A_39 : i1 to i32
      %sign3A_41 = arith.constant 0 : i32
      %sign3A_42 = arith.cmpi slt, %jit3A, %sign3A_41 : i32
      %sign3A_43 = arith.extui %sign3A_42 : i1 to i32
      %sign3A_44 = arith.subi %sign3A_40, %sign3A_43 : i32
      %ne3A = arith.cmpi ne, %sign3A_37, %sign3A_44 : i32
      %rem3A = arith.remsi %scan3A_31, %jit3A : i32
      %ne3A_45 = arith.constant 0 : i32
      %ne3A_46 = arith.cmpi ne, %rem3A, %ne3A_45 : i32
      %and3A = arith.andi %ne3A, %ne3A_46 : i1
      %sub3A = arith.constant 1 : i32
      %sub3A_47 = arith.subi %div3A, %sub3A : i32
      %select_n3A = arith.select %and3A, %sub3A_47, %div3A : i32
      %jit3A_48 = arith.constant 8 : i32
      %eq3A = arith.constant 0 : i32
      %eq3A_49 = arith.cmpi eq, %jit3A_48, %eq3A : i32
      %jit3A_50 = arith.constant 1 : i32
      %select_n3A_51 = arith.select %eq3A_49, %jit3A_50, %jit3A_48 : i32
      %rem3A_52 = arith.remsi %scan3A_31, %select_n3A_51 : i32
      %ne3A_53 = arith.constant 0 : i32
      %ne3A_54 = arith.cmpi ne, %rem3A_52, %ne3A_53 : i32
      %lt3A = arith.constant 0 : i32
      %lt3A_55 = arith.cmpi slt, %rem3A_52, %lt3A : i32
      %lt3A_56 = arith.constant 0 : i32
      %lt3A_57 = arith.cmpi slt, %select_n3A_51, %lt3A_56 : i32
      %ne3A_58 = arith.xori %lt3A_55, %lt3A_57 : i1
      %and3A_59 = arith.andi %ne3A_58, %ne3A_54 : i1
      %add3A_60 = arith.addi %rem3A_52, %select_n3A_51 : i32
      %select_n3A_61 = arith.select %and3A_59, %add3A_60, %rem3A_52 : i32
      %broadcast_in_dim3A = arith.constant 1.000000e+00 : f32
      %broadcast_in_dim3A_62 = vector.broadcast %broadcast_in_dim3A : f32 to vector<16xf32>
      %mul3A_63 = arith.constant 16 : i32
      %mul3A_64 = arith.muli %select_n3A_61, %mul3A_63 : i32
      %swap3A = arith.index_cast %select_n3A : i32 to index
      %swap3A_65 = arith.index_cast %mul3A_64 : i32 to index
      %swap3A_66 = tpu.vector_load %arg6[%swap3A, %swap3A_65] {strides = array<i32>} : memref<128x128xf32, #tpu.memory_space<vmem>>, vector<1x16xf32>,
      %swap3A_67 = vector.shape_cast %swap3A_66 : vector<1x16xf32> to vector<16xf32>
      %swap3A_68 = vector.shape_cast %broadcast_in_dim3A_62 : vector<16xf32> to vector<1x16xf32>
      tpu.vector_store %arg6[%swap3A, %swap3A_65], %swap3A_68 {strides = array<i32>} : memref<128x128xf32, #tpu.memory_space<vmem>>, vector<1x16xf32>,
    }
    %scan3A_3 = arith.constant 1024 : i32
    %scan3A_4 = arith.constant 0 : i32
    %scan3A_5 = arith.constant 5 : i32
    %scan3A_6 = arith.addi %scan3A_4, %scan3A_5 : i32
    %scan3A_7 = arith.constant 1 : i32
    scf.for %scan3A_31 = %scan3A_4 to %scan3A_6 step %scan3A_7  : i32 {
      %mul3A_32 = arith.constant 640 : i32
      %mul3A_33 = arith.muli %arg1, %mul3A_32 : i32
      %mul3A_34 = arith.constant 128 : i32
      %mul3A_35 = arith.muli %scan3A_31, %mul3A_34 : i32
      %add3A_36 = arith.addi %mul3A_33, %mul3A_35 : i32
      "tpu.region"() ({
        %run_scoped3A = tpu.sem_alloc : memref<!tpu.dma_semaphore, #tpu.memory_space<semaphore_mem>>
        %dma_start3A = arith.constant 0 : i32
        %dma_start3A_37 = tpu.memref_slice %arg2[%add3A_36, %dma_start3A] : memref<10240x128xf32, #tpu.memory_space<hbm>> -> memref<128x128xf32, #tpu.memory_space<hbm>>
        %dma_start3A_38 = arith.constant 0 : i32
        %dma_start3A_39 = tpu.memref_slice %arg2[%add3A_36, %dma_start3A_38] : memref<10240x128xf32, #tpu.memory_space<hbm>> -> memref<128x128xf32, #tpu.memory_space<hbm>>
        tpu.enqueue_dma source(%dma_start3A_39 : memref<128x128xf32, #tpu.memory_space<hbm>>) target(%arg7 : memref<128x128xf32, #tpu.memory_space<vmem>>) target_semaphore(%run_scoped3A : memref<!tpu.dma_semaphore, #tpu.memory_space<semaphore_mem>>)
        %dma_wait3A = arith.constant 0 : i32
        %dma_wait3A_40 = tpu.memref_slice %arg2[%add3A_36, %dma_wait3A] : memref<10240x128xf32, #tpu.memory_space<hbm>> -> memref<128x128xf32, #tpu.memory_space<hbm>>
        %dma_wait3A_41 = arith.constant 0 : i32
        %dma_wait3A_42 = tpu.memref_slice %arg2[%add3A_36, %dma_wait3A_41] : memref<10240x128xf32, #tpu.memory_space<hbm>> -> memref<128x128xf32, #tpu.memory_space<hbm>>
        tpu.wait_dma2 semaphore(%run_scoped3A : memref<!tpu.dma_semaphore, #tpu.memory_space<semaphore_mem>>) src(%dma_wait3A_42 : memref<128x128xf32, #tpu.memory_space<hbm>>) dst(%arg7 : memref<128x128xf32, #tpu.memory_space<vmem>>)
        tpu.yield
      }) : () -> ()
      "tpu.region"() ({
        %run_scoped3A = tpu.sem_alloc : memref<!tpu.dma_semaphore, #tpu.memory_space<semaphore_mem>>
        %dma_start3A = arith.constant 0 : i32
        %dma_start3A_37 = tpu.memref_slice %arg8[%add3A_36, %dma_start3A] : memref<10240x128xf32, #tpu.memory_space<vmem_shared>> -> memref<128x128xf32, #tpu.memory_space<vmem_shared>>
        %dma_start3A_38 = arith.constant 0 : i32
        %dma_start3A_39 = tpu.memref_slice %arg8[%add3A_36, %dma_start3A_38] : memref<10240x128xf32, #tpu.memory_space<vmem_shared>> -> memref<128x128xf32, #tpu.memory_space<vmem_shared>>
        tpu.enqueue_dma source(%arg7 : memref<128x128xf32, #tpu.memory_space<vmem>>) target(%dma_start3A_39 : memref<128x128xf32, #tpu.memory_space<vmem_shared>>) target_semaphore(%run_scoped3A : memref<!tpu.dma_semaphore, #tpu.memory_space<semaphore_mem>>)
        %dma_wait3A = arith.constant 0 : i32
        %dma_wait3A_40 = tpu.memref_slice %arg8[%add3A_36, %dma_wait3A] : memref<10240x128xf32, #tpu.memory_space<vmem_shared>> -> memref<128x128xf32, #tpu.memory_space<vmem_shared>>
        %dma_wait3A_41 = arith.constant 0 : i32
        %dma_wait3A_42 = tpu.memref_slice %arg8[%add3A_36, %dma_wait3A_41] : memref<10240x128xf32, #tpu.memory_space<vmem_shared>> -> memref<128x128xf32, #tpu.memory_space<vmem_shared>>
        tpu.wait_dma2 semaphore(%run_scoped3A : memref<!tpu.dma_semaphore, #tpu.memory_space<semaphore_mem>>) src(%arg7 : memref<128x128xf32, #tpu.memory_space<vmem>>) dst(%dma_wait3A_42 : memref<128x128xf32, #tpu.memory_space<vmem_shared>>)
        tpu.yield
      }) : () -> ()
    }
    %scan3A_8 = arith.constant 5 : i32
    %barrier3A = arith.constant 0 : index
    tpu.barrier barrier_id(%barrier3A)
    %mul3A = arith.constant 80 : i32
    %mul3A_9 = arith.muli %arg0, %mul3A : i32
    %add3A = arith.constant 0 : i32
    %add3A_10 = arith.addi %mul3A_9, %add3A : i32
    "tpu.region"() ({
      %run_scoped3A = tpu.sem_alloc : memref<!tpu.dma_semaphore, #tpu.memory_space<semaphore_mem>>
      %dma_start3A = arith.constant 0 : i32
      %dma_start3A_31 = tpu.memref_slice %arg3[%arg1, %add3A_10, %dma_start3A] : memref<16x160x128xi32, #tpu.memory_space<hbm>> -> memref<1x40x128xi32, #tpu.memory_space<hbm>>
      %dma_start3A_32 = tpu.memref_squeeze %dma_start3A_31 : memref<1x40x128xi32, #tpu.memory_space<hbm>> -> memref<40x128xi32, #tpu.memory_space<hbm>>
      %dma_start3A_33 = arith.constant 0 : i32
      %dma_start3A_34 = tpu.memref_slice %arg3[%arg1, %add3A_10, %dma_start3A_33] : memref<16x160x128xi32, #tpu.memory_space<hbm>> -> memref<1x40x128xi32, #tpu.memory_space<hbm>>
      %dma_start3A_35 = tpu.memref_squeeze %dma_start3A_34 : memref<1x40x128xi32, #tpu.memory_space<hbm>> -> memref<40x128xi32, #tpu.memory_space<hbm>>
      tpu.enqueue_dma source(%dma_start3A_35 : memref<40x128xi32, #tpu.memory_space<hbm>>) target(%arg5 : memref<40x128xi32, #tpu.memory_space<vmem>>) target_semaphore(%run_scoped3A : memref<!tpu.dma_semaphore, #tpu.memory_space<semaphore_mem>>)
      %dma_wait3A = arith.constant 0 : i32
      %dma_wait3A_36 = tpu.memref_slice %arg3[%arg1, %add3A_10, %dma_wait3A] : memref<16x160x128xi32, #tpu.memory_space<hbm>> -> memref<1x40x128xi32, #tpu.memory_space<hbm>>
      %dma_wait3A_37 = tpu.memref_squeeze %dma_wait3A_36 : memref<1x40x128xi32, #tpu.memory_space<hbm>> -> memref<40x128xi32, #tpu.memory_space<hbm>>
      %dma_wait3A_38 = arith.constant 0 : i32
      %dma_wait3A_39 = tpu.memref_slice %arg3[%arg1, %add3A_10, %dma_wait3A_38] : memref<16x160x128xi32, #tpu.memory_space<hbm>> -> memref<1x40x128xi32, #tpu.memory_space<hbm>>
      %dma_wait3A_40 = tpu.memref_squeeze %dma_wait3A_39 : memref<1x40x128xi32, #tpu.memory_space<hbm>> -> memref<40x128xi32, #tpu.memory_space<hbm>>
      tpu.wait_dma2 semaphore(%run_scoped3A : memref<!tpu.dma_semaphore, #tpu.memory_space<semaphore_mem>>) src(%dma_wait3A_40 : memref<40x128xi32, #tpu.memory_space<hbm>>) dst(%arg5 : memref<40x128xi32, #tpu.memory_space<vmem>>)
      tpu.yield
    }) : () -> ()
    %scan3A_11 = arith.constant 0 : i32
    %scan3A_12 = arith.constant 40 : i32
    %scan3A_13 = arith.addi %scan3A_11, %scan3A_12 : i32
    %scan3A_14 = arith.constant 1 : i32
    scf.for %scan3A_31 = %scan3A_11 to %scan3A_13 step %scan3A_14  : i32 {
      "tpu.region"() ({
        %run_scoped3A = tpu.sem_alloc : memref<!tpu.dma_semaphore, #tpu.memory_space<semaphore_mem>>
        %dma_start3A = arith.constant 0 : i32
        %dma_start3A_32 = tpu.memref_slice %arg5[%scan3A_31, %dma_start3A] : memref<40x128xi32, #tpu.memory_space<vmem>> -> memref<1x128xi32, #tpu.memory_space<vmem>>
        %dma_start3A_33 = tpu.memref_squeeze %dma_start3A_32 : memref<1x128xi32, #tpu.memory_space<vmem>> -> memref<128xi32, #tpu.memory_space<vmem>>
        %dma_start3A_34 = arith.constant 0 : i32
        %dma_start3A_35 = arith.constant 0 : i32
        %dma_start3A_36 = tpu.memref_slice %arg8[%dma_start3A_34, %dma_start3A_35] : memref<10240x128xf32, #tpu.memory_space<vmem_shared>> -> memref<10240x128xf32, #tpu.memory_space<vmem_shared>>
        tpu.enqueue_indirect_dma source(%arg6 : memref<128x128xf32, #tpu.memory_space<vmem>>) target(%dma_start3A_36 : memref<10240x128xf32, #tpu.memory_space<vmem_shared>>) offsets(%dma_start3A_33 : memref<128xi32, #tpu.memory_space<vmem>>) semaphore(%run_scoped3A : memref<!tpu.dma_semaphore, #tpu.memory_space<semaphore_mem>>) {add = true}
        %dma_wait3A = arith.constant 0 : i32
        %dma_wait3A_37 = tpu.memref_slice %arg5[%scan3A_31, %dma_wait3A] : memref<40x128xi32, #tpu.memory_space<vmem>> -> memref<1x128xi32, #tpu.memory_space<vmem>>
        %dma_wait3A_38 = tpu.memref_squeeze %dma_wait3A_37 : memref<1x128xi32, #tpu.memory_space<vmem>> -> memref<128xi32, #tpu.memory_space<vmem>>
        %dma_wait3A_39 = arith.constant 0 : i32
        %dma_wait3A_40 = arith.constant 0 : i32
        %dma_wait3A_41 = tpu.memref_slice %arg8[%dma_wait3A_39, %dma_wait3A_40] : memref<10240x128xf32, #tpu.memory_space<vmem_shared>> -> memref<10240x128xf32, #tpu.memory_space<vmem_shared>>
        tpu.wait_indirect_dma semaphore(%run_scoped3A : memref<!tpu.dma_semaphore, #tpu.memory_space<semaphore_mem>>) src(%arg6 : memref<128x128xf32, #tpu.memory_space<vmem>>) dst(%dma_wait3A_41 : memref<10240x128xf32, #tpu.memory_space<vmem_shared>>)
        tpu.yield
      }) : () -> ()
    }
    %scan3A_15 = arith.constant 40 : i32
    %mul3A_16 = arith.constant 80 : i32
    %mul3A_17 = arith.muli %arg0, %mul3A_16 : i32
    %add3A_18 = arith.constant 40 : i32
    %add3A_19 = arith.addi %mul3A_17, %add3A_18 : i32
    "tpu.region"() ({
      %run_scoped3A = tpu.sem_alloc : memref<!tpu.dma_semaphore, #tpu.memory_space<semaphore_mem>>
      %dma_start3A = arith.constant 0 : i32
      %dma_start3A_31 = tpu.memref_slice %arg3[%arg1, %add3A_19, %dma_start3A] : memref<16x160x128xi32, #tpu.memory_space<hbm>> -> memref<1x40x128xi32, #tpu.memory_space<hbm>>
      %dma_start3A_32 = tpu.memref_squeeze %dma_start3A_31 : memref<1x40x128xi32, #tpu.memory_space<hbm>> -> memref<40x128xi32, #tpu.memory_space<hbm>>
      %dma_start3A_33 = arith.constant 0 : i32
      %dma_start3A_34 = tpu.memref_slice %arg3[%arg1, %add3A_19, %dma_start3A_33] : memref<16x160x128xi32, #tpu.memory_space<hbm>> -> memref<1x40x128xi32, #tpu.memory_space<hbm>>
      %dma_start3A_35 = tpu.memref_squeeze %dma_start3A_34 : memref<1x40x128xi32, #tpu.memory_space<hbm>> -> memref<40x128xi32, #tpu.memory_space<hbm>>
      tpu.enqueue_dma source(%dma_start3A_35 : memref<40x128xi32, #tpu.memory_space<hbm>>) target(%arg5 : memref<40x128xi32, #tpu.memory_space<vmem>>) target_semaphore(%run_scoped3A : memref<!tpu.dma_semaphore, #tpu.memory_space<semaphore_mem>>)
      %dma_wait3A = arith.constant 0 : i32
      %dma_wait3A_36 = tpu.memref_slice %arg3[%arg1, %add3A_19, %dma_wait3A] : memref<16x160x128xi32, #tpu.memory_space<hbm>> -> memref<1x40x128xi32, #tpu.memory_space<hbm>>
      %dma_wait3A_37 = tpu.memref_squeeze %dma_wait3A_36 : memref<1x40x128xi32, #tpu.memory_space<hbm>> -> memref<40x128xi32, #tpu.memory_space<hbm>>
      %dma_wait3A_38 = arith.constant 0 : i32
      %dma_wait3A_39 = tpu.memref_slice %arg3[%arg1, %add3A_19, %dma_wait3A_38] : memref<16x160x128xi32, #tpu.memory_space<hbm>> -> memref<1x40x128xi32, #tpu.memory_space<hbm>>
      %dma_wait3A_40 = tpu.memref_squeeze %dma_wait3A_39 : memref<1x40x128xi32, #tpu.memory_space<hbm>> -> memref<40x128xi32, #tpu.memory_space<hbm>>
      tpu.wait_dma2 semaphore(%run_scoped3A : memref<!tpu.dma_semaphore, #tpu.memory_space<semaphore_mem>>) src(%dma_wait3A_40 : memref<40x128xi32, #tpu.memory_space<hbm>>) dst(%arg5 : memref<40x128xi32, #tpu.memory_space<vmem>>)
      tpu.yield
    }) : () -> ()
    %scan3A_20 = arith.constant 0 : i32
    %scan3A_21 = arith.constant 40 : i32
    %scan3A_22 = arith.addi %scan3A_20, %scan3A_21 : i32
    %scan3A_23 = arith.constant 1 : i32
    scf.for %scan3A_31 = %scan3A_20 to %scan3A_22 step %scan3A_23  : i32 {
      "tpu.region"() ({
        %run_scoped3A = tpu.sem_alloc : memref<!tpu.dma_semaphore, #tpu.memory_space<semaphore_mem>>
        %dma_start3A = arith.constant 0 : i32
        %dma_start3A_32 = tpu.memref_slice %arg5[%scan3A_31, %dma_start3A] : memref<40x128xi32, #tpu.memory_space<vmem>> -> memref<1x128xi32, #tpu.memory_space<vmem>>
        %dma_start3A_33 = tpu.memref_squeeze %dma_start3A_32 : memref<1x128xi32, #tpu.memory_space<vmem>> -> memref<128xi32, #tpu.memory_space<vmem>>
        %dma_start3A_34 = arith.constant 0 : i32
        %dma_start3A_35 = arith.constant 0 : i32
        %dma_start3A_36 = tpu.memref_slice %arg8[%dma_start3A_34, %dma_start3A_35] : memref<10240x128xf32, #tpu.memory_space<vmem_shared>> -> memref<10240x128xf32, #tpu.memory_space<vmem_shared>>
        tpu.enqueue_indirect_dma source(%arg6 : memref<128x128xf32, #tpu.memory_space<vmem>>) target(%dma_start3A_36 : memref<10240x128xf32, #tpu.memory_space<vmem_shared>>) offsets(%dma_start3A_33 : memref<128xi32, #tpu.memory_space<vmem>>) semaphore(%run_scoped3A : memref<!tpu.dma_semaphore, #tpu.memory_space<semaphore_mem>>) {add = true}
        %dma_wait3A = arith.constant 0 : i32
        %dma_wait3A_37 = tpu.memref_slice %arg5[%scan3A_31, %dma_wait3A] : memref<40x128xi32, #tpu.memory_space<vmem>> -> memref<1x128xi32, #tpu.memory_space<vmem>>
        %dma_wait3A_38 = tpu.memref_squeeze %dma_wait3A_37 : memref<1x128xi32, #tpu.memory_space<vmem>> -> memref<128xi32, #tpu.memory_space<vmem>>
        %dma_wait3A_39 = arith.constant 0 : i32
        %dma_wait3A_40 = arith.constant 0 : i32
        %dma_wait3A_41 = tpu.memref_slice %arg8[%dma_wait3A_39, %dma_wait3A_40] : memref<10240x128xf32, #tpu.memory_space<vmem_shared>> -> memref<10240x128xf32, #tpu.memory_space<vmem_shared>>
        tpu.wait_indirect_dma semaphore(%run_scoped3A : memref<!tpu.dma_semaphore, #tpu.memory_space<semaphore_mem>>) src(%arg6 : memref<128x128xf32, #tpu.memory_space<vmem>>) dst(%dma_wait3A_41 : memref<10240x128xf32, #tpu.memory_space<vmem_shared>>)
        tpu.yield
      }) : () -> ()
    }
    %scan3A_24 = arith.constant 40 : i32
    %barrier3A_25 = arith.constant 0 : index
    tpu.barrier barrier_id(%barrier3A_25)
    %scan3A_26 = arith.constant 0 : i32
    %scan3A_27 = arith.constant 5 : i32
    %scan3A_28 = arith.addi %scan3A_26, %scan3A_27 : i32
    %scan3A_29 = arith.constant 1 : i32
    scf.for %scan3A_31 = %scan3A_26 to %scan3A_28 step %scan3A_29  : i32 {
      %mul3A_32 = arith.constant 640 : i32
      %mul3A_33 = arith.muli %arg1, %mul3A_32 : i32
      %mul3A_34 = arith.constant 128 : i32
      %mul3A_35 = arith.muli %scan3A_31, %mul3A_34 : i32
      %add3A_36 = arith.addi %mul3A_33, %mul3A_35 : i32
      "tpu.region"() ({
        %run_scoped3A = tpu.sem_alloc : memref<!tpu.dma_semaphore, #tpu.memory_space<semaphore_mem>>
        %dma_start3A = arith.constant 0 : i32
        %dma_start3A_37 = tpu.memref_slice %arg8[%add3A_36, %dma_start3A] : memref<10240x128xf32, #tpu.memory_space<vmem_shared>> -> memref<128x128xf32, #tpu.memory_space<vmem_shared>>
        %dma_start3A_38 = arith.constant 0 : i32
        %dma_start3A_39 = tpu.memref_slice %arg8[%add3A_36, %dma_start3A_38] : memref<10240x128xf32, #tpu.memory_space<vmem_shared>> -> memref<128x128xf32, #tpu.memory_space<vmem_shared>>
        tpu.enqueue_dma source(%dma_start3A_39 : memref<128x128xf32, #tpu.memory_space<vmem_shared>>) target(%arg7 : memref<128x128xf32, #tpu.memory_space<vmem>>) target_semaphore(%run_scoped3A : memref<!tpu.dma_semaphore, #tpu.memory_space<semaphore_mem>>)
        %dma_wait3A = arith.constant 0 : i32
        %dma_wait3A_40 = tpu.memref_slice %arg8[%add3A_36, %dma_wait3A] : memref<10240x128xf32, #tpu.memory_space<vmem_shared>> -> memref<128x128xf32, #tpu.memory_space<vmem_shared>>
        %dma_wait3A_41 = arith.constant 0 : i32
        %dma_wait3A_42 = tpu.memref_slice %arg8[%add3A_36, %dma_wait3A_41] : memref<10240x128xf32, #tpu.memory_space<vmem_shared>> -> memref<128x128xf32, #tpu.memory_space<vmem_shared>>
        tpu.wait_dma2 semaphore(%run_scoped3A : memref<!tpu.dma_semaphore, #tpu.memory_space<semaphore_mem>>) src(%dma_wait3A_42 : memref<128x128xf32, #tpu.memory_space<vmem_shared>>) dst(%arg7 : memref<128x128xf32, #tpu.memory_space<vmem>>)
        tpu.yield
      }) : () -> ()
      "tpu.region"() ({
        %run_scoped3A = tpu.sem_alloc : memref<!tpu.dma_semaphore, #tpu.memory_space<semaphore_mem>>
        %dma_start3A = arith.constant 0 : i32
        %dma_start3A_37 = arith.constant 0 : i32
        %dma_start3A_38 = tpu.memref_slice %arg4[%arg0, %dma_start3A, %dma_start3A_37] : memref<2x10240x128xf32, #tpu.memory_space<hbm>> -> memref<1x10240x128xf32, #tpu.memory_space<hbm>>
        %dma_start3A_39 = tpu.memref_squeeze %dma_start3A_38 : memref<1x10240x128xf32, #tpu.memory_space<hbm>> -> memref<10240x128xf32, #tpu.memory_space<hbm>>
        %dma_start3A_40 = arith.constant 0 : i32
        %dma_start3A_41 = tpu.memref_slice %dma_start3A_39[%add3A_36, %dma_start3A_40] : memref<10240x128xf32, #tpu.memory_space<hbm>> -> memref<128x128xf32, #tpu.memory_space<hbm>>
        %dma_start3A_42 = arith.constant 0 : i32
        %dma_start3A_43 = arith.constant 0 : i32
        %dma_start3A_44 = tpu.memref_slice %arg4[%arg0, %dma_start3A_42, %dma_start3A_43] : memref<2x10240x128xf32, #tpu.memory_space<hbm>> -> memref<1x10240x128xf32, #tpu.memory_space<hbm>>
        %dma_start3A_45 = tpu.memref_squeeze %dma_start3A_44 : memref<1x10240x128xf32, #tpu.memory_space<hbm>> -> memref<10240x128xf32, #tpu.memory_space<hbm>>
        %dma_start3A_46 = arith.constant 0 : i32
        %dma_start3A_47 = tpu.memref_slice %dma_start3A_45[%add3A_36, %dma_start3A_46] : memref<10240x128xf32, #tpu.memory_space<hbm>> -> memref<128x128xf32, #tpu.memory_space<hbm>>
        tpu.enqueue_dma source(%arg7 : memref<128x128xf32, #tpu.memory_space<vmem>>) target(%dma_start3A_47 : memref<128x128xf32, #tpu.memory_space<hbm>>) target_semaphore(%run_scoped3A : memref<!tpu.dma_semaphore, #tpu.memory_space<semaphore_mem>>)
        %dma_wait3A = arith.constant 0 : i32
        %dma_wait3A_48 = arith.constant 0 : i32
        %dma_wait3A_49 = tpu.memref_slice %arg4[%arg0, %dma_wait3A, %dma_wait3A_48] : memref<2x10240x128xf32, #tpu.memory_space<hbm>> -> memref<1x10240x128xf32, #tpu.memory_space<hbm>>
        %dma_wait3A_50 = tpu.memref_squeeze %dma_wait3A_49 : memref<1x10240x128xf32, #tpu.memory_space<hbm>> -> memref<10240x128xf32, #tpu.memory_space<hbm>>
        %dma_wait3A_51 = arith.constant 0 : i32
        %dma_wait3A_52 = tpu.memref_slice %dma_wait3A_50[%add3A_36, %dma_wait3A_51] : memref<10240x128xf32, #tpu.memory_space<hbm>> -> memref<128x128xf32, #tpu.memory_space<hbm>>
        %dma_wait3A_53 = arith.constant 0 : i32
        %dma_wait3A_54 = arith.constant 0 : i32
        %dma_wait3A_55 = tpu.memref_slice %arg4[%arg0, %dma_wait3A_53, %dma_wait3A_54] : memref<2x10240x128xf32, #tpu.memory_space<hbm>> -> memref<1x10240x128xf32, #tpu.memory_space<hbm>>
        %dma_wait3A_56 = tpu.memref_squeeze %dma_wait3A_55 : memref<1x10240x128xf32, #tpu.memory_space<hbm>> -> memref<10240x128xf32, #tpu.memory_space<hbm>>
        %dma_wait3A_57 = arith.constant 0 : i32
        %dma_wait3A_58 = tpu.memref_slice %dma_wait3A_56[%add3A_36, %dma_wait3A_57] : memref<10240x128xf32, #tpu.memory_space<hbm>> -> memref<128x128xf32, #tpu.memory_space<hbm>>
        tpu.wait_dma2 semaphore(%run_scoped3A : memref<!tpu.dma_semaphore, #tpu.memory_space<semaphore_mem>>) src(%arg7 : memref<128x128xf32, #tpu.memory_space<vmem>>) dst(%dma_wait3A_58 : memref<128x128xf32, #tpu.memory_space<hbm>>)
        tpu.yield
      }) : () -> ()
    }
    %scan3A_30 = arith.constant 5 : i32
    return
  }
}

#map = affine_map<(d0, d1) -> (0, 0)>
#map1 = affine_map<(d0, d1) -> (0, 0, 0)>
module attributes {stable_mosaic.version = 14 : i64} {
  func.func @_agg_body(%arg0: i32, %arg1: i32, %arg2: memref<10000x128xf32, #tpu.memory_space<hbm>>, %arg3: memref<10240x128xf32, #tpu.memory_space<hbm>>, %arg4: memref<16x160x128xi32, #tpu.memory_space<hbm>>, %arg5: memref<16x160x128xi32, #tpu.memory_space<hbm>>, %arg6: memref<2x10240x128xf32, #tpu.memory_space<hbm>>, %arg7: memref<40x128xi32, #tpu.memory_space<vmem>>, %arg8: memref<40x128xi32, #tpu.memory_space<vmem>>, %arg9: memref<2x128x128xf32, #tpu.memory_space<vmem>>, %arg10: memref<10240x128xf32, #tpu.memory_space<vmem_shared>>, %arg11: memref<2x!tpu.dma_semaphore, #tpu.memory_space<semaphore_mem>>) attributes {dimension_semantics = [#tpu.dimension_semantics<core_parallel>, #tpu.dimension_semantics<subcore_parallel>], iteration_bounds = array<i64: 2, 16>, scalar_prefetch = 0 : i64, scratch_operands = 5 : i64, tpu.core_type = #tpu.core_type<sc_vector_subcore>, window_params = [{transform_indices = #map}, {transform_indices = #map}, {transform_indices = #map1}, {transform_indices = #map1}, {transform_indices = #map1}]} {
    %scan3A = arith.constant 0 : i32
    %scan3A_0 = arith.constant 5 : i32
    %scan3A_1 = arith.addi %scan3A, %scan3A_0 : i32
    %scan3A_2 = arith.constant 1 : i32
    scf.for %scan3A_16 = %scan3A to %scan3A_1 step %scan3A_2  : i32 {
      %mul3A = arith.constant 640 : i32
      %mul3A_17 = arith.muli %arg1, %mul3A : i32
      %mul3A_18 = arith.constant 128 : i32
      %mul3A_19 = arith.muli %scan3A_16, %mul3A_18 : i32
      %add3A = arith.addi %mul3A_17, %mul3A_19 : i32
      %run_scoped3A = arith.constant 0 : i32
      "tpu.region"() ({
        %run_scoped3A_21 = tpu.sem_alloc : memref<!tpu.dma_semaphore, #tpu.memory_space<semaphore_mem>>
        %dma_start3A = arith.constant 0 : i32
        %dma_start3A_22 = arith.constant 0 : i32
        %dma_start3A_23 = tpu.memref_slice %arg9[%run_scoped3A, %dma_start3A, %dma_start3A_22] : memref<2x128x128xf32, #tpu.memory_space<vmem>> -> memref<1x128x128xf32, #tpu.memory_space<vmem>>
        %dma_start3A_24 = tpu.memref_squeeze %dma_start3A_23 : memref<1x128x128xf32, #tpu.memory_space<vmem>> -> memref<128x128xf32, #tpu.memory_space<vmem>>
        %dma_start3A_25 = arith.constant 0 : i32
        %dma_start3A_26 = tpu.memref_slice %arg3[%add3A, %dma_start3A_25] : memref<10240x128xf32, #tpu.memory_space<hbm>> -> memref<128x128xf32, #tpu.memory_space<hbm>>
        %dma_start3A_27 = arith.constant 0 : i32
        %dma_start3A_28 = arith.constant 0 : i32
        %dma_start3A_29 = tpu.memref_slice %arg9[%run_scoped3A, %dma_start3A_27, %dma_start3A_28] : memref<2x128x128xf32, #tpu.memory_space<vmem>> -> memref<1x128x128xf32, #tpu.memory_space<vmem>>
        %dma_start3A_30 = tpu.memref_squeeze %dma_start3A_29 : memref<1x128x128xf32, #tpu.memory_space<vmem>> -> memref<128x128xf32, #tpu.memory_space<vmem>>
        %dma_start3A_31 = arith.constant 0 : i32
        %dma_start3A_32 = tpu.memref_slice %arg3[%add3A, %dma_start3A_31] : memref<10240x128xf32, #tpu.memory_space<hbm>> -> memref<128x128xf32, #tpu.memory_space<hbm>>
        tpu.enqueue_dma source(%dma_start3A_32 : memref<128x128xf32, #tpu.memory_space<hbm>>) target(%dma_start3A_30 : memref<128x128xf32, #tpu.memory_space<vmem>>) target_semaphore(%run_scoped3A_21 : memref<!tpu.dma_semaphore, #tpu.memory_space<semaphore_mem>>)
        %dma_wait3A = arith.constant 0 : i32
        %dma_wait3A_33 = arith.constant 0 : i32
        %dma_wait3A_34 = tpu.memref_slice %arg9[%run_scoped3A, %dma_wait3A, %dma_wait3A_33] : memref<2x128x128xf32, #tpu.memory_space<vmem>> -> memref<1x128x128xf32, #tpu.memory_space<vmem>>
        %dma_wait3A_35 = tpu.memref_squeeze %dma_wait3A_34 : memref<1x128x128xf32, #tpu.memory_space<vmem>> -> memref<128x128xf32, #tpu.memory_space<vmem>>
        %dma_wait3A_36 = arith.constant 0 : i32
        %dma_wait3A_37 = tpu.memref_slice %arg3[%add3A, %dma_wait3A_36] : memref<10240x128xf32, #tpu.memory_space<hbm>> -> memref<128x128xf32, #tpu.memory_space<hbm>>
        %dma_wait3A_38 = arith.constant 0 : i32
        %dma_wait3A_39 = arith.constant 0 : i32
        %dma_wait3A_40 = tpu.memref_slice %arg9[%run_scoped3A, %dma_wait3A_38, %dma_wait3A_39] : memref<2x128x128xf32, #tpu.memory_space<vmem>> -> memref<1x128x128xf32, #tpu.memory_space<vmem>>
        %dma_wait3A_41 = tpu.memref_squeeze %dma_wait3A_40 : memref<1x128x128xf32, #tpu.memory_space<vmem>> -> memref<128x128xf32, #tpu.memory_space<vmem>>
        %dma_wait3A_42 = arith.constant 0 : i32
        %dma_wait3A_43 = tpu.memref_slice %arg3[%add3A, %dma_wait3A_42] : memref<10240x128xf32, #tpu.memory_space<hbm>> -> memref<128x128xf32, #tpu.memory_space<hbm>>
        tpu.wait_dma2 semaphore(%run_scoped3A_21 : memref<!tpu.dma_semaphore, #tpu.memory_space<semaphore_mem>>) src(%dma_wait3A_43 : memref<128x128xf32, #tpu.memory_space<hbm>>) dst(%dma_wait3A_41 : memref<128x128xf32, #tpu.memory_space<vmem>>)
        tpu.yield
      }) : () -> ()
      %run_scoped3A_20 = arith.constant 0 : i32
      "tpu.region"() ({
        %run_scoped3A_21 = tpu.sem_alloc : memref<!tpu.dma_semaphore, #tpu.memory_space<semaphore_mem>>
        %dma_start3A = arith.constant 0 : i32
        %dma_start3A_22 = arith.constant 0 : i32
        %dma_start3A_23 = tpu.memref_slice %arg9[%run_scoped3A_20, %dma_start3A, %dma_start3A_22] : memref<2x128x128xf32, #tpu.memory_space<vmem>> -> memref<1x128x128xf32, #tpu.memory_space<vmem>>
        %dma_start3A_24 = tpu.memref_squeeze %dma_start3A_23 : memref<1x128x128xf32, #tpu.memory_space<vmem>> -> memref<128x128xf32, #tpu.memory_space<vmem>>
        %dma_start3A_25 = arith.constant 0 : i32
        %dma_start3A_26 = tpu.memref_slice %arg10[%add3A, %dma_start3A_25] : memref<10240x128xf32, #tpu.memory_space<vmem_shared>> -> memref<128x128xf32, #tpu.memory_space<vmem_shared>>
        %dma_start3A_27 = arith.constant 0 : i32
        %dma_start3A_28 = tpu.memref_slice %arg10[%add3A, %dma_start3A_27] : memref<10240x128xf32, #tpu.memory_space<vmem_shared>> -> memref<128x128xf32, #tpu.memory_space<vmem_shared>>
        %dma_start3A_29 = arith.constant 0 : i32
        %dma_start3A_30 = arith.constant 0 : i32
        %dma_start3A_31 = tpu.memref_slice %arg9[%run_scoped3A_20, %dma_start3A_29, %dma_start3A_30] : memref<2x128x128xf32, #tpu.memory_space<vmem>> -> memref<1x128x128xf32, #tpu.memory_space<vmem>>
        %dma_start3A_32 = tpu.memref_squeeze %dma_start3A_31 : memref<1x128x128xf32, #tpu.memory_space<vmem>> -> memref<128x128xf32, #tpu.memory_space<vmem>>
        tpu.enqueue_dma source(%dma_start3A_32 : memref<128x128xf32, #tpu.memory_space<vmem>>) target(%dma_start3A_28 : memref<128x128xf32, #tpu.memory_space<vmem_shared>>) target_semaphore(%run_scoped3A_21 : memref<!tpu.dma_semaphore, #tpu.memory_space<semaphore_mem>>)
        %dma_wait3A = arith.constant 0 : i32
        %dma_wait3A_33 = arith.constant 0 : i32
        %dma_wait3A_34 = tpu.memref_slice %arg9[%run_scoped3A_20, %dma_wait3A, %dma_wait3A_33] : memref<2x128x128xf32, #tpu.memory_space<vmem>> -> memref<1x128x128xf32, #tpu.memory_space<vmem>>
        %dma_wait3A_35 = tpu.memref_squeeze %dma_wait3A_34 : memref<1x128x128xf32, #tpu.memory_space<vmem>> -> memref<128x128xf32, #tpu.memory_space<vmem>>
        %dma_wait3A_36 = arith.constant 0 : i32
        %dma_wait3A_37 = tpu.memref_slice %arg10[%add3A, %dma_wait3A_36] : memref<10240x128xf32, #tpu.memory_space<vmem_shared>> -> memref<128x128xf32, #tpu.memory_space<vmem_shared>>
        %dma_wait3A_38 = arith.constant 0 : i32
        %dma_wait3A_39 = tpu.memref_slice %arg10[%add3A, %dma_wait3A_38] : memref<10240x128xf32, #tpu.memory_space<vmem_shared>> -> memref<128x128xf32, #tpu.memory_space<vmem_shared>>
        %dma_wait3A_40 = arith.constant 0 : i32
        %dma_wait3A_41 = arith.constant 0 : i32
        %dma_wait3A_42 = tpu.memref_slice %arg9[%run_scoped3A_20, %dma_wait3A_40, %dma_wait3A_41] : memref<2x128x128xf32, #tpu.memory_space<vmem>> -> memref<1x128x128xf32, #tpu.memory_space<vmem>>
        %dma_wait3A_43 = tpu.memref_squeeze %dma_wait3A_42 : memref<1x128x128xf32, #tpu.memory_space<vmem>> -> memref<128x128xf32, #tpu.memory_space<vmem>>
        tpu.wait_dma2 semaphore(%run_scoped3A_21 : memref<!tpu.dma_semaphore, #tpu.memory_space<semaphore_mem>>) src(%dma_wait3A_43 : memref<128x128xf32, #tpu.memory_space<vmem>>) dst(%dma_wait3A_39 : memref<128x128xf32, #tpu.memory_space<vmem_shared>>)
        tpu.yield
      }) : () -> ()
    }
    %scan3A_3 = arith.constant 5 : i32
    %barrier3A = arith.constant 0 : index
    tpu.barrier barrier_id(%barrier3A)
    %eq3A = arith.constant 0 : i32
    %eq3A_4 = arith.cmpi eq, %arg0, %eq3A : i32
    %convert_element_type3A = arith.extui %eq3A_4 : i1 to i32
    %cond3A = arith.constant 0 : i32
    %cond3A_5 = arith.cmpi ne, %convert_element_type3A, %cond3A : i32
    scf.if %cond3A_5 {
      "tpu.region"() ({
        %run_scoped3A = tpu.sem_alloc : memref<!tpu.dma_semaphore, #tpu.memory_space<semaphore_mem>>
        %dma_start3A_120 = arith.constant 0 : i32
        %dma_start3A_121 = arith.constant 0 : i32
        %dma_start3A_122 = tpu.memref_slice %arg4[%arg1, %dma_start3A_120, %dma_start3A_121] : memref<16x160x128xi32, #tpu.memory_space<hbm>> -> memref<1x40x128xi32, #tpu.memory_space<hbm>>
        %dma_start3A_123 = tpu.memref_squeeze %dma_start3A_122 : memref<1x40x128xi32, #tpu.memory_space<hbm>> -> memref<40x128xi32, #tpu.memory_space<hbm>>
        %dma_start3A_124 = arith.constant 0 : i32
        %dma_start3A_125 = arith.constant 0 : i32
        %dma_start3A_126 = tpu.memref_slice %arg4[%arg1, %dma_start3A_124, %dma_start3A_125] : memref<16x160x128xi32, #tpu.memory_space<hbm>> -> memref<1x40x128xi32, #tpu.memory_space<hbm>>
        %dma_start3A_127 = tpu.memref_squeeze %dma_start3A_126 : memref<1x40x128xi32, #tpu.memory_space<hbm>> -> memref<40x128xi32, #tpu.memory_space<hbm>>
        tpu.enqueue_dma source(%dma_start3A_127 : memref<40x128xi32, #tpu.memory_space<hbm>>) target(%arg7 : memref<40x128xi32, #tpu.memory_space<vmem>>) target_semaphore(%run_scoped3A : memref<!tpu.dma_semaphore, #tpu.memory_space<semaphore_mem>>)
        %dma_wait3A = arith.constant 0 : i32
        %dma_wait3A_128 = arith.constant 0 : i32
        %dma_wait3A_129 = tpu.memref_slice %arg4[%arg1, %dma_wait3A, %dma_wait3A_128] : memref<16x160x128xi32, #tpu.memory_space<hbm>> -> memref<1x40x128xi32, #tpu.memory_space<hbm>>
        %dma_wait3A_130 = tpu.memref_squeeze %dma_wait3A_129 : memref<1x40x128xi32, #tpu.memory_space<hbm>> -> memref<40x128xi32, #tpu.memory_space<hbm>>
        %dma_wait3A_131 = arith.constant 0 : i32
        %dma_wait3A_132 = arith.constant 0 : i32
        %dma_wait3A_133 = tpu.memref_slice %arg4[%arg1, %dma_wait3A_131, %dma_wait3A_132] : memref<16x160x128xi32, #tpu.memory_space<hbm>> -> memref<1x40x128xi32, #tpu.memory_space<hbm>>
        %dma_wait3A_134 = tpu.memref_squeeze %dma_wait3A_133 : memref<1x40x128xi32, #tpu.memory_space<hbm>> -> memref<40x128xi32, #tpu.memory_space<hbm>>
        tpu.wait_dma2 semaphore(%run_scoped3A : memref<!tpu.dma_semaphore, #tpu.memory_space<semaphore_mem>>) src(%dma_wait3A_134 : memref<40x128xi32, #tpu.memory_space<hbm>>) dst(%arg7 : memref<40x128xi32, #tpu.memory_space<vmem>>)
        tpu.yield
      }) : () -> ()
      "tpu.region"() ({
        %run_scoped3A = tpu.sem_alloc : memref<!tpu.dma_semaphore, #tpu.memory_space<semaphore_mem>>
        %dma_start3A_120 = arith.constant 0 : i32
        %dma_start3A_121 = arith.constant 0 : i32
        %dma_start3A_122 = tpu.memref_slice %arg5[%arg1, %dma_start3A_120, %dma_start3A_121] : memref<16x160x128xi32, #tpu.memory_space<hbm>> -> memref<1x40x128xi32, #tpu.memory_space<hbm>>
        %dma_start3A_123 = tpu.memref_squeeze %dma_start3A_122 : memref<1x40x128xi32, #tpu.memory_space<hbm>> -> memref<40x128xi32, #tpu.memory_space<hbm>>
        %dma_start3A_124 = arith.constant 0 : i32
        %dma_start3A_125 = arith.constant 0 : i32
        %dma_start3A_126 = tpu.memref_slice %arg5[%arg1, %dma_start3A_124, %dma_start3A_125] : memref<16x160x128xi32, #tpu.memory_space<hbm>> -> memref<1x40x128xi32, #tpu.memory_space<hbm>>
        %dma_start3A_127 = tpu.memref_squeeze %dma_start3A_126 : memref<1x40x128xi32, #tpu.memory_space<hbm>> -> memref<40x128xi32, #tpu.memory_space<hbm>>
        tpu.enqueue_dma source(%dma_start3A_127 : memref<40x128xi32, #tpu.memory_space<hbm>>) target(%arg8 : memref<40x128xi32, #tpu.memory_space<vmem>>) target_semaphore(%run_scoped3A : memref<!tpu.dma_semaphore, #tpu.memory_space<semaphore_mem>>)
        %dma_wait3A = arith.constant 0 : i32
        %dma_wait3A_128 = arith.constant 0 : i32
        %dma_wait3A_129 = tpu.memref_slice %arg5[%arg1, %dma_wait3A, %dma_wait3A_128] : memref<16x160x128xi32, #tpu.memory_space<hbm>> -> memref<1x40x128xi32, #tpu.memory_space<hbm>>
        %dma_wait3A_130 = tpu.memref_squeeze %dma_wait3A_129 : memref<1x40x128xi32, #tpu.memory_space<hbm>> -> memref<40x128xi32, #tpu.memory_space<hbm>>
        %dma_wait3A_131 = arith.constant 0 : i32
        %dma_wait3A_132 = arith.constant 0 : i32
        %dma_wait3A_133 = tpu.memref_slice %arg5[%arg1, %dma_wait3A_131, %dma_wait3A_132] : memref<16x160x128xi32, #tpu.memory_space<hbm>> -> memref<1x40x128xi32, #tpu.memory_space<hbm>>
        %dma_wait3A_134 = tpu.memref_squeeze %dma_wait3A_133 : memref<1x40x128xi32, #tpu.memory_space<hbm>> -> memref<40x128xi32, #tpu.memory_space<hbm>>
        tpu.wait_dma2 semaphore(%run_scoped3A : memref<!tpu.dma_semaphore, #tpu.memory_space<semaphore_mem>>) src(%dma_wait3A_134 : memref<40x128xi32, #tpu.memory_space<hbm>>) dst(%arg8 : memref<40x128xi32, #tpu.memory_space<vmem>>)
        tpu.yield
      }) : () -> ()
      %dma_start3A = arith.constant 0 : i32
      %dma_start3A_16 = arith.constant 0 : i32
      %dma_start3A_17 = arith.constant 0 : i32
      %dma_start3A_18 = arith.constant 0 : i32
      %dma_start3A_19 = arith.constant 0 : i32
      %dma_start3A_20 = tpu.memref_slice %arg9[%dma_start3A_16, %dma_start3A_18, %dma_start3A_19] : memref<2x128x128xf32, #tpu.memory_space<vmem>> -> memref<1x128x128xf32, #tpu.memory_space<vmem>>
      %dma_start3A_21 = tpu.memref_squeeze %dma_start3A_20 : memref<1x128x128xf32, #tpu.memory_space<vmem>> -> memref<128x128xf32, #tpu.memory_space<vmem>>
      %dma_start3A_22 = arith.constant 0 : i32
      %dma_start3A_23 = tpu.memref_slice %arg7[%dma_start3A, %dma_start3A_22] : memref<40x128xi32, #tpu.memory_space<vmem>> -> memref<1x128xi32, #tpu.memory_space<vmem>>
      %dma_start3A_24 = tpu.memref_squeeze %dma_start3A_23 : memref<1x128xi32, #tpu.memory_space<vmem>> -> memref<128xi32, #tpu.memory_space<vmem>>
      %dma_start3A_25 = arith.constant 0 : i32
      %dma_start3A_26 = arith.constant 0 : i32
      %dma_start3A_27 = tpu.memref_slice %arg2[%dma_start3A_25, %dma_start3A_26] : memref<10000x128xf32, #tpu.memory_space<hbm>> -> memref<10000x128xf32, #tpu.memory_space<hbm>>
      %dma_start3A_28 = tpu.memref_slice %arg11[%dma_start3A_17] : memref<2x!tpu.dma_semaphore, #tpu.memory_space<semaphore_mem>> -> memref<1x!tpu.dma_semaphore, #tpu.memory_space<semaphore_mem>>
      %dma_start3A_29 = tpu.memref_squeeze %dma_start3A_28 : memref<1x!tpu.dma_semaphore, #tpu.memory_space<semaphore_mem>> -> memref<!tpu.dma_semaphore, #tpu.memory_space<semaphore_mem>>
      tpu.enqueue_indirect_dma source(%dma_start3A_27 : memref<10000x128xf32, #tpu.memory_space<hbm>>) target(%dma_start3A_21 : memref<128x128xf32, #tpu.memory_space<vmem>>) offsets(%dma_start3A_24 : memref<128xi32, #tpu.memory_space<vmem>>) semaphore(%dma_start3A_29 : memref<!tpu.dma_semaphore, #tpu.memory_space<semaphore_mem>>)
      %dma_start3A_30 = arith.constant 1 : i32
      %dma_start3A_31 = arith.constant 1 : i32
      %dma_start3A_32 = arith.constant 1 : i32
      %dma_start3A_33 = arith.constant 0 : i32
      %dma_start3A_34 = arith.constant 0 : i32
      %dma_start3A_35 = tpu.memref_slice %arg9[%dma_start3A_31, %dma_start3A_33, %dma_start3A_34] : memref<2x128x128xf32, #tpu.memory_space<vmem>> -> memref<1x128x128xf32, #tpu.memory_space<vmem>>
      %dma_start3A_36 = tpu.memref_squeeze %dma_start3A_35 : memref<1x128x128xf32, #tpu.memory_space<vmem>> -> memref<128x128xf32, #tpu.memory_space<vmem>>
      %dma_start3A_37 = arith.constant 0 : i32
      %dma_start3A_38 = tpu.memref_slice %arg7[%dma_start3A_30, %dma_start3A_37] : memref<40x128xi32, #tpu.memory_space<vmem>> -> memref<1x128xi32, #tpu.memory_space<vmem>>
      %dma_start3A_39 = tpu.memref_squeeze %dma_start3A_38 : memref<1x128xi32, #tpu.memory_space<vmem>> -> memref<128xi32, #tpu.memory_space<vmem>>
      %dma_start3A_40 = arith.constant 0 : i32
      %dma_start3A_41 = arith.constant 0 : i32
      %dma_start3A_42 = tpu.memref_slice %arg2[%dma_start3A_40, %dma_start3A_41] : memref<10000x128xf32, #tpu.memory_space<hbm>> -> memref<10000x128xf32, #tpu.memory_space<hbm>>
      %dma_start3A_43 = tpu.memref_slice %arg11[%dma_start3A_32] : memref<2x!tpu.dma_semaphore, #tpu.memory_space<semaphore_mem>> -> memref<1x!tpu.dma_semaphore, #tpu.memory_space<semaphore_mem>>
      %dma_start3A_44 = tpu.memref_squeeze %dma_start3A_43 : memref<1x!tpu.dma_semaphore, #tpu.memory_space<semaphore_mem>> -> memref<!tpu.dma_semaphore, #tpu.memory_space<semaphore_mem>>
      tpu.enqueue_indirect_dma source(%dma_start3A_42 : memref<10000x128xf32, #tpu.memory_space<hbm>>) target(%dma_start3A_36 : memref<128x128xf32, #tpu.memory_space<vmem>>) offsets(%dma_start3A_39 : memref<128xi32, #tpu.memory_space<vmem>>) semaphore(%dma_start3A_44 : memref<!tpu.dma_semaphore, #tpu.memory_space<semaphore_mem>>)
      %scan3A_45 = arith.constant 0 : i32
      %scan3A_46 = arith.constant 20 : i32
      %scan3A_47 = arith.addi %scan3A_45, %scan3A_46 : i32
      %scan3A_48 = arith.constant 1 : i32
      scf.for %scan3A_120 = %scan3A_45 to %scan3A_47 step %scan3A_48  : i32 {
        %mul3A = arith.constant 2 : i32
        %mul3A_121 = arith.muli %mul3A, %scan3A_120 : i32
        %add3A = arith.constant 0 : i32
        %add3A_122 = arith.addi %mul3A_121, %add3A : i32
        %dma_wait3A = arith.constant 0 : i32
        %dma_wait3A_123 = arith.constant 0 : i32
        %dma_wait3A_124 = arith.constant 0 : i32
        %dma_wait3A_125 = arith.constant 0 : i32
        %dma_wait3A_126 = tpu.memref_slice %arg9[%dma_wait3A, %dma_wait3A_124, %dma_wait3A_125] : memref<2x128x128xf32, #tpu.memory_space<vmem>> -> memref<1x128x128xf32, #tpu.memory_space<vmem>>
        %dma_wait3A_127 = tpu.memref_squeeze %dma_wait3A_126 : memref<1x128x128xf32, #tpu.memory_space<vmem>> -> memref<128x128xf32, #tpu.memory_space<vmem>>
        %dma_wait3A_128 = arith.constant 0 : i32
        %dma_wait3A_129 = tpu.memref_slice %arg7[%add3A_122, %dma_wait3A_128] : memref<40x128xi32, #tpu.memory_space<vmem>> -> memref<1x128xi32, #tpu.memory_space<vmem>>
        %dma_wait3A_130 = tpu.memref_squeeze %dma_wait3A_129 : memref<1x128xi32, #tpu.memory_space<vmem>> -> memref<128xi32, #tpu.memory_space<vmem>>
        %dma_wait3A_131 = arith.constant 0 : i32
        %dma_wait3A_132 = arith.constant 0 : i32
        %dma_wait3A_133 = tpu.memref_slice %arg2[%dma_wait3A_131, %dma_wait3A_132] : memref<10000x128xf32, #tpu.memory_space<hbm>> -> memref<10000x128xf32, #tpu.memory_space<hbm>>
        %dma_wait3A_134 = tpu.memref_slice %arg11[%dma_wait3A_123] : memref<2x!tpu.dma_semaphore, #tpu.memory_space<semaphore_mem>> -> memref<1x!tpu.dma_semaphore, #tpu.memory_space<semaphore_mem>>
        %dma_wait3A_135 = tpu.memref_squeeze %dma_wait3A_134 : memref<1x!tpu.dma_semaphore, #tpu.memory_space<semaphore_mem>> -> memref<!tpu.dma_semaphore, #tpu.memory_space<semaphore_mem>>
        tpu.wait_indirect_dma semaphore(%dma_wait3A_135 : memref<!tpu.dma_semaphore, #tpu.memory_space<semaphore_mem>>) src(%dma_wait3A_133 : memref<10000x128xf32, #tpu.memory_space<hbm>>) dst(%dma_wait3A_127 : memref<128x128xf32, #tpu.memory_space<vmem>>)
        %run_scoped3A = arith.constant 0 : i32
        "tpu.region"() ({
          %run_scoped3A_172 = tpu.sem_alloc : memref<!tpu.dma_semaphore, #tpu.memory_space<semaphore_mem>>
          %dma_start3A_173 = arith.constant 0 : i32
          %dma_start3A_174 = arith.constant 0 : i32
          %dma_start3A_175 = tpu.memref_slice %arg9[%run_scoped3A, %dma_start3A_173, %dma_start3A_174] : memref<2x128x128xf32, #tpu.memory_space<vmem>> -> memref<1x128x128xf32, #tpu.memory_space<vmem>>
          %dma_start3A_176 = tpu.memref_squeeze %dma_start3A_175 : memref<1x128x128xf32, #tpu.memory_space<vmem>> -> memref<128x128xf32, #tpu.memory_space<vmem>>
          %dma_start3A_177 = arith.constant 0 : i32
          %dma_start3A_178 = tpu.memref_slice %arg8[%add3A_122, %dma_start3A_177] : memref<40x128xi32, #tpu.memory_space<vmem>> -> memref<1x128xi32, #tpu.memory_space<vmem>>
          %dma_start3A_179 = tpu.memref_squeeze %dma_start3A_178 : memref<1x128xi32, #tpu.memory_space<vmem>> -> memref<128xi32, #tpu.memory_space<vmem>>
          %dma_start3A_180 = arith.constant 0 : i32
          %dma_start3A_181 = arith.constant 0 : i32
          %dma_start3A_182 = tpu.memref_slice %arg10[%dma_start3A_180, %dma_start3A_181] : memref<10240x128xf32, #tpu.memory_space<vmem_shared>> -> memref<10240x128xf32, #tpu.memory_space<vmem_shared>>
          tpu.enqueue_indirect_dma source(%dma_start3A_176 : memref<128x128xf32, #tpu.memory_space<vmem>>) target(%dma_start3A_182 : memref<10240x128xf32, #tpu.memory_space<vmem_shared>>) offsets(%dma_start3A_179 : memref<128xi32, #tpu.memory_space<vmem>>) semaphore(%run_scoped3A_172 : memref<!tpu.dma_semaphore, #tpu.memory_space<semaphore_mem>>) {add = true}
          %dma_wait3A_183 = arith.constant 0 : i32
          %dma_wait3A_184 = arith.constant 0 : i32
          %dma_wait3A_185 = tpu.memref_slice %arg9[%run_scoped3A, %dma_wait3A_183, %dma_wait3A_184] : memref<2x128x128xf32, #tpu.memory_space<vmem>> -> memref<1x128x128xf32, #tpu.memory_space<vmem>>
          %dma_wait3A_186 = tpu.memref_squeeze %dma_wait3A_185 : memref<1x128x128xf32, #tpu.memory_space<vmem>> -> memref<128x128xf32, #tpu.memory_space<vmem>>
          %dma_wait3A_187 = arith.constant 0 : i32
          %dma_wait3A_188 = tpu.memref_slice %arg8[%add3A_122, %dma_wait3A_187] : memref<40x128xi32, #tpu.memory_space<vmem>> -> memref<1x128xi32, #tpu.memory_space<vmem>>
          %dma_wait3A_189 = tpu.memref_squeeze %dma_wait3A_188 : memref<1x128xi32, #tpu.memory_space<vmem>> -> memref<128xi32, #tpu.memory_space<vmem>>
          %dma_wait3A_190 = arith.constant 0 : i32
          %dma_wait3A_191 = arith.constant 0 : i32
          %dma_wait3A_192 = tpu.memref_slice %arg10[%dma_wait3A_190, %dma_wait3A_191] : memref<10240x128xf32, #tpu.memory_space<vmem_shared>> -> memref<10240x128xf32, #tpu.memory_space<vmem_shared>>
          tpu.wait_indirect_dma semaphore(%run_scoped3A_172 : memref<!tpu.dma_semaphore, #tpu.memory_space<semaphore_mem>>) src(%dma_wait3A_186 : memref<128x128xf32, #tpu.memory_space<vmem>>) dst(%dma_wait3A_192 : memref<10240x128xf32, #tpu.memory_space<vmem_shared>>)
          tpu.yield
        }) : () -> ()
        %add3A_136 = arith.constant 2 : i32
        %add3A_137 = arith.addi %add3A_122, %add3A_136 : i32
        %lt3A = arith.constant 40 : i32
        %lt3A_138 = arith.cmpi slt, %add3A_137, %lt3A : i32
        %convert_element_type3A_139 = arith.extui %lt3A_138 : i1 to i32
        %cond3A_140 = arith.constant 0 : i32
        %cond3A_141 = arith.constant 0 : i32
        %cond3A_142 = arith.constant 0 : i32
        %cond3A_143 = arith.cmpi ne, %convert_element_type3A_139, %cond3A_142 : i32
        scf.if %cond3A_143 {
          %add3A_172 = arith.constant 2 : i32
          %add3A_173 = arith.addi %add3A_122, %add3A_172 : i32
          %dma_start3A_174 = arith.constant 0 : i32
          %dma_start3A_175 = arith.constant 0 : i32
          %dma_start3A_176 = tpu.memref_slice %arg9[%cond3A_140, %dma_start3A_174, %dma_start3A_175] : memref<2x128x128xf32, #tpu.memory_space<vmem>> -> memref<1x128x128xf32, #tpu.memory_space<vmem>>
          %dma_start3A_177 = tpu.memref_squeeze %dma_start3A_176 : memref<1x128x128xf32, #tpu.memory_space<vmem>> -> memref<128x128xf32, #tpu.memory_space<vmem>>
          %dma_start3A_178 = arith.constant 0 : i32
          %dma_start3A_179 = tpu.memref_slice %arg7[%add3A_173, %dma_start3A_178] : memref<40x128xi32, #tpu.memory_space<vmem>> -> memref<1x128xi32, #tpu.memory_space<vmem>>
          %dma_start3A_180 = tpu.memref_squeeze %dma_start3A_179 : memref<1x128xi32, #tpu.memory_space<vmem>> -> memref<128xi32, #tpu.memory_space<vmem>>
          %dma_start3A_181 = arith.constant 0 : i32
          %dma_start3A_182 = arith.constant 0 : i32
          %dma_start3A_183 = tpu.memref_slice %arg2[%dma_start3A_181, %dma_start3A_182] : memref<10000x128xf32, #tpu.memory_space<hbm>> -> memref<10000x128xf32, #tpu.memory_space<hbm>>
          %dma_start3A_184 = tpu.memref_slice %arg11[%cond3A_141] : memref<2x!tpu.dma_semaphore, #tpu.memory_space<semaphore_mem>> -> memref<1x!tpu.dma_semaphore, #tpu.memory_space<semaphore_mem>>
          %dma_start3A_185 = tpu.memref_squeeze %dma_start3A_184 : memref<1x!tpu.dma_semaphore, #tpu.memory_space<semaphore_mem>> -> memref<!tpu.dma_semaphore, #tpu.memory_space<semaphore_mem>>
          tpu.enqueue_indirect_dma source(%dma_start3A_183 : memref<10000x128xf32, #tpu.memory_space<hbm>>) target(%dma_start3A_177 : memref<128x128xf32, #tpu.memory_space<vmem>>) offsets(%dma_start3A_180 : memref<128xi32, #tpu.memory_space<vmem>>) semaphore(%dma_start3A_185 : memref<!tpu.dma_semaphore, #tpu.memory_space<semaphore_mem>>)
        } else {
        }
        %mul3A_144 = arith.constant 2 : i32
        %mul3A_145 = arith.muli %mul3A_144, %scan3A_120 : i32
        %add3A_146 = arith.constant 1 : i32
        %add3A_147 = arith.addi %mul3A_145, %add3A_146 : i32
        %dma_wait3A_148 = arith.constant 1 : i32
        %dma_wait3A_149 = arith.constant 1 : i32
        %dma_wait3A_150 = arith.constant 0 : i32
        %dma_wait3A_151 = arith.constant 0 : i32
        %dma_wait3A_152 = tpu.memref_slice %arg9[%dma_wait3A_148, %dma_wait3A_150, %dma_wait3A_151] : memref<2x128x128xf32, #tpu.memory_space<vmem>> -> memref<1x128x128xf32, #tpu.memory_space<vmem>>
        %dma_wait3A_153 = tpu.memref_squeeze %dma_wait3A_152 : memref<1x128x128xf32, #tpu.memory_space<vmem>> -> memref<128x128xf32, #tpu.memory_space<vmem>>
        %dma_wait3A_154 = arith.constant 0 : i32
        %dma_wait3A_155 = tpu.memref_slice %arg7[%add3A_147, %dma_wait3A_154] : memref<40x128xi32, #tpu.memory_space<vmem>> -> memref<1x128xi32, #tpu.memory_space<vmem>>
        %dma_wait3A_156 = tpu.memref_squeeze %dma_wait3A_155 : memref<1x128xi32, #tpu.memory_space<vmem>> -> memref<128xi32, #tpu.memory_space<vmem>>
        %dma_wait3A_157 = arith.constant 0 : i32
        %dma_wait3A_158 = arith.constant 0 : i32
        %dma_wait3A_159 = tpu.memref_slice %arg2[%dma_wait3A_157, %dma_wait3A_158] : memref<10000x128xf32, #tpu.memory_space<hbm>> -> memref<10000x128xf32, #tpu.memory_space<hbm>>
        %dma_wait3A_160 = tpu.memref_slice %arg11[%dma_wait3A_149] : memref<2x!tpu.dma_semaphore, #tpu.memory_space<semaphore_mem>> -> memref<1x!tpu.dma_semaphore, #tpu.memory_space<semaphore_mem>>
        %dma_wait3A_161 = tpu.memref_squeeze %dma_wait3A_160 : memref<1x!tpu.dma_semaphore, #tpu.memory_space<semaphore_mem>> -> memref<!tpu.dma_semaphore, #tpu.memory_space<semaphore_mem>>
        tpu.wait_indirect_dma semaphore(%dma_wait3A_161 : memref<!tpu.dma_semaphore, #tpu.memory_space<semaphore_mem>>) src(%dma_wait3A_159 : memref<10000x128xf32, #tpu.memory_space<hbm>>) dst(%dma_wait3A_153 : memref<128x128xf32, #tpu.memory_space<vmem>>)
        %run_scoped3A_162 = arith.constant 1 : i32
        "tpu.region"() ({
          %run_scoped3A_172 = tpu.sem_alloc : memref<!tpu.dma_semaphore, #tpu.memory_space<semaphore_mem>>
          %dma_start3A_173 = arith.constant 0 : i32
          %dma_start3A_174 = arith.constant 0 : i32
          %dma_start3A_175 = tpu.memref_slice %arg9[%run_scoped3A_162, %dma_start3A_173, %dma_start3A_174] : memref<2x128x128xf32, #tpu.memory_space<vmem>> -> memref<1x128x128xf32, #tpu.memory_space<vmem>>
          %dma_start3A_176 = tpu.memref_squeeze %dma_start3A_175 : memref<1x128x128xf32, #tpu.memory_space<vmem>> -> memref<128x128xf32, #tpu.memory_space<vmem>>
          %dma_start3A_177 = arith.constant 0 : i32
          %dma_start3A_178 = tpu.memref_slice %arg8[%add3A_147, %dma_start3A_177] : memref<40x128xi32, #tpu.memory_space<vmem>> -> memref<1x128xi32, #tpu.memory_space<vmem>>
          %dma_start3A_179 = tpu.memref_squeeze %dma_start3A_178 : memref<1x128xi32, #tpu.memory_space<vmem>> -> memref<128xi32, #tpu.memory_space<vmem>>
          %dma_start3A_180 = arith.constant 0 : i32
          %dma_start3A_181 = arith.constant 0 : i32
          %dma_start3A_182 = tpu.memref_slice %arg10[%dma_start3A_180, %dma_start3A_181] : memref<10240x128xf32, #tpu.memory_space<vmem_shared>> -> memref<10240x128xf32, #tpu.memory_space<vmem_shared>>
          tpu.enqueue_indirect_dma source(%dma_start3A_176 : memref<128x128xf32, #tpu.memory_space<vmem>>) target(%dma_start3A_182 : memref<10240x128xf32, #tpu.memory_space<vmem_shared>>) offsets(%dma_start3A_179 : memref<128xi32, #tpu.memory_space<vmem>>) semaphore(%run_scoped3A_172 : memref<!tpu.dma_semaphore, #tpu.memory_space<semaphore_mem>>) {add = true}
          %dma_wait3A_183 = arith.constant 0 : i32
          %dma_wait3A_184 = arith.constant 0 : i32
          %dma_wait3A_185 = tpu.memref_slice %arg9[%run_scoped3A_162, %dma_wait3A_183, %dma_wait3A_184] : memref<2x128x128xf32, #tpu.memory_space<vmem>> -> memref<1x128x128xf32, #tpu.memory_space<vmem>>
          %dma_wait3A_186 = tpu.memref_squeeze %dma_wait3A_185 : memref<1x128x128xf32, #tpu.memory_space<vmem>> -> memref<128x128xf32, #tpu.memory_space<vmem>>
          %dma_wait3A_187 = arith.constant 0 : i32
          %dma_wait3A_188 = tpu.memref_slice %arg8[%add3A_147, %dma_wait3A_187] : memref<40x128xi32, #tpu.memory_space<vmem>> -> memref<1x128xi32, #tpu.memory_space<vmem>>
          %dma_wait3A_189 = tpu.memref_squeeze %dma_wait3A_188 : memref<1x128xi32, #tpu.memory_space<vmem>> -> memref<128xi32, #tpu.memory_space<vmem>>
          %dma_wait3A_190 = arith.constant 0 : i32
          %dma_wait3A_191 = arith.constant 0 : i32
          %dma_wait3A_192 = tpu.memref_slice %arg10[%dma_wait3A_190, %dma_wait3A_191] : memref<10240x128xf32, #tpu.memory_space<vmem_shared>> -> memref<10240x128xf32, #tpu.memory_space<vmem_shared>>
          tpu.wait_indirect_dma semaphore(%run_scoped3A_172 : memref<!tpu.dma_semaphore, #tpu.memory_space<semaphore_mem>>) src(%dma_wait3A_186 : memref<128x128xf32, #tpu.memory_space<vmem>>) dst(%dma_wait3A_192 : memref<10240x128xf32, #tpu.memory_space<vmem_shared>>)
          tpu.yield
        }) : () -> ()
        %add3A_163 = arith.constant 2 : i32
        %add3A_164 = arith.addi %add3A_147, %add3A_163 : i32
        %lt3A_165 = arith.constant 40 : i32
        %lt3A_166 = arith.cmpi slt, %add3A_164, %lt3A_165 : i32
        %convert_element_type3A_167 = arith.extui %lt3A_166 : i1 to i32
        %cond3A_168 = arith.constant 1 : i32
        %cond3A_169 = arith.constant 1 : i32
        %cond3A_170 = arith.constant 0 : i32
        %cond3A_171 = arith.cmpi ne, %convert_element_type3A_167, %cond3A_170 : i32
        scf.if %cond3A_171 {
          %add3A_172 = arith.constant 2 : i32
          %add3A_173 = arith.addi %add3A_147, %add3A_172 : i32
          %dma_start3A_174 = arith.constant 0 : i32
          %dma_start3A_175 = arith.constant 0 : i32
          %dma_start3A_176 = tpu.memref_slice %arg9[%cond3A_168, %dma_start3A_174, %dma_start3A_175] : memref<2x128x128xf32, #tpu.memory_space<vmem>> -> memref<1x128x128xf32, #tpu.memory_space<vmem>>
          %dma_start3A_177 = tpu.memref_squeeze %dma_start3A_176 : memref<1x128x128xf32, #tpu.memory_space<vmem>> -> memref<128x128xf32, #tpu.memory_space<vmem>>
          %dma_start3A_178 = arith.constant 0 : i32
          %dma_start3A_179 = tpu.memref_slice %arg7[%add3A_173, %dma_start3A_178] : memref<40x128xi32, #tpu.memory_space<vmem>> -> memref<1x128xi32, #tpu.memory_space<vmem>>
          %dma_start3A_180 = tpu.memref_squeeze %dma_start3A_179 : memref<1x128xi32, #tpu.memory_space<vmem>> -> memref<128xi32, #tpu.memory_space<vmem>>
          %dma_start3A_181 = arith.constant 0 : i32
          %dma_start3A_182 = arith.constant 0 : i32
          %dma_start3A_183 = tpu.memref_slice %arg2[%dma_start3A_181, %dma_start3A_182] : memref<10000x128xf32, #tpu.memory_space<hbm>> -> memref<10000x128xf32, #tpu.memory_space<hbm>>
          %dma_start3A_184 = tpu.memref_slice %arg11[%cond3A_169] : memref<2x!tpu.dma_semaphore, #tpu.memory_space<semaphore_mem>> -> memref<1x!tpu.dma_semaphore, #tpu.memory_space<semaphore_mem>>
          %dma_start3A_185 = tpu.memref_squeeze %dma_start3A_184 : memref<1x!tpu.dma_semaphore, #tpu.memory_space<semaphore_mem>> -> memref<!tpu.dma_semaphore, #tpu.memory_space<semaphore_mem>>
          tpu.enqueue_indirect_dma source(%dma_start3A_183 : memref<10000x128xf32, #tpu.memory_space<hbm>>) target(%dma_start3A_177 : memref<128x128xf32, #tpu.memory_space<vmem>>) offsets(%dma_start3A_180 : memref<128xi32, #tpu.memory_space<vmem>>) semaphore(%dma_start3A_185 : memref<!tpu.dma_semaphore, #tpu.memory_space<semaphore_mem>>)
        } else {
        }
      }
      %scan3A_49 = arith.constant 20 : i32
      "tpu.region"() ({
        %run_scoped3A = tpu.sem_alloc : memref<!tpu.dma_semaphore, #tpu.memory_space<semaphore_mem>>
        %dma_start3A_120 = arith.constant 40 : i32
        %dma_start3A_121 = arith.constant 0 : i32
        %dma_start3A_122 = tpu.memref_slice %arg4[%arg1, %dma_start3A_120, %dma_start3A_121] : memref<16x160x128xi32, #tpu.memory_space<hbm>> -> memref<1x40x128xi32, #tpu.memory_space<hbm>>
        %dma_start3A_123 = tpu.memref_squeeze %dma_start3A_122 : memref<1x40x128xi32, #tpu.memory_space<hbm>> -> memref<40x128xi32, #tpu.memory_space<hbm>>
        %dma_start3A_124 = arith.constant 40 : i32
        %dma_start3A_125 = arith.constant 0 : i32
        %dma_start3A_126 = tpu.memref_slice %arg4[%arg1, %dma_start3A_124, %dma_start3A_125] : memref<16x160x128xi32, #tpu.memory_space<hbm>> -> memref<1x40x128xi32, #tpu.memory_space<hbm>>
        %dma_start3A_127 = tpu.memref_squeeze %dma_start3A_126 : memref<1x40x128xi32, #tpu.memory_space<hbm>> -> memref<40x128xi32, #tpu.memory_space<hbm>>
        tpu.enqueue_dma source(%dma_start3A_127 : memref<40x128xi32, #tpu.memory_space<hbm>>) target(%arg7 : memref<40x128xi32, #tpu.memory_space<vmem>>) target_semaphore(%run_scoped3A : memref<!tpu.dma_semaphore, #tpu.memory_space<semaphore_mem>>)
        %dma_wait3A = arith.constant 40 : i32
        %dma_wait3A_128 = arith.constant 0 : i32
        %dma_wait3A_129 = tpu.memref_slice %arg4[%arg1, %dma_wait3A, %dma_wait3A_128] : memref<16x160x128xi32, #tpu.memory_space<hbm>> -> memref<1x40x128xi32, #tpu.memory_space<hbm>>
        %dma_wait3A_130 = tpu.memref_squeeze %dma_wait3A_129 : memref<1x40x128xi32, #tpu.memory_space<hbm>> -> memref<40x128xi32, #tpu.memory_space<hbm>>
        %dma_wait3A_131 = arith.constant 40 : i32
        %dma_wait3A_132 = arith.constant 0 : i32
        %dma_wait3A_133 = tpu.memref_slice %arg4[%arg1, %dma_wait3A_131, %dma_wait3A_132] : memref<16x160x128xi32, #tpu.memory_space<hbm>> -> memref<1x40x128xi32, #tpu.memory_space<hbm>>
        %dma_wait3A_134 = tpu.memref_squeeze %dma_wait3A_133 : memref<1x40x128xi32, #tpu.memory_space<hbm>> -> memref<40x128xi32, #tpu.memory_space<hbm>>
        tpu.wait_dma2 semaphore(%run_scoped3A : memref<!tpu.dma_semaphore, #tpu.memory_space<semaphore_mem>>) src(%dma_wait3A_134 : memref<40x128xi32, #tpu.memory_space<hbm>>) dst(%arg7 : memref<40x128xi32, #tpu.memory_space<vmem>>)
        tpu.yield
      }) : () -> ()
      "tpu.region"() ({
        %run_scoped3A = tpu.sem_alloc : memref<!tpu.dma_semaphore, #tpu.memory_space<semaphore_mem>>
        %dma_start3A_120 = arith.constant 40 : i32
        %dma_start3A_121 = arith.constant 0 : i32
        %dma_start3A_122 = tpu.memref_slice %arg5[%arg1, %dma_start3A_120, %dma_start3A_121] : memref<16x160x128xi32, #tpu.memory_space<hbm>> -> memref<1x40x128xi32, #tpu.memory_space<hbm>>
        %dma_start3A_123 = tpu.memref_squeeze %dma_start3A_122 : memref<1x40x128xi32, #tpu.memory_space<hbm>> -> memref<40x128xi32, #tpu.memory_space<hbm>>
        %dma_start3A_124 = arith.constant 40 : i32
        %dma_start3A_125 = arith.constant 0 : i32
        %dma_start3A_126 = tpu.memref_slice %arg5[%arg1, %dma_start3A_124, %dma_start3A_125] : memref<16x160x128xi32, #tpu.memory_space<hbm>> -> memref<1x40x128xi32, #tpu.memory_space<hbm>>
        %dma_start3A_127 = tpu.memref_squeeze %dma_start3A_126 : memref<1x40x128xi32, #tpu.memory_space<hbm>> -> memref<40x128xi32, #tpu.memory_space<hbm>>
        tpu.enqueue_dma source(%dma_start3A_127 : memref<40x128xi32, #tpu.memory_space<hbm>>) target(%arg8 : memref<40x128xi32, #tpu.memory_space<vmem>>) target_semaphore(%run_scoped3A : memref<!tpu.dma_semaphore, #tpu.memory_space<semaphore_mem>>)
        %dma_wait3A = arith.constant 40 : i32
        %dma_wait3A_128 = arith.constant 0 : i32
        %dma_wait3A_129 = tpu.memref_slice %arg5[%arg1, %dma_wait3A, %dma_wait3A_128] : memref<16x160x128xi32, #tpu.memory_space<hbm>> -> memref<1x40x128xi32, #tpu.memory_space<hbm>>
        %dma_wait3A_130 = tpu.memref_squeeze %dma_wait3A_129 : memref<1x40x128xi32, #tpu.memory_space<hbm>> -> memref<40x128xi32, #tpu.memory_space<hbm>>
        %dma_wait3A_131 = arith.constant 40 : i32
        %dma_wait3A_132 = arith.constant 0 : i32
        %dma_wait3A_133 = tpu.memref_slice %arg5[%arg1, %dma_wait3A_131, %dma_wait3A_132] : memref<16x160x128xi32, #tpu.memory_space<hbm>> -> memref<1x40x128xi32, #tpu.memory_space<hbm>>
        %dma_wait3A_134 = tpu.memref_squeeze %dma_wait3A_133 : memref<1x40x128xi32, #tpu.memory_space<hbm>> -> memref<40x128xi32, #tpu.memory_space<hbm>>
        tpu.wait_dma2 semaphore(%run_scoped3A : memref<!tpu.dma_semaphore, #tpu.memory_space<semaphore_mem>>) src(%dma_wait3A_134 : memref<40x128xi32, #tpu.memory_space<hbm>>) dst(%arg8 : memref<40x128xi32, #tpu.memory_space<vmem>>)
        tpu.yield
      }) : () -> ()
      %dma_start3A_50 = arith.constant 0 : i32
      %dma_start3A_51 = arith.constant 0 : i32
      %dma_start3A_52 = arith.constant 0 : i32
      %dma_start3A_53 = arith.constant 0 : i32
      %dma_start3A_54 = arith.constant 0 : i32
      %dma_start3A_55 = tpu.memref_slice %arg9[%dma_start3A_51, %dma_start3A_53, %dma_start3A_54] : memref<2x128x128xf32, #tpu.memory_space<vmem>> -> memref<1x128x128xf32, #tpu.memory_space<vmem>>
      %dma_start3A_56 = tpu.memref_squeeze %dma_start3A_55 : memref<1x128x128xf32, #tpu.memory_space<vmem>> -> memref<128x128xf32, #tpu.memory_space<vmem>>
      %dma_start3A_57 = arith.constant 0 : i32
      %dma_start3A_58 = tpu.memref_slice %arg7[%dma_start3A_50, %dma_start3A_57] : memref<40x128xi32, #tpu.memory_space<vmem>> -> memref<1x128xi32, #tpu.memory_space<vmem>>
      %dma_start3A_59 = tpu.memref_squeeze %dma_start3A_58 : memref<1x128xi32, #tpu.memory_space<vmem>> -> memref<128xi32, #tpu.memory_space<vmem>>
      %dma_start3A_60 = arith.constant 0 : i32
      %dma_start3A_61 = arith.constant 0 : i32
      %dma_start3A_62 = tpu.memref_slice %arg2[%dma_start3A_60, %dma_start3A_61] : memref<10000x128xf32, #tpu.memory_space<hbm>> -> memref<10000x128xf32, #tpu.memory_space<hbm>>
      %dma_start3A_63 = tpu.memref_slice %arg11[%dma_start3A_52] : memref<2x!tpu.dma_semaphore, #tpu.memory_space<semaphore_mem>> -> memref<1x!tpu.dma_semaphore, #tpu.memory_space<semaphore_mem>>
      %dma_start3A_64 = tpu.memref_squeeze %dma_start3A_63 : memref<1x!tpu.dma_semaphore, #tpu.memory_space<semaphore_mem>> -> memref<!tpu.dma_semaphore, #tpu.memory_space<semaphore_mem>>
      tpu.enqueue_indirect_dma source(%dma_start3A_62 : memref<10000x128xf32, #tpu.memory_space<hbm>>) target(%dma_start3A_56 : memref<128x128xf32, #tpu.memory_space<vmem>>) offsets(%dma_start3A_59 : memref<128xi32, #tpu.memory_space<vmem>>) semaphore(%dma_start3A_64 : memref<!tpu.dma_semaphore, #tpu.memory_space<semaphore_mem>>)
      %dma_start3A_65 = arith.constant 1 : i32
      %dma_start3A_66 = arith.constant 1 : i32
      %dma_start3A_67 = arith.constant 1 : i32
      %dma_start3A_68 = arith.constant 0 : i32
      %dma_start3A_69 = arith.constant 0 : i32
      %dma_start3A_70 = tpu.memref_slice %arg9[%dma_start3A_66, %dma_start3A_68, %dma_start3A_69] : memref<2x128x128xf32, #tpu.memory_space<vmem>> -> memref<1x128x128xf32, #tpu.memory_space<vmem>>
      %dma_start3A_71 = tpu.memref_squeeze %dma_start3A_70 : memref<1x128x128xf32, #tpu.memory_space<vmem>> -> memref<128x128xf32, #tpu.memory_space<vmem>>
      %dma_start3A_72 = arith.constant 0 : i32
      %dma_start3A_73 = tpu.memref_slice %arg7[%dma_start3A_65, %dma_start3A_72] : memref<40x128xi32, #tpu.memory_space<vmem>> -> memref<1x128xi32, #tpu.memory_space<vmem>>
      %dma_start3A_74 = tpu.memref_squeeze %dma_start3A_73 : memref<1x128xi32, #tpu.memory_space<vmem>> -> memref<128xi32, #tpu.memory_space<vmem>>
      %dma_start3A_75 = arith.constant 0 : i32
      %dma_start3A_76 = arith.constant 0 : i32
      %dma_start3A_77 = tpu.memref_slice %arg2[%dma_start3A_75, %dma_start3A_76] : memref<10000x128xf32, #tpu.memory_space<hbm>> -> memref<10000x128xf32, #tpu.memory_space<hbm>>
      %dma_start3A_78 = tpu.memref_slice %arg11[%dma_start3A_67] : memref<2x!tpu.dma_semaphore, #tpu.memory_space<semaphore_mem>> -> memref<1x!tpu.dma_semaphore, #tpu.memory_space<semaphore_mem>>
      %dma_start3A_79 = tpu.memref_squeeze %dma_start3A_78 : memref<1x!tpu.dma_semaphore, #tpu.memory_space<semaphore_mem>> -> memref<!tpu.dma_semaphore, #tpu.memory_space<semaphore_mem>>
      tpu.enqueue_indirect_dma source(%dma_start3A_77 : memref<10000x128xf32, #tpu.memory_space<hbm>>) target(%dma_start3A_71 : memref<128x128xf32, #tpu.memory_space<vmem>>) offsets(%dma_start3A_74 : memref<128xi32, #tpu.memory_space<vmem>>) semaphore(%dma_start3A_79 : memref<!tpu.dma_semaphore, #tpu.memory_space<semaphore_mem>>)
      %scan3A_80 = arith.constant 0 : i32
      %scan3A_81 = arith.constant 20 : i32
      %scan3A_82 = arith.addi %scan3A_80, %scan3A_81 : i32
      %scan3A_83 = arith.constant 1 : i32
      scf.for %scan3A_120 = %scan3A_80 to %scan3A_82 step %scan3A_83  : i32 {
        %mul3A = arith.constant 2 : i32
        %mul3A_121 = arith.muli %mul3A, %scan3A_120 : i32
        %add3A = arith.constant 0 : i32
        %add3A_122 = arith.addi %mul3A_121, %add3A : i32
        %dma_wait3A = arith.constant 0 : i32
        %dma_wait3A_123 = arith.constant 0 : i32
        %dma_wait3A_124 = arith.constant 0 : i32
        %dma_wait3A_125 = arith.constant 0 : i32
        %dma_wait3A_126 = tpu.memref_slice %arg9[%dma_wait3A, %dma_wait3A_124, %dma_wait3A_125] : memref<2x128x128xf32, #tpu.memory_space<vmem>> -> memref<1x128x128xf32, #tpu.memory_space<vmem>>
        %dma_wait3A_127 = tpu.memref_squeeze %dma_wait3A_126 : memref<1x128x128xf32, #tpu.memory_space<vmem>> -> memref<128x128xf32, #tpu.memory_space<vmem>>
        %dma_wait3A_128 = arith.constant 0 : i32
        %dma_wait3A_129 = tpu.memref_slice %arg7[%add3A_122, %dma_wait3A_128] : memref<40x128xi32, #tpu.memory_space<vmem>> -> memref<1x128xi32, #tpu.memory_space<vmem>>
        %dma_wait3A_130 = tpu.memref_squeeze %dma_wait3A_129 : memref<1x128xi32, #tpu.memory_space<vmem>> -> memref<128xi32, #tpu.memory_space<vmem>>
        %dma_wait3A_131 = arith.constant 0 : i32
        %dma_wait3A_132 = arith.constant 0 : i32
        %dma_wait3A_133 = tpu.memref_slice %arg2[%dma_wait3A_131, %dma_wait3A_132] : memref<10000x128xf32, #tpu.memory_space<hbm>> -> memref<10000x128xf32, #tpu.memory_space<hbm>>
        %dma_wait3A_134 = tpu.memref_slice %arg11[%dma_wait3A_123] : memref<2x!tpu.dma_semaphore, #tpu.memory_space<semaphore_mem>> -> memref<1x!tpu.dma_semaphore, #tpu.memory_space<semaphore_mem>>
        %dma_wait3A_135 = tpu.memref_squeeze %dma_wait3A_134 : memref<1x!tpu.dma_semaphore, #tpu.memory_space<semaphore_mem>> -> memref<!tpu.dma_semaphore, #tpu.memory_space<semaphore_mem>>
        tpu.wait_indirect_dma semaphore(%dma_wait3A_135 : memref<!tpu.dma_semaphore, #tpu.memory_space<semaphore_mem>>) src(%dma_wait3A_133 : memref<10000x128xf32, #tpu.memory_space<hbm>>) dst(%dma_wait3A_127 : memref<128x128xf32, #tpu.memory_space<vmem>>)
        %run_scoped3A = arith.constant 0 : i32
        "tpu.region"() ({
          %run_scoped3A_172 = tpu.sem_alloc : memref<!tpu.dma_semaphore, #tpu.memory_space<semaphore_mem>>
          %dma_start3A_173 = arith.constant 0 : i32
          %dma_start3A_174 = arith.constant 0 : i32
          %dma_start3A_175 = tpu.memref_slice %arg9[%run_scoped3A, %dma_start3A_173, %dma_start3A_174] : memref<2x128x128xf32, #tpu.memory_space<vmem>> -> memref<1x128x128xf32, #tpu.memory_space<vmem>>
          %dma_start3A_176 = tpu.memref_squeeze %dma_start3A_175 : memref<1x128x128xf32, #tpu.memory_space<vmem>> -> memref<128x128xf32, #tpu.memory_space<vmem>>
          %dma_start3A_177 = arith.constant 0 : i32
          %dma_start3A_178 = tpu.memref_slice %arg8[%add3A_122, %dma_start3A_177] : memref<40x128xi32, #tpu.memory_space<vmem>> -> memref<1x128xi32, #tpu.memory_space<vmem>>
          %dma_start3A_179 = tpu.memref_squeeze %dma_start3A_178 : memref<1x128xi32, #tpu.memory_space<vmem>> -> memref<128xi32, #tpu.memory_space<vmem>>
          %dma_start3A_180 = arith.constant 0 : i32
          %dma_start3A_181 = arith.constant 0 : i32
          %dma_start3A_182 = tpu.memref_slice %arg10[%dma_start3A_180, %dma_start3A_181] : memref<10240x128xf32, #tpu.memory_space<vmem_shared>> -> memref<10240x128xf32, #tpu.memory_space<vmem_shared>>
          tpu.enqueue_indirect_dma source(%dma_start3A_176 : memref<128x128xf32, #tpu.memory_space<vmem>>) target(%dma_start3A_182 : memref<10240x128xf32, #tpu.memory_space<vmem_shared>>) offsets(%dma_start3A_179 : memref<128xi32, #tpu.memory_space<vmem>>) semaphore(%run_scoped3A_172 : memref<!tpu.dma_semaphore, #tpu.memory_space<semaphore_mem>>) {add = true}
          %dma_wait3A_183 = arith.constant 0 : i32
          %dma_wait3A_184 = arith.constant 0 : i32
          %dma_wait3A_185 = tpu.memref_slice %arg9[%run_scoped3A, %dma_wait3A_183, %dma_wait3A_184] : memref<2x128x128xf32, #tpu.memory_space<vmem>> -> memref<1x128x128xf32, #tpu.memory_space<vmem>>
          %dma_wait3A_186 = tpu.memref_squeeze %dma_wait3A_185 : memref<1x128x128xf32, #tpu.memory_space<vmem>> -> memref<128x128xf32, #tpu.memory_space<vmem>>
          %dma_wait3A_187 = arith.constant 0 : i32
          %dma_wait3A_188 = tpu.memref_slice %arg8[%add3A_122, %dma_wait3A_187] : memref<40x128xi32, #tpu.memory_space<vmem>> -> memref<1x128xi32, #tpu.memory_space<vmem>>
          %dma_wait3A_189 = tpu.memref_squeeze %dma_wait3A_188 : memref<1x128xi32, #tpu.memory_space<vmem>> -> memref<128xi32, #tpu.memory_space<vmem>>
          %dma_wait3A_190 = arith.constant 0 : i32
          %dma_wait3A_191 = arith.constant 0 : i32
          %dma_wait3A_192 = tpu.memref_slice %arg10[%dma_wait3A_190, %dma_wait3A_191] : memref<10240x128xf32, #tpu.memory_space<vmem_shared>> -> memref<10240x128xf32, #tpu.memory_space<vmem_shared>>
          tpu.wait_indirect_dma semaphore(%run_scoped3A_172 : memref<!tpu.dma_semaphore, #tpu.memory_space<semaphore_mem>>) src(%dma_wait3A_186 : memref<128x128xf32, #tpu.memory_space<vmem>>) dst(%dma_wait3A_192 : memref<10240x128xf32, #tpu.memory_space<vmem_shared>>)
          tpu.yield
        }) : () -> ()
        %add3A_136 = arith.constant 2 : i32
        %add3A_137 = arith.addi %add3A_122, %add3A_136 : i32
        %lt3A = arith.constant 40 : i32
        %lt3A_138 = arith.cmpi slt, %add3A_137, %lt3A : i32
        %convert_element_type3A_139 = arith.extui %lt3A_138 : i1 to i32
        %cond3A_140 = arith.constant 0 : i32
        %cond3A_141 = arith.constant 0 : i32
        %cond3A_142 = arith.constant 0 : i32
        %cond3A_143 = arith.cmpi ne, %convert_element_type3A_139, %cond3A_142 : i32
        scf.if %cond3A_143 {
          %add3A_172 = arith.constant 2 : i32
          %add3A_173 = arith.addi %add3A_122, %add3A_172 : i32
          %dma_start3A_174 = arith.constant 0 : i32
          %dma_start3A_175 = arith.constant 0 : i32
          %dma_start3A_176 = tpu.memref_slice %arg9[%cond3A_140, %dma_start3A_174, %dma_start3A_175] : memref<2x128x128xf32, #tpu.memory_space<vmem>> -> memref<1x128x128xf32, #tpu.memory_space<vmem>>
          %dma_start3A_177 = tpu.memref_squeeze %dma_start3A_176 : memref<1x128x128xf32, #tpu.memory_space<vmem>> -> memref<128x128xf32, #tpu.memory_space<vmem>>
          %dma_start3A_178 = arith.constant 0 : i32
          %dma_start3A_179 = tpu.memref_slice %arg7[%add3A_173, %dma_start3A_178] : memref<40x128xi32, #tpu.memory_space<vmem>> -> memref<1x128xi32, #tpu.memory_space<vmem>>
          %dma_start3A_180 = tpu.memref_squeeze %dma_start3A_179 : memref<1x128xi32, #tpu.memory_space<vmem>> -> memref<128xi32, #tpu.memory_space<vmem>>
          %dma_start3A_181 = arith.constant 0 : i32
          %dma_start3A_182 = arith.constant 0 : i32
          %dma_start3A_183 = tpu.memref_slice %arg2[%dma_start3A_181, %dma_start3A_182] : memref<10000x128xf32, #tpu.memory_space<hbm>> -> memref<10000x128xf32, #tpu.memory_space<hbm>>
          %dma_start3A_184 = tpu.memref_slice %arg11[%cond3A_141] : memref<2x!tpu.dma_semaphore, #tpu.memory_space<semaphore_mem>> -> memref<1x!tpu.dma_semaphore, #tpu.memory_space<semaphore_mem>>
          %dma_start3A_185 = tpu.memref_squeeze %dma_start3A_184 : memref<1x!tpu.dma_semaphore, #tpu.memory_space<semaphore_mem>> -> memref<!tpu.dma_semaphore, #tpu.memory_space<semaphore_mem>>
          tpu.enqueue_indirect_dma source(%dma_start3A_183 : memref<10000x128xf32, #tpu.memory_space<hbm>>) target(%dma_start3A_177 : memref<128x128xf32, #tpu.memory_space<vmem>>) offsets(%dma_start3A_180 : memref<128xi32, #tpu.memory_space<vmem>>) semaphore(%dma_start3A_185 : memref<!tpu.dma_semaphore, #tpu.memory_space<semaphore_mem>>)
        } else {
        }
        %mul3A_144 = arith.constant 2 : i32
        %mul3A_145 = arith.muli %mul3A_144, %scan3A_120 : i32
        %add3A_146 = arith.constant 1 : i32
        %add3A_147 = arith.addi %mul3A_145, %add3A_146 : i32
        %dma_wait3A_148 = arith.constant 1 : i32
        %dma_wait3A_149 = arith.constant 1 : i32
        %dma_wait3A_150 = arith.constant 0 : i32
        %dma_wait3A_151 = arith.constant 0 : i32
        %dma_wait3A_152 = tpu.memref_slice %arg9[%dma_wait3A_148, %dma_wait3A_150, %dma_wait3A_151] : memref<2x128x128xf32, #tpu.memory_space<vmem>> -> memref<1x128x128xf32, #tpu.memory_space<vmem>>
        %dma_wait3A_153 = tpu.memref_squeeze %dma_wait3A_152 : memref<1x128x128xf32, #tpu.memory_space<vmem>> -> memref<128x128xf32, #tpu.memory_space<vmem>>
        %dma_wait3A_154 = arith.constant 0 : i32
        %dma_wait3A_155 = tpu.memref_slice %arg7[%add3A_147, %dma_wait3A_154] : memref<40x128xi32, #tpu.memory_space<vmem>> -> memref<1x128xi32, #tpu.memory_space<vmem>>
        %dma_wait3A_156 = tpu.memref_squeeze %dma_wait3A_155 : memref<1x128xi32, #tpu.memory_space<vmem>> -> memref<128xi32, #tpu.memory_space<vmem>>
        %dma_wait3A_157 = arith.constant 0 : i32
        %dma_wait3A_158 = arith.constant 0 : i32
        %dma_wait3A_159 = tpu.memref_slice %arg2[%dma_wait3A_157, %dma_wait3A_158] : memref<10000x128xf32, #tpu.memory_space<hbm>> -> memref<10000x128xf32, #tpu.memory_space<hbm>>
        %dma_wait3A_160 = tpu.memref_slice %arg11[%dma_wait3A_149] : memref<2x!tpu.dma_semaphore, #tpu.memory_space<semaphore_mem>> -> memref<1x!tpu.dma_semaphore, #tpu.memory_space<semaphore_mem>>
        %dma_wait3A_161 = tpu.memref_squeeze %dma_wait3A_160 : memref<1x!tpu.dma_semaphore, #tpu.memory_space<semaphore_mem>> -> memref<!tpu.dma_semaphore, #tpu.memory_space<semaphore_mem>>
        tpu.wait_indirect_dma semaphore(%dma_wait3A_161 : memref<!tpu.dma_semaphore, #tpu.memory_space<semaphore_mem>>) src(%dma_wait3A_159 : memref<10000x128xf32, #tpu.memory_space<hbm>>) dst(%dma_wait3A_153 : memref<128x128xf32, #tpu.memory_space<vmem>>)
        %run_scoped3A_162 = arith.constant 1 : i32
        "tpu.region"() ({
          %run_scoped3A_172 = tpu.sem_alloc : memref<!tpu.dma_semaphore, #tpu.memory_space<semaphore_mem>>
          %dma_start3A_173 = arith.constant 0 : i32
          %dma_start3A_174 = arith.constant 0 : i32
          %dma_start3A_175 = tpu.memref_slice %arg9[%run_scoped3A_162, %dma_start3A_173, %dma_start3A_174] : memref<2x128x128xf32, #tpu.memory_space<vmem>> -> memref<1x128x128xf32, #tpu.memory_space<vmem>>
          %dma_start3A_176 = tpu.memref_squeeze %dma_start3A_175 : memref<1x128x128xf32, #tpu.memory_space<vmem>> -> memref<128x128xf32, #tpu.memory_space<vmem>>
          %dma_start3A_177 = arith.constant 0 : i32
          %dma_start3A_178 = tpu.memref_slice %arg8[%add3A_147, %dma_start3A_177] : memref<40x128xi32, #tpu.memory_space<vmem>> -> memref<1x128xi32, #tpu.memory_space<vmem>>
          %dma_start3A_179 = tpu.memref_squeeze %dma_start3A_178 : memref<1x128xi32, #tpu.memory_space<vmem>> -> memref<128xi32, #tpu.memory_space<vmem>>
          %dma_start3A_180 = arith.constant 0 : i32
          %dma_start3A_181 = arith.constant 0 : i32
          %dma_start3A_182 = tpu.memref_slice %arg10[%dma_start3A_180, %dma_start3A_181] : memref<10240x128xf32, #tpu.memory_space<vmem_shared>> -> memref<10240x128xf32, #tpu.memory_space<vmem_shared>>
          tpu.enqueue_indirect_dma source(%dma_start3A_176 : memref<128x128xf32, #tpu.memory_space<vmem>>) target(%dma_start3A_182 : memref<10240x128xf32, #tpu.memory_space<vmem_shared>>) offsets(%dma_start3A_179 : memref<128xi32, #tpu.memory_space<vmem>>) semaphore(%run_scoped3A_172 : memref<!tpu.dma_semaphore, #tpu.memory_space<semaphore_mem>>) {add = true}
          %dma_wait3A_183 = arith.constant 0 : i32
          %dma_wait3A_184 = arith.constant 0 : i32
          %dma_wait3A_185 = tpu.memref_slice %arg9[%run_scoped3A_162, %dma_wait3A_183, %dma_wait3A_184] : memref<2x128x128xf32, #tpu.memory_space<vmem>> -> memref<1x128x128xf32, #tpu.memory_space<vmem>>
          %dma_wait3A_186 = tpu.memref_squeeze %dma_wait3A_185 : memref<1x128x128xf32, #tpu.memory_space<vmem>> -> memref<128x128xf32, #tpu.memory_space<vmem>>
          %dma_wait3A_187 = arith.constant 0 : i32
          %dma_wait3A_188 = tpu.memref_slice %arg8[%add3A_147, %dma_wait3A_187] : memref<40x128xi32, #tpu.memory_space<vmem>> -> memref<1x128xi32, #tpu.memory_space<vmem>>
          %dma_wait3A_189 = tpu.memref_squeeze %dma_wait3A_188 : memref<1x128xi32, #tpu.memory_space<vmem>> -> memref<128xi32, #tpu.memory_space<vmem>>
          %dma_wait3A_190 = arith.constant 0 : i32
          %dma_wait3A_191 = arith.constant 0 : i32
          %dma_wait3A_192 = tpu.memref_slice %arg10[%dma_wait3A_190, %dma_wait3A_191] : memref<10240x128xf32, #tpu.memory_space<vmem_shared>> -> memref<10240x128xf32, #tpu.memory_space<vmem_shared>>
          tpu.wait_indirect_dma semaphore(%run_scoped3A_172 : memref<!tpu.dma_semaphore, #tpu.memory_space<semaphore_mem>>) src(%dma_wait3A_186 : memref<128x128xf32, #tpu.memory_space<vmem>>) dst(%dma_wait3A_192 : memref<10240x128xf32, #tpu.memory_space<vmem_shared>>)
          tpu.yield
        }) : () -> ()
        %add3A_163 = arith.constant 2 : i32
        %add3A_164 = arith.addi %add3A_147, %add3A_163 : i32
        %lt3A_165 = arith.constant 40 : i32
        %lt3A_166 = arith.cmpi slt, %add3A_164, %lt3A_165 : i32
        %convert_element_type3A_167 = arith.extui %lt3A_166 : i1 to i32
        %cond3A_168 = arith.constant 1 : i32
        %cond3A_169 = arith.constant 1 : i32
        %cond3A_170 = arith.constant 0 : i32
        %cond3A_171 = arith.cmpi ne, %convert_element_type3A_167, %cond3A_170 : i32
        scf.if %cond3A_171 {
          %add3A_172 = arith.constant 2 : i32
          %add3A_173 = arith.addi %add3A_147, %add3A_172 : i32
          %dma_start3A_174 = arith.constant 0 : i32
          %dma_start3A_175 = arith.constant 0 : i32
          %dma_start3A_176 = tpu.memref_slice %arg9[%cond3A_168, %dma_start3A_174, %dma_start3A_175] : memref<2x128x128xf32, #tpu.memory_space<vmem>> -> memref<1x128x128xf32, #tpu.memory_space<vmem>>
          %dma_start3A_177 = tpu.memref_squeeze %dma_start3A_176 : memref<1x128x128xf32, #tpu.memory_space<vmem>> -> memref<128x128xf32, #tpu.memory_space<vmem>>
          %dma_start3A_178 = arith.constant 0 : i32
          %dma_start3A_179 = tpu.memref_slice %arg7[%add3A_173, %dma_start3A_178] : memref<40x128xi32, #tpu.memory_space<vmem>> -> memref<1x128xi32, #tpu.memory_space<vmem>>
          %dma_start3A_180 = tpu.memref_squeeze %dma_start3A_179 : memref<1x128xi32, #tpu.memory_space<vmem>> -> memref<128xi32, #tpu.memory_space<vmem>>
          %dma_start3A_181 = arith.constant 0 : i32
          %dma_start3A_182 = arith.constant 0 : i32
          %dma_start3A_183 = tpu.memref_slice %arg2[%dma_start3A_181, %dma_start3A_182] : memref<10000x128xf32, #tpu.memory_space<hbm>> -> memref<10000x128xf32, #tpu.memory_space<hbm>>
          %dma_start3A_184 = tpu.memref_slice %arg11[%cond3A_169] : memref<2x!tpu.dma_semaphore, #tpu.memory_space<semaphore_mem>> -> memref<1x!tpu.dma_semaphore, #tpu.memory_space<semaphore_mem>>
          %dma_start3A_185 = tpu.memref_squeeze %dma_start3A_184 : memref<1x!tpu.dma_semaphore, #tpu.memory_space<semaphore_mem>> -> memref<!tpu.dma_semaphore, #tpu.memory_space<semaphore_mem>>
          tpu.enqueue_indirect_dma source(%dma_start3A_183 : memref<10000x128xf32, #tpu.memory_space<hbm>>) target(%dma_start3A_177 : memref<128x128xf32, #tpu.memory_space<vmem>>) offsets(%dma_start3A_180 : memref<128xi32, #tpu.memory_space<vmem>>) semaphore(%dma_start3A_185 : memref<!tpu.dma_semaphore, #tpu.memory_space<semaphore_mem>>)
        } else {
        }
      }
      %scan3A_84 = arith.constant 20 : i32
      "tpu.region"() ({
        %run_scoped3A = tpu.sem_alloc : memref<!tpu.dma_semaphore, #tpu.memory_space<semaphore_mem>>
        %dma_start3A_120 = arith.constant 80 : i32
        %dma_start3A_121 = arith.constant 0 : i32
        %dma_start3A_122 = tpu.memref_slice %arg4[%arg1, %dma_start3A_120, %dma_start3A_121] : memref<16x160x128xi32, #tpu.memory_space<hbm>> -> memref<1x40x128xi32, #tpu.memory_space<hbm>>
        %dma_start3A_123 = tpu.memref_squeeze %dma_start3A_122 : memref<1x40x128xi32, #tpu.memory_space<hbm>> -> memref<40x128xi32, #tpu.memory_space<hbm>>
        %dma_start3A_124 = arith.constant 80 : i32
        %dma_start3A_125 = arith.constant 0 : i32
        %dma_start3A_126 = tpu.memref_slice %arg4[%arg1, %dma_start3A_124, %dma_start3A_125] : memref<16x160x128xi32, #tpu.memory_space<hbm>> -> memref<1x40x128xi32, #tpu.memory_space<hbm>>
        %dma_start3A_127 = tpu.memref_squeeze %dma_start3A_126 : memref<1x40x128xi32, #tpu.memory_space<hbm>> -> memref<40x128xi32, #tpu.memory_space<hbm>>
        tpu.enqueue_dma source(%dma_start3A_127 : memref<40x128xi32, #tpu.memory_space<hbm>>) target(%arg7 : memref<40x128xi32, #tpu.memory_space<vmem>>) target_semaphore(%run_scoped3A : memref<!tpu.dma_semaphore, #tpu.memory_space<semaphore_mem>>)
        %dma_wait3A = arith.constant 80 : i32
        %dma_wait3A_128 = arith.constant 0 : i32
        %dma_wait3A_129 = tpu.memref_slice %arg4[%arg1, %dma_wait3A, %dma_wait3A_128] : memref<16x160x128xi32, #tpu.memory_space<hbm>> -> memref<1x40x128xi32, #tpu.memory_space<hbm>>
        %dma_wait3A_130 = tpu.memref_squeeze %dma_wait3A_129 : memref<1x40x128xi32, #tpu.memory_space<hbm>> -> memref<40x128xi32, #tpu.memory_space<hbm>>
        %dma_wait3A_131 = arith.constant 80 : i32
        %dma_wait3A_132 = arith.constant 0 : i32
        %dma_wait3A_133 = tpu.memref_slice %arg4[%arg1, %dma_wait3A_131, %dma_wait3A_132] : memref<16x160x128xi32, #tpu.memory_space<hbm>> -> memref<1x40x128xi32, #tpu.memory_space<hbm>>
        %dma_wait3A_134 = tpu.memref_squeeze %dma_wait3A_133 : memref<1x40x128xi32, #tpu.memory_space<hbm>> -> memref<40x128xi32, #tpu.memory_space<hbm>>
        tpu.wait_dma2 semaphore(%run_scoped3A : memref<!tpu.dma_semaphore, #tpu.memory_space<semaphore_mem>>) src(%dma_wait3A_134 : memref<40x128xi32, #tpu.memory_space<hbm>>) dst(%arg7 : memref<40x128xi32, #tpu.memory_space<vmem>>)
        tpu.yield
      }) : () -> ()
      "tpu.region"() ({
        %run_scoped3A = tpu.sem_alloc : memref<!tpu.dma_semaphore, #tpu.memory_space<semaphore_mem>>
        %dma_start3A_120 = arith.constant 80 : i32
        %dma_start3A_121 = arith.constant 0 : i32
        %dma_start3A_122 = tpu.memref_slice %arg5[%arg1, %dma_start3A_120, %dma_start3A_121] : memref<16x160x128xi32, #tpu.memory_space<hbm>> -> memref<1x40x128xi32, #tpu.memory_space<hbm>>
        %dma_start3A_123 = tpu.memref_squeeze %dma_start3A_122 : memref<1x40x128xi32, #tpu.memory_space<hbm>> -> memref<40x128xi32, #tpu.memory_space<hbm>>
        %dma_start3A_124 = arith.constant 80 : i32
        %dma_start3A_125 = arith.constant 0 : i32
        %dma_start3A_126 = tpu.memref_slice %arg5[%arg1, %dma_start3A_124, %dma_start3A_125] : memref<16x160x128xi32, #tpu.memory_space<hbm>> -> memref<1x40x128xi32, #tpu.memory_space<hbm>>
        %dma_start3A_127 = tpu.memref_squeeze %dma_start3A_126 : memref<1x40x128xi32, #tpu.memory_space<hbm>> -> memref<40x128xi32, #tpu.memory_space<hbm>>
        tpu.enqueue_dma source(%dma_start3A_127 : memref<40x128xi32, #tpu.memory_space<hbm>>) target(%arg8 : memref<40x128xi32, #tpu.memory_space<vmem>>) target_semaphore(%run_scoped3A : memref<!tpu.dma_semaphore, #tpu.memory_space<semaphore_mem>>)
        %dma_wait3A = arith.constant 80 : i32
        %dma_wait3A_128 = arith.constant 0 : i32
        %dma_wait3A_129 = tpu.memref_slice %arg5[%arg1, %dma_wait3A, %dma_wait3A_128] : memref<16x160x128xi32, #tpu.memory_space<hbm>> -> memref<1x40x128xi32, #tpu.memory_space<hbm>>
        %dma_wait3A_130 = tpu.memref_squeeze %dma_wait3A_129 : memref<1x40x128xi32, #tpu.memory_space<hbm>> -> memref<40x128xi32, #tpu.memory_space<hbm>>
        %dma_wait3A_131 = arith.constant 80 : i32
        %dma_wait3A_132 = arith.constant 0 : i32
        %dma_wait3A_133 = tpu.memref_slice %arg5[%arg1, %dma_wait3A_131, %dma_wait3A_132] : memref<16x160x128xi32, #tpu.memory_space<hbm>> -> memref<1x40x128xi32, #tpu.memory_space<hbm>>
        %dma_wait3A_134 = tpu.memref_squeeze %dma_wait3A_133 : memref<1x40x128xi32, #tpu.memory_space<hbm>> -> memref<40x128xi32, #tpu.memory_space<hbm>>
        tpu.wait_dma2 semaphore(%run_scoped3A : memref<!tpu.dma_semaphore, #tpu.memory_space<semaphore_mem>>) src(%dma_wait3A_134 : memref<40x128xi32, #tpu.memory_space<hbm>>) dst(%arg8 : memref<40x128xi32, #tpu.memory_space<vmem>>)
        tpu.yield
      }) : () -> ()
      %dma_start3A_85 = arith.constant 0 : i32
      %dma_start3A_86 = arith.constant 0 : i32
      %dma_start3A_87 = arith.constant 0 : i32
      %dma_start3A_88 = arith.constant 0 : i32
      %dma_start3A_89 = arith.constant 0 : i32
      %dma_start3A_90 = tpu.memref_slice %arg9[%dma_start3A_86, %dma_start3A_88, %dma_start3A_89] : memref<2x128x128xf32, #tpu.memory_space<vmem>> -> memref<1x128x128xf32, #tpu.memory_space<vmem>>
      %dma_start3A_91 = tpu.memref_squeeze %dma_start3A_90 : memref<1x128x128xf32, #tpu.memory_space<vmem>> -> memref<128x128xf32, #tpu.memory_space<vmem>>
      %dma_start3A_92 = arith.constant 0 : i32
      %dma_start3A_93 = tpu.memref_slice %arg7[%dma_start3A_85, %dma_start3A_92] : memref<40x128xi32, #tpu.memory_space<vmem>> -> memref<1x128xi32, #tpu.memory_space<vmem>>
      %dma_start3A_94 = tpu.memref_squeeze %dma_start3A_93 : memref<1x128xi32, #tpu.memory_space<vmem>> -> memref<128xi32, #tpu.memory_space<vmem>>
      %dma_start3A_95 = arith.constant 0 : i32
      %dma_start3A_96 = arith.constant 0 : i32
      %dma_start3A_97 = tpu.memref_slice %arg2[%dma_start3A_95, %dma_start3A_96] : memref<10000x128xf32, #tpu.memory_space<hbm>> -> memref<10000x128xf32, #tpu.memory_space<hbm>>
      %dma_start3A_98 = tpu.memref_slice %arg11[%dma_start3A_87] : memref<2x!tpu.dma_semaphore, #tpu.memory_space<semaphore_mem>> -> memref<1x!tpu.dma_semaphore, #tpu.memory_space<semaphore_mem>>
      %dma_start3A_99 = tpu.memref_squeeze %dma_start3A_98 : memref<1x!tpu.dma_semaphore, #tpu.memory_space<semaphore_mem>> -> memref<!tpu.dma_semaphore, #tpu.memory_space<semaphore_mem>>
      tpu.enqueue_indirect_dma source(%dma_start3A_97 : memref<10000x128xf32, #tpu.memory_space<hbm>>) target(%dma_start3A_91 : memref<128x128xf32, #tpu.memory_space<vmem>>) offsets(%dma_start3A_94 : memref<128xi32, #tpu.memory_space<vmem>>) semaphore(%dma_start3A_99 : memref<!tpu.dma_semaphore, #tpu.memory_space<semaphore_mem>>)
      %dma_start3A_100 = arith.constant 1 : i32
      %dma_start3A_101 = arith.constant 1 : i32
      %dma_start3A_102 = arith.constant 1 : i32
      %dma_start3A_103 = arith.constant 0 : i32
      %dma_start3A_104 = arith.constant 0 : i32
      %dma_start3A_105 = tpu.memref_slice %arg9[%dma_start3A_101, %dma_start3A_103, %dma_start3A_104] : memref<2x128x128xf32, #tpu.memory_space<vmem>> -> memref<1x128x128xf32, #tpu.memory_space<vmem>>
      %dma_start3A_106 = tpu.memref_squeeze %dma_start3A_105 : memref<1x128x128xf32, #tpu.memory_space<vmem>> -> memref<128x128xf32, #tpu.memory_space<vmem>>
      %dma_start3A_107 = arith.constant 0 : i32
      %dma_start3A_108 = tpu.memref_slice %arg7[%dma_start3A_100, %dma_start3A_107] : memref<40x128xi32, #tpu.memory_space<vmem>> -> memref<1x128xi32, #tpu.memory_space<vmem>>
      %dma_start3A_109 = tpu.memref_squeeze %dma_start3A_108 : memref<1x128xi32, #tpu.memory_space<vmem>> -> memref<128xi32, #tpu.memory_space<vmem>>
      %dma_start3A_110 = arith.constant 0 : i32
      %dma_start3A_111 = arith.constant 0 : i32
      %dma_start3A_112 = tpu.memref_slice %arg2[%dma_start3A_110, %dma_start3A_111] : memref<10000x128xf32, #tpu.memory_space<hbm>> -> memref<10000x128xf32, #tpu.memory_space<hbm>>
      %dma_start3A_113 = tpu.memref_slice %arg11[%dma_start3A_102] : memref<2x!tpu.dma_semaphore, #tpu.memory_space<semaphore_mem>> -> memref<1x!tpu.dma_semaphore, #tpu.memory_space<semaphore_mem>>
      %dma_start3A_114 = tpu.memref_squeeze %dma_start3A_113 : memref<1x!tpu.dma_semaphore, #tpu.memory_space<semaphore_mem>> -> memref<!tpu.dma_semaphore, #tpu.memory_space<semaphore_mem>>
      tpu.enqueue_indirect_dma source(%dma_start3A_112 : memref<10000x128xf32, #tpu.memory_space<hbm>>) target(%dma_start3A_106 : memref<128x128xf32, #tpu.memory_space<vmem>>) offsets(%dma_start3A_109 : memref<128xi32, #tpu.memory_space<vmem>>) semaphore(%dma_start3A_114 : memref<!tpu.dma_semaphore, #tpu.memory_space<semaphore_mem>>)
      %scan3A_115 = arith.constant 0 : i32
      %scan3A_116 = arith.constant 20 : i32
      %scan3A_117 = arith.addi %scan3A_115, %scan3A_116 : i32
      %scan3A_118 = arith.constant 1 : i32
      scf.for %scan3A_120 = %scan3A_115 to %scan3A_117 step %scan3A_118  : i32 {
        %mul3A = arith.constant 2 : i32
        %mul3A_121 = arith.muli %mul3A, %scan3A_120 : i32
        %add3A = arith.constant 0 : i32
        %add3A_122 = arith.addi %mul3A_121, %add3A : i32
        %dma_wait3A = arith.constant 0 : i32
        %dma_wait3A_123 = arith.constant 0 : i32
        %dma_wait3A_124 = arith.constant 0 : i32
        %dma_wait3A_125 = arith.constant 0 : i32
        %dma_wait3A_126 = tpu.memref_slice %arg9[%dma_wait3A, %dma_wait3A_124, %dma_wait3A_125] : memref<2x128x128xf32, #tpu.memory_space<vmem>> -> memref<1x128x128xf32, #tpu.memory_space<vmem>>
        %dma_wait3A_127 = tpu.memref_squeeze %dma_wait3A_126 : memref<1x128x128xf32, #tpu.memory_space<vmem>> -> memref<128x128xf32, #tpu.memory_space<vmem>>
        %dma_wait3A_128 = arith.constant 0 : i32
        %dma_wait3A_129 = tpu.memref_slice %arg7[%add3A_122, %dma_wait3A_128] : memref<40x128xi32, #tpu.memory_space<vmem>> -> memref<1x128xi32, #tpu.memory_space<vmem>>
        %dma_wait3A_130 = tpu.memref_squeeze %dma_wait3A_129 : memref<1x128xi32, #tpu.memory_space<vmem>> -> memref<128xi32, #tpu.memory_space<vmem>>
        %dma_wait3A_131 = arith.constant 0 : i32
        %dma_wait3A_132 = arith.constant 0 : i32
        %dma_wait3A_133 = tpu.memref_slice %arg2[%dma_wait3A_131, %dma_wait3A_132] : memref<10000x128xf32, #tpu.memory_space<hbm>> -> memref<10000x128xf32, #tpu.memory_space<hbm>>
        %dma_wait3A_134 = tpu.memref_slice %arg11[%dma_wait3A_123] : memref<2x!tpu.dma_semaphore, #tpu.memory_space<semaphore_mem>> -> memref<1x!tpu.dma_semaphore, #tpu.memory_space<semaphore_mem>>
        %dma_wait3A_135 = tpu.memref_squeeze %dma_wait3A_134 : memref<1x!tpu.dma_semaphore, #tpu.memory_space<semaphore_mem>> -> memref<!tpu.dma_semaphore, #tpu.memory_space<semaphore_mem>>
        tpu.wait_indirect_dma semaphore(%dma_wait3A_135 : memref<!tpu.dma_semaphore, #tpu.memory_space<semaphore_mem>>) src(%dma_wait3A_133 : memref<10000x128xf32, #tpu.memory_space<hbm>>) dst(%dma_wait3A_127 : memref<128x128xf32, #tpu.memory_space<vmem>>)
        %run_scoped3A = arith.constant 0 : i32
        "tpu.region"() ({
          %run_scoped3A_172 = tpu.sem_alloc : memref<!tpu.dma_semaphore, #tpu.memory_space<semaphore_mem>>
          %dma_start3A_173 = arith.constant 0 : i32
          %dma_start3A_174 = arith.constant 0 : i32
          %dma_start3A_175 = tpu.memref_slice %arg9[%run_scoped3A, %dma_start3A_173, %dma_start3A_174] : memref<2x128x128xf32, #tpu.memory_space<vmem>> -> memref<1x128x128xf32, #tpu.memory_space<vmem>>
          %dma_start3A_176 = tpu.memref_squeeze %dma_start3A_175 : memref<1x128x128xf32, #tpu.memory_space<vmem>> -> memref<128x128xf32, #tpu.memory_space<vmem>>
          %dma_start3A_177 = arith.constant 0 : i32
          %dma_start3A_178 = tpu.memref_slice %arg8[%add3A_122, %dma_start3A_177] : memref<40x128xi32, #tpu.memory_space<vmem>> -> memref<1x128xi32, #tpu.memory_space<vmem>>
          %dma_start3A_179 = tpu.memref_squeeze %dma_start3A_178 : memref<1x128xi32, #tpu.memory_space<vmem>> -> memref<128xi32, #tpu.memory_space<vmem>>
          %dma_start3A_180 = arith.constant 0 : i32
          %dma_start3A_181 = arith.constant 0 : i32
          %dma_start3A_182 = tpu.memref_slice %arg10[%dma_start3A_180, %dma_start3A_181] : memref<10240x128xf32, #tpu.memory_space<vmem_shared>> -> memref<10240x128xf32, #tpu.memory_space<vmem_shared>>
          tpu.enqueue_indirect_dma source(%dma_start3A_176 : memref<128x128xf32, #tpu.memory_space<vmem>>) target(%dma_start3A_182 : memref<10240x128xf32, #tpu.memory_space<vmem_shared>>) offsets(%dma_start3A_179 : memref<128xi32, #tpu.memory_space<vmem>>) semaphore(%run_scoped3A_172 : memref<!tpu.dma_semaphore, #tpu.memory_space<semaphore_mem>>) {add = true}
          %dma_wait3A_183 = arith.constant 0 : i32
          %dma_wait3A_184 = arith.constant 0 : i32
          %dma_wait3A_185 = tpu.memref_slice %arg9[%run_scoped3A, %dma_wait3A_183, %dma_wait3A_184] : memref<2x128x128xf32, #tpu.memory_space<vmem>> -> memref<1x128x128xf32, #tpu.memory_space<vmem>>
          %dma_wait3A_186 = tpu.memref_squeeze %dma_wait3A_185 : memref<1x128x128xf32, #tpu.memory_space<vmem>> -> memref<128x128xf32, #tpu.memory_space<vmem>>
          %dma_wait3A_187 = arith.constant 0 : i32
          %dma_wait3A_188 = tpu.memref_slice %arg8[%add3A_122, %dma_wait3A_187] : memref<40x128xi32, #tpu.memory_space<vmem>> -> memref<1x128xi32, #tpu.memory_space<vmem>>
          %dma_wait3A_189 = tpu.memref_squeeze %dma_wait3A_188 : memref<1x128xi32, #tpu.memory_space<vmem>> -> memref<128xi32, #tpu.memory_space<vmem>>
          %dma_wait3A_190 = arith.constant 0 : i32
          %dma_wait3A_191 = arith.constant 0 : i32
          %dma_wait3A_192 = tpu.memref_slice %arg10[%dma_wait3A_190, %dma_wait3A_191] : memref<10240x128xf32, #tpu.memory_space<vmem_shared>> -> memref<10240x128xf32, #tpu.memory_space<vmem_shared>>
          tpu.wait_indirect_dma semaphore(%run_scoped3A_172 : memref<!tpu.dma_semaphore, #tpu.memory_space<semaphore_mem>>) src(%dma_wait3A_186 : memref<128x128xf32, #tpu.memory_space<vmem>>) dst(%dma_wait3A_192 : memref<10240x128xf32, #tpu.memory_space<vmem_shared>>)
          tpu.yield
        }) : () -> ()
        %add3A_136 = arith.constant 2 : i32
        %add3A_137 = arith.addi %add3A_122, %add3A_136 : i32
        %lt3A = arith.constant 40 : i32
        %lt3A_138 = arith.cmpi slt, %add3A_137, %lt3A : i32
        %convert_element_type3A_139 = arith.extui %lt3A_138 : i1 to i32
        %cond3A_140 = arith.constant 0 : i32
        %cond3A_141 = arith.constant 0 : i32
        %cond3A_142 = arith.constant 0 : i32
        %cond3A_143 = arith.cmpi ne, %convert_element_type3A_139, %cond3A_142 : i32
        scf.if %cond3A_143 {
          %add3A_172 = arith.constant 2 : i32
          %add3A_173 = arith.addi %add3A_122, %add3A_172 : i32
          %dma_start3A_174 = arith.constant 0 : i32
          %dma_start3A_175 = arith.constant 0 : i32
          %dma_start3A_176 = tpu.memref_slice %arg9[%cond3A_140, %dma_start3A_174, %dma_start3A_175] : memref<2x128x128xf32, #tpu.memory_space<vmem>> -> memref<1x128x128xf32, #tpu.memory_space<vmem>>
          %dma_start3A_177 = tpu.memref_squeeze %dma_start3A_176 : memref<1x128x128xf32, #tpu.memory_space<vmem>> -> memref<128x128xf32, #tpu.memory_space<vmem>>
          %dma_start3A_178 = arith.constant 0 : i32
          %dma_start3A_179 = tpu.memref_slice %arg7[%add3A_173, %dma_start3A_178] : memref<40x128xi32, #tpu.memory_space<vmem>> -> memref<1x128xi32, #tpu.memory_space<vmem>>
          %dma_start3A_180 = tpu.memref_squeeze %dma_start3A_179 : memref<1x128xi32, #tpu.memory_space<vmem>> -> memref<128xi32, #tpu.memory_space<vmem>>
          %dma_start3A_181 = arith.constant 0 : i32
          %dma_start3A_182 = arith.constant 0 : i32
          %dma_start3A_183 = tpu.memref_slice %arg2[%dma_start3A_181, %dma_start3A_182] : memref<10000x128xf32, #tpu.memory_space<hbm>> -> memref<10000x128xf32, #tpu.memory_space<hbm>>
          %dma_start3A_184 = tpu.memref_slice %arg11[%cond3A_141] : memref<2x!tpu.dma_semaphore, #tpu.memory_space<semaphore_mem>> -> memref<1x!tpu.dma_semaphore, #tpu.memory_space<semaphore_mem>>
          %dma_start3A_185 = tpu.memref_squeeze %dma_start3A_184 : memref<1x!tpu.dma_semaphore, #tpu.memory_space<semaphore_mem>> -> memref<!tpu.dma_semaphore, #tpu.memory_space<semaphore_mem>>
          tpu.enqueue_indirect_dma source(%dma_start3A_183 : memref<10000x128xf32, #tpu.memory_space<hbm>>) target(%dma_start3A_177 : memref<128x128xf32, #tpu.memory_space<vmem>>) offsets(%dma_start3A_180 : memref<128xi32, #tpu.memory_space<vmem>>) semaphore(%dma_start3A_185 : memref<!tpu.dma_semaphore, #tpu.memory_space<semaphore_mem>>)
        } else {
        }
        %mul3A_144 = arith.constant 2 : i32
        %mul3A_145 = arith.muli %mul3A_144, %scan3A_120 : i32
        %add3A_146 = arith.constant 1 : i32
        %add3A_147 = arith.addi %mul3A_145, %add3A_146 : i32
        %dma_wait3A_148 = arith.constant 1 : i32
        %dma_wait3A_149 = arith.constant 1 : i32
        %dma_wait3A_150 = arith.constant 0 : i32
        %dma_wait3A_151 = arith.constant 0 : i32
        %dma_wait3A_152 = tpu.memref_slice %arg9[%dma_wait3A_148, %dma_wait3A_150, %dma_wait3A_151] : memref<2x128x128xf32, #tpu.memory_space<vmem>> -> memref<1x128x128xf32, #tpu.memory_space<vmem>>
        %dma_wait3A_153 = tpu.memref_squeeze %dma_wait3A_152 : memref<1x128x128xf32, #tpu.memory_space<vmem>> -> memref<128x128xf32, #tpu.memory_space<vmem>>
        %dma_wait3A_154 = arith.constant 0 : i32
        %dma_wait3A_155 = tpu.memref_slice %arg7[%add3A_147, %dma_wait3A_154] : memref<40x128xi32, #tpu.memory_space<vmem>> -> memref<1x128xi32, #tpu.memory_space<vmem>>
        %dma_wait3A_156 = tpu.memref_squeeze %dma_wait3A_155 : memref<1x128xi32, #tpu.memory_space<vmem>> -> memref<128xi32, #tpu.memory_space<vmem>>
        %dma_wait3A_157 = arith.constant 0 : i32
        %dma_wait3A_158 = arith.constant 0 : i32
        %dma_wait3A_159 = tpu.memref_slice %arg2[%dma_wait3A_157, %dma_wait3A_158] : memref<10000x128xf32, #tpu.memory_space<hbm>> -> memref<10000x128xf32, #tpu.memory_space<hbm>>
        %dma_wait3A_160 = tpu.memref_slice %arg11[%dma_wait3A_149] : memref<2x!tpu.dma_semaphore, #tpu.memory_space<semaphore_mem>> -> memref<1x!tpu.dma_semaphore, #tpu.memory_space<semaphore_mem>>
        %dma_wait3A_161 = tpu.memref_squeeze %dma_wait3A_160 : memref<1x!tpu.dma_semaphore, #tpu.memory_space<semaphore_mem>> -> memref<!tpu.dma_semaphore, #tpu.memory_space<semaphore_mem>>
        tpu.wait_indirect_dma semaphore(%dma_wait3A_161 : memref<!tpu.dma_semaphore, #tpu.memory_space<semaphore_mem>>) src(%dma_wait3A_159 : memref<10000x128xf32, #tpu.memory_space<hbm>>) dst(%dma_wait3A_153 : memref<128x128xf32, #tpu.memory_space<vmem>>)
        %run_scoped3A_162 = arith.constant 1 : i32
        "tpu.region"() ({
          %run_scoped3A_172 = tpu.sem_alloc : memref<!tpu.dma_semaphore, #tpu.memory_space<semaphore_mem>>
          %dma_start3A_173 = arith.constant 0 : i32
          %dma_start3A_174 = arith.constant 0 : i32
          %dma_start3A_175 = tpu.memref_slice %arg9[%run_scoped3A_162, %dma_start3A_173, %dma_start3A_174] : memref<2x128x128xf32, #tpu.memory_space<vmem>> -> memref<1x128x128xf32, #tpu.memory_space<vmem>>
          %dma_start3A_176 = tpu.memref_squeeze %dma_start3A_175 : memref<1x128x128xf32, #tpu.memory_space<vmem>> -> memref<128x128xf32, #tpu.memory_space<vmem>>
          %dma_start3A_177 = arith.constant 0 : i32
          %dma_start3A_178 = tpu.memref_slice %arg8[%add3A_147, %dma_start3A_177] : memref<40x128xi32, #tpu.memory_space<vmem>> -> memref<1x128xi32, #tpu.memory_space<vmem>>
          %dma_start3A_179 = tpu.memref_squeeze %dma_start3A_178 : memref<1x128xi32, #tpu.memory_space<vmem>> -> memref<128xi32, #tpu.memory_space<vmem>>
          %dma_start3A_180 = arith.constant 0 : i32
          %dma_start3A_181 = arith.constant 0 : i32
          %dma_start3A_182 = tpu.memref_slice %arg10[%dma_start3A_180, %dma_start3A_181] : memref<10240x128xf32, #tpu.memory_space<vmem_shared>> -> memref<10240x128xf32, #tpu.memory_space<vmem_shared>>
          tpu.enqueue_indirect_dma source(%dma_start3A_176 : memref<128x128xf32, #tpu.memory_space<vmem>>) target(%dma_start3A_182 : memref<10240x128xf32, #tpu.memory_space<vmem_shared>>) offsets(%dma_start3A_179 : memref<128xi32, #tpu.memory_space<vmem>>) semaphore(%run_scoped3A_172 : memref<!tpu.dma_semaphore, #tpu.memory_space<semaphore_mem>>) {add = true}
          %dma_wait3A_183 = arith.constant 0 : i32
          %dma_wait3A_184 = arith.constant 0 : i32
          %dma_wait3A_185 = tpu.memref_slice %arg9[%run_scoped3A_162, %dma_wait3A_183, %dma_wait3A_184] : memref<2x128x128xf32, #tpu.memory_space<vmem>> -> memref<1x128x128xf32, #tpu.memory_space<vmem>>
          %dma_wait3A_186 = tpu.memref_squeeze %dma_wait3A_185 : memref<1x128x128xf32, #tpu.memory_space<vmem>> -> memref<128x128xf32, #tpu.memory_space<vmem>>
          %dma_wait3A_187 = arith.constant 0 : i32
          %dma_wait3A_188 = tpu.memref_slice %arg8[%add3A_147, %dma_wait3A_187] : memref<40x128xi32, #tpu.memory_space<vmem>> -> memref<1x128xi32, #tpu.memory_space<vmem>>
          %dma_wait3A_189 = tpu.memref_squeeze %dma_wait3A_188 : memref<1x128xi32, #tpu.memory_space<vmem>> -> memref<128xi32, #tpu.memory_space<vmem>>
          %dma_wait3A_190 = arith.constant 0 : i32
          %dma_wait3A_191 = arith.constant 0 : i32
          %dma_wait3A_192 = tpu.memref_slice %arg10[%dma_wait3A_190, %dma_wait3A_191] : memref<10240x128xf32, #tpu.memory_space<vmem_shared>> -> memref<10240x128xf32, #tpu.memory_space<vmem_shared>>
          tpu.wait_indirect_dma semaphore(%run_scoped3A_172 : memref<!tpu.dma_semaphore, #tpu.memory_space<semaphore_mem>>) src(%dma_wait3A_186 : memref<128x128xf32, #tpu.memory_space<vmem>>) dst(%dma_wait3A_192 : memref<10240x128xf32, #tpu.memory_space<vmem_shared>>)
          tpu.yield
        }) : () -> ()
        %add3A_163 = arith.constant 2 : i32
        %add3A_164 = arith.addi %add3A_147, %add3A_163 : i32
        %lt3A_165 = arith.constant 40 : i32
        %lt3A_166 = arith.cmpi slt, %add3A_164, %lt3A_165 : i32
        %convert_element_type3A_167 = arith.extui %lt3A_166 : i1 to i32
        %cond3A_168 = arith.constant 1 : i32
        %cond3A_169 = arith.constant 1 : i32
        %cond3A_170 = arith.constant 0 : i32
        %cond3A_171 = arith.cmpi ne, %convert_element_type3A_167, %cond3A_170 : i32
        scf.if %cond3A_171 {
          %add3A_172 = arith.constant 2 : i32
          %add3A_173 = arith.addi %add3A_147, %add3A_172 : i32
          %dma_start3A_174 = arith.constant 0 : i32
          %dma_start3A_175 = arith.constant 0 : i32
          %dma_start3A_176 = tpu.memref_slice %arg9[%cond3A_168, %dma_start3A_174, %dma_start3A_175] : memref<2x128x128xf32, #tpu.memory_space<vmem>> -> memref<1x128x128xf32, #tpu.memory_space<vmem>>
          %dma_start3A_177 = tpu.memref_squeeze %dma_start3A_176 : memref<1x128x128xf32, #tpu.memory_space<vmem>> -> memref<128x128xf32, #tpu.memory_space<vmem>>
          %dma_start3A_178 = arith.constant 0 : i32
          %dma_start3A_179 = tpu.memref_slice %arg7[%add3A_173, %dma_start3A_178] : memref<40x128xi32, #tpu.memory_space<vmem>> -> memref<1x128xi32, #tpu.memory_space<vmem>>
          %dma_start3A_180 = tpu.memref_squeeze %dma_start3A_179 : memref<1x128xi32, #tpu.memory_space<vmem>> -> memref<128xi32, #tpu.memory_space<vmem>>
          %dma_start3A_181 = arith.constant 0 : i32
          %dma_start3A_182 = arith.constant 0 : i32
          %dma_start3A_183 = tpu.memref_slice %arg2[%dma_start3A_181, %dma_start3A_182] : memref<10000x128xf32, #tpu.memory_space<hbm>> -> memref<10000x128xf32, #tpu.memory_space<hbm>>
          %dma_start3A_184 = tpu.memref_slice %arg11[%cond3A_169] : memref<2x!tpu.dma_semaphore, #tpu.memory_space<semaphore_mem>> -> memref<1x!tpu.dma_semaphore, #tpu.memory_space<semaphore_mem>>
          %dma_start3A_185 = tpu.memref_squeeze %dma_start3A_184 : memref<1x!tpu.dma_semaphore, #tpu.memory_space<semaphore_mem>> -> memref<!tpu.dma_semaphore, #tpu.memory_space<semaphore_mem>>
          tpu.enqueue_indirect_dma source(%dma_start3A_183 : memref<10000x128xf32, #tpu.memory_space<hbm>>) target(%dma_start3A_177 : memref<128x128xf32, #tpu.memory_space<vmem>>) offsets(%dma_start3A_180 : memref<128xi32, #tpu.memory_space<vmem>>) semaphore(%dma_start3A_185 : memref<!tpu.dma_semaphore, #tpu.memory_space<semaphore_mem>>)
        } else {
        }
      }
      %scan3A_119 = arith.constant 20 : i32
    } else {
    }
    %ne3A = arith.constant 0 : i32
    %ne3A_6 = arith.cmpi ne, %arg0, %ne3A : i32
    %convert_element_type3A_7 = arith.extui %ne3A_6 : i1 to i32
    %cond3A_8 = arith.constant 0 : i32
    %cond3A_9 = arith.cmpi ne, %convert_element_type3A_7, %cond3A_8 : i32
    scf.if %cond3A_9 {
      "tpu.region"() ({
        %run_scoped3A = tpu.sem_alloc : memref<!tpu.dma_semaphore, #tpu.memory_space<semaphore_mem>>
        %dma_start3A_50 = arith.constant 120 : i32
        %dma_start3A_51 = arith.constant 0 : i32
        %dma_start3A_52 = tpu.memref_slice %arg4[%arg1, %dma_start3A_50, %dma_start3A_51] : memref<16x160x128xi32, #tpu.memory_space<hbm>> -> memref<1x40x128xi32, #tpu.memory_space<hbm>>
        %dma_start3A_53 = tpu.memref_squeeze %dma_start3A_52 : memref<1x40x128xi32, #tpu.memory_space<hbm>> -> memref<40x128xi32, #tpu.memory_space<hbm>>
        %dma_start3A_54 = arith.constant 120 : i32
        %dma_start3A_55 = arith.constant 0 : i32
        %dma_start3A_56 = tpu.memref_slice %arg4[%arg1, %dma_start3A_54, %dma_start3A_55] : memref<16x160x128xi32, #tpu.memory_space<hbm>> -> memref<1x40x128xi32, #tpu.memory_space<hbm>>
        %dma_start3A_57 = tpu.memref_squeeze %dma_start3A_56 : memref<1x40x128xi32, #tpu.memory_space<hbm>> -> memref<40x128xi32, #tpu.memory_space<hbm>>
        tpu.enqueue_dma source(%dma_start3A_57 : memref<40x128xi32, #tpu.memory_space<hbm>>) target(%arg7 : memref<40x128xi32, #tpu.memory_space<vmem>>) target_semaphore(%run_scoped3A : memref<!tpu.dma_semaphore, #tpu.memory_space<semaphore_mem>>)
        %dma_wait3A = arith.constant 120 : i32
        %dma_wait3A_58 = arith.constant 0 : i32
        %dma_wait3A_59 = tpu.memref_slice %arg4[%arg1, %dma_wait3A, %dma_wait3A_58] : memref<16x160x128xi32, #tpu.memory_space<hbm>> -> memref<1x40x128xi32, #tpu.memory_space<hbm>>
        %dma_wait3A_60 = tpu.memref_squeeze %dma_wait3A_59 : memref<1x40x128xi32, #tpu.memory_space<hbm>> -> memref<40x128xi32, #tpu.memory_space<hbm>>
        %dma_wait3A_61 = arith.constant 120 : i32
        %dma_wait3A_62 = arith.constant 0 : i32
        %dma_wait3A_63 = tpu.memref_slice %arg4[%arg1, %dma_wait3A_61, %dma_wait3A_62] : memref<16x160x128xi32, #tpu.memory_space<hbm>> -> memref<1x40x128xi32, #tpu.memory_space<hbm>>
        %dma_wait3A_64 = tpu.memref_squeeze %dma_wait3A_63 : memref<1x40x128xi32, #tpu.memory_space<hbm>> -> memref<40x128xi32, #tpu.memory_space<hbm>>
        tpu.wait_dma2 semaphore(%run_scoped3A : memref<!tpu.dma_semaphore, #tpu.memory_space<semaphore_mem>>) src(%dma_wait3A_64 : memref<40x128xi32, #tpu.memory_space<hbm>>) dst(%arg7 : memref<40x128xi32, #tpu.memory_space<vmem>>)
        tpu.yield
      }) : () -> ()
      "tpu.region"() ({
        %run_scoped3A = tpu.sem_alloc : memref<!tpu.dma_semaphore, #tpu.memory_space<semaphore_mem>>
        %dma_start3A_50 = arith.constant 120 : i32
        %dma_start3A_51 = arith.constant 0 : i32
        %dma_start3A_52 = tpu.memref_slice %arg5[%arg1, %dma_start3A_50, %dma_start3A_51] : memref<16x160x128xi32, #tpu.memory_space<hbm>> -> memref<1x40x128xi32, #tpu.memory_space<hbm>>
        %dma_start3A_53 = tpu.memref_squeeze %dma_start3A_52 : memref<1x40x128xi32, #tpu.memory_space<hbm>> -> memref<40x128xi32, #tpu.memory_space<hbm>>
        %dma_start3A_54 = arith.constant 120 : i32
        %dma_start3A_55 = arith.constant 0 : i32
        %dma_start3A_56 = tpu.memref_slice %arg5[%arg1, %dma_start3A_54, %dma_start3A_55] : memref<16x160x128xi32, #tpu.memory_space<hbm>> -> memref<1x40x128xi32, #tpu.memory_space<hbm>>
        %dma_start3A_57 = tpu.memref_squeeze %dma_start3A_56 : memref<1x40x128xi32, #tpu.memory_space<hbm>> -> memref<40x128xi32, #tpu.memory_space<hbm>>
        tpu.enqueue_dma source(%dma_start3A_57 : memref<40x128xi32, #tpu.memory_space<hbm>>) target(%arg8 : memref<40x128xi32, #tpu.memory_space<vmem>>) target_semaphore(%run_scoped3A : memref<!tpu.dma_semaphore, #tpu.memory_space<semaphore_mem>>)
        %dma_wait3A = arith.constant 120 : i32
        %dma_wait3A_58 = arith.constant 0 : i32
        %dma_wait3A_59 = tpu.memref_slice %arg5[%arg1, %dma_wait3A, %dma_wait3A_58] : memref<16x160x128xi32, #tpu.memory_space<hbm>> -> memref<1x40x128xi32, #tpu.memory_space<hbm>>
        %dma_wait3A_60 = tpu.memref_squeeze %dma_wait3A_59 : memref<1x40x128xi32, #tpu.memory_space<hbm>> -> memref<40x128xi32, #tpu.memory_space<hbm>>
        %dma_wait3A_61 = arith.constant 120 : i32
        %dma_wait3A_62 = arith.constant 0 : i32
        %dma_wait3A_63 = tpu.memref_slice %arg5[%arg1, %dma_wait3A_61, %dma_wait3A_62] : memref<16x160x128xi32, #tpu.memory_space<hbm>> -> memref<1x40x128xi32, #tpu.memory_space<hbm>>
        %dma_wait3A_64 = tpu.memref_squeeze %dma_wait3A_63 : memref<1x40x128xi32, #tpu.memory_space<hbm>> -> memref<40x128xi32, #tpu.memory_space<hbm>>
        tpu.wait_dma2 semaphore(%run_scoped3A : memref<!tpu.dma_semaphore, #tpu.memory_space<semaphore_mem>>) src(%dma_wait3A_64 : memref<40x128xi32, #tpu.memory_space<hbm>>) dst(%arg8 : memref<40x128xi32, #tpu.memory_space<vmem>>)
        tpu.yield
      }) : () -> ()
      %dma_start3A = arith.constant 0 : i32
      %dma_start3A_16 = arith.constant 0 : i32
      %dma_start3A_17 = arith.constant 0 : i32
      %dma_start3A_18 = arith.constant 0 : i32
      %dma_start3A_19 = arith.constant 0 : i32
      %dma_start3A_20 = tpu.memref_slice %arg9[%dma_start3A_16, %dma_start3A_18, %dma_start3A_19] : memref<2x128x128xf32, #tpu.memory_space<vmem>> -> memref<1x128x128xf32, #tpu.memory_space<vmem>>
      %dma_start3A_21 = tpu.memref_squeeze %dma_start3A_20 : memref<1x128x128xf32, #tpu.memory_space<vmem>> -> memref<128x128xf32, #tpu.memory_space<vmem>>
      %dma_start3A_22 = arith.constant 0 : i32
      %dma_start3A_23 = tpu.memref_slice %arg7[%dma_start3A, %dma_start3A_22] : memref<40x128xi32, #tpu.memory_space<vmem>> -> memref<1x128xi32, #tpu.memory_space<vmem>>
      %dma_start3A_24 = tpu.memref_squeeze %dma_start3A_23 : memref<1x128xi32, #tpu.memory_space<vmem>> -> memref<128xi32, #tpu.memory_space<vmem>>
      %dma_start3A_25 = arith.constant 0 : i32
      %dma_start3A_26 = arith.constant 0 : i32
      %dma_start3A_27 = tpu.memref_slice %arg2[%dma_start3A_25, %dma_start3A_26] : memref<10000x128xf32, #tpu.memory_space<hbm>> -> memref<10000x128xf32, #tpu.memory_space<hbm>>
      %dma_start3A_28 = tpu.memref_slice %arg11[%dma_start3A_17] : memref<2x!tpu.dma_semaphore, #tpu.memory_space<semaphore_mem>> -> memref<1x!tpu.dma_semaphore, #tpu.memory_space<semaphore_mem>>
      %dma_start3A_29 = tpu.memref_squeeze %dma_start3A_28 : memref<1x!tpu.dma_semaphore, #tpu.memory_space<semaphore_mem>> -> memref<!tpu.dma_semaphore, #tpu.memory_space<semaphore_mem>>
      tpu.enqueue_indirect_dma source(%dma_start3A_27 : memref<10000x128xf32, #tpu.memory_space<hbm>>) target(%dma_start3A_21 : memref<128x128xf32, #tpu.memory_space<vmem>>) offsets(%dma_start3A_24 : memref<128xi32, #tpu.memory_space<vmem>>) semaphore(%dma_start3A_29 : memref<!tpu.dma_semaphore, #tpu.memory_space<semaphore_mem>>)
      %dma_start3A_30 = arith.constant 1 : i32
      %dma_start3A_31 = arith.constant 1 : i32
      %dma_start3A_32 = arith.constant 1 : i32
      %dma_start3A_33 = arith.constant 0 : i32
      %dma_start3A_34 = arith.constant 0 : i32
      %dma_start3A_35 = tpu.memref_slice %arg9[%dma_start3A_31, %dma_start3A_33, %dma_start3A_34] : memref<2x128x128xf32, #tpu.memory_space<vmem>> -> memref<1x128x128xf32, #tpu.memory_space<vmem>>
      %dma_start3A_36 = tpu.memref_squeeze %dma_start3A_35 : memref<1x128x128xf32, #tpu.memory_space<vmem>> -> memref<128x128xf32, #tpu.memory_space<vmem>>
      %dma_start3A_37 = arith.constant 0 : i32
      %dma_start3A_38 = tpu.memref_slice %arg7[%dma_start3A_30, %dma_start3A_37] : memref<40x128xi32, #tpu.memory_space<vmem>> -> memref<1x128xi32, #tpu.memory_space<vmem>>
      %dma_start3A_39 = tpu.memref_squeeze %dma_start3A_38 : memref<1x128xi32, #tpu.memory_space<vmem>> -> memref<128xi32, #tpu.memory_space<vmem>>
      %dma_start3A_40 = arith.constant 0 : i32
      %dma_start3A_41 = arith.constant 0 : i32
      %dma_start3A_42 = tpu.memref_slice %arg2[%dma_start3A_40, %dma_start3A_41] : memref<10000x128xf32, #tpu.memory_space<hbm>> -> memref<10000x128xf32, #tpu.memory_space<hbm>>
      %dma_start3A_43 = tpu.memref_slice %arg11[%dma_start3A_32] : memref<2x!tpu.dma_semaphore, #tpu.memory_space<semaphore_mem>> -> memref<1x!tpu.dma_semaphore, #tpu.memory_space<semaphore_mem>>
      %dma_start3A_44 = tpu.memref_squeeze %dma_start3A_43 : memref<1x!tpu.dma_semaphore, #tpu.memory_space<semaphore_mem>> -> memref<!tpu.dma_semaphore, #tpu.memory_space<semaphore_mem>>
      tpu.enqueue_indirect_dma source(%dma_start3A_42 : memref<10000x128xf32, #tpu.memory_space<hbm>>) target(%dma_start3A_36 : memref<128x128xf32, #tpu.memory_space<vmem>>) offsets(%dma_start3A_39 : memref<128xi32, #tpu.memory_space<vmem>>) semaphore(%dma_start3A_44 : memref<!tpu.dma_semaphore, #tpu.memory_space<semaphore_mem>>)
      %scan3A_45 = arith.constant 0 : i32
      %scan3A_46 = arith.constant 20 : i32
      %scan3A_47 = arith.addi %scan3A_45, %scan3A_46 : i32
      %scan3A_48 = arith.constant 1 : i32
      scf.for %scan3A_50 = %scan3A_45 to %scan3A_47 step %scan3A_48  : i32 {
        %mul3A = arith.constant 2 : i32
        %mul3A_51 = arith.muli %mul3A, %scan3A_50 : i32
        %add3A = arith.constant 0 : i32
        %add3A_52 = arith.addi %mul3A_51, %add3A : i32
        %dma_wait3A = arith.constant 0 : i32
        %dma_wait3A_53 = arith.constant 0 : i32
        %dma_wait3A_54 = arith.constant 0 : i32
        %dma_wait3A_55 = arith.constant 0 : i32
        %dma_wait3A_56 = tpu.memref_slice %arg9[%dma_wait3A, %dma_wait3A_54, %dma_wait3A_55] : memref<2x128x128xf32, #tpu.memory_space<vmem>> -> memref<1x128x128xf32, #tpu.memory_space<vmem>>
        %dma_wait3A_57 = tpu.memref_squeeze %dma_wait3A_56 : memref<1x128x128xf32, #tpu.memory_space<vmem>> -> memref<128x128xf32, #tpu.memory_space<vmem>>
        %dma_wait3A_58 = arith.constant 0 : i32
        %dma_wait3A_59 = tpu.memref_slice %arg7[%add3A_52, %dma_wait3A_58] : memref<40x128xi32, #tpu.memory_space<vmem>> -> memref<1x128xi32, #tpu.memory_space<vmem>>
        %dma_wait3A_60 = tpu.memref_squeeze %dma_wait3A_59 : memref<1x128xi32, #tpu.memory_space<vmem>> -> memref<128xi32, #tpu.memory_space<vmem>>
        %dma_wait3A_61 = arith.constant 0 : i32
        %dma_wait3A_62 = arith.constant 0 : i32
        %dma_wait3A_63 = tpu.memref_slice %arg2[%dma_wait3A_61, %dma_wait3A_62] : memref<10000x128xf32, #tpu.memory_space<hbm>> -> memref<10000x128xf32, #tpu.memory_space<hbm>>
        %dma_wait3A_64 = tpu.memref_slice %arg11[%dma_wait3A_53] : memref<2x!tpu.dma_semaphore, #tpu.memory_space<semaphore_mem>> -> memref<1x!tpu.dma_semaphore, #tpu.memory_space<semaphore_mem>>
        %dma_wait3A_65 = tpu.memref_squeeze %dma_wait3A_64 : memref<1x!tpu.dma_semaphore, #tpu.memory_space<semaphore_mem>> -> memref<!tpu.dma_semaphore, #tpu.memory_space<semaphore_mem>>
        tpu.wait_indirect_dma semaphore(%dma_wait3A_65 : memref<!tpu.dma_semaphore, #tpu.memory_space<semaphore_mem>>) src(%dma_wait3A_63 : memref<10000x128xf32, #tpu.memory_space<hbm>>) dst(%dma_wait3A_57 : memref<128x128xf32, #tpu.memory_space<vmem>>)
        %run_scoped3A = arith.constant 0 : i32
        "tpu.region"() ({
          %run_scoped3A_102 = tpu.sem_alloc : memref<!tpu.dma_semaphore, #tpu.memory_space<semaphore_mem>>
          %dma_start3A_103 = arith.constant 0 : i32
          %dma_start3A_104 = arith.constant 0 : i32
          %dma_start3A_105 = tpu.memref_slice %arg9[%run_scoped3A, %dma_start3A_103, %dma_start3A_104] : memref<2x128x128xf32, #tpu.memory_space<vmem>> -> memref<1x128x128xf32, #tpu.memory_space<vmem>>
          %dma_start3A_106 = tpu.memref_squeeze %dma_start3A_105 : memref<1x128x128xf32, #tpu.memory_space<vmem>> -> memref<128x128xf32, #tpu.memory_space<vmem>>
          %dma_start3A_107 = arith.constant 0 : i32
          %dma_start3A_108 = tpu.memref_slice %arg8[%add3A_52, %dma_start3A_107] : memref<40x128xi32, #tpu.memory_space<vmem>> -> memref<1x128xi32, #tpu.memory_space<vmem>>
          %dma_start3A_109 = tpu.memref_squeeze %dma_start3A_108 : memref<1x128xi32, #tpu.memory_space<vmem>> -> memref<128xi32, #tpu.memory_space<vmem>>
          %dma_start3A_110 = arith.constant 0 : i32
          %dma_start3A_111 = arith.constant 0 : i32
          %dma_start3A_112 = tpu.memref_slice %arg10[%dma_start3A_110, %dma_start3A_111] : memref<10240x128xf32, #tpu.memory_space<vmem_shared>> -> memref<10240x128xf32, #tpu.memory_space<vmem_shared>>
          tpu.enqueue_indirect_dma source(%dma_start3A_106 : memref<128x128xf32, #tpu.memory_space<vmem>>) target(%dma_start3A_112 : memref<10240x128xf32, #tpu.memory_space<vmem_shared>>) offsets(%dma_start3A_109 : memref<128xi32, #tpu.memory_space<vmem>>) semaphore(%run_scoped3A_102 : memref<!tpu.dma_semaphore, #tpu.memory_space<semaphore_mem>>) {add = true}
          %dma_wait3A_113 = arith.constant 0 : i32
          %dma_wait3A_114 = arith.constant 0 : i32
          %dma_wait3A_115 = tpu.memref_slice %arg9[%run_scoped3A, %dma_wait3A_113, %dma_wait3A_114] : memref<2x128x128xf32, #tpu.memory_space<vmem>> -> memref<1x128x128xf32, #tpu.memory_space<vmem>>
          %dma_wait3A_116 = tpu.memref_squeeze %dma_wait3A_115 : memref<1x128x128xf32, #tpu.memory_space<vmem>> -> memref<128x128xf32, #tpu.memory_space<vmem>>
          %dma_wait3A_117 = arith.constant 0 : i32
          %dma_wait3A_118 = tpu.memref_slice %arg8[%add3A_52, %dma_wait3A_117] : memref<40x128xi32, #tpu.memory_space<vmem>> -> memref<1x128xi32, #tpu.memory_space<vmem>>
          %dma_wait3A_119 = tpu.memref_squeeze %dma_wait3A_118 : memref<1x128xi32, #tpu.memory_space<vmem>> -> memref<128xi32, #tpu.memory_space<vmem>>
          %dma_wait3A_120 = arith.constant 0 : i32
          %dma_wait3A_121 = arith.constant 0 : i32
          %dma_wait3A_122 = tpu.memref_slice %arg10[%dma_wait3A_120, %dma_wait3A_121] : memref<10240x128xf32, #tpu.memory_space<vmem_shared>> -> memref<10240x128xf32, #tpu.memory_space<vmem_shared>>
          tpu.wait_indirect_dma semaphore(%run_scoped3A_102 : memref<!tpu.dma_semaphore, #tpu.memory_space<semaphore_mem>>) src(%dma_wait3A_116 : memref<128x128xf32, #tpu.memory_space<vmem>>) dst(%dma_wait3A_122 : memref<10240x128xf32, #tpu.memory_space<vmem_shared>>)
          tpu.yield
        }) : () -> ()
        %add3A_66 = arith.constant 2 : i32
        %add3A_67 = arith.addi %add3A_52, %add3A_66 : i32
        %lt3A = arith.constant 40 : i32
        %lt3A_68 = arith.cmpi slt, %add3A_67, %lt3A : i32
        %convert_element_type3A_69 = arith.extui %lt3A_68 : i1 to i32
        %cond3A_70 = arith.constant 0 : i32
        %cond3A_71 = arith.constant 0 : i32
        %cond3A_72 = arith.constant 0 : i32
        %cond3A_73 = arith.cmpi ne, %convert_element_type3A_69, %cond3A_72 : i32
        scf.if %cond3A_73 {
          %add3A_102 = arith.constant 2 : i32
          %add3A_103 = arith.addi %add3A_52, %add3A_102 : i32
          %dma_start3A_104 = arith.constant 0 : i32
          %dma_start3A_105 = arith.constant 0 : i32
          %dma_start3A_106 = tpu.memref_slice %arg9[%cond3A_70, %dma_start3A_104, %dma_start3A_105] : memref<2x128x128xf32, #tpu.memory_space<vmem>> -> memref<1x128x128xf32, #tpu.memory_space<vmem>>
          %dma_start3A_107 = tpu.memref_squeeze %dma_start3A_106 : memref<1x128x128xf32, #tpu.memory_space<vmem>> -> memref<128x128xf32, #tpu.memory_space<vmem>>
          %dma_start3A_108 = arith.constant 0 : i32
          %dma_start3A_109 = tpu.memref_slice %arg7[%add3A_103, %dma_start3A_108] : memref<40x128xi32, #tpu.memory_space<vmem>> -> memref<1x128xi32, #tpu.memory_space<vmem>>
          %dma_start3A_110 = tpu.memref_squeeze %dma_start3A_109 : memref<1x128xi32, #tpu.memory_space<vmem>> -> memref<128xi32, #tpu.memory_space<vmem>>
          %dma_start3A_111 = arith.constant 0 : i32
          %dma_start3A_112 = arith.constant 0 : i32
          %dma_start3A_113 = tpu.memref_slice %arg2[%dma_start3A_111, %dma_start3A_112] : memref<10000x128xf32, #tpu.memory_space<hbm>> -> memref<10000x128xf32, #tpu.memory_space<hbm>>
          %dma_start3A_114 = tpu.memref_slice %arg11[%cond3A_71] : memref<2x!tpu.dma_semaphore, #tpu.memory_space<semaphore_mem>> -> memref<1x!tpu.dma_semaphore, #tpu.memory_space<semaphore_mem>>
          %dma_start3A_115 = tpu.memref_squeeze %dma_start3A_114 : memref<1x!tpu.dma_semaphore, #tpu.memory_space<semaphore_mem>> -> memref<!tpu.dma_semaphore, #tpu.memory_space<semaphore_mem>>
          tpu.enqueue_indirect_dma source(%dma_start3A_113 : memref<10000x128xf32, #tpu.memory_space<hbm>>) target(%dma_start3A_107 : memref<128x128xf32, #tpu.memory_space<vmem>>) offsets(%dma_start3A_110 : memref<128xi32, #tpu.memory_space<vmem>>) semaphore(%dma_start3A_115 : memref<!tpu.dma_semaphore, #tpu.memory_space<semaphore_mem>>)
        } else {
        }
        %mul3A_74 = arith.constant 2 : i32
        %mul3A_75 = arith.muli %mul3A_74, %scan3A_50 : i32
        %add3A_76 = arith.constant 1 : i32
        %add3A_77 = arith.addi %mul3A_75, %add3A_76 : i32
        %dma_wait3A_78 = arith.constant 1 : i32
        %dma_wait3A_79 = arith.constant 1 : i32
        %dma_wait3A_80 = arith.constant 0 : i32
        %dma_wait3A_81 = arith.constant 0 : i32
        %dma_wait3A_82 = tpu.memref_slice %arg9[%dma_wait3A_78, %dma_wait3A_80, %dma_wait3A_81] : memref<2x128x128xf32, #tpu.memory_space<vmem>> -> memref<1x128x128xf32, #tpu.memory_space<vmem>>
        %dma_wait3A_83 = tpu.memref_squeeze %dma_wait3A_82 : memref<1x128x128xf32, #tpu.memory_space<vmem>> -> memref<128x128xf32, #tpu.memory_space<vmem>>
        %dma_wait3A_84 = arith.constant 0 : i32
        %dma_wait3A_85 = tpu.memref_slice %arg7[%add3A_77, %dma_wait3A_84] : memref<40x128xi32, #tpu.memory_space<vmem>> -> memref<1x128xi32, #tpu.memory_space<vmem>>
        %dma_wait3A_86 = tpu.memref_squeeze %dma_wait3A_85 : memref<1x128xi32, #tpu.memory_space<vmem>> -> memref<128xi32, #tpu.memory_space<vmem>>
        %dma_wait3A_87 = arith.constant 0 : i32
        %dma_wait3A_88 = arith.constant 0 : i32
        %dma_wait3A_89 = tpu.memref_slice %arg2[%dma_wait3A_87, %dma_wait3A_88] : memref<10000x128xf32, #tpu.memory_space<hbm>> -> memref<10000x128xf32, #tpu.memory_space<hbm>>
        %dma_wait3A_90 = tpu.memref_slice %arg11[%dma_wait3A_79] : memref<2x!tpu.dma_semaphore, #tpu.memory_space<semaphore_mem>> -> memref<1x!tpu.dma_semaphore, #tpu.memory_space<semaphore_mem>>
        %dma_wait3A_91 = tpu.memref_squeeze %dma_wait3A_90 : memref<1x!tpu.dma_semaphore, #tpu.memory_space<semaphore_mem>> -> memref<!tpu.dma_semaphore, #tpu.memory_space<semaphore_mem>>
        tpu.wait_indirect_dma semaphore(%dma_wait3A_91 : memref<!tpu.dma_semaphore, #tpu.memory_space<semaphore_mem>>) src(%dma_wait3A_89 : memref<10000x128xf32, #tpu.memory_space<hbm>>) dst(%dma_wait3A_83 : memref<128x128xf32, #tpu.memory_space<vmem>>)
        %run_scoped3A_92 = arith.constant 1 : i32
        "tpu.region"() ({
          %run_scoped3A_102 = tpu.sem_alloc : memref<!tpu.dma_semaphore, #tpu.memory_space<semaphore_mem>>
          %dma_start3A_103 = arith.constant 0 : i32
          %dma_start3A_104 = arith.constant 0 : i32
          %dma_start3A_105 = tpu.memref_slice %arg9[%run_scoped3A_92, %dma_start3A_103, %dma_start3A_104] : memref<2x128x128xf32, #tpu.memory_space<vmem>> -> memref<1x128x128xf32, #tpu.memory_space<vmem>>
          %dma_start3A_106 = tpu.memref_squeeze %dma_start3A_105 : memref<1x128x128xf32, #tpu.memory_space<vmem>> -> memref<128x128xf32, #tpu.memory_space<vmem>>
          %dma_start3A_107 = arith.constant 0 : i32
          %dma_start3A_108 = tpu.memref_slice %arg8[%add3A_77, %dma_start3A_107] : memref<40x128xi32, #tpu.memory_space<vmem>> -> memref<1x128xi32, #tpu.memory_space<vmem>>
          %dma_start3A_109 = tpu.memref_squeeze %dma_start3A_108 : memref<1x128xi32, #tpu.memory_space<vmem>> -> memref<128xi32, #tpu.memory_space<vmem>>
          %dma_start3A_110 = arith.constant 0 : i32
          %dma_start3A_111 = arith.constant 0 : i32
          %dma_start3A_112 = tpu.memref_slice %arg10[%dma_start3A_110, %dma_start3A_111] : memref<10240x128xf32, #tpu.memory_space<vmem_shared>> -> memref<10240x128xf32, #tpu.memory_space<vmem_shared>>
          tpu.enqueue_indirect_dma source(%dma_start3A_106 : memref<128x128xf32, #tpu.memory_space<vmem>>) target(%dma_start3A_112 : memref<10240x128xf32, #tpu.memory_space<vmem_shared>>) offsets(%dma_start3A_109 : memref<128xi32, #tpu.memory_space<vmem>>) semaphore(%run_scoped3A_102 : memref<!tpu.dma_semaphore, #tpu.memory_space<semaphore_mem>>) {add = true}
          %dma_wait3A_113 = arith.constant 0 : i32
          %dma_wait3A_114 = arith.constant 0 : i32
          %dma_wait3A_115 = tpu.memref_slice %arg9[%run_scoped3A_92, %dma_wait3A_113, %dma_wait3A_114] : memref<2x128x128xf32, #tpu.memory_space<vmem>> -> memref<1x128x128xf32, #tpu.memory_space<vmem>>
          %dma_wait3A_116 = tpu.memref_squeeze %dma_wait3A_115 : memref<1x128x128xf32, #tpu.memory_space<vmem>> -> memref<128x128xf32, #tpu.memory_space<vmem>>
          %dma_wait3A_117 = arith.constant 0 : i32
          %dma_wait3A_118 = tpu.memref_slice %arg8[%add3A_77, %dma_wait3A_117] : memref<40x128xi32, #tpu.memory_space<vmem>> -> memref<1x128xi32, #tpu.memory_space<vmem>>
          %dma_wait3A_119 = tpu.memref_squeeze %dma_wait3A_118 : memref<1x128xi32, #tpu.memory_space<vmem>> -> memref<128xi32, #tpu.memory_space<vmem>>
          %dma_wait3A_120 = arith.constant 0 : i32
          %dma_wait3A_121 = arith.constant 0 : i32
          %dma_wait3A_122 = tpu.memref_slice %arg10[%dma_wait3A_120, %dma_wait3A_121] : memref<10240x128xf32, #tpu.memory_space<vmem_shared>> -> memref<10240x128xf32, #tpu.memory_space<vmem_shared>>
          tpu.wait_indirect_dma semaphore(%run_scoped3A_102 : memref<!tpu.dma_semaphore, #tpu.memory_space<semaphore_mem>>) src(%dma_wait3A_116 : memref<128x128xf32, #tpu.memory_space<vmem>>) dst(%dma_wait3A_122 : memref<10240x128xf32, #tpu.memory_space<vmem_shared>>)
          tpu.yield
        }) : () -> ()
        %add3A_93 = arith.constant 2 : i32
        %add3A_94 = arith.addi %add3A_77, %add3A_93 : i32
        %lt3A_95 = arith.constant 40 : i32
        %lt3A_96 = arith.cmpi slt, %add3A_94, %lt3A_95 : i32
        %convert_element_type3A_97 = arith.extui %lt3A_96 : i1 to i32
        %cond3A_98 = arith.constant 1 : i32
        %cond3A_99 = arith.constant 1 : i32
        %cond3A_100 = arith.constant 0 : i32
        %cond3A_101 = arith.cmpi ne, %convert_element_type3A_97, %cond3A_100 : i32
        scf.if %cond3A_101 {
          %add3A_102 = arith.constant 2 : i32
          %add3A_103 = arith.addi %add3A_77, %add3A_102 : i32
          %dma_start3A_104 = arith.constant 0 : i32
          %dma_start3A_105 = arith.constant 0 : i32
          %dma_start3A_106 = tpu.memref_slice %arg9[%cond3A_98, %dma_start3A_104, %dma_start3A_105] : memref<2x128x128xf32, #tpu.memory_space<vmem>> -> memref<1x128x128xf32, #tpu.memory_space<vmem>>
          %dma_start3A_107 = tpu.memref_squeeze %dma_start3A_106 : memref<1x128x128xf32, #tpu.memory_space<vmem>> -> memref<128x128xf32, #tpu.memory_space<vmem>>
          %dma_start3A_108 = arith.constant 0 : i32
          %dma_start3A_109 = tpu.memref_slice %arg7[%add3A_103, %dma_start3A_108] : memref<40x128xi32, #tpu.memory_space<vmem>> -> memref<1x128xi32, #tpu.memory_space<vmem>>
          %dma_start3A_110 = tpu.memref_squeeze %dma_start3A_109 : memref<1x128xi32, #tpu.memory_space<vmem>> -> memref<128xi32, #tpu.memory_space<vmem>>
          %dma_start3A_111 = arith.constant 0 : i32
          %dma_start3A_112 = arith.constant 0 : i32
          %dma_start3A_113 = tpu.memref_slice %arg2[%dma_start3A_111, %dma_start3A_112] : memref<10000x128xf32, #tpu.memory_space<hbm>> -> memref<10000x128xf32, #tpu.memory_space<hbm>>
          %dma_start3A_114 = tpu.memref_slice %arg11[%cond3A_99] : memref<2x!tpu.dma_semaphore, #tpu.memory_space<semaphore_mem>> -> memref<1x!tpu.dma_semaphore, #tpu.memory_space<semaphore_mem>>
          %dma_start3A_115 = tpu.memref_squeeze %dma_start3A_114 : memref<1x!tpu.dma_semaphore, #tpu.memory_space<semaphore_mem>> -> memref<!tpu.dma_semaphore, #tpu.memory_space<semaphore_mem>>
          tpu.enqueue_indirect_dma source(%dma_start3A_113 : memref<10000x128xf32, #tpu.memory_space<hbm>>) target(%dma_start3A_107 : memref<128x128xf32, #tpu.memory_space<vmem>>) offsets(%dma_start3A_110 : memref<128xi32, #tpu.memory_space<vmem>>) semaphore(%dma_start3A_115 : memref<!tpu.dma_semaphore, #tpu.memory_space<semaphore_mem>>)
        } else {
        }
      }
      %scan3A_49 = arith.constant 20 : i32
    } else {
    }
    %barrier3A_10 = arith.constant 0 : index
    tpu.barrier barrier_id(%barrier3A_10)
    %scan3A_11 = arith.constant 0 : i32
    %scan3A_12 = arith.constant 5 : i32
    %scan3A_13 = arith.addi %scan3A_11, %scan3A_12 : i32
    %scan3A_14 = arith.constant 1 : i32
    scf.for %scan3A_16 = %scan3A_11 to %scan3A_13 step %scan3A_14  : i32 {
      %mul3A = arith.constant 640 : i32
      %mul3A_17 = arith.muli %arg1, %mul3A : i32
      %mul3A_18 = arith.constant 128 : i32
      %mul3A_19 = arith.muli %scan3A_16, %mul3A_18 : i32
      %add3A = arith.addi %mul3A_17, %mul3A_19 : i32
      %run_scoped3A = arith.constant 0 : i32
      "tpu.region"() ({
        %run_scoped3A_21 = tpu.sem_alloc : memref<!tpu.dma_semaphore, #tpu.memory_space<semaphore_mem>>
        %dma_start3A = arith.constant 0 : i32
        %dma_start3A_22 = arith.constant 0 : i32
        %dma_start3A_23 = tpu.memref_slice %arg9[%run_scoped3A, %dma_start3A, %dma_start3A_22] : memref<2x128x128xf32, #tpu.memory_space<vmem>> -> memref<1x128x128xf32, #tpu.memory_space<vmem>>
        %dma_start3A_24 = tpu.memref_squeeze %dma_start3A_23 : memref<1x128x128xf32, #tpu.memory_space<vmem>> -> memref<128x128xf32, #tpu.memory_space<vmem>>
        %dma_start3A_25 = arith.constant 0 : i32
        %dma_start3A_26 = tpu.memref_slice %arg10[%add3A, %dma_start3A_25] : memref<10240x128xf32, #tpu.memory_space<vmem_shared>> -> memref<128x128xf32, #tpu.memory_space<vmem_shared>>
        %dma_start3A_27 = arith.constant 0 : i32
        %dma_start3A_28 = arith.constant 0 : i32
        %dma_start3A_29 = tpu.memref_slice %arg9[%run_scoped3A, %dma_start3A_27, %dma_start3A_28] : memref<2x128x128xf32, #tpu.memory_space<vmem>> -> memref<1x128x128xf32, #tpu.memory_space<vmem>>
        %dma_start3A_30 = tpu.memref_squeeze %dma_start3A_29 : memref<1x128x128xf32, #tpu.memory_space<vmem>> -> memref<128x128xf32, #tpu.memory_space<vmem>>
        %dma_start3A_31 = arith.constant 0 : i32
        %dma_start3A_32 = tpu.memref_slice %arg10[%add3A, %dma_start3A_31] : memref<10240x128xf32, #tpu.memory_space<vmem_shared>> -> memref<128x128xf32, #tpu.memory_space<vmem_shared>>
        tpu.enqueue_dma source(%dma_start3A_32 : memref<128x128xf32, #tpu.memory_space<vmem_shared>>) target(%dma_start3A_30 : memref<128x128xf32, #tpu.memory_space<vmem>>) target_semaphore(%run_scoped3A_21 : memref<!tpu.dma_semaphore, #tpu.memory_space<semaphore_mem>>)
        %dma_wait3A = arith.constant 0 : i32
        %dma_wait3A_33 = arith.constant 0 : i32
        %dma_wait3A_34 = tpu.memref_slice %arg9[%run_scoped3A, %dma_wait3A, %dma_wait3A_33] : memref<2x128x128xf32, #tpu.memory_space<vmem>> -> memref<1x128x128xf32, #tpu.memory_space<vmem>>
        %dma_wait3A_35 = tpu.memref_squeeze %dma_wait3A_34 : memref<1x128x128xf32, #tpu.memory_space<vmem>> -> memref<128x128xf32, #tpu.memory_space<vmem>>
        %dma_wait3A_36 = arith.constant 0 : i32
        %dma_wait3A_37 = tpu.memref_slice %arg10[%add3A, %dma_wait3A_36] : memref<10240x128xf32, #tpu.memory_space<vmem_shared>> -> memref<128x128xf32, #tpu.memory_space<vmem_shared>>
        %dma_wait3A_38 = arith.constant 0 : i32
        %dma_wait3A_39 = arith.constant 0 : i32
        %dma_wait3A_40 = tpu.memref_slice %arg9[%run_scoped3A, %dma_wait3A_38, %dma_wait3A_39] : memref<2x128x128xf32, #tpu.memory_space<vmem>> -> memref<1x128x128xf32, #tpu.memory_space<vmem>>
        %dma_wait3A_41 = tpu.memref_squeeze %dma_wait3A_40 : memref<1x128x128xf32, #tpu.memory_space<vmem>> -> memref<128x128xf32, #tpu.memory_space<vmem>>
        %dma_wait3A_42 = arith.constant 0 : i32
        %dma_wait3A_43 = tpu.memref_slice %arg10[%add3A, %dma_wait3A_42] : memref<10240x128xf32, #tpu.memory_space<vmem_shared>> -> memref<128x128xf32, #tpu.memory_space<vmem_shared>>
        tpu.wait_dma2 semaphore(%run_scoped3A_21 : memref<!tpu.dma_semaphore, #tpu.memory_space<semaphore_mem>>) src(%dma_wait3A_43 : memref<128x128xf32, #tpu.memory_space<vmem_shared>>) dst(%dma_wait3A_41 : memref<128x128xf32, #tpu.memory_space<vmem>>)
        tpu.yield
      }) : () -> ()
      %run_scoped3A_20 = arith.constant 0 : i32
      "tpu.region"() ({
        %run_scoped3A_21 = tpu.sem_alloc : memref<!tpu.dma_semaphore, #tpu.memory_space<semaphore_mem>>
        %dma_start3A = arith.constant 0 : i32
        %dma_start3A_22 = arith.constant 0 : i32
        %dma_start3A_23 = tpu.memref_slice %arg9[%run_scoped3A_20, %dma_start3A, %dma_start3A_22] : memref<2x128x128xf32, #tpu.memory_space<vmem>> -> memref<1x128x128xf32, #tpu.memory_space<vmem>>
        %dma_start3A_24 = tpu.memref_squeeze %dma_start3A_23 : memref<1x128x128xf32, #tpu.memory_space<vmem>> -> memref<128x128xf32, #tpu.memory_space<vmem>>
        %dma_start3A_25 = arith.constant 0 : i32
        %dma_start3A_26 = arith.constant 0 : i32
        %dma_start3A_27 = tpu.memref_slice %arg6[%arg0, %dma_start3A_25, %dma_start3A_26] : memref<2x10240x128xf32, #tpu.memory_space<hbm>> -> memref<1x10240x128xf32, #tpu.memory_space<hbm>>
        %dma_start3A_28 = tpu.memref_squeeze %dma_start3A_27 : memref<1x10240x128xf32, #tpu.memory_space<hbm>> -> memref<10240x128xf32, #tpu.memory_space<hbm>>
        %dma_start3A_29 = arith.constant 0 : i32
        %dma_start3A_30 = tpu.memref_slice %dma_start3A_28[%add3A, %dma_start3A_29] : memref<10240x128xf32, #tpu.memory_space<hbm>> -> memref<128x128xf32, #tpu.memory_space<hbm>>
        %dma_start3A_31 = arith.constant 0 : i32
        %dma_start3A_32 = arith.constant 0 : i32
        %dma_start3A_33 = tpu.memref_slice %arg6[%arg0, %dma_start3A_31, %dma_start3A_32] : memref<2x10240x128xf32, #tpu.memory_space<hbm>> -> memref<1x10240x128xf32, #tpu.memory_space<hbm>>
        %dma_start3A_34 = tpu.memref_squeeze %dma_start3A_33 : memref<1x10240x128xf32, #tpu.memory_space<hbm>> -> memref<10240x128xf32, #tpu.memory_space<hbm>>
        %dma_start3A_35 = arith.constant 0 : i32
        %dma_start3A_36 = tpu.memref_slice %dma_start3A_34[%add3A, %dma_start3A_35] : memref<10240x128xf32, #tpu.memory_space<hbm>> -> memref<128x128xf32, #tpu.memory_space<hbm>>
        %dma_start3A_37 = arith.constant 0 : i32
        %dma_start3A_38 = arith.constant 0 : i32
        %dma_start3A_39 = tpu.memref_slice %arg9[%run_scoped3A_20, %dma_start3A_37, %dma_start3A_38] : memref<2x128x128xf32, #tpu.memory_space<vmem>> -> memref<1x128x128xf32, #tpu.memory_space<vmem>>
        %dma_start3A_40 = tpu.memref_squeeze %dma_start3A_39 : memref<1x128x128xf32, #tpu.memory_space<vmem>> -> memref<128x128xf32, #tpu.memory_space<vmem>>
        tpu.enqueue_dma source(%dma_start3A_40 : memref<128x128xf32, #tpu.memory_space<vmem>>) target(%dma_start3A_36 : memref<128x128xf32, #tpu.memory_space<hbm>>) target_semaphore(%run_scoped3A_21 : memref<!tpu.dma_semaphore, #tpu.memory_space<semaphore_mem>>)
        %dma_wait3A = arith.constant 0 : i32
        %dma_wait3A_41 = arith.constant 0 : i32
        %dma_wait3A_42 = tpu.memref_slice %arg9[%run_scoped3A_20, %dma_wait3A, %dma_wait3A_41] : memref<2x128x128xf32, #tpu.memory_space<vmem>> -> memref<1x128x128xf32, #tpu.memory_space<vmem>>
        %dma_wait3A_43 = tpu.memref_squeeze %dma_wait3A_42 : memref<1x128x128xf32, #tpu.memory_space<vmem>> -> memref<128x128xf32, #tpu.memory_space<vmem>>
        %dma_wait3A_44 = arith.constant 0 : i32
        %dma_wait3A_45 = arith.constant 0 : i32
        %dma_wait3A_46 = tpu.memref_slice %arg6[%arg0, %dma_wait3A_44, %dma_wait3A_45] : memref<2x10240x128xf32, #tpu.memory_space<hbm>> -> memref<1x10240x128xf32, #tpu.memory_space<hbm>>
        %dma_wait3A_47 = tpu.memref_squeeze %dma_wait3A_46 : memref<1x10240x128xf32, #tpu.memory_space<hbm>> -> memref<10240x128xf32, #tpu.memory_space<hbm>>
        %dma_wait3A_48 = arith.constant 0 : i32
        %dma_wait3A_49 = tpu.memref_slice %dma_wait3A_47[%add3A, %dma_wait3A_48] : memref<10240x128xf32, #tpu.memory_space<hbm>> -> memref<128x128xf32, #tpu.memory_space<hbm>>
        %dma_wait3A_50 = arith.constant 0 : i32
        %dma_wait3A_51 = arith.constant 0 : i32
        %dma_wait3A_52 = tpu.memref_slice %arg6[%arg0, %dma_wait3A_50, %dma_wait3A_51] : memref<2x10240x128xf32, #tpu.memory_space<hbm>> -> memref<1x10240x128xf32, #tpu.memory_space<hbm>>
        %dma_wait3A_53 = tpu.memref_squeeze %dma_wait3A_52 : memref<1x10240x128xf32, #tpu.memory_space<hbm>> -> memref<10240x128xf32, #tpu.memory_space<hbm>>
        %dma_wait3A_54 = arith.constant 0 : i32
        %dma_wait3A_55 = tpu.memref_slice %dma_wait3A_53[%add3A, %dma_wait3A_54] : memref<10240x128xf32, #tpu.memory_space<hbm>> -> memref<128x128xf32, #tpu.memory_space<hbm>>
        %dma_wait3A_56 = arith.constant 0 : i32
        %dma_wait3A_57 = arith.constant 0 : i32
        %dma_wait3A_58 = tpu.memref_slice %arg9[%run_scoped3A_20, %dma_wait3A_56, %dma_wait3A_57] : memref<2x128x128xf32, #tpu.memory_space<vmem>> -> memref<1x128x128xf32, #tpu.memory_space<vmem>>
        %dma_wait3A_59 = tpu.memref_squeeze %dma_wait3A_58 : memref<1x128x128xf32, #tpu.memory_space<vmem>> -> memref<128x128xf32, #tpu.memory_space<vmem>>
        tpu.wait_dma2 semaphore(%run_scoped3A_21 : memref<!tpu.dma_semaphore, #tpu.memory_space<semaphore_mem>>) src(%dma_wait3A_59 : memref<128x128xf32, #tpu.memory_space<vmem>>) dst(%dma_wait3A_55 : memref<128x128xf32, #tpu.memory_space<hbm>>)
        tpu.yield
      }) : () -> ()
    }
    %scan3A_15 = arith.constant 5 : i32
    return
  }
}

module attributes {stable_mosaic.version = 14 : i64} {
  func.func @_tc1_body(%arg0: i32, %arg1: memref<2x1000x128xf32, #tpu.memory_space<vmem>>, %arg2: memref<1000x128xf32, #tpu.memory_space<vmem>>, %arg3: memref<128x128xf32, #tpu.memory_space<vmem>>, %arg4: memref<1000x128xf32, #tpu.memory_space<vmem>>, %arg5: memref<1000x1xf32, #tpu.memory_space<vmem>>) attributes {dimension_semantics = [#tpu.dimension_semantics<arbitrary>], iteration_bounds = array<i64: 10>, scalar_prefetch = 0 : i64, scratch_operands = 0 : i64, tpu.core_type = #tpu.core_type<tc>, window_params = [{transform_indices = @transform_0, window_bounds = array<i64: 2, 1000, 128>}, {transform_indices = @transform_1, window_bounds = array<i64: 1000, 128>}, {pipeline_mode = #tpu.pipeline_mode<synchronous>, transform_indices = @transform_2, window_bounds = array<i64: 128, 128>}, {transform_indices = @transform_3, window_bounds = array<i64: 1000, 128>}, {transform_indices = @transform_4, window_bounds = array<i64: 1000, 1>}]} {
    %get3A = arith.constant 0 : index
    %get3A_0 = arith.constant 0 : index
    %get3A_1 = arith.constant 0 : index
    %get3A_2 = vector.load %arg1[%get3A, %get3A_0, %get3A_1] : memref<2x1000x128xf32, #tpu.memory_space<vmem>>, vector<1x1000x1xf32>
    %get3A_3 = vector.shape_cast %get3A_2 : vector<1x1000x1xf32> to vector<1000x1xf32>
    %get3A_4 = arith.constant 1 : index
    %get3A_5 = arith.constant 0 : index
    %get3A_6 = arith.constant 0 : index
    %get3A_7 = vector.load %arg1[%get3A_4, %get3A_5, %get3A_6] : memref<2x1000x128xf32, #tpu.memory_space<vmem>>, vector<1x1000x1xf32>
    %get3A_8 = vector.shape_cast %get3A_7 : vector<1x1000x1xf32> to vector<1000x1xf32>
    %add3A = arith.addf %get3A_3, %get3A_8 : vector<1000x1xf32>
    %add3A_9 = arith.constant 1.000000e+00 : f32
    %add3A_10 = vector.broadcast %add3A_9 : f32 to vector<1000x1xf32>
    %add3A_11 = arith.addf %add3A, %add3A_10 : vector<1000x1xf32>
    %rsqrt3A = math.rsqrt %add3A_11 : vector<1000x1xf32>
    %get3A_12 = arith.constant 0 : index
    %get3A_13 = arith.constant 0 : index
    %get3A_14 = vector.load %arg2[%get3A_12, %get3A_13] : memref<1000x128xf32, #tpu.memory_space<vmem>>, vector<1000x128xf32>
    %get3A_15 = arith.constant 0 : index
    %get3A_16 = arith.constant 0 : index
    %get3A_17 = vector.load %arg3[%get3A_15, %get3A_16] : memref<128x128xf32, #tpu.memory_space<vmem>>, vector<128x128xf32>
    %dot_general3A = arith.constant dense<0.000000e+00> : vector<1000x128xf32>
    %dot_general3A_18 = tpu.matmul %get3A_14, %get3A_17, %dot_general3A {dimension_numbers = #tpu.dot_dimension_numbers<[1], [0], [0], [1], [0, 0, 1, 1], [], []>, precision = #tpu.contract_precision<fp32>, transpose_lhs_hint = false} : vector<1000x128xf32>, vector<128x128xf32>, vector<1000x128xf32> -> vector<1000x128xf32>
    %mul3A = vector.broadcast %rsqrt3A : vector<1000x1xf32> to vector<1000x128xf32>
    %mul3A_19 = arith.mulf %dot_general3A_18, %mul3A : vector<1000x128xf32>
    %swap3A = arith.constant 0 : index
    %swap3A_20 = arith.constant 0 : index
    %swap3A_21 = vector.load %arg4[%swap3A, %swap3A_20] : memref<1000x128xf32, #tpu.memory_space<vmem>>, vector<1000x128xf32>
    tpu.vector_store %arg4[%swap3A, %swap3A_20], %mul3A_19 {strides = array<i32>} : memref<1000x128xf32, #tpu.memory_space<vmem>>, vector<1000x128xf32>,
    %swap3A_22 = arith.constant 0 : index
    %swap3A_23 = arith.constant 0 : index
    %swap3A_24 = vector.load %arg5[%swap3A_22, %swap3A_23] : memref<1000x1xf32, #tpu.memory_space<vmem>>, vector<1000x1xf32>
    tpu.vector_store %arg5[%swap3A_22, %swap3A_23], %rsqrt3A {strides = array<i32>} : memref<1000x1xf32, #tpu.memory_space<vmem>>, vector<1000x1xf32>,
    return
  }
  func.func @transform_0(%arg0: i32) -> (i32, i32, i32) {
    %c0_i32 = arith.constant 0 : i32
    %c0_i32_0 = arith.constant 0 : i32
    %c0_i32_1 = arith.constant 0 : i32
    return %c0_i32, %arg0, %c0_i32_0 : i32, i32, i32
  }
  func.func @transform_1(%arg0: i32) -> (i32, i32) {
    %c0_i32 = arith.constant 0 : i32
    %c0_i32_0 = arith.constant 0 : i32
    return %arg0, %c0_i32 : i32, i32
  }
  func.func @transform_2(%arg0: i32) -> (i32, i32) {
    %c0_i32 = arith.constant 0 : i32
    %c0_i32_0 = arith.constant 0 : i32
    %c0_i32_1 = arith.constant 0 : i32
    return %c0_i32, %c0_i32_0 : i32, i32
  }
  func.func @transform_3(%arg0: i32) -> (i32, i32) {
    %c0_i32 = arith.constant 0 : i32
    %c0_i32_0 = arith.constant 0 : i32
    return %arg0, %c0_i32 : i32, i32
  }
  func.func @transform_4(%arg0: i32) -> (i32, i32) {
    %c0_i32 = arith.constant 0 : i32
    %c0_i32_0 = arith.constant 0 : i32
    return %arg0, %c0_i32 : i32, i32
  }
}

module attributes {stable_mosaic.version = 14 : i64} {
  func.func @_tc_mid_body(%arg0: i32, %arg1: memref<2x1000x128xf32, #tpu.memory_space<vmem>>, %arg2: memref<1000x128xf32, #tpu.memory_space<vmem>>, %arg3: memref<1000x1xf32, #tpu.memory_space<vmem>>, %arg4: memref<1x128xf32, #tpu.memory_space<vmem>>, %arg5: memref<1x128xf32, #tpu.memory_space<vmem>>, %arg6: memref<1x128xf32, #tpu.memory_space<vmem>>, %arg7: memref<128x128xf32, #tpu.memory_space<vmem>>, %arg8: memref<1000x128xf32, #tpu.memory_space<vmem>>) attributes {dimension_semantics = [#tpu.dimension_semantics<arbitrary>], iteration_bounds = array<i64: 10>, scalar_prefetch = 0 : i64, scratch_operands = 0 : i64, tpu.core_type = #tpu.core_type<tc>, window_params = [{transform_indices = @transform_0, window_bounds = array<i64: 2, 1000, 128>}, {transform_indices = @transform_1, window_bounds = array<i64: 1000, 128>}, {transform_indices = @transform_2, window_bounds = array<i64: 1000, 1>}, {pipeline_mode = #tpu.pipeline_mode<synchronous>, transform_indices = @transform_3, window_bounds = array<i64: 1, 128>}, {pipeline_mode = #tpu.pipeline_mode<synchronous>, transform_indices = @transform_4, window_bounds = array<i64: 1, 128>}, {pipeline_mode = #tpu.pipeline_mode<synchronous>, transform_indices = @transform_5, window_bounds = array<i64: 1, 128>}, {pipeline_mode = #tpu.pipeline_mode<synchronous>, transform_indices = @transform_6, window_bounds = array<i64: 128, 128>}, {transform_indices = @transform_7, window_bounds = array<i64: 1000, 128>}]} {
    %get3A = arith.constant 0 : index
    %get3A_0 = arith.constant 0 : index
    %get3A_1 = vector.load %arg3[%get3A, %get3A_0] : memref<1000x1xf32, #tpu.memory_space<vmem>>, vector<1000x1xf32>
    %get3A_2 = arith.constant 0 : index
    %get3A_3 = arith.constant 0 : index
    %get3A_4 = arith.constant 0 : index
    %get3A_5 = vector.load %arg1[%get3A_2, %get3A_3, %get3A_4] : memref<2x1000x128xf32, #tpu.memory_space<vmem>>, vector<2x1000x128xf32>
    %get3A_6 = arith.constant 0 : index
    %get3A_7 = arith.constant 0 : index
    %get3A_8 = vector.load %arg2[%get3A_6, %get3A_7] : memref<1000x128xf32, #tpu.memory_space<vmem>>, vector<1000x128xf32>
    %get3A_9 = arith.constant 0 : index
    %get3A_10 = arith.constant 0 : index
    %get3A_11 = vector.load %arg4[%get3A_9, %get3A_10] : memref<1x128xf32, #tpu.memory_space<vmem>>, vector<1x128xf32>
    %get3A_12 = arith.constant 0 : index
    %get3A_13 = arith.constant 0 : index
    %get3A_14 = vector.load %arg5[%get3A_12, %get3A_13] : memref<1x128xf32, #tpu.memory_space<vmem>>, vector<1x128xf32>
    %get3A_15 = arith.constant 0 : index
    %get3A_16 = arith.constant 0 : index
    %get3A_17 = vector.load %arg6[%get3A_15, %get3A_16] : memref<1x128xf32, #tpu.memory_space<vmem>>, vector<1x128xf32>
    %slice3A = vector.extract_strided_slice %get3A_5 {offsets = [0, 0, 0], sizes = [1, 1000, 128], strides = [1, 1, 1]} : vector<2x1000x128xf32> to vector<1x1000x128xf32>
    %squeeze3A = vector.shape_cast %slice3A : vector<1x1000x128xf32> to vector<1000x128xf32>
    %slice3A_18 = vector.extract_strided_slice %get3A_5 {offsets = [1, 0, 0], sizes = [1, 1000, 128], strides = [1, 1, 1]} : vector<2x1000x128xf32> to vector<1x1000x128xf32>
    %squeeze3A_19 = vector.shape_cast %slice3A_18 : vector<1x1000x128xf32> to vector<1000x128xf32>
    %add3A = arith.addf %squeeze3A, %squeeze3A_19 : vector<1000x128xf32>
    %add3A_20 = arith.addf %add3A, %get3A_8 : vector<1000x128xf32>
    %mul3A = vector.broadcast %get3A_1 : vector<1000x1xf32> to vector<1000x128xf32>
    %mul3A_21 = arith.mulf %add3A_20, %mul3A : vector<1000x128xf32>
    %add3A_22 = vector.broadcast %get3A_11 : vector<1x128xf32> to vector<1000x128xf32>
    %add3A_23 = arith.addf %mul3A_21, %add3A_22 : vector<1000x128xf32>
    %reduce_sum3A = arith.constant dense<0.000000e+00> : vector<1000xf32>
    %reduce_sum3A_24 = vector.multi_reduction <add>, %add3A_23, %reduce_sum3A [1] : vector<1000x128xf32> to vector<1000xf32>
    %broadcast_in_dim3A = vector.shape_cast %reduce_sum3A_24 : vector<1000xf32> to vector<1000x1xf32>
    %div3A = arith.constant 1.280000e+02 : f32
    %div3A_25 = vector.broadcast %div3A : f32 to vector<1000x1xf32>
    %div3A_26 = arith.divf %broadcast_in_dim3A, %div3A_25 : vector<1000x1xf32>
    %sub3A = vector.broadcast %div3A_26 : vector<1000x1xf32> to vector<1000x128xf32>
    %sub3A_27 = arith.subf %add3A_23, %sub3A : vector<1000x128xf32>
    %mul3A_28 = arith.mulf %sub3A_27, %sub3A_27 : vector<1000x128xf32>
    %reduce_sum3A_29 = arith.constant dense<0.000000e+00> : vector<1000xf32>
    %reduce_sum3A_30 = vector.multi_reduction <add>, %mul3A_28, %reduce_sum3A_29 [1] : vector<1000x128xf32> to vector<1000xf32>
    %broadcast_in_dim3A_31 = vector.shape_cast %reduce_sum3A_30 : vector<1000xf32> to vector<1000x1xf32>
    %div3A_32 = arith.constant 1.280000e+02 : f32
    %div3A_33 = vector.broadcast %div3A_32 : f32 to vector<1000x1xf32>
    %div3A_34 = arith.divf %broadcast_in_dim3A_31, %div3A_33 : vector<1000x1xf32>
    %add3A_35 = arith.constant 9.99999974E-6 : f32
    %add3A_36 = vector.broadcast %add3A_35 : f32 to vector<1000x1xf32>
    %add3A_37 = arith.addf %div3A_34, %add3A_36 : vector<1000x1xf32>
    %rsqrt3A = math.rsqrt %add3A_37 : vector<1000x1xf32>
    %mul3A_38 = vector.broadcast %rsqrt3A : vector<1000x1xf32> to vector<1000x128xf32>
    %mul3A_39 = arith.mulf %sub3A_27, %mul3A_38 : vector<1000x128xf32>
    %mul3A_40 = vector.broadcast %get3A_14 : vector<1x128xf32> to vector<1000x128xf32>
    %mul3A_41 = arith.mulf %mul3A_39, %mul3A_40 : vector<1000x128xf32>
    %add3A_42 = vector.broadcast %get3A_17 : vector<1x128xf32> to vector<1000x128xf32>
    %add3A_43 = arith.addf %mul3A_41, %add3A_42 : vector<1000x128xf32>
    %max3A = arith.constant 0.000000e+00 : f32
    %max3A_44 = vector.broadcast %max3A : f32 to vector<1000x128xf32>
    %max3A_45 = arith.maximumf %add3A_43, %max3A_44 : vector<1000x128xf32>
    %get3A_46 = arith.constant 0 : index
    %get3A_47 = arith.constant 0 : index
    %get3A_48 = vector.load %arg7[%get3A_46, %get3A_47] : memref<128x128xf32, #tpu.memory_space<vmem>>, vector<128x128xf32>
    %dot_general3A = arith.constant dense<0.000000e+00> : vector<1000x128xf32>
    %dot_general3A_49 = tpu.matmul %max3A_45, %get3A_48, %dot_general3A {dimension_numbers = #tpu.dot_dimension_numbers<[1], [0], [0], [1], [0, 0, 1, 1], [], []>, precision = #tpu.contract_precision<fp32>, transpose_lhs_hint = false} : vector<1000x128xf32>, vector<128x128xf32>, vector<1000x128xf32> -> vector<1000x128xf32>
    %mul3A_50 = vector.broadcast %get3A_1 : vector<1000x1xf32> to vector<1000x128xf32>
    %mul3A_51 = arith.mulf %dot_general3A_49, %mul3A_50 : vector<1000x128xf32>
    %swap3A = arith.constant 0 : index
    %swap3A_52 = arith.constant 0 : index
    %swap3A_53 = vector.load %arg8[%swap3A, %swap3A_52] : memref<1000x128xf32, #tpu.memory_space<vmem>>, vector<1000x128xf32>
    tpu.vector_store %arg8[%swap3A, %swap3A_52], %mul3A_51 {strides = array<i32>} : memref<1000x128xf32, #tpu.memory_space<vmem>>, vector<1000x128xf32>,
    return
  }
  func.func @transform_0(%arg0: i32) -> (i32, i32, i32) {
    %c0_i32 = arith.constant 0 : i32
    %c0_i32_0 = arith.constant 0 : i32
    %c0_i32_1 = arith.constant 0 : i32
    return %c0_i32, %arg0, %c0_i32_0 : i32, i32, i32
  }
  func.func @transform_1(%arg0: i32) -> (i32, i32) {
    %c0_i32 = arith.constant 0 : i32
    %c0_i32_0 = arith.constant 0 : i32
    return %arg0, %c0_i32 : i32, i32
  }
  func.func @transform_2(%arg0: i32) -> (i32, i32) {
    %c0_i32 = arith.constant 0 : i32
    %c0_i32_0 = arith.constant 0 : i32
    return %arg0, %c0_i32 : i32, i32
  }
  func.func @transform_3(%arg0: i32) -> (i32, i32) {
    %c0_i32 = arith.constant 0 : i32
    %c0_i32_0 = arith.constant 0 : i32
    %c0_i32_1 = arith.constant 0 : i32
    return %c0_i32, %c0_i32_0 : i32, i32
  }
  func.func @transform_4(%arg0: i32) -> (i32, i32) {
    %c0_i32 = arith.constant 0 : i32
    %c0_i32_0 = arith.constant 0 : i32
    %c0_i32_1 = arith.constant 0 : i32
    return %c0_i32, %c0_i32_0 : i32, i32
  }
  func.func @transform_5(%arg0: i32) -> (i32, i32) {
    %c0_i32 = arith.constant 0 : i32
    %c0_i32_0 = arith.constant 0 : i32
    %c0_i32_1 = arith.constant 0 : i32
    return %c0_i32, %c0_i32_0 : i32, i32
  }
  func.func @transform_6(%arg0: i32) -> (i32, i32) {
    %c0_i32 = arith.constant 0 : i32
    %c0_i32_0 = arith.constant 0 : i32
    %c0_i32_1 = arith.constant 0 : i32
    return %c0_i32, %c0_i32_0 : i32, i32
  }
  func.func @transform_7(%arg0: i32) -> (i32, i32) {
    %c0_i32 = arith.constant 0 : i32
    %c0_i32_0 = arith.constant 0 : i32
    return %arg0, %c0_i32 : i32, i32
  }
}

module attributes {stable_mosaic.version = 14 : i64} {
  func.func @_tc_final_body(%arg0: i32, %arg1: memref<2x1000x128xf32, #tpu.memory_space<vmem>>, %arg2: memref<1000x128xf32, #tpu.memory_space<vmem>>, %arg3: memref<1000x1xf32, #tpu.memory_space<vmem>>, %arg4: memref<1x128xf32, #tpu.memory_space<vmem>>, %arg5: memref<1x128xf32, #tpu.memory_space<vmem>>, %arg6: memref<1x128xf32, #tpu.memory_space<vmem>>, %arg7: memref<1x1x1000xi32, #tpu.memory_space<vmem>>, %arg8: memref<128x1xf32, #tpu.memory_space<vmem>>, %arg9: memref<1x1xf32, #tpu.memory_space<vmem>>, %arg10: memref<512x1xf32, #tpu.memory_space<vmem>>, %arg11: memref<512x256xf32, #tpu.memory_space<vmem>>) attributes {dimension_semantics = [#tpu.dimension_semantics<arbitrary>], iteration_bounds = array<i64: 10>, scalar_prefetch = 0 : i64, scratch_operands = 1 : i64, tpu.core_type = #tpu.core_type<tc>, window_params = [{transform_indices = @transform_0, window_bounds = array<i64: 2, 1000, 128>}, {transform_indices = @transform_1, window_bounds = array<i64: 1000, 128>}, {transform_indices = @transform_2, window_bounds = array<i64: 1000, 1>}, {pipeline_mode = #tpu.pipeline_mode<synchronous>, transform_indices = @transform_3, window_bounds = array<i64: 1, 128>}, {pipeline_mode = #tpu.pipeline_mode<synchronous>, transform_indices = @transform_4, window_bounds = array<i64: 1, 128>}, {pipeline_mode = #tpu.pipeline_mode<synchronous>, transform_indices = @transform_5, window_bounds = array<i64: 1, 128>}, {transform_indices = @transform_6, window_bounds = array<i64: 1, 1, 1000>}, {pipeline_mode = #tpu.pipeline_mode<synchronous>, transform_indices = @transform_7, window_bounds = array<i64: 128, 1>}, {pipeline_mode = #tpu.pipeline_mode<synchronous>, transform_indices = @transform_8, window_bounds = array<i64: 1, 1>}, {pipeline_mode = #tpu.pipeline_mode<synchronous>, transform_indices = @transform_9, window_bounds = array<i64: 512, 1>}]} {
    %get3A = arith.constant 0 : index
    %get3A_0 = arith.constant 0 : index
    %get3A_1 = arith.constant 0 : index
    %get3A_2 = vector.load %arg1[%get3A, %get3A_0, %get3A_1] : memref<2x1000x128xf32, #tpu.memory_space<vmem>>, vector<2x1000x128xf32>
    %get3A_3 = arith.constant 0 : index
    %get3A_4 = arith.constant 0 : index
    %get3A_5 = vector.load %arg2[%get3A_3, %get3A_4] : memref<1000x128xf32, #tpu.memory_space<vmem>>, vector<1000x128xf32>
    %get3A_6 = arith.constant 0 : index
    %get3A_7 = arith.constant 0 : index
    %get3A_8 = vector.load %arg3[%get3A_6, %get3A_7] : memref<1000x1xf32, #tpu.memory_space<vmem>>, vector<1000x1xf32>
    %get3A_9 = arith.constant 0 : index
    %get3A_10 = arith.constant 0 : index
    %get3A_11 = vector.load %arg4[%get3A_9, %get3A_10] : memref<1x128xf32, #tpu.memory_space<vmem>>, vector<1x128xf32>
    %get3A_12 = arith.constant 0 : index
    %get3A_13 = arith.constant 0 : index
    %get3A_14 = vector.load %arg5[%get3A_12, %get3A_13] : memref<1x128xf32, #tpu.memory_space<vmem>>, vector<1x128xf32>
    %get3A_15 = arith.constant 0 : index
    %get3A_16 = arith.constant 0 : index
    %get3A_17 = vector.load %arg6[%get3A_15, %get3A_16] : memref<1x128xf32, #tpu.memory_space<vmem>>, vector<1x128xf32>
    %slice3A = vector.extract_strided_slice %get3A_2 {offsets = [0, 0, 0], sizes = [1, 1000, 128], strides = [1, 1, 1]} : vector<2x1000x128xf32> to vector<1x1000x128xf32>
    %squeeze3A = vector.shape_cast %slice3A : vector<1x1000x128xf32> to vector<1000x128xf32>
    %slice3A_18 = vector.extract_strided_slice %get3A_2 {offsets = [1, 0, 0], sizes = [1, 1000, 128], strides = [1, 1, 1]} : vector<2x1000x128xf32> to vector<1x1000x128xf32>
    %squeeze3A_19 = vector.shape_cast %slice3A_18 : vector<1x1000x128xf32> to vector<1000x128xf32>
    %add3A = arith.addf %squeeze3A, %squeeze3A_19 : vector<1000x128xf32>
    %add3A_20 = arith.addf %add3A, %get3A_5 : vector<1000x128xf32>
    %mul3A = vector.broadcast %get3A_8 : vector<1000x1xf32> to vector<1000x128xf32>
    %mul3A_21 = arith.mulf %add3A_20, %mul3A : vector<1000x128xf32>
    %add3A_22 = vector.broadcast %get3A_11 : vector<1x128xf32> to vector<1000x128xf32>
    %add3A_23 = arith.addf %mul3A_21, %add3A_22 : vector<1000x128xf32>
    %reduce_sum3A = arith.constant dense<0.000000e+00> : vector<1000xf32>
    %reduce_sum3A_24 = vector.multi_reduction <add>, %add3A_23, %reduce_sum3A [1] : vector<1000x128xf32> to vector<1000xf32>
    %broadcast_in_dim3A = vector.shape_cast %reduce_sum3A_24 : vector<1000xf32> to vector<1000x1xf32>
    %div3A = arith.constant 1.280000e+02 : f32
    %div3A_25 = vector.broadcast %div3A : f32 to vector<1000x1xf32>
    %div3A_26 = arith.divf %broadcast_in_dim3A, %div3A_25 : vector<1000x1xf32>
    %sub3A = vector.broadcast %div3A_26 : vector<1000x1xf32> to vector<1000x128xf32>
    %sub3A_27 = arith.subf %add3A_23, %sub3A : vector<1000x128xf32>
    %mul3A_28 = arith.mulf %sub3A_27, %sub3A_27 : vector<1000x128xf32>
    %reduce_sum3A_29 = arith.constant dense<0.000000e+00> : vector<1000xf32>
    %reduce_sum3A_30 = vector.multi_reduction <add>, %mul3A_28, %reduce_sum3A_29 [1] : vector<1000x128xf32> to vector<1000xf32>
    %broadcast_in_dim3A_31 = vector.shape_cast %reduce_sum3A_30 : vector<1000xf32> to vector<1000x1xf32>
    %div3A_32 = arith.constant 1.280000e+02 : f32
    %div3A_33 = vector.broadcast %div3A_32 : f32 to vector<1000x1xf32>
    %div3A_34 = arith.divf %broadcast_in_dim3A_31, %div3A_33 : vector<1000x1xf32>
    %add3A_35 = arith.constant 9.99999974E-6 : f32
    %add3A_36 = vector.broadcast %add3A_35 : f32 to vector<1000x1xf32>
    %add3A_37 = arith.addf %div3A_34, %add3A_36 : vector<1000x1xf32>
    %rsqrt3A = math.rsqrt %add3A_37 : vector<1000x1xf32>
    %mul3A_38 = vector.broadcast %rsqrt3A : vector<1000x1xf32> to vector<1000x128xf32>
    %mul3A_39 = arith.mulf %sub3A_27, %mul3A_38 : vector<1000x128xf32>
    %mul3A_40 = vector.broadcast %get3A_14 : vector<1x128xf32> to vector<1000x128xf32>
    %mul3A_41 = arith.mulf %mul3A_39, %mul3A_40 : vector<1000x128xf32>
    %add3A_42 = vector.broadcast %get3A_17 : vector<1x128xf32> to vector<1000x128xf32>
    %add3A_43 = arith.addf %mul3A_41, %add3A_42 : vector<1000x128xf32>
    %max3A = arith.constant 0.000000e+00 : f32
    %max3A_44 = vector.broadcast %max3A : f32 to vector<1000x128xf32>
    %max3A_45 = arith.maximumf %add3A_43, %max3A_44 : vector<1000x128xf32>
    %get3A_46 = arith.constant 0 : index
    %get3A_47 = arith.constant 0 : index
    %get3A_48 = arith.constant 0 : index
    %get3A_49 = vector.load %arg7[%get3A_46, %get3A_47, %get3A_48] : memref<1x1x1000xi32, #tpu.memory_space<vmem>>, vector<1x1x1000xi32>
    %get3A_50 = vector.shape_cast %get3A_49 : vector<1x1x1000xi32> to vector<1000xi32>
    %iota3A = tpu.iota {dimensions = array<i32: 1>} : vector<1000x512xi32>
    %broadcast_in_dim3A_51 = vector.shape_cast %get3A_50 : vector<1000xi32> to vector<1000x1xi32>
    %eq3A = vector.broadcast %broadcast_in_dim3A_51 : vector<1000x1xi32> to vector<1000x512xi32>
    %eq3A_52 = arith.cmpi eq, %eq3A, %iota3A : vector<1000x512xi32>
    %jit3A = arith.constant 1.000000e+00 : f32
    %jit3A_53 = arith.constant 0.000000e+00 : f32
    %broadcast_in_dim3A_54 = vector.broadcast %jit3A : f32 to vector<1000x512xf32>
    %broadcast_in_dim3A_55 = vector.broadcast %jit3A_53 : f32 to vector<1000x512xf32>
    %select_n3A = arith.select %eq3A_52, %broadcast_in_dim3A_54, %broadcast_in_dim3A_55 : vector<1000x512xi1>, vector<1000x512xf32>
    %broadcast_in_dim3A_56 = arith.constant 1.000000e+00 : f32
    %broadcast_in_dim3A_57 = vector.broadcast %broadcast_in_dim3A_56 : f32 to vector<1000x128xf32>
    %concatenate3A = tpu.concatenate %max3A_45, %broadcast_in_dim3A_57 in 1 : vector<1000x128xf32>, vector<1000x128xf32> -> vector<1000x256xf32>
    %eq3A_58 = arith.constant 0 : i32
    %eq3A_59 = arith.cmpi eq, %arg0, %eq3A_58 : i32
    %convert_element_type3A = arith.extui %eq3A_59 : i1 to i32
    %cond3A = arith.constant 0 : i32
    %cond3A_60 = arith.cmpi ne, %convert_element_type3A, %cond3A : i32
    scf.if %cond3A_60 {
      %broadcast_in_dim3A_73 = arith.constant 0.000000e+00 : f32
      %broadcast_in_dim3A_74 = vector.broadcast %broadcast_in_dim3A_73 : f32 to vector<512x256xf32>
      %swap3A_75 = arith.constant 0 : index
      %swap3A_76 = arith.constant 0 : index
      %swap3A_77 = vector.load %arg11[%swap3A_75, %swap3A_76] : memref<512x256xf32, #tpu.memory_space<vmem>>, vector<512x256xf32>
      tpu.vector_store %arg11[%swap3A_75, %swap3A_76], %broadcast_in_dim3A_74 {strides = array<i32>} : memref<512x256xf32, #tpu.memory_space<vmem>>, vector<512x256xf32>,
    } else {
    }
    %get3A_61 = arith.constant 0 : index
    %get3A_62 = arith.constant 0 : index
    %get3A_63 = vector.load %arg11[%get3A_61, %get3A_62] : memref<512x256xf32, #tpu.memory_space<vmem>>, vector<512x256xf32>
    %dot_general3A = arith.constant dense<0.000000e+00> : vector<512x256xf32>
    %dot_general3A_64 = tpu.matmul %select_n3A, %concatenate3A, %dot_general3A {dimension_numbers = #tpu.dot_dimension_numbers<[0], [0], [1], [1], [0, 1, 1, 1], [], []>, precision = #tpu.contract_precision<fp32>, transpose_lhs_hint = false} : vector<1000x512xf32>, vector<1000x256xf32>, vector<512x256xf32> -> vector<512x256xf32>
    %add3A_65 = arith.addf %get3A_63, %dot_general3A_64 : vector<512x256xf32>
    %swap3A = arith.constant 0 : index
    %swap3A_66 = arith.constant 0 : index
    %swap3A_67 = vector.load %arg11[%swap3A, %swap3A_66] : memref<512x256xf32, #tpu.memory_space<vmem>>, vector<512x256xf32>
    tpu.vector_store %arg11[%swap3A, %swap3A_66], %add3A_65 {strides = array<i32>} : memref<512x256xf32, #tpu.memory_space<vmem>>, vector<512x256xf32>,
    %eq3A_68 = arith.constant 9 : i32
    %eq3A_69 = arith.cmpi eq, %arg0, %eq3A_68 : i32
    %convert_element_type3A_70 = arith.extui %eq3A_69 : i1 to i32
    %cond3A_71 = arith.constant 0 : i32
    %cond3A_72 = arith.cmpi ne, %convert_element_type3A_70, %cond3A_71 : i32
    scf.if %cond3A_72 {
      %get3A_73 = arith.constant 0 : index
      %get3A_74 = arith.constant 0 : index
      %get3A_75 = vector.load %arg11[%get3A_73, %get3A_74] : memref<512x256xf32, #tpu.memory_space<vmem>>, vector<512x128xf32>
      %get3A_76 = arith.constant 0 : index
      %get3A_77 = arith.constant 128 : index
      %get3A_78 = vector.load %arg11[%get3A_76, %get3A_77] : memref<512x256xf32, #tpu.memory_space<vmem>>, vector<512x128xf32>
      %max3A_79 = arith.constant 1.000000e+00 : f32
      %max3A_80 = vector.broadcast %max3A_79 : f32 to vector<512x128xf32>
      %max3A_81 = arith.maximumf %get3A_78, %max3A_80 : vector<512x128xf32>
      %div3A_82 = arith.divf %get3A_75, %max3A_81 : vector<512x128xf32>
      %get3A_83 = arith.constant 0 : index
      %get3A_84 = arith.constant 0 : index
      %get3A_85 = vector.load %arg8[%get3A_83, %get3A_84] : memref<128x1xf32, #tpu.memory_space<vmem>>, vector<128x1xf32>
      %dot_general3A_86 = arith.constant dense<0.000000e+00> : vector<512x1xf32>
      %dot_general3A_87 = tpu.matmul %div3A_82, %get3A_85, %dot_general3A_86 {dimension_numbers = #tpu.dot_dimension_numbers<[1], [0], [0], [1], [0, 0, 1, 1], [], []>, precision = #tpu.contract_precision<fp32>, transpose_lhs_hint = false} : vector<512x128xf32>, vector<128x1xf32>, vector<512x1xf32> -> vector<512x1xf32>
      %get3A_88 = arith.constant 0 : index
      %get3A_89 = arith.constant 0 : index
      %get3A_90 = vector.load %arg9[%get3A_88, %get3A_89] : memref<1x1xf32, #tpu.memory_space<vmem>>, vector<1x1xf32>
      %get3A_91 = vector.extract %get3A_90[0, 0] : f32 from vector<1x1xf32>
      %add3A_92 = vector.broadcast %get3A_91 : f32 to vector<512x1xf32>
      %add3A_93 = arith.addf %dot_general3A_87, %add3A_92 : vector<512x1xf32>
      %logistic3A = arith.negf %add3A_93 : vector<512x1xf32>
      %logistic3A_94 = math.exp %logistic3A : vector<512x1xf32>
      %logistic3A_95 = arith.constant 1.000000e+00 : f32
      %logistic3A_96 = vector.broadcast %logistic3A_95 : f32 to vector<512x1xf32>
      %logistic3A_97 = arith.addf %logistic3A_96, %logistic3A_94 : vector<512x1xf32>
      %logistic3A_98 = arith.divf %logistic3A_96, %logistic3A_97 : vector<512x1xf32>
      %swap3A_99 = arith.constant 0 : index
      %swap3A_100 = arith.constant 0 : index
      %swap3A_101 = vector.load %arg10[%swap3A_99, %swap3A_100] : memref<512x1xf32, #tpu.memory_space<vmem>>, vector<512x1xf32>
      tpu.vector_store %arg10[%swap3A_99, %swap3A_100], %logistic3A_98 {strides = array<i32>} : memref<512x1xf32, #tpu.memory_space<vmem>>, vector<512x1xf32>,
    } else {
    }
    return
  }
  func.func @transform_0(%arg0: i32) -> (i32, i32, i32) {
    %c0_i32 = arith.constant 0 : i32
    %c0_i32_0 = arith.constant 0 : i32
    %c0_i32_1 = arith.constant 0 : i32
    return %c0_i32, %arg0, %c0_i32_0 : i32, i32, i32
  }
  func.func @transform_1(%arg0: i32) -> (i32, i32) {
    %c0_i32 = arith.constant 0 : i32
    %c0_i32_0 = arith.constant 0 : i32
    return %arg0, %c0_i32 : i32, i32
  }
  func.func @transform_2(%arg0: i32) -> (i32, i32) {
    %c0_i32 = arith.constant 0 : i32
    %c0_i32_0 = arith.constant 0 : i32
    return %arg0, %c0_i32 : i32, i32
  }
  func.func @transform_3(%arg0: i32) -> (i32, i32) {
    %c0_i32 = arith.constant 0 : i32
    %c0_i32_0 = arith.constant 0 : i32
    %c0_i32_1 = arith.constant 0 : i32
    return %c0_i32, %c0_i32_0 : i32, i32
  }
  func.func @transform_4(%arg0: i32) -> (i32, i32) {
    %c0_i32 = arith.constant 0 : i32
    %c0_i32_0 = arith.constant 0 : i32
    %c0_i32_1 = arith.constant 0 : i32
    return %c0_i32, %c0_i32_0 : i32, i32
  }
  func.func @transform_5(%arg0: i32) -> (i32, i32) {
    %c0_i32 = arith.constant 0 : i32
    %c0_i32_0 = arith.constant 0 : i32
    %c0_i32_1 = arith.constant 0 : i32
    return %c0_i32, %c0_i32_0 : i32, i32
  }
  func.func @transform_6(%arg0: i32) -> (i32, i32, i32) {
    %c0_i32 = arith.constant 0 : i32
    %c0_i32_0 = arith.constant 0 : i32
    %c0_i32_1 = arith.constant 0 : i32
    return %arg0, %c0_i32, %c0_i32_0 : i32, i32, i32
  }
  func.func @transform_7(%arg0: i32) -> (i32, i32) {
    %c0_i32 = arith.constant 0 : i32
    %c0_i32_0 = arith.constant 0 : i32
    %c0_i32_1 = arith.constant 0 : i32
    return %c0_i32, %c0_i32_0 : i32, i32
  }
  func.func @transform_8(%arg0: i32) -> (i32, i32) {
    %c0_i32 = arith.constant 0 : i32
    %c0_i32_0 = arith.constant 0 : i32
    %c0_i32_1 = arith.constant 0 : i32
    return %c0_i32, %c0_i32_0 : i32, i32
  }
  func.func @transform_9(%arg0: i32) -> (i32, i32) {
    %c0_i32 = arith.constant 0 : i32
    %c0_i32_0 = arith.constant 0 : i32
    %c0_i32_1 = arith.constant 0 : i32
    return %c0_i32, %c0_i32_0 : i32, i32
  }
}

</mosaic_0001>

<sc_bundles>
// kernel: kernel.11.cloned.1.call-start
scs
__scs_entry_jumppad:
0x0: {  	(pc) =	sbr.rel $0x88, $3  }
0x1: {  	(tag) =	ssettag $0x0;
	lr =	simm.s32 $0x1  }
0x2: {  	[smem:$0x3F94] =	sst lr;
	_ =	strace $0xD0000000  }
0x3: {  	_ = 	snop  }
0x4: {  	_ = 	snop  }
0x5: {  	_ = 	snop  }
0x6: {  	_ = 	snop  }
0x7: {  	_ = 	snop  }
__scs_overlays_trampoline_lowered:
0x8: {  	[smem:$0x3FA3] =	sst s0  }
0x9: {  	[smem:$0x3FA4] =	sst s1  }
0xa: {  	[smem:$0x3FA5] =	sst s2  }
0xb: {  	[smem:$0x3FA6] =	sst s3  }
0xc: {  	[smem:$0x3FA7] =	sst s4  }
0xd: {  	[smem:$0x3FA8] =	sst s5  }
0xe: {  	[smem:$0x3FA9] =	sst s6  }
0xf: {  	[smem:$0x3FAA] =	sst s7  }
0x10: {  	[smem:$0x3FAB] =	sst s8  }
0x11: {  	[smem:$0x3FAC] =	sst s9;
	s0 =	simm.s32 @!p0 $0x0  }
0x12: {  	s1 =	sld [smem:$0x3F92];
	s0 =	simm.s32 @p0 $0x1  }
0x13: {  	[smem:$0x3FAD] =	sst s0;
	s0 =	simm.s32 @!p1 $0x0  }
0x14: {  	s2 =	sld [smem:$0x3F91];
	s0 =	simm.s32 @p1 $0x1  }
0x15: {  	[smem:$0x3FAE] =	sst s0;
	s0 =	simm.s32 @!p2 $0x0  }
0x16: {  	s3 =	sld [smem:$0x3FDB];
	s0 =	simm.s32 @p2 $0x1  }
0x17: {  	s4 =	simm.s32 $0x1BF5;
	[smem:$0x3FB0] =	sst s0  }
0x18: {  	s0 =	sld [smem:$0x3F93];
	_ =	swait.ge [sflag:s4], $0x0  }
0x19: {  	s7 =	sld [smem:$0x3F94]  }
0x1a: {  	s8 =	sadd.s32 $0xFFFFE003, lr  }
0x1b: {  	s9 =	sadd.s32 $0xFFFFFEF7, lr;
	s5 =	simm.s32 $0xFFFFFFFF;
	p2 =	slt.u32 s8, $0xFFFFF086  }
0x1c: {  	p1 =	slt.u32 s9, $0xF7A;
	s5 =	simm.s32 @!p2 $0x0  }
0x1d: {  	s5 =	simm.s32 @p1 $0x1;
	p0 =	seq.s32 s7, s2  }
0x1e: {  	s7 =	smul.u32 @!p0 $0xF7A, s2;
	p2 =	seq.s32 @!p0 s5, $0x0  }
0x1f: {  	s9 =	smul.u32 $0xF7A, s1;
	s8 =	simm.s32 @!p0 $0x1BF5;
	p2 =	por !p2, p0  }
0x20: {  	[sflag:s8] =	ssyncset.s32 @!p0 $0xFFFFF086;
	s6 =	sadd.s32 @!p0 s3, s7;
	s7 =	simm.s32 @!p0 $0x108  }
0x21: {  	s3 =	sadd.s32 s3, s9;
	s6 =	sadd.s32 @!p0 $0x88, s6;
	s7 =	simm.s32 @p2 $0x1082  }
0x22: {  	[simem:s7], [sflag:s8] =	dma.local @!p0 [hbm:s6], $0xF7A  }
0x23: {  	s9 =	sor.u32 $0xD0000000, s2;
	s6 =	simm.s32 $0x108;
	_ =	swait.ge @!p0 [sflag:s8], $0x0  }
0x24: {  	s3 =	sadd.s32 $0x88, s3;
	s6 =	simm.s32 @!p1 $0x1082;
	[sflag:s4] =	ssyncset.s32 $0xFFFFF086  }
0x25: {  	[simem:s6], [sflag:s4] =	dma.local [hbm:s3], $0xF7A  }
0x26: {  	[smem:$0x3F94] =	sst s1;
	(tag) =	ssettag s2;
	_ =	strace s9  }
0x27: {  	s1 =	sld [smem:$0x3FA4]  }
0x28: {  	s2 =	sld [smem:$0x3FA5]  }
0x29: {  	s4 =	sld [smem:$0x3FA7]  }
0x2a: {  	p0 =	seq.s32 s5, $0x0;
	s5 =	sld [smem:$0x3FA8]  }
0x2b: {  	s6 =	sld [smem:$0x3FA9]  }
0x2c: {  	s7 =	sld [smem:$0x3FAA]  }
0x2d: {  	s3 =	simm.s32 $0x108;
	s8 =	sld [smem:$0x3FAB]  }
0x2e: {  	s3 =	simm.s32 @!p0 $0x1082;
	s9 =	sld [smem:$0x3FAC]  }
0x2f: {  	lr =	sadd.s32 s0, s3;
	s0 =	sld [smem:$0x3FA3]  }
0x30: {  	s3 =	sld [smem:$0x3FA6]  }
0x31: {  	[smem:$0x3FAF] =	sst s10  }
0x32: {  	s10 =	sld [smem:$0x3FAD];
	_ =	sdelay $0x3  }
0x33: {  	p0 =	seq.s32 s10, $0x1;
	s10 =	sld [smem:$0x3FAF];
	_ =	sdelay $0x3  }
0x34: {  	[smem:$0x3FAF] =	sst s10  }
0x35: {  	s10 =	sld [smem:$0x3FAE];
	_ =	sdelay $0x3  }
0x36: {  	p1 =	seq.s32 s10, $0x1;
	s10 =	sld [smem:$0x3FAF];
	_ =	sdelay $0x3  }
0x37: {  	[smem:$0x3FAF] =	sst s10  }
0x38: {  	s10 =	sld [smem:$0x3FB0]  }
0x39: {  	_ = 	snop;
	(pc) =	sbr.ind lr, $3  }
0x3a: {  	_ = 	snop  }
0x3b: {  	_ = 	snop  }
0x3c: {  	p2 =	seq.s32 s10, $0x1;
	s10 =	sld [smem:$0x3FAF]  }
0x3d: {  	_ =	shalt  }
0x3e: {  	_ =	shalt  }
0x3f: {  	_ =	shalt  }
0x40: {  	_ =	shalt  }
0x41: {  	_ =	shalt  }
0x42: {  	_ =	shalt  }
0x43: {  	_ =	shalt  }
0x44: {  	_ =	shalt  }
0x45: {  	_ =	shalt  }
0x46: {  	_ =	shalt  }
0x47: {  	_ =	shalt  }
0x48: {  	_ =	shalt  }
0x49: {  	_ =	shalt  }
0x4a: {  	_ =	shalt  }
0x4b: {  	_ =	shalt  }
0x4c: {  	_ =	shalt  }
0x4d: {  	_ =	shalt  }
0x4e: {  	_ =	shalt  }
0x4f: {  	_ =	shalt  }
0x50: {  	_ =	shalt  }
0x51: {  	_ =	shalt  }
0x52: {  	_ =	shalt  }
0x53: {  	_ =	shalt  }
0x54: {  	_ =	shalt  }
0x55: {  	_ =	shalt  }
0x56: {  	_ =	shalt  }
0x57: {  	_ =	shalt  }
0x58: {  	_ =	shalt  }
0x59: {  	_ =	shalt  }
0x5a: {  	_ =	shalt  }
0x5b: {  	_ =	shalt  }
0x5c: {  	_ =	shalt  }
0x5d: {  	_ =	shalt  }
0x5e: {  	_ =	shalt  }
0x5f: {  	_ =	shalt  }
0x60: {  	_ =	shalt  }
0x61: {  	_ =	shalt  }
0x62: {  	_ =	shalt  }
0x63: {  	_ =	shalt  }
0x64: {  	_ =	shalt  }
0x65: {  	_ =	shalt  }
0x66: {  	_ =	shalt  }
0x67: {  	_ =	shalt  }
0x68: {  	_ =	shalt  }
0x69: {  	_ =	shalt  }
0x6a: {  	_ =	shalt  }
0x6b: {  	_ =	shalt  }
0x6c: {  	_ =	shalt  }
0x6d: {  	_ =	shalt  }
0x6e: {  	_ =	shalt  }
0x6f: {  	_ =	shalt  }
0x70: {  	_ =	shalt  }
0x71: {  	_ =	shalt  }
0x72: {  	_ =	shalt  }
0x73: {  	_ =	shalt  }
0x74: {  	_ =	shalt  }
0x75: {  	_ =	shalt  }
0x76: {  	_ =	shalt  }
0x77: {  	_ =	shalt  }
0x78: {  	_ =	shalt  }
0x79: {  	_ =	shalt  }
0x7a: {  	_ =	shalt  }
0x7b: {  	_ =	shalt  }
0x7c: {  	_ =	shalt  }
0x7d: {  	_ =	shalt  }
0x7e: {  	_ =	shalt  }
0x7f: {  	_ =	shalt  }
0x80: {  	_ =	shalt  }
0x81: {  	_ =	shalt  }
0x82: {  	_ =	shalt  }
0x83: {  	_ =	shalt  }
0x84: {  	_ =	shalt  }
0x85: {  	_ =	shalt  }
0x86: {  	_ =	shalt  }
0x87: {  	_ =	shalt  }
.Lfunc_end0:
.L_simem_size_0:
called_computation.1_lowered:
.L_overlay_start_0:
0x88: {  	s2 =	sld [smem:$0x3FD9]  }
0x89: {  	s3 =	sld [smem:$0x3FFE];
	_ =	sdelay $0x1  }
0x8a: {  	s1 =	srdreg.scid  }
0x8b: {  	s0 =	sand.u32 $0x1, s1  }
0x8c: {  	s16 =	sshll.u32 s0, $0xA;
	s2 =	sadd.s32 s3, s2  }
0x8d: {  	s2 =	sadd.s32 s2, s16  }
0x8e: {  	[smem:$0x3FBB] =	sst s2  }
0x8f: {  	_ = 	snop  }
0x90: {  	(tm) =	ssettm $0x1  }
0x91: {  	s17 =	sld [smem:$0x3FFB];
	_ =	sdelay $0x3  }
0x92: {  	_ =	strace s17  }
0x93: {  	s2 =	sld [smem:$0x3FFC];
	_ =	sdelay $0x3  }
0x94: {  	_ =	strace s2  }
0x95: {  	s2 =	sld [smem:$0x3FFD];
	_ =	sdelay $0x3  }
0x96: {  	_ =	strace s2  }
0x97: {  	_ =	strace $0x8FFFFFFF  }
0x98: {  	s18 =	sld [smem:$0x3FDB];
	_ =	sdelay $0x1  }
0x99: {  	s19 =	simm.s32 $_scs_section_size  }
0x9a: {  	s4 =	simm.s32 $_size__tile_overlayer_lowered;
	s5 =	simm.s32 $_tile_overlayer_lowered  }
0x9b: {  	s22 =	simm.s32 $0x1BFF;
	s21 =	sshll.u32 s5, $0x1;
	s2 =	sadd.s32 s19, s18  }
0x9c: {  	s6 =	simm.s32 $0x0;
	s20 =	sshll.u32 s4, $0x1;
	s4 =	sadd.s32 s21, s2  }
0x9d: {  	[timem:s6], [sflag:s22] =	dma.local [hbm:s4], s20  }
0x9e: {  	_ =	swait.ge [sflag:s22], s20  }
0x9f: {  	s3 =	ssub.s32 $0x0, s20;
	[sflag:s22] =	ssyncset.done $0x0  }
0xa0: {  	[sflag:s22] =	ssyncadd.s32 s3;
	_ =	sdelay $0x1  }
0xa1: {  	s23 =	simm.s32 $0x1B8B  }
0xa2: {  	_ =	swait.ge [sflag:s23], $0x1  }
0xa3: {  	[sflag:s23] =	ssyncset.done $0x0  }
0xa4: {  	s25 =	simm.s32 $0x1B8E;
	s24 =	sld [smem:$0x3FFE];
	[sflag:s23] =	ssyncadd.s32 $0xFFFFFFFF  }
0xa5: {  	s26 =	simm.s32 $execute0_lowered;
	[smem:$0x3FD2] =	sst s25  }
0xa6: {  	s4 =	sshll.u32 s26, $0x1;
	_ =	strace $0x80000049;
	[dreg:$0x1] =	wrdreg $0xFFFFFFFF  }
0xa7: {  	s28 =	simm.s32 $_size_execute0_lowered;
	s2 =	sadd.s32 s2, s4;
	[dreg:$0x0] =	wrdreg $0x0  }
0xa8: {  	s4 =	sshll.u32 s28, $0x1;
	[dreg:$0x2] =	wrdreg s2  }
0xa9: {  	[dreg:$0x3] =	wrdreg s4  }
0xaa: {  	[dreg:$0x4] =	wrdreg $0xC0  }
0xab: {  	_ =	task [dreg:s6], $0x5FFFF  }
0xac: {  	[dreg:$0x1] =	wrdreg $0xFFFFFFFF  }
0xad: {  	[dreg:$0x0] =	wrdreg $0x60  }
0xae: {  	[dreg:$0x2] =	wrdreg s24  }
0xaf: {  	[dreg:$0x3] =	wrdreg $0xA8000  }
0xb0: {  	[dreg:$0x4] =	wrdreg $0x9  }
0xb1: {  	_ =	task.clear_ibuf [dreg:s6], $0x5FFFF;
	_ =	strace $0x90000049  }
0xb2: {  	s29 =	simm.s32 $0x9;
	_ =	strace $0x8000004B  }
0xb3: {  	_ =	swait.ge [sflag:s29], $0x1  }
0xb4: {  	[sflag:s29] =	ssyncadd.s32 $0xFFFFFFFF  }
0xb5: {  	_ =	strace $0x9000004B  }
0xb6: {  	_ =	sfence  }
0xb7: {  	s30 =	sld [smem:$0x0];
	_ =	sdelay $0x2  }
0xb8: {  	s31 =	sshll.u32 s1, $0xD;
	s1 =	sshrl.u32 s1, $0x2  }
0xb9: {  	s3 =	sand.u32 $0x4000, s31;
	s1 =	sadd.s32 s1, s30  }
0xba: {  	s0 =	sor.u32 s3, s0;
	s1 =	sshll.u32 s1, $0x11  }
0xbb: {  	s0 =	sor.u32 s1, s0  }
0xbc: {  	s0 =	sadd.s32 $0x8F2B, s0  }
0xbd: {  	[sflag:s0] =	ssyncadd.remote.s32 $0x1  }
0xbe: {  	_ =	sfence.sel $0xFFFF  }
0xbf: {  	[dreg:$0x0] =	wrdreg $0xFFFFFFFF;
	(pc) =	sbr.abs _section_cstart, $3  }
0xc0: {  	[dreg:$0x1] =	wrdreg $0xFFFFFFFF  }
0xc1: {  	_ =	task.clear_ibuf [dreg:s6], $0x2FFFF;
	_ =	strace $0x9FFFFFFF  }
0xc2: {  	(tm) =	ssettm $0x7FFFFFFF  }
0xc3: {  	_ =	shalt  }
tec
execute0_lowered:
.L_overlay_start_1:
0x0: {  	(tag) =	ssettag $0x1  }
0x1: {  	s0 =	rddreg [dreg:$0x0]  }
0x2: {  	s1 =	rddreg [dreg:$0x1];
	s2 =	simm.s32 $0x0  }
0x3: {  	s3 =	srdreg.scid;
	s15 =	stileid.u32;
	s31 =	simm.s32 $0x2800  }
0x4: {  	[smem:$0x7FF] =	sst s2;
	s3 =	sand.u32 $0x1, s3;
	s7 =	smul.u32 $0x5000, s15  }
0x5: {  	s4 =	sadd.s32 $0x34C00, s0;
	s6 =	sadd.s32 $0xCC00, s0;
	s26 =	smul.u32 $0x50000, s15  }
0x6: {  	s8 =	sadd.s32 $0x84C00, s0;
	s9 =	sadd.s32 $0x2C00, s0;
	s16 =	smul.u32 $0x2800, s15  }
0x7: {  	_ =	strace $0x8000004A;
	s5 =	smul.u32 $0x28000, s3;
	s10 =	ssub.s32 $0x2, s3  }
0x8: {  	p0 =	sne.s32 s3, $0x0;
	s3 =	simm.s32 $0x1400;
	s7 =	sshrl.u32 s7, $0x3  }
0x9: {  	s22 =	sshrl.u32 s10, $0x1;
	s0 =	sadd.s32 s5, s0;
	s23 =	sadd.s32 s8, s7  }
0xa: {  	s11 =	sadd.s32 $0x780, s7;
	s24 =	sadd.s32 s9, s7;
	[dreg:$0x5] =	wrdreg s23  }
0xb: {  	s5 =	ssub.s32 s10, s22;
	s12 =	sadd.s32 s8, s11;
	[dreg:$0x6] =	wrdreg s24  }
0xc: {  	s25 =	sadd.s32 $0x280, s7;
	s11 =	sadd.s32 s9, s11;
	[dreg:$0x3] =	wrdreg s12  }
0xd: {  	s7 =	sadd.s32 $0x500, s7;
	s13 =	sadd.s32 s8, s25;
	[dreg:$0x4] =	wrdreg s11  }
0xe: {  	s10 =	smul.u32 $0x280, s15;
	s8 =	sadd.s32 s8, s7;
	[dreg:$0x7] =	wrdreg s13  }
0xf: {  	s7 =	sadd.s32 s9, s7;
	s5 =	smax.u32 s5, $0x1;
	[dreg:$0x9] =	wrdreg s8  }
0x10: {  	s11 =	sadd.s32 s9, s25;
	[dreg:$0xa] =	wrdreg s7;
	s13 =	sadd.s32 $0x8EC00, s0  }
0x11: {  	s12 =	sadd.s32 $0x80, s10;
	[dreg:$0xb] =	wrdreg s5;
	s22 =	sadd.s32 $0x100, s10  }
0x12: {  	s23 =	sadd.s32 $0x180, s10;
	s25 =	sadd.s32 $0x200, s10;
	s5 =	simm.s32 $0x80  }
0x13: {  	s7 =	simm.s32 $0x1;
	s8 =	simm.s32 $0x2;
	s9 =	simm.s32 $0x2700  }
0x14: {  	s10 =	simm.s32 $0x2780;
	[dreg:$0x8] =	wrdreg s11;
	s11 =	sshrl.u32 s26, $0x2  }
0x15: {  	s21 =	sshll.u32 s12, $0x7;
	s17 =	sshll.u32 s12, $0x4;
	s19 =	sshll.u32 s22, $0x4  }
0x16: {  	s0 =	sshll.u32 s22, $0x7;
	s24 =	sshll.u32 s23, $0x7;
	s26 =	sadd.s32 s6, s16  }
0x17: {  	s14 =	sadd.s32 s11, s1;
	s18 =	sadd.s32 s21, s1;
	s20 =	sadd.s32 s0, s1  }
.Ltmp0:
0x18: {  	s21 =	sshll.u32 s23, $0x4;
	s22 =	sadd.s32 s24, s1;
	(pc) =	sbr.rel .LBB2_1-.Ltmp0, $4  }
0x19: {  	s23 =	sshll.u32 s25, $0x4;
	s0 =	sshll.u32 s25, $0x7;
	s24 =	smov.u32 s16  }
0x1a: {  	[dreg:$0xc] =	wrdreg s26;
	s25 =	sadd.s32 s6, s17;
	s26 =	sadd.s32 s6, s19  }
0x1b: {  	s11 =	simm.s32 $0x0;
	s28 =	sadd.s32 s6, s21;
	s29 =	sadd.s32 s6, s23  }
0x1c: {  	s30 =	sadd.s32 s0, s1;
	s0 =	simm.s32 $0x3;
	s6 =	simm.s32 $0x6800  }
.LBB2_11:
0x1d: {  	[tilespmem:s6], [sflag:$0x2] =	stream.indirect.gather [hbm4b:s4+s5], $0x80, s15, s5, $0xb8;
	[tilespmem:$0x1E800] =	vst v63  }
.LBB2_12:
0x1e: {  	_ =	swait.ge [sflag:s7], $0x4000  }
0x1f: {  	[sflag:s7] =	ssyncset.done $0x0  }
0x20: {  	[sflag:s7] =	ssyncadd.s32 $0xFFFFC000  }
0x21: {  	[spmem:s1] =	stream.indirect.scatter.add.f32 [tilespmem:s31], [sflag:$0x3], $0x80, s9, s5, $0xb8;
	[tilespmem:$0x1E800] =	vst v63  }
0x22: {  	_ =	swait.ge [sflag:s0], $0x4000  }
0x23: {  	[sflag:s0] =	ssyncset.done $0x0  }
0x24: {  	[sflag:s0] =	ssyncadd.s32 $0xFFFFC000  }
0x25: {  	_ =	swait.ge [sflag:s8], $0x4000  }
0x26: {  	[sflag:s8] =	ssyncset.done $0x0  }
0x27: {  	[sflag:s8] =	ssyncadd.s32 $0xFFFFC000  }
0x28: {  	[spmem:s1] =	stream.indirect.scatter.add.f32 [tilespmem:s6], [sflag:$0x3], $0x80, s10, s5, $0xb8;
	[tilespmem:$0x1E800] =	vst v63  }
0x29: {  	_ =	swait.ge [sflag:s0], $0x4000  }
0x2a: {  	[sflag:s0] =	ssyncset.done $0x0  }
0x2b: {  	[sflag:s0] =	ssyncadd.s32 $0xFFFFC000  }
0x2c: {  	[bflag:$0x0] =	sbarrier.arrive $0xFFFF  }
0x2d: {  	[tilespmem:s31], [sflag:$0x3] =	stream.linear.gather [spmem:s14], $0x4000, $0x38;
	[tilespmem:$0x1E800] =	vst v63  }
0x2e: {  	_ =	swait.ge [sflag:s0], $0x4000  }
0x2f: {  	[sflag:s0] =	ssyncset.done $0x0  }
0x30: {  	s12 =	sadd.s32 s24, s13;
	[sflag:s0] =	ssyncadd.s32 $0xFFFFC000  }
0x31: {  	[hbm4b:s12+s2] =	stream.linear.scatter [tilespmem:s31], [sflag:$0x3], $0x4000, $0x38;
	[tilespmem:$0x1E800] =	vst v63  }
0x32: {  	_ =	swait.ge [sflag:s0], $0x4000  }
0x33: {  	[sflag:s0] =	ssyncset.done $0x0  }
0x34: {  	[sflag:s0] =	ssyncadd.s32 $0xFFFFC000  }
0x35: {  	[tilespmem:s31], [sflag:$0x3] =	stream.linear.gather [spmem:s18], $0x4000, $0x38;
	[tilespmem:$0x1E800] =	vst v63  }
0x36: {  	_ =	swait.ge [sflag:s0], $0x4000  }
0x37: {  	[sflag:s0] =	ssyncset.done $0x0  }
0x38: {  	s16 =	sadd.s32 s17, s13;
	[sflag:s0] =	ssyncadd.s32 $0xFFFFC000  }
0x39: {  	[hbm4b:s16+s2] =	stream.linear.scatter [tilespmem:s31], [sflag:$0x3], $0x4000, $0x38;
	[tilespmem:$0x1E800] =	vst v63  }
0x3a: {  	_ =	swait.ge [sflag:s0], $0x4000  }
0x3b: {  	[sflag:s0] =	ssyncset.done $0x0  }
0x3c: {  	[sflag:s0] =	ssyncadd.s32 $0xFFFFC000  }
0x3d: {  	[tilespmem:s31], [sflag:$0x3] =	stream.linear.gather [spmem:s20], $0x4000, $0x38;
	[tilespmem:$0x1E800] =	vst v63  }
0x3e: {  	_ =	swait.ge [sflag:s0], $0x4000  }
0x3f: {  	[sflag:s0] =	ssyncset.done $0x0  }
0x40: {  	s15 =	sadd.s32 s19, s13;
	[sflag:s0] =	ssyncadd.s32 $0xFFFFC000  }
0x41: {  	[hbm4b:s15+s2] =	stream.linear.scatter [tilespmem:s31], [sflag:$0x3], $0x4000, $0x38;
	[tilespmem:$0x1E800] =	vst v63  }
0x42: {  	_ =	swait.ge [sflag:s0], $0x4000  }
0x43: {  	[sflag:s0] =	ssyncset.done $0x0  }
0x44: {  	[sflag:s0] =	ssyncadd.s32 $0xFFFFC000  }
0x45: {  	[tilespmem:s31], [sflag:$0x3] =	stream.linear.gather [spmem:s22], $0x4000, $0x38;
	[tilespmem:$0x1E800] =	vst v63  }
0x46: {  	_ =	swait.ge [sflag:s0], $0x4000  }
0x47: {  	[sflag:s0] =	ssyncset.done $0x0  }
0x48: {  	s16 =	sadd.s32 s21, s13;
	[sflag:s0] =	ssyncadd.s32 $0xFFFFC000  }
0x49: {  	[hbm4b:s16+s2] =	stream.linear.scatter [tilespmem:s31], [sflag:$0x3], $0x4000, $0x38;
	[tilespmem:$0x1E800] =	vst v63  }
0x4a: {  	_ =	swait.ge [sflag:s0], $0x4000  }
0x4b: {  	[sflag:s0] =	ssyncset.done $0x0  }
0x4c: {  	[sflag:s0] =	ssyncadd.s32 $0xFFFFC000  }
0x4d: {  	[tilespmem:s31], [sflag:$0x3] =	stream.linear.gather [spmem:s30], $0x4000, $0x38;
	[tilespmem:$0x1E800] =	vst v63  }
0x4e: {  	_ =	swait.ge [sflag:s0], $0x4000  }
0x4f: {  	[sflag:s0] =	ssyncset.done $0x0  }
0x50: {  	s15 =	sadd.s32 s23, s13;
	[sflag:s0] =	ssyncadd.s32 $0xFFFFC000  }
0x51: {  	[hbm4b:s15+s2] =	stream.linear.scatter [tilespmem:s31], [sflag:$0x3], $0x4000, $0x38;
	[tilespmem:$0x1E800] =	vst v63  }
0x52: {  	_ =	swait.ge [sflag:s0], $0x4000  }
0x53: {  	s11 =	sadd.s32 $0x1, s11;
	s16 =	rddreg [dreg:$0xb]  }
0x54: {  	p1 =	sne.s32 s11, s16  }
.Ltmp1:
0x55: {  	_ = 	snop;
	(pc) =	sbr.rel @!p1 .LBB2_13-.Ltmp1, $3  }
0x56: {  	_ =	sdelay $0x1  }
0x57: {  	[sflag:s0] =	ssyncset.done $0x0  }
0x58: {  	[sflag:s0] =	ssyncadd.s32 $0xFFFFC000  }
.LBB2_1:
0x59: {  	s12 =	rddreg [dreg:$0xc]  }
0x5a: {  	[tilespmem:s31], [sflag:$0x3] =	stream.linear.gather [hbm4b:s12+s2], $0x4000, $0x38;
	[tilespmem:$0x1E800] =	vst v63  }
0x5b: {  	_ =	swait.ge [sflag:s0], $0x4000  }
0x5c: {  	[sflag:s0] =	ssyncset.done $0x0  }
0x5d: {  	[sflag:s0] =	ssyncadd.s32 $0xFFFFC000  }
0x5e: {  	[spmem:s14] =	stream.linear.scatter [tilespmem:s31], [sflag:$0x3], $0x4000, $0x38;
	[tilespmem:$0x1E800] =	vst v63  }
0x5f: {  	_ =	swait.ge [sflag:s0], $0x4000  }
0x60: {  	[sflag:s0] =	ssyncset.done $0x0  }
0x61: {  	[sflag:s0] =	ssyncadd.s32 $0xFFFFC000  }
0x62: {  	[tilespmem:s31], [sflag:$0x3] =	stream.linear.gather [hbm4b:s25+s2], $0x4000, $0x38;
	[tilespmem:$0x1E800] =	vst v63  }
0x63: {  	_ =	swait.ge [sflag:s0], $0x4000  }
0x64: {  	[sflag:s0] =	ssyncset.done $0x0  }
0x65: {  	[sflag:s0] =	ssyncadd.s32 $0xFFFFC000  }
0x66: {  	[spmem:s18] =	stream.linear.scatter [tilespmem:s31], [sflag:$0x3], $0x4000, $0x38;
	[tilespmem:$0x1E800] =	vst v63  }
0x67: {  	_ =	swait.ge [sflag:s0], $0x4000  }
0x68: {  	[sflag:s0] =	ssyncset.done $0x0  }
0x69: {  	[sflag:s0] =	ssyncadd.s32 $0xFFFFC000  }
0x6a: {  	[tilespmem:s31], [sflag:$0x3] =	stream.linear.gather [hbm4b:s26+s2], $0x4000, $0x38;
	[tilespmem:$0x1E800] =	vst v63  }
0x6b: {  	_ =	swait.ge [sflag:s0], $0x4000  }
0x6c: {  	[sflag:s0] =	ssyncset.done $0x0  }
0x6d: {  	[sflag:s0] =	ssyncadd.s32 $0xFFFFC000  }
0x6e: {  	[spmem:s20] =	stream.linear.scatter [tilespmem:s31], [sflag:$0x3], $0x4000, $0x38;
	[tilespmem:$0x1E800] =	vst v63  }
0x6f: {  	_ =	swait.ge [sflag:s0], $0x4000  }
0x70: {  	[sflag:s0] =	ssyncset.done $0x0  }
0x71: {  	[sflag:s0] =	ssyncadd.s32 $0xFFFFC000  }
0x72: {  	[tilespmem:s31], [sflag:$0x3] =	stream.linear.gather [hbm4b:s28+s2], $0x4000, $0x38;
	[tilespmem:$0x1E800] =	vst v63  }
0x73: {  	_ =	swait.ge [sflag:s0], $0x4000  }
0x74: {  	[sflag:s0] =	ssyncset.done $0x0  }
0x75: {  	[sflag:s0] =	ssyncadd.s32 $0xFFFFC000  }
0x76: {  	[spmem:s22] =	stream.linear.scatter [tilespmem:s31], [sflag:$0x3], $0x4000, $0x38;
	[tilespmem:$0x1E800] =	vst v63  }
0x77: {  	_ =	swait.ge [sflag:s0], $0x4000  }
0x78: {  	[sflag:s0] =	ssyncset.done $0x0  }
0x79: {  	[sflag:s0] =	ssyncadd.s32 $0xFFFFC000  }
0x7a: {  	[tilespmem:s31], [sflag:$0x3] =	stream.linear.gather [hbm4b:s29+s2], $0x4000, $0x38;
	[tilespmem:$0x1E800] =	vst v63  }
0x7b: {  	_ =	swait.ge [sflag:s0], $0x4000  }
0x7c: {  	[sflag:s0] =	ssyncset.done $0x0  }
0x7d: {  	[sflag:s0] =	ssyncadd.s32 $0xFFFFC000  }
0x7e: {  	[spmem:s30] =	stream.linear.scatter [tilespmem:s31], [sflag:$0x3], $0x4000, $0x38;
	[tilespmem:$0x1E800] =	vst v63  }
.Ltmp2:
0x7f: {  	_ =	swait.ge [sflag:s0], $0x4000;
	(pc) =	sbr.rel @p0 .LBB2_9-.Ltmp2, $4  }
0x80: {  	[sflag:s0] =	ssyncset.done $0x0  }
0x81: {  	[sflag:s0] =	ssyncadd.s32 $0xFFFFC000  }
0x82: {  	[bflag:$0x0] =	sbarrier.arrive $0xFFFF  }
0x83: {  	s12 =	simm.s32 $0x0  }
0x84: {  	s15 =	rddreg [dreg:$0x5]  }
0x85: {  	[tilespmem:s12], [sflag:$0x3] =	stream.linear.gather [hbm4b:s15+s12], $0x1400, $0x38;
	[tilespmem:$0x1E800] =	vst v63  }
0x86: {  	_ =	swait.ge [sflag:s0], $0x1400  }
0x87: {  	[sflag:s0] =	ssyncset.done $0x0  }
0x88: {  	s16 =	rddreg [dreg:$0x6];
	[sflag:s0] =	ssyncadd.s32 $0xFFFFEC00  }
0x89: {  	[tilespmem:s3], [sflag:$0x3] =	stream.linear.gather [hbm4b:s16+s12], $0x1400, $0x38;
	[tilespmem:$0x1E800] =	vst v63  }
0x8a: {  	_ =	swait.ge [sflag:s0], $0x1400  }
0x8b: {  	[sflag:s0] =	ssyncset.done $0x0  }
0x8c: {  	[sflag:s0] =	ssyncadd.s32 $0xFFFFEC00  }
0x8d: {  	[tilespmem:s31], [sflag:$0x1] =	stream.indirect.gather [hbm4b:s4+s5], $0x80, s12, s5, $0xb8;
	[tilespmem:$0x1E800] =	vst v63  }
0x8e: {  	_ = 	snop  }
0x8f: {  	[tilespmem:s6], [sflag:$0x2] =	stream.indirect.gather [hbm4b:s4+s5], $0x80, s5, s5, $0xb8;
	[tilespmem:$0x1E800] =	vst v63  }
0x90: {  	_ =	swait.ge [sflag:s7], $0x4000  }
0x91: {  	[sflag:s7] =	ssyncset.done $0x0  }
0x92: {  	s16 =	simm.s32 $0x1400;
	[sflag:s7] =	ssyncadd.s32 $0xFFFFC000  }
0x93: {  	[spmem:s1] =	stream.indirect.scatter.add.f32 [tilespmem:s31], [sflag:$0x3], $0x80, s16, s5, $0xb8;
	[tilespmem:$0x1E800] =	vst v63  }
0x94: {  	_ =	swait.ge [sflag:s0], $0x4000  }
0x95: {  	[sflag:s0] =	ssyncset.done $0x0  }
0x96: {  	s15 =	simm.s32 $0x100;
	[sflag:s0] =	ssyncadd.s32 $0xFFFFC000  }
0x97: {  	[tilespmem:s31], [sflag:$0x1] =	stream.indirect.gather [hbm4b:s4+s5], $0x80, s15, s5, $0xb8;
	[tilespmem:$0x1E800] =	vst v63  }
0x98: {  	_ =	swait.ge [sflag:s8], $0x4000  }
0x99: {  	[sflag:s8] =	ssyncset.done $0x0  }
0x9a: {  	s16 =	simm.s32 $0x1480;
	[sflag:s8] =	ssyncadd.s32 $0xFFFFC000  }
0x9b: {  	[spmem:s1] =	stream.indirect.scatter.add.f32 [tilespmem:s6], [sflag:$0x3], $0x80, s16, s5, $0xb8;
	[tilespmem:$0x1E800] =	vst v63  }
0x9c: {  	_ =	swait.ge [sflag:s0], $0x4000  }
0x9d: {  	[sflag:s0] =	ssyncset.done $0x0  }
0x9e: {  	s12 =	simm.s32 $0x400;
	s15 =	simm.s32 $0x180;
	[sflag:s0] =	ssyncadd.s32 $0xFFFFC000  }
.LBB2_3:
0x9f: {  	[tilespmem:s6], [sflag:$0x2] =	stream.indirect.gather [hbm4b:s4+s5], $0x80, s15, s5, $0xb8;
	[tilespmem:$0x1E800] =	vst v63  }
0xa0: {  	s15 =	smov.u32 s12  }
0xa1: {  	p1 =	sne.s32 s12, $0x4800;
	s12 =	sadd.s32 $0x400, s12;
	_ =	swait.ge [sflag:s7], $0x4000  }
0xa2: {  	s15 =	sshra.s32 s15, $0x2;
	[sflag:s7] =	ssyncset.done $0x0  }
0xa3: {  	s16 =	sadd.s32 $0x1400, s15;
	[sflag:s7] =	ssyncadd.s32 $0xFFFFC000  }
0xa4: {  	[spmem:s1] =	stream.indirect.scatter.add.f32 [tilespmem:s31], [sflag:$0x3], $0x80, s16, s5, $0xb8;
	[tilespmem:$0x1E800] =	vst v63  }
0xa5: {  	_ =	swait.ge [sflag:s0], $0x4000  }
0xa6: {  	[sflag:s0] =	ssyncset.done $0x0  }
0xa7: {  	s16 =	sadd.s32 $0x100, s15;
	[sflag:s0] =	ssyncadd.s32 $0xFFFFC000  }
0xa8: {  	[tilespmem:s31], [sflag:$0x1] =	stream.indirect.gather [hbm4b:s4+s5], $0x80, s16, s5, $0xb8;
	[tilespmem:$0x1E800] =	vst v63  }
0xa9: {  	_ =	swait.ge [sflag:s8], $0x4000  }
0xaa: {  	[sflag:s8] =	ssyncset.done $0x0  }
.Ltmp3:
0xab: {  	s16 =	sadd.s32 $0x1480, s15;
	[sflag:s8] =	ssyncadd.s32 $0xFFFFC000;
	(pc) =	sbr.rel @p1 .LBB2_3-.Ltmp3, $4  }
0xac: {  	[spmem:s1] =	stream.indirect.scatter.add.f32 [tilespmem:s6], [sflag:$0x3], $0x80, s16, s5, $0xb8;
	[tilespmem:$0x1E800] =	vst v63  }
0xad: {  	_ =	swait.ge [sflag:s0], $0x4000  }
0xae: {  	[sflag:s0] =	ssyncset.done $0x0  }
0xaf: {  	s15 =	sadd.s32 $0x180, s15;
	[sflag:s0] =	ssyncadd.s32 $0xFFFFC000  }
0xb0: {  	[tilespmem:s6], [sflag:$0x2] =	stream.indirect.gather [hbm4b:s4+s5], $0x80, s15, s5, $0xb8;
	[tilespmem:$0x1E800] =	vst v63  }
0xb1: {  	_ =	swait.ge [sflag:s7], $0x4000  }
0xb2: {  	[sflag:s7] =	ssyncset.done $0x0  }
0xb3: {  	[sflag:s7] =	ssyncadd.s32 $0xFFFFC000  }
0xb4: {  	[spmem:s1] =	stream.indirect.scatter.add.f32 [tilespmem:s31], [sflag:$0x3], $0x80, s9, s5, $0xb8;
	[tilespmem:$0x1E800] =	vst v63  }
0xb5: {  	_ =	swait.ge [sflag:s0], $0x4000  }
0xb6: {  	[sflag:s0] =	ssyncset.done $0x0  }
0xb7: {  	[sflag:s0] =	ssyncadd.s32 $0xFFFFC000  }
0xb8: {  	_ =	swait.ge [sflag:s8], $0x4000  }
0xb9: {  	[sflag:s8] =	ssyncset.done $0x0  }
0xba: {  	[sflag:s8] =	ssyncadd.s32 $0xFFFFC000  }
0xbb: {  	[spmem:s1] =	stream.indirect.scatter.add.f32 [tilespmem:s6], [sflag:$0x3], $0x80, s10, s5, $0xb8;
	[tilespmem:$0x1E800] =	vst v63  }
0xbc: {  	_ =	swait.ge [sflag:s0], $0x4000  }
0xbd: {  	[sflag:s0] =	ssyncset.done $0x0  }
0xbe: {  	s12 =	simm.s32 $0x0;
	s16 =	rddreg [dreg:$0x7];
	[sflag:s0] =	ssyncadd.s32 $0xFFFFC000  }
0xbf: {  	[tilespmem:s12], [sflag:$0x3] =	stream.linear.gather [hbm4b:s16+s12], $0x1400, $0x38;
	[tilespmem:$0x1E800] =	vst v63  }
0xc0: {  	_ =	swait.ge [sflag:s0], $0x1400  }
0xc1: {  	[sflag:s0] =	ssyncset.done $0x0  }
0xc2: {  	s16 =	rddreg [dreg:$0x8];
	[sflag:s0] =	ssyncadd.s32 $0xFFFFEC00  }
0xc3: {  	[tilespmem:s3], [sflag:$0x3] =	stream.linear.gather [hbm4b:s16+s12], $0x1400, $0x38;
	[tilespmem:$0x1E800] =	vst v63  }
0xc4: {  	_ =	swait.ge [sflag:s0], $0x1400  }
0xc5: {  	[sflag:s0] =	ssyncset.done $0x0  }
0xc6: {  	[sflag:s0] =	ssyncadd.s32 $0xFFFFEC00  }
0xc7: {  	[tilespmem:s31], [sflag:$0x1] =	stream.indirect.gather [hbm4b:s4+s5], $0x80, s12, s5, $0xb8;
	[tilespmem:$0x1E800] =	vst v63  }
0xc8: {  	_ = 	snop  }
0xc9: {  	[tilespmem:s6], [sflag:$0x2] =	stream.indirect.gather [hbm4b:s4+s5], $0x80, s5, s5, $0xb8;
	[tilespmem:$0x1E800] =	vst v63  }
0xca: {  	_ =	swait.ge [sflag:s7], $0x4000  }
0xcb: {  	[sflag:s7] =	ssyncset.done $0x0  }
0xcc: {  	s16 =	simm.s32 $0x1400;
	[sflag:s7] =	ssyncadd.s32 $0xFFFFC000  }
0xcd: {  	[spmem:s1] =	stream.indirect.scatter.add.f32 [tilespmem:s31], [sflag:$0x3], $0x80, s16, s5, $0xb8;
	[tilespmem:$0x1E800] =	vst v63  }
0xce: {  	_ =	swait.ge [sflag:s0], $0x4000  }
0xcf: {  	[sflag:s0] =	ssyncset.done $0x0  }
0xd0: {  	s15 =	simm.s32 $0x100;
	[sflag:s0] =	ssyncadd.s32 $0xFFFFC000  }
0xd1: {  	[tilespmem:s31], [sflag:$0x1] =	stream.indirect.gather [hbm4b:s4+s5], $0x80, s15, s5, $0xb8;
	[tilespmem:$0x1E800] =	vst v63  }
0xd2: {  	_ =	swait.ge [sflag:s8], $0x4000  }
0xd3: {  	[sflag:s8] =	ssyncset.done $0x0  }
0xd4: {  	s16 =	simm.s32 $0x1480;
	[sflag:s8] =	ssyncadd.s32 $0xFFFFC000  }
0xd5: {  	[spmem:s1] =	stream.indirect.scatter.add.f32 [tilespmem:s6], [sflag:$0x3], $0x80, s16, s5, $0xb8;
	[tilespmem:$0x1E800] =	vst v63  }
0xd6: {  	_ =	swait.ge [sflag:s0], $0x4000  }
0xd7: {  	[sflag:s0] =	ssyncset.done $0x0  }
0xd8: {  	s12 =	simm.s32 $0x400;
	s15 =	simm.s32 $0x180;
	[sflag:s0] =	ssyncadd.s32 $0xFFFFC000  }
.LBB2_5:
0xd9: {  	[tilespmem:s6], [sflag:$0x2] =	stream.indirect.gather [hbm4b:s4+s5], $0x80, s15, s5, $0xb8;
	[tilespmem:$0x1E800] =	vst v63  }
0xda: {  	s15 =	smov.u32 s12  }
0xdb: {  	p1 =	sne.s32 s12, $0x4800;
	s12 =	sadd.s32 $0x400, s12;
	_ =	swait.ge [sflag:s7], $0x4000  }
0xdc: {  	s15 =	sshra.s32 s15, $0x2;
	[sflag:s7] =	ssyncset.done $0x0  }
0xdd: {  	s16 =	sadd.s32 $0x1400, s15;
	[sflag:s7] =	ssyncadd.s32 $0xFFFFC000  }
0xde: {  	[spmem:s1] =	stream.indirect.scatter.add.f32 [tilespmem:s31], [sflag:$0x3], $0x80, s16, s5, $0xb8;
	[tilespmem:$0x1E800] =	vst v63  }
0xdf: {  	_ =	swait.ge [sflag:s0], $0x4000  }
0xe0: {  	[sflag:s0] =	ssyncset.done $0x0  }
0xe1: {  	s16 =	sadd.s32 $0x100, s15;
	[sflag:s0] =	ssyncadd.s32 $0xFFFFC000  }
0xe2: {  	[tilespmem:s31], [sflag:$0x1] =	stream.indirect.gather [hbm4b:s4+s5], $0x80, s16, s5, $0xb8;
	[tilespmem:$0x1E800] =	vst v63  }
0xe3: {  	_ =	swait.ge [sflag:s8], $0x4000  }
0xe4: {  	[sflag:s8] =	ssyncset.done $0x0  }
.Ltmp4:
0xe5: {  	s16 =	sadd.s32 $0x1480, s15;
	[sflag:s8] =	ssyncadd.s32 $0xFFFFC000;
	(pc) =	sbr.rel @p1 .LBB2_5-.Ltmp4, $4  }
0xe6: {  	[spmem:s1] =	stream.indirect.scatter.add.f32 [tilespmem:s6], [sflag:$0x3], $0x80, s16, s5, $0xb8;
	[tilespmem:$0x1E800] =	vst v63  }
0xe7: {  	_ =	swait.ge [sflag:s0], $0x4000  }
0xe8: {  	[sflag:s0] =	ssyncset.done $0x0  }
0xe9: {  	s15 =	sadd.s32 $0x180, s15;
	[sflag:s0] =	ssyncadd.s32 $0xFFFFC000  }
0xea: {  	[tilespmem:s6], [sflag:$0x2] =	stream.indirect.gather [hbm4b:s4+s5], $0x80, s15, s5, $0xb8;
	[tilespmem:$0x1E800] =	vst v63  }
0xeb: {  	_ =	swait.ge [sflag:s7], $0x4000  }
0xec: {  	[sflag:s7] =	ssyncset.done $0x0  }
0xed: {  	[sflag:s7] =	ssyncadd.s32 $0xFFFFC000  }
0xee: {  	[spmem:s1] =	stream.indirect.scatter.add.f32 [tilespmem:s31], [sflag:$0x3], $0x80, s9, s5, $0xb8;
	[tilespmem:$0x1E800] =	vst v63  }
0xef: {  	_ =	swait.ge [sflag:s0], $0x4000  }
0xf0: {  	[sflag:s0] =	ssyncset.done $0x0  }
0xf1: {  	[sflag:s0] =	ssyncadd.s32 $0xFFFFC000  }
0xf2: {  	_ =	swait.ge [sflag:s8], $0x4000  }
0xf3: {  	[sflag:s8] =	ssyncset.done $0x0  }
0xf4: {  	[sflag:s8] =	ssyncadd.s32 $0xFFFFC000  }
0xf5: {  	[spmem:s1] =	stream.indirect.scatter.add.f32 [tilespmem:s6], [sflag:$0x3], $0x80, s10, s5, $0xb8;
	[tilespmem:$0x1E800] =	vst v63  }
0xf6: {  	_ =	swait.ge [sflag:s0], $0x4000  }
0xf7: {  	[sflag:s0] =	ssyncset.done $0x0  }
0xf8: {  	s12 =	simm.s32 $0x0;
	s16 =	rddreg [dreg:$0x9];
	[sflag:s0] =	ssyncadd.s32 $0xFFFFC000  }
0xf9: {  	[tilespmem:s12], [sflag:$0x3] =	stream.linear.gather [hbm4b:s16+s12], $0x1400, $0x38;
	[tilespmem:$0x1E800] =	vst v63  }
0xfa: {  	_ =	swait.ge [sflag:s0], $0x1400  }
0xfb: {  	[sflag:s0] =	ssyncset.done $0x0  }
0xfc: {  	s16 =	rddreg [dreg:$0xa];
	[sflag:s0] =	ssyncadd.s32 $0xFFFFEC00  }
0xfd: {  	[tilespmem:s3], [sflag:$0x3] =	stream.linear.gather [hbm4b:s16+s12], $0x1400, $0x38;
	[tilespmem:$0x1E800] =	vst v63  }
0xfe: {  	_ =	swait.ge [sflag:s0], $0x1400  }
0xff: {  	[sflag:s0] =	ssyncset.done $0x0  }
0x100: {  	[sflag:s0] =	ssyncadd.s32 $0xFFFFEC00  }
0x101: {  	[tilespmem:s31], [sflag:$0x1] =	stream.indirect.gather [hbm4b:s4+s5], $0x80, s12, s5, $0xb8;
	[tilespmem:$0x1E800] =	vst v63  }
0x102: {  	_ = 	snop  }
0x103: {  	[tilespmem:s6], [sflag:$0x2] =	stream.indirect.gather [hbm4b:s4+s5], $0x80, s5, s5, $0xb8;
	[tilespmem:$0x1E800] =	vst v63  }
0x104: {  	_ =	swait.ge [sflag:s7], $0x4000  }
0x105: {  	[sflag:s7] =	ssyncset.done $0x0  }
0x106: {  	s16 =	simm.s32 $0x1400;
	[sflag:s7] =	ssyncadd.s32 $0xFFFFC000  }
0x107: {  	[spmem:s1] =	stream.indirect.scatter.add.f32 [tilespmem:s31], [sflag:$0x3], $0x80, s16, s5, $0xb8;
	[tilespmem:$0x1E800] =	vst v63  }
0x108: {  	_ =	swait.ge [sflag:s0], $0x4000  }
0x109: {  	[sflag:s0] =	ssyncset.done $0x0  }
0x10a: {  	s15 =	simm.s32 $0x100;
	[sflag:s0] =	ssyncadd.s32 $0xFFFFC000  }
0x10b: {  	[tilespmem:s31], [sflag:$0x1] =	stream.indirect.gather [hbm4b:s4+s5], $0x80, s15, s5, $0xb8;
	[tilespmem:$0x1E800] =	vst v63  }
0x10c: {  	_ =	swait.ge [sflag:s8], $0x4000  }
0x10d: {  	[sflag:s8] =	ssyncset.done $0x0  }
0x10e: {  	s16 =	simm.s32 $0x1480;
	[sflag:s8] =	ssyncadd.s32 $0xFFFFC000  }
0x10f: {  	[spmem:s1] =	stream.indirect.scatter.add.f32 [tilespmem:s6], [sflag:$0x3], $0x80, s16, s5, $0xb8;
	[tilespmem:$0x1E800] =	vst v63  }
0x110: {  	_ =	swait.ge [sflag:s0], $0x4000  }
0x111: {  	[sflag:s0] =	ssyncset.done $0x0  }
0x112: {  	s12 =	simm.s32 $0x400;
	s15 =	simm.s32 $0x180;
	[sflag:s0] =	ssyncadd.s32 $0xFFFFC000  }
.LBB2_7:
0x113: {  	[tilespmem:s6], [sflag:$0x2] =	stream.indirect.gather [hbm4b:s4+s5], $0x80, s15, s5, $0xb8;
	[tilespmem:$0x1E800] =	vst v63  }
0x114: {  	s15 =	smov.u32 s12  }
0x115: {  	p1 =	seq.s32 s12, $0x4800;
	s12 =	sadd.s32 $0x400, s12;
	_ =	swait.ge [sflag:s7], $0x4000  }
0x116: {  	s15 =	sshra.s32 s15, $0x2;
	[sflag:s7] =	ssyncset.done $0x0  }
0x117: {  	s16 =	sadd.s32 $0x1400, s15;
	[sflag:s7] =	ssyncadd.s32 $0xFFFFC000  }
0x118: {  	[spmem:s1] =	stream.indirect.scatter.add.f32 [tilespmem:s31], [sflag:$0x3], $0x80, s16, s5, $0xb8;
	[tilespmem:$0x1E800] =	vst v63  }
0x119: {  	_ =	swait.ge [sflag:s0], $0x4000  }
0x11a: {  	[sflag:s0] =	ssyncset.done $0x0  }
0x11b: {  	s16 =	sadd.s32 $0x100, s15;
	[sflag:s0] =	ssyncadd.s32 $0xFFFFC000  }
0x11c: {  	[tilespmem:s31], [sflag:$0x1] =	stream.indirect.gather [hbm4b:s4+s5], $0x80, s16, s5, $0xb8;
	[tilespmem:$0x1E800] =	vst v63  }
0x11d: {  	_ =	swait.ge [sflag:s8], $0x4000  }
0x11e: {  	[sflag:s8] =	ssyncset.done $0x0  }
.Ltmp5:
0x11f: {  	s16 =	sadd.s32 $0x1480, s15;
	[sflag:s8] =	ssyncadd.s32 $0xFFFFC000;
	(pc) =	sbr.rel @!p1 .LBB2_7-.Ltmp5, $4  }
0x120: {  	[spmem:s1] =	stream.indirect.scatter.add.f32 [tilespmem:s6], [sflag:$0x3], $0x80, s16, s5, $0xb8;
	[tilespmem:$0x1E800] =	vst v63  }
0x121: {  	_ =	swait.ge [sflag:s0], $0x4000  }
0x122: {  	[sflag:s0] =	ssyncset.done $0x0  }
0x123: {  	s15 =	sadd.s32 $0x180, s15;
	[sflag:s0] =	ssyncadd.s32 $0xFFFFC000  }
.Ltmp6:
0x124: {  	(pc) =	sbr.rel .LBB2_12-.Ltmp6, $2  }
0x125: {  	_ =	sdelay $0x2  }
0x126: {  	[tilespmem:s6], [sflag:$0x2] =	stream.indirect.gather [hbm4b:s4+s5], $0x80, s15, s5, $0xb8;
	[tilespmem:$0x1E800] =	vst v63  }
.LBB2_9:
0x127: {  	s15 =	rddreg [dreg:$0x3]  }
0x128: {  	[tilespmem:s12], [sflag:$0x3] =	stream.linear.gather [hbm4b:s15+s12], $0x1400, $0x38;
	[tilespmem:$0x1E800] =	vst v63  }
0x129: {  	_ =	swait.ge [sflag:s0], $0x1400  }
0x12a: {  	[sflag:s0] =	ssyncset.done $0x0  }
0x12b: {  	s16 =	rddreg [dreg:$0x4];
	[sflag:s0] =	ssyncadd.s32 $0xFFFFEC00  }
0x12c: {  	[tilespmem:s3], [sflag:$0x3] =	stream.linear.gather [hbm4b:s16+s12], $0x1400, $0x38;
	[tilespmem:$0x1E800] =	vst v63  }
0x12d: {  	_ =	swait.ge [sflag:s0], $0x1400  }
0x12e: {  	[sflag:s0] =	ssyncset.done $0x0  }
0x12f: {  	[sflag:s0] =	ssyncadd.s32 $0xFFFFEC00  }
0x130: {  	[tilespmem:s31], [sflag:$0x1] =	stream.indirect.gather [hbm4b:s4+s5], $0x80, s12, s5, $0xb8;
	[tilespmem:$0x1E800] =	vst v63  }
0x131: {  	_ = 	snop  }
0x132: {  	[tilespmem:s6], [sflag:$0x2] =	stream.indirect.gather [hbm4b:s4+s5], $0x80, s5, s5, $0xb8;
	[tilespmem:$0x1E800] =	vst v63  }
0x133: {  	_ =	swait.ge [sflag:s7], $0x4000  }
0x134: {  	[sflag:s7] =	ssyncset.done $0x0  }
0x135: {  	s16 =	simm.s32 $0x1400;
	[sflag:s7] =	ssyncadd.s32 $0xFFFFC000  }
0x136: {  	[spmem:s1] =	stream.indirect.scatter.add.f32 [tilespmem:s31], [sflag:$0x3], $0x80, s16, s5, $0xb8;
	[tilespmem:$0x1E800] =	vst v63  }
0x137: {  	_ =	swait.ge [sflag:s0], $0x4000  }
0x138: {  	[sflag:s0] =	ssyncset.done $0x0  }
0x139: {  	s15 =	simm.s32 $0x100;
	[sflag:s0] =	ssyncadd.s32 $0xFFFFC000  }
0x13a: {  	[tilespmem:s31], [sflag:$0x1] =	stream.indirect.gather [hbm4b:s4+s5], $0x80, s15, s5, $0xb8;
	[tilespmem:$0x1E800] =	vst v63  }
0x13b: {  	_ =	swait.ge [sflag:s8], $0x4000  }
0x13c: {  	[sflag:s8] =	ssyncset.done $0x0  }
0x13d: {  	s16 =	simm.s32 $0x1480;
	[sflag:s8] =	ssyncadd.s32 $0xFFFFC000  }
0x13e: {  	[spmem:s1] =	stream.indirect.scatter.add.f32 [tilespmem:s6], [sflag:$0x3], $0x80, s16, s5, $0xb8;
	[tilespmem:$0x1E800] =	vst v63  }
0x13f: {  	_ =	swait.ge [sflag:s0], $0x4000  }
0x140: {  	[sflag:s0] =	ssyncset.done $0x0  }
0x141: {  	s12 =	simm.s32 $0x400;
	s15 =	simm.s32 $0x180;
	[sflag:s0] =	ssyncadd.s32 $0xFFFFC000  }
.LBB2_10:
0x142: {  	[tilespmem:s6], [sflag:$0x2] =	stream.indirect.gather [hbm4b:s4+s5], $0x80, s15, s5, $0xb8;
	[tilespmem:$0x1E800] =	vst v63  }
0x143: {  	s15 =	smov.u32 s12  }
0x144: {  	p1 =	sne.s32 s12, $0x4800;
	s12 =	sadd.s32 $0x400, s12;
	_ =	swait.ge [sflag:s7], $0x4000  }
0x145: {  	s15 =	sshra.s32 s15, $0x2;
	[sflag:s7] =	ssyncset.done $0x0  }
0x146: {  	s16 =	sadd.s32 $0x1400, s15;
	[sflag:s7] =	ssyncadd.s32 $0xFFFFC000  }
0x147: {  	[spmem:s1] =	stream.indirect.scatter.add.f32 [tilespmem:s31], [sflag:$0x3], $0x80, s16, s5, $0xb8;
	[tilespmem:$0x1E800] =	vst v63  }
0x148: {  	_ =	swait.ge [sflag:s0], $0x4000  }
0x149: {  	[sflag:s0] =	ssyncset.done $0x0  }
0x14a: {  	s16 =	sadd.s32 $0x100, s15;
	[sflag:s0] =	ssyncadd.s32 $0xFFFFC000  }
0x14b: {  	[tilespmem:s31], [sflag:$0x1] =	stream.indirect.gather [hbm4b:s4+s5], $0x80, s16, s5, $0xb8;
	[tilespmem:$0x1E800] =	vst v63  }
0x14c: {  	_ =	swait.ge [sflag:s8], $0x4000  }
0x14d: {  	[sflag:s8] =	ssyncset.done $0x0  }
.Ltmp7:
0x14e: {  	s16 =	sadd.s32 $0x1480, s15;
	[sflag:s8] =	ssyncadd.s32 $0xFFFFC000;
	(pc) =	sbr.rel @p1 .LBB2_10-.Ltmp7, $4  }
0x14f: {  	[spmem:s1] =	stream.indirect.scatter.add.f32 [tilespmem:s6], [sflag:$0x3], $0x80, s16, s5, $0xb8;
	[tilespmem:$0x1E800] =	vst v63  }
0x150: {  	_ =	swait.ge [sflag:s0], $0x4000  }
0x151: {  	[sflag:s0] =	ssyncset.done $0x0  }
0x152: {  	s15 =	sadd.s32 $0x180, s15;
	[sflag:s0] =	ssyncadd.s32 $0xFFFFC000  }
.Ltmp8:
0x153: {  	_ = 	snop;
	(pc) =	sbr.rel .LBB2_11-.Ltmp8, $1  }
0x154: {  	_ =	sdelay $0x3  }
.LBB2_13:
0x155: {  	_ =	sfence.sel $0x180000  }
0x156: {  	[bflag:$0x0] =	sbarrier.arrive $0xFFFF  }
0x157: {  	_ =	strace $0x9000004A  }
0x158: {  	s0 =	stileid.u32;
	[bflag:$0x2] =	sbarrier.arrive $0xFFFF  }
0x159: {  	p0 =	sne.s32 s0, $0x0;
	s0 =	rddreg [dreg:$0x2]  }
0x15a: {  	s0 =	sadd.s32 @!p0 $0x100000, s0  }
0x15b: {  	[sflag:s0] =	ssyncadd.tile.s32 @!p0 $0x1;
	_ =	shalt  }
.Lfunc_end2:
_tile_overlayer_lowered:
.L_overlay_start_2:
0x15c: {  	(tag) =	ssettag $0x2  }
0x15d: {  	s0 =	rddreg [dreg:$0x0];
	s2 =	stileid.u32  }
0x15e: {  	s1 =	rddreg [dreg:$0x1];
	p0 =	sne.s32 s2, $0x0  }
0x15f: {  	s3 =	rddreg [dreg:$0x2];
	[bflag:$0x3] =	sbarrier.arrive $0xFFFF;
	s2 =	simm.s32 @!p0 $0x1C03  }
0x160: {  	[timem:s3], [sflag:s2] =	dma.local @!p0 [hbm:s0], s1  }
0x161: {  	s0 =	simm.s32 @!p0 $0x3  }
0x162: {  	_ =	swait.ge @!p0 [sflag:s0], s1  }
0x163: {  	s1 =	ssub.s32 @!p0 $0x0, s1;
	[sflag:s0] =	ssyncset.done @!p0 $0x0  }
0x164: {  	[sflag:s0] =	ssyncadd.s32 @!p0 s1  }
0x165: {  	[bflag:$0x3] =	sbarrier.arrive $0xFFFF  }
0x166: {  	_ =	shalt  }

// kernel: kernel.14.cloned.1.call-start
scs
__scs_entry_jumppad:
0x0: {  	(pc) =	sbr.rel $0x88, $3  }
0x1: {  	(tag) =	ssettag $0x0;
	lr =	simm.s32 $0x1  }
0x2: {  	[smem:$0x3F94] =	sst lr;
	_ =	strace $0xD0000000  }
0x3: {  	_ = 	snop  }
0x4: {  	_ = 	snop  }
0x5: {  	_ = 	snop  }
0x6: {  	_ = 	snop  }
0x7: {  	_ = 	snop  }
__scs_overlays_trampoline_lowered:
0x8: {  	[smem:$0x3FA3] =	sst s0  }
0x9: {  	[smem:$0x3FA4] =	sst s1  }
0xa: {  	[smem:$0x3FA5] =	sst s2  }
0xb: {  	[smem:$0x3FA6] =	sst s3  }
0xc: {  	[smem:$0x3FA7] =	sst s4  }
0xd: {  	[smem:$0x3FA8] =	sst s5  }
0xe: {  	[smem:$0x3FA9] =	sst s6  }
0xf: {  	[smem:$0x3FAA] =	sst s7  }
0x10: {  	[smem:$0x3FAB] =	sst s8  }
0x11: {  	[smem:$0x3FAC] =	sst s9;
	s0 =	simm.s32 @!p0 $0x0  }
0x12: {  	s1 =	sld [smem:$0x3F92];
	s0 =	simm.s32 @p0 $0x1  }
0x13: {  	[smem:$0x3FAD] =	sst s0;
	s0 =	simm.s32 @!p1 $0x0  }
0x14: {  	s2 =	sld [smem:$0x3F91];
	s0 =	simm.s32 @p1 $0x1  }
0x15: {  	[smem:$0x3FAE] =	sst s0;
	s0 =	simm.s32 @!p2 $0x0  }
0x16: {  	s3 =	sld [smem:$0x3FDB];
	s0 =	simm.s32 @p2 $0x1  }
0x17: {  	s4 =	simm.s32 $0x1BF5;
	[smem:$0x3FB0] =	sst s0  }
0x18: {  	s0 =	sld [smem:$0x3F93];
	_ =	swait.ge [sflag:s4], $0x0  }
0x19: {  	s7 =	sld [smem:$0x3F94]  }
0x1a: {  	s8 =	sadd.s32 $0xFFFFE003, lr  }
0x1b: {  	s9 =	sadd.s32 $0xFFFFFEF7, lr;
	s5 =	simm.s32 $0xFFFFFFFF;
	p2 =	slt.u32 s8, $0xFFFFF086  }
0x1c: {  	p1 =	slt.u32 s9, $0xF7A;
	s5 =	simm.s32 @!p2 $0x0  }
0x1d: {  	s5 =	simm.s32 @p1 $0x1;
	p0 =	seq.s32 s7, s2  }
0x1e: {  	s7 =	smul.u32 @!p0 $0xF7A, s2;
	p2 =	seq.s32 @!p0 s5, $0x0  }
0x1f: {  	s9 =	smul.u32 $0xF7A, s1;
	s8 =	simm.s32 @!p0 $0x1BF5;
	p2 =	por !p2, p0  }
0x20: {  	[sflag:s8] =	ssyncset.s32 @!p0 $0xFFFFF086;
	s6 =	sadd.s32 @!p0 s3, s7;
	s7 =	simm.s32 @!p0 $0x108  }
0x21: {  	s3 =	sadd.s32 s3, s9;
	s6 =	sadd.s32 @!p0 $0x88, s6;
	s7 =	simm.s32 @p2 $0x1082  }
0x22: {  	[simem:s7], [sflag:s8] =	dma.local @!p0 [hbm:s6], $0xF7A  }
0x23: {  	s9 =	sor.u32 $0xD0000000, s2;
	s6 =	simm.s32 $0x108;
	_ =	swait.ge @!p0 [sflag:s8], $0x0  }
0x24: {  	s3 =	sadd.s32 $0x88, s3;
	s6 =	simm.s32 @!p1 $0x1082;
	[sflag:s4] =	ssyncset.s32 $0xFFFFF086  }
0x25: {  	[simem:s6], [sflag:s4] =	dma.local [hbm:s3], $0xF7A  }
0x26: {  	[smem:$0x3F94] =	sst s1;
	(tag) =	ssettag s2;
	_ =	strace s9  }
0x27: {  	s1 =	sld [smem:$0x3FA4]  }
0x28: {  	s2 =	sld [smem:$0x3FA5]  }
0x29: {  	s4 =	sld [smem:$0x3FA7]  }
0x2a: {  	p0 =	seq.s32 s5, $0x0;
	s5 =	sld [smem:$0x3FA8]  }
0x2b: {  	s6 =	sld [smem:$0x3FA9]  }
0x2c: {  	s7 =	sld [smem:$0x3FAA]  }
0x2d: {  	s3 =	simm.s32 $0x108;
	s8 =	sld [smem:$0x3FAB]  }
0x2e: {  	s3 =	simm.s32 @!p0 $0x1082;
	s9 =	sld [smem:$0x3FAC]  }
0x2f: {  	lr =	sadd.s32 s0, s3;
	s0 =	sld [smem:$0x3FA3]  }
0x30: {  	s3 =	sld [smem:$0x3FA6]  }
0x31: {  	[smem:$0x3FAF] =	sst s10  }
0x32: {  	s10 =	sld [smem:$0x3FAD];
	_ =	sdelay $0x3  }
0x33: {  	p0 =	seq.s32 s10, $0x1;
	s10 =	sld [smem:$0x3FAF];
	_ =	sdelay $0x3  }
0x34: {  	[smem:$0x3FAF] =	sst s10  }
0x35: {  	s10 =	sld [smem:$0x3FAE];
	_ =	sdelay $0x3  }
0x36: {  	p1 =	seq.s32 s10, $0x1;
	s10 =	sld [smem:$0x3FAF];
	_ =	sdelay $0x3  }
0x37: {  	[smem:$0x3FAF] =	sst s10  }
0x38: {  	s10 =	sld [smem:$0x3FB0]  }
0x39: {  	_ = 	snop;
	(pc) =	sbr.ind lr, $3  }
0x3a: {  	_ = 	snop  }
0x3b: {  	_ = 	snop  }
0x3c: {  	p2 =	seq.s32 s10, $0x1;
	s10 =	sld [smem:$0x3FAF]  }
0x3d: {  	_ =	shalt  }
0x3e: {  	_ =	shalt  }
0x3f: {  	_ =	shalt  }
0x40: {  	_ =	shalt  }
0x41: {  	_ =	shalt  }
0x42: {  	_ =	shalt  }
0x43: {  	_ =	shalt  }
0x44: {  	_ =	shalt  }
0x45: {  	_ =	shalt  }
0x46: {  	_ =	shalt  }
0x47: {  	_ =	shalt  }
0x48: {  	_ =	shalt  }
0x49: {  	_ =	shalt  }
0x4a: {  	_ =	shalt  }
0x4b: {  	_ =	shalt  }
0x4c: {  	_ =	shalt  }
0x4d: {  	_ =	shalt  }
0x4e: {  	_ =	shalt  }
0x4f: {  	_ =	shalt  }
0x50: {  	_ =	shalt  }
0x51: {  	_ =	shalt  }
0x52: {  	_ =	shalt  }
0x53: {  	_ =	shalt  }
0x54: {  	_ =	shalt  }
0x55: {  	_ =	shalt  }
0x56: {  	_ =	shalt  }
0x57: {  	_ =	shalt  }
0x58: {  	_ =	shalt  }
0x59: {  	_ =	shalt  }
0x5a: {  	_ =	shalt  }
0x5b: {  	_ =	shalt  }
0x5c: {  	_ =	shalt  }
0x5d: {  	_ =	shalt  }
0x5e: {  	_ =	shalt  }
0x5f: {  	_ =	shalt  }
0x60: {  	_ =	shalt  }
0x61: {  	_ =	shalt  }
0x62: {  	_ =	shalt  }
0x63: {  	_ =	shalt  }
0x64: {  	_ =	shalt  }
0x65: {  	_ =	shalt  }
0x66: {  	_ =	shalt  }
0x67: {  	_ =	shalt  }
0x68: {  	_ =	shalt  }
0x69: {  	_ =	shalt  }
0x6a: {  	_ =	shalt  }
0x6b: {  	_ =	shalt  }
0x6c: {  	_ =	shalt  }
0x6d: {  	_ =	shalt  }
0x6e: {  	_ =	shalt  }
0x6f: {  	_ =	shalt  }
0x70: {  	_ =	shalt  }
0x71: {  	_ =	shalt  }
0x72: {  	_ =	shalt  }
0x73: {  	_ =	shalt  }
0x74: {  	_ =	shalt  }
0x75: {  	_ =	shalt  }
0x76: {  	_ =	shalt  }
0x77: {  	_ =	shalt  }
0x78: {  	_ =	shalt  }
0x79: {  	_ =	shalt  }
0x7a: {  	_ =	shalt  }
0x7b: {  	_ =	shalt  }
0x7c: {  	_ =	shalt  }
0x7d: {  	_ =	shalt  }
0x7e: {  	_ =	shalt  }
0x7f: {  	_ =	shalt  }
0x80: {  	_ =	shalt  }
0x81: {  	_ =	shalt  }
0x82: {  	_ =	shalt  }
0x83: {  	_ =	shalt  }
0x84: {  	_ =	shalt  }
0x85: {  	_ =	shalt  }
0x86: {  	_ =	shalt  }
0x87: {  	_ =	shalt  }
.Lfunc_end0:
.L_simem_size_0:
called_computation.2_lowered:
.L_overlay_start_0:
0x88: {  	s2 =	sld [smem:$0x3FD9]  }
0x89: {  	s3 =	sld [smem:$0x3FFE];
	_ =	sdelay $0x1  }
0x8a: {  	s1 =	srdreg.scid  }
0x8b: {  	s0 =	sand.u32 $0x1, s1  }
0x8c: {  	s16 =	sshll.u32 s0, $0xA;
	s2 =	sadd.s32 s3, s2  }
0x8d: {  	s2 =	sadd.s32 s2, s16  }
0x8e: {  	[smem:$0x3FBB] =	sst s2  }
0x8f: {  	_ = 	snop  }
0x90: {  	(tm) =	ssettm $0x1  }
0x91: {  	s17 =	sld [smem:$0x3FFB];
	_ =	sdelay $0x3  }
0x92: {  	_ =	strace s17  }
0x93: {  	s2 =	sld [smem:$0x3FFC];
	_ =	sdelay $0x3  }
0x94: {  	_ =	strace s2  }
0x95: {  	s2 =	sld [smem:$0x3FFD];
	_ =	sdelay $0x3  }
0x96: {  	_ =	strace s2  }
0x97: {  	_ =	strace $0x8FFFFFFF  }
0x98: {  	s18 =	sld [smem:$0x3FDB];
	_ =	sdelay $0x1  }
0x99: {  	s19 =	simm.s32 $_scs_section_size  }
0x9a: {  	s4 =	simm.s32 $_size__tile_overlayer_lowered;
	s5 =	simm.s32 $_tile_overlayer_lowered  }
0x9b: {  	s22 =	simm.s32 $0x1BFF;
	s21 =	sshll.u32 s5, $0x1;
	s2 =	sadd.s32 s19, s18  }
0x9c: {  	s6 =	simm.s32 $0x0;
	s20 =	sshll.u32 s4, $0x1;
	s4 =	sadd.s32 s21, s2  }
0x9d: {  	[timem:s6], [sflag:s22] =	dma.local [hbm:s4], s20  }
0x9e: {  	_ =	swait.ge [sflag:s22], s20  }
0x9f: {  	s3 =	ssub.s32 $0x0, s20;
	[sflag:s22] =	ssyncset.done $0x0  }
0xa0: {  	[sflag:s22] =	ssyncadd.s32 s3;
	_ =	sdelay $0x1  }
0xa1: {  	s23 =	simm.s32 $0x1B8B  }
0xa2: {  	_ =	swait.ge [sflag:s23], $0x1  }
0xa3: {  	[sflag:s23] =	ssyncset.done $0x0  }
0xa4: {  	s25 =	simm.s32 $0x1B8E;
	s24 =	sld [smem:$0x3FFE];
	[sflag:s23] =	ssyncadd.s32 $0xFFFFFFFF  }
0xa5: {  	s26 =	simm.s32 $execute0_lowered;
	[smem:$0x3FD2] =	sst s25  }
0xa6: {  	s4 =	sshll.u32 s26, $0x1;
	_ =	strace $0x8000004C;
	[dreg:$0x1] =	wrdreg $0xFFFFFFFF  }
0xa7: {  	s28 =	simm.s32 $_size_execute0_lowered;
	s2 =	sadd.s32 s2, s4;
	[dreg:$0x0] =	wrdreg $0x0  }
0xa8: {  	s4 =	sshll.u32 s28, $0x1;
	[dreg:$0x2] =	wrdreg s2  }
0xa9: {  	[dreg:$0x3] =	wrdreg s4  }
0xaa: {  	[dreg:$0x4] =	wrdreg $0xC0  }
0xab: {  	_ =	task [dreg:s6], $0x5FFFF  }
0xac: {  	[dreg:$0x1] =	wrdreg $0xFFFFFFFF  }
0xad: {  	[dreg:$0x0] =	wrdreg $0x60  }
0xae: {  	[dreg:$0x2] =	wrdreg s24  }
0xaf: {  	[dreg:$0x3] =	wrdreg $0xA8000  }
0xb0: {  	[dreg:$0x4] =	wrdreg $0x9  }
0xb1: {  	_ =	task.clear_ibuf [dreg:s6], $0x5FFFF;
	_ =	strace $0x9000004C  }
0xb2: {  	s29 =	simm.s32 $0x9;
	_ =	strace $0x8000004E  }
0xb3: {  	_ =	swait.ge [sflag:s29], $0x1  }
0xb4: {  	[sflag:s29] =	ssyncadd.s32 $0xFFFFFFFF  }
0xb5: {  	_ =	strace $0x9000004E  }
0xb6: {  	_ =	sfence  }
0xb7: {  	s30 =	sld [smem:$0x0];
	_ =	sdelay $0x2  }
0xb8: {  	s31 =	sshll.u32 s1, $0xD;
	s1 =	sshrl.u32 s1, $0x2  }
0xb9: {  	s3 =	sand.u32 $0x4000, s31;
	s1 =	sadd.s32 s1, s30  }
0xba: {  	s0 =	sor.u32 s3, s0;
	s1 =	sshll.u32 s1, $0x11  }
0xbb: {  	s0 =	sor.u32 s1, s0  }
0xbc: {  	s0 =	sadd.s32 $0x8F2B, s0  }
0xbd: {  	[sflag:s0] =	ssyncadd.remote.s32 $0x1  }
0xbe: {  	_ =	sfence.sel $0xFFFF  }
0xbf: {  	[dreg:$0x0] =	wrdreg $0xFFFFFFFF;
	(pc) =	sbr.abs _section_cstart, $3  }
0xc0: {  	[dreg:$0x1] =	wrdreg $0xFFFFFFFF  }
0xc1: {  	_ =	task.clear_ibuf [dreg:s6], $0x2FFFF;
	_ =	strace $0x9FFFFFFF  }
0xc2: {  	(tm) =	ssettm $0x7FFFFFFF  }
0xc3: {  	_ =	shalt  }
tec
execute0_lowered:
.L_overlay_start_1:
0x0: {  	(tag) =	ssettag $0x1  }
0x1: {  	s0 =	rddreg [dreg:$0x0]  }
0x2: {  	s1 =	rddreg [dreg:$0x1];
	s2 =	simm.s32 $0x0  }
0x3: {  	s3 =	srdreg.scid;
	s15 =	stileid.u32;
	s31 =	simm.s32 $0x2800  }
0x4: {  	[smem:$0x7FF] =	sst s2;
	s3 =	sand.u32 $0x1, s3;
	s7 =	smul.u32 $0x5000, s15  }
0x5: {  	s4 =	sadd.s32 $0x34C00, s0;
	s6 =	sadd.s32 $0xCC00, s0;
	s26 =	smul.u32 $0x50000, s15  }
0x6: {  	s8 =	sadd.s32 $0x84C00, s0;
	s9 =	sadd.s32 $0x2C00, s0;
	s16 =	smul.u32 $0x2800, s15  }
0x7: {  	_ =	strace $0x8000004D;
	s5 =	smul.u32 $0x28000, s3;
	s10 =	ssub.s32 $0x2, s3  }
0x8: {  	p0 =	sne.s32 s3, $0x0;
	s3 =	simm.s32 $0x1400;
	s7 =	sshrl.u32 s7, $0x3  }
0x9: {  	s22 =	sshrl.u32 s10, $0x1;
	s0 =	sadd.s32 s5, s0;
	s23 =	sadd.s32 s8, s7  }
0xa: {  	s11 =	sadd.s32 $0x780, s7;
	s24 =	sadd.s32 s9, s7;
	[dreg:$0x5] =	wrdreg s23  }
0xb: {  	s5 =	ssub.s32 s10, s22;
	s12 =	sadd.s32 s8, s11;
	[dreg:$0x6] =	wrdreg s24  }
0xc: {  	s25 =	sadd.s32 $0x280, s7;
	s11 =	sadd.s32 s9, s11;
	[dreg:$0x3] =	wrdreg s12  }
0xd: {  	s7 =	sadd.s32 $0x500, s7;
	s13 =	sadd.s32 s8, s25;
	[dreg:$0x4] =	wrdreg s11  }
0xe: {  	s10 =	smul.u32 $0x280, s15;
	s8 =	sadd.s32 s8, s7;
	[dreg:$0x7] =	wrdreg s13  }
0xf: {  	s7 =	sadd.s32 s9, s7;
	s5 =	smax.u32 s5, $0x1;
	[dreg:$0x9] =	wrdreg s8  }
0x10: {  	s11 =	sadd.s32 s9, s25;
	[dreg:$0xa] =	wrdreg s7;
	s13 =	sadd.s32 $0x8EC00, s0  }
0x11: {  	s12 =	sadd.s32 $0x80, s10;
	[dreg:$0xb] =	wrdreg s5;
	s22 =	sadd.s32 $0x100, s10  }
0x12: {  	s23 =	sadd.s32 $0x180, s10;
	s25 =	sadd.s32 $0x200, s10;
	s5 =	simm.s32 $0x80  }
0x13: {  	s7 =	simm.s32 $0x1;
	s8 =	simm.s32 $0x2;
	s9 =	simm.s32 $0x2700  }
0x14: {  	s10 =	simm.s32 $0x2780;
	[dreg:$0x8] =	wrdreg s11;
	s11 =	sshrl.u32 s26, $0x2  }
0x15: {  	s21 =	sshll.u32 s12, $0x7;
	s17 =	sshll.u32 s12, $0x4;
	s19 =	sshll.u32 s22, $0x4  }
0x16: {  	s0 =	sshll.u32 s22, $0x7;
	s24 =	sshll.u32 s23, $0x7;
	s26 =	sadd.s32 s6, s16  }
0x17: {  	s14 =	sadd.s32 s11, s1;
	s18 =	sadd.s32 s21, s1;
	s20 =	sadd.s32 s0, s1  }
.Ltmp0:
0x18: {  	s21 =	sshll.u32 s23, $0x4;
	s22 =	sadd.s32 s24, s1;
	(pc) =	sbr.rel .LBB2_1-.Ltmp0, $4  }
0x19: {  	s23 =	sshll.u32 s25, $0x4;
	s0 =	sshll.u32 s25, $0x7;
	s24 =	smov.u32 s16  }
0x1a: {  	[dreg:$0xc] =	wrdreg s26;
	s25 =	sadd.s32 s6, s17;
	s26 =	sadd.s32 s6, s19  }
0x1b: {  	s11 =	simm.s32 $0x0;
	s28 =	sadd.s32 s6, s21;
	s29 =	sadd.s32 s6, s23  }
0x1c: {  	s30 =	sadd.s32 s0, s1;
	s0 =	simm.s32 $0x3;
	s6 =	simm.s32 $0x6800  }
.LBB2_11:
0x1d: {  	[tilespmem:s6], [sflag:$0x2] =	stream.indirect.gather [hbm4b:s4+s5], $0x80, s15, s5, $0xb8;
	[tilespmem:$0x1E800] =	vst v63  }
.LBB2_12:
0x1e: {  	_ =	swait.ge [sflag:s7], $0x4000  }
0x1f: {  	[sflag:s7] =	ssyncset.done $0x0  }
0x20: {  	[sflag:s7] =	ssyncadd.s32 $0xFFFFC000  }
0x21: {  	[spmem:s1] =	stream.indirect.scatter.add.f32 [tilespmem:s31], [sflag:$0x3], $0x80, s9, s5, $0xb8;
	[tilespmem:$0x1E800] =	vst v63  }
0x22: {  	_ =	swait.ge [sflag:s0], $0x4000  }
0x23: {  	[sflag:s0] =	ssyncset.done $0x0  }
0x24: {  	[sflag:s0] =	ssyncadd.s32 $0xFFFFC000  }
0x25: {  	_ =	swait.ge [sflag:s8], $0x4000  }
0x26: {  	[sflag:s8] =	ssyncset.done $0x0  }
0x27: {  	[sflag:s8] =	ssyncadd.s32 $0xFFFFC000  }
0x28: {  	[spmem:s1] =	stream.indirect.scatter.add.f32 [tilespmem:s6], [sflag:$0x3], $0x80, s10, s5, $0xb8;
	[tilespmem:$0x1E800] =	vst v63  }
0x29: {  	_ =	swait.ge [sflag:s0], $0x4000  }
0x2a: {  	[sflag:s0] =	ssyncset.done $0x0  }
0x2b: {  	[sflag:s0] =	ssyncadd.s32 $0xFFFFC000  }
0x2c: {  	[bflag:$0x0] =	sbarrier.arrive $0xFFFF  }
0x2d: {  	[tilespmem:s31], [sflag:$0x3] =	stream.linear.gather [spmem:s14], $0x4000, $0x38;
	[tilespmem:$0x1E800] =	vst v63  }
0x2e: {  	_ =	swait.ge [sflag:s0], $0x4000  }
0x2f: {  	[sflag:s0] =	ssyncset.done $0x0  }
0x30: {  	s12 =	sadd.s32 s24, s13;
	[sflag:s0] =	ssyncadd.s32 $0xFFFFC000  }
0x31: {  	[hbm4b:s12+s2] =	stream.linear.scatter [tilespmem:s31], [sflag:$0x3], $0x4000, $0x38;
	[tilespmem:$0x1E800] =	vst v63  }
0x32: {  	_ =	swait.ge [sflag:s0], $0x4000  }
0x33: {  	[sflag:s0] =	ssyncset.done $0x0  }
0x34: {  	[sflag:s0] =	ssyncadd.s32 $0xFFFFC000  }
0x35: {  	[tilespmem:s31], [sflag:$0x3] =	stream.linear.gather [spmem:s18], $0x4000, $0x38;
	[tilespmem:$0x1E800] =	vst v63  }
0x36: {  	_ =	swait.ge [sflag:s0], $0x4000  }
0x37: {  	[sflag:s0] =	ssyncset.done $0x0  }
0x38: {  	s16 =	sadd.s32 s17, s13;
	[sflag:s0] =	ssyncadd.s32 $0xFFFFC000  }
0x39: {  	[hbm4b:s16+s2] =	stream.linear.scatter [tilespmem:s31], [sflag:$0x3], $0x4000, $0x38;
	[tilespmem:$0x1E800] =	vst v63  }
0x3a: {  	_ =	swait.ge [sflag:s0], $0x4000  }
0x3b: {  	[sflag:s0] =	ssyncset.done $0x0  }
0x3c: {  	[sflag:s0] =	ssyncadd.s32 $0xFFFFC000  }
0x3d: {  	[tilespmem:s31], [sflag:$0x3] =	stream.linear.gather [spmem:s20], $0x4000, $0x38;
	[tilespmem:$0x1E800] =	vst v63  }
0x3e: {  	_ =	swait.ge [sflag:s0], $0x4000  }
0x3f: {  	[sflag:s0] =	ssyncset.done $0x0  }
0x40: {  	s15 =	sadd.s32 s19, s13;
	[sflag:s0] =	ssyncadd.s32 $0xFFFFC000  }
0x41: {  	[hbm4b:s15+s2] =	stream.linear.scatter [tilespmem:s31], [sflag:$0x3], $0x4000, $0x38;
	[tilespmem:$0x1E800] =	vst v63  }
0x42: {  	_ =	swait.ge [sflag:s0], $0x4000  }
0x43: {  	[sflag:s0] =	ssyncset.done $0x0  }
0x44: {  	[sflag:s0] =	ssyncadd.s32 $0xFFFFC000  }
0x45: {  	[tilespmem:s31], [sflag:$0x3] =	stream.linear.gather [spmem:s22], $0x4000, $0x38;
	[tilespmem:$0x1E800] =	vst v63  }
0x46: {  	_ =	swait.ge [sflag:s0], $0x4000  }
0x47: {  	[sflag:s0] =	ssyncset.done $0x0  }
0x48: {  	s16 =	sadd.s32 s21, s13;
	[sflag:s0] =	ssyncadd.s32 $0xFFFFC000  }
0x49: {  	[hbm4b:s16+s2] =	stream.linear.scatter [tilespmem:s31], [sflag:$0x3], $0x4000, $0x38;
	[tilespmem:$0x1E800] =	vst v63  }
0x4a: {  	_ =	swait.ge [sflag:s0], $0x4000  }
0x4b: {  	[sflag:s0] =	ssyncset.done $0x0  }
0x4c: {  	[sflag:s0] =	ssyncadd.s32 $0xFFFFC000  }
0x4d: {  	[tilespmem:s31], [sflag:$0x3] =	stream.linear.gather [spmem:s30], $0x4000, $0x38;
	[tilespmem:$0x1E800] =	vst v63  }
0x4e: {  	_ =	swait.ge [sflag:s0], $0x4000  }
0x4f: {  	[sflag:s0] =	ssyncset.done $0x0  }
0x50: {  	s15 =	sadd.s32 s23, s13;
	[sflag:s0] =	ssyncadd.s32 $0xFFFFC000  }
0x51: {  	[hbm4b:s15+s2] =	stream.linear.scatter [tilespmem:s31], [sflag:$0x3], $0x4000, $0x38;
	[tilespmem:$0x1E800] =	vst v63  }
0x52: {  	_ =	swait.ge [sflag:s0], $0x4000  }
0x53: {  	s11 =	sadd.s32 $0x1, s11;
	s16 =	rddreg [dreg:$0xb]  }
0x54: {  	p1 =	sne.s32 s11, s16  }
.Ltmp1:
0x55: {  	_ = 	snop;
	(pc) =	sbr.rel @!p1 .LBB2_13-.Ltmp1, $3  }
0x56: {  	_ =	sdelay $0x1  }
0x57: {  	[sflag:s0] =	ssyncset.done $0x0  }
0x58: {  	[sflag:s0] =	ssyncadd.s32 $0xFFFFC000  }
.LBB2_1:
0x59: {  	s12 =	rddreg [dreg:$0xc]  }
0x5a: {  	[tilespmem:s31], [sflag:$0x3] =	stream.linear.gather [hbm4b:s12+s2], $0x4000, $0x38;
	[tilespmem:$0x1E800] =	vst v63  }
0x5b: {  	_ =	swait.ge [sflag:s0], $0x4000  }
0x5c: {  	[sflag:s0] =	ssyncset.done $0x0  }
0x5d: {  	[sflag:s0] =	ssyncadd.s32 $0xFFFFC000  }
0x5e: {  	[spmem:s14] =	stream.linear.scatter [tilespmem:s31], [sflag:$0x3], $0x4000, $0x38;
	[tilespmem:$0x1E800] =	vst v63  }
0x5f: {  	_ =	swait.ge [sflag:s0], $0x4000  }
0x60: {  	[sflag:s0] =	ssyncset.done $0x0  }
0x61: {  	[sflag:s0] =	ssyncadd.s32 $0xFFFFC000  }
0x62: {  	[tilespmem:s31], [sflag:$0x3] =	stream.linear.gather [hbm4b:s25+s2], $0x4000, $0x38;
	[tilespmem:$0x1E800] =	vst v63  }
0x63: {  	_ =	swait.ge [sflag:s0], $0x4000  }
0x64: {  	[sflag:s0] =	ssyncset.done $0x0  }
0x65: {  	[sflag:s0] =	ssyncadd.s32 $0xFFFFC000  }
0x66: {  	[spmem:s18] =	stream.linear.scatter [tilespmem:s31], [sflag:$0x3], $0x4000, $0x38;
	[tilespmem:$0x1E800] =	vst v63  }
0x67: {  	_ =	swait.ge [sflag:s0], $0x4000  }
0x68: {  	[sflag:s0] =	ssyncset.done $0x0  }
0x69: {  	[sflag:s0] =	ssyncadd.s32 $0xFFFFC000  }
0x6a: {  	[tilespmem:s31], [sflag:$0x3] =	stream.linear.gather [hbm4b:s26+s2], $0x4000, $0x38;
	[tilespmem:$0x1E800] =	vst v63  }
0x6b: {  	_ =	swait.ge [sflag:s0], $0x4000  }
0x6c: {  	[sflag:s0] =	ssyncset.done $0x0  }
0x6d: {  	[sflag:s0] =	ssyncadd.s32 $0xFFFFC000  }
0x6e: {  	[spmem:s20] =	stream.linear.scatter [tilespmem:s31], [sflag:$0x3], $0x4000, $0x38;
	[tilespmem:$0x1E800] =	vst v63  }
0x6f: {  	_ =	swait.ge [sflag:s0], $0x4000  }
0x70: {  	[sflag:s0] =	ssyncset.done $0x0  }
0x71: {  	[sflag:s0] =	ssyncadd.s32 $0xFFFFC000  }
0x72: {  	[tilespmem:s31], [sflag:$0x3] =	stream.linear.gather [hbm4b:s28+s2], $0x4000, $0x38;
	[tilespmem:$0x1E800] =	vst v63  }
0x73: {  	_ =	swait.ge [sflag:s0], $0x4000  }
0x74: {  	[sflag:s0] =	ssyncset.done $0x0  }
0x75: {  	[sflag:s0] =	ssyncadd.s32 $0xFFFFC000  }
0x76: {  	[spmem:s22] =	stream.linear.scatter [tilespmem:s31], [sflag:$0x3], $0x4000, $0x38;
	[tilespmem:$0x1E800] =	vst v63  }
0x77: {  	_ =	swait.ge [sflag:s0], $0x4000  }
0x78: {  	[sflag:s0] =	ssyncset.done $0x0  }
0x79: {  	[sflag:s0] =	ssyncadd.s32 $0xFFFFC000  }
0x7a: {  	[tilespmem:s31], [sflag:$0x3] =	stream.linear.gather [hbm4b:s29+s2], $0x4000, $0x38;
	[tilespmem:$0x1E800] =	vst v63  }
0x7b: {  	_ =	swait.ge [sflag:s0], $0x4000  }
0x7c: {  	[sflag:s0] =	ssyncset.done $0x0  }
0x7d: {  	[sflag:s0] =	ssyncadd.s32 $0xFFFFC000  }
0x7e: {  	[spmem:s30] =	stream.linear.scatter [tilespmem:s31], [sflag:$0x3], $0x4000, $0x38;
	[tilespmem:$0x1E800] =	vst v63  }
.Ltmp2:
0x7f: {  	_ =	swait.ge [sflag:s0], $0x4000;
	(pc) =	sbr.rel @p0 .LBB2_9-.Ltmp2, $4  }
0x80: {  	[sflag:s0] =	ssyncset.done $0x0  }
0x81: {  	[sflag:s0] =	ssyncadd.s32 $0xFFFFC000  }
0x82: {  	[bflag:$0x0] =	sbarrier.arrive $0xFFFF  }
0x83: {  	s12 =	simm.s32 $0x0  }
0x84: {  	s15 =	rddreg [dreg:$0x5]  }
0x85: {  	[tilespmem:s12], [sflag:$0x3] =	stream.linear.gather [hbm4b:s15+s12], $0x1400, $0x38;
	[tilespmem:$0x1E800] =	vst v63  }
0x86: {  	_ =	swait.ge [sflag:s0], $0x1400  }
0x87: {  	[sflag:s0] =	ssyncset.done $0x0  }
0x88: {  	s16 =	rddreg [dreg:$0x6];
	[sflag:s0] =	ssyncadd.s32 $0xFFFFEC00  }
0x89: {  	[tilespmem:s3], [sflag:$0x3] =	stream.linear.gather [hbm4b:s16+s12], $0x1400, $0x38;
	[tilespmem:$0x1E800] =	vst v63  }
0x8a: {  	_ =	swait.ge [sflag:s0], $0x1400  }
0x8b: {  	[sflag:s0] =	ssyncset.done $0x0  }
0x8c: {  	[sflag:s0] =	ssyncadd.s32 $0xFFFFEC00  }
0x8d: {  	[tilespmem:s31], [sflag:$0x1] =	stream.indirect.gather [hbm4b:s4+s5], $0x80, s12, s5, $0xb8;
	[tilespmem:$0x1E800] =	vst v63  }
0x8e: {  	_ = 	snop  }
0x8f: {  	[tilespmem:s6], [sflag:$0x2] =	stream.indirect.gather [hbm4b:s4+s5], $0x80, s5, s5, $0xb8;
	[tilespmem:$0x1E800] =	vst v63  }
0x90: {  	_ =	swait.ge [sflag:s7], $0x4000  }
0x91: {  	[sflag:s7] =	ssyncset.done $0x0  }
0x92: {  	s16 =	simm.s32 $0x1400;
	[sflag:s7] =	ssyncadd.s32 $0xFFFFC000  }
0x93: {  	[spmem:s1] =	stream.indirect.scatter.add.f32 [tilespmem:s31], [sflag:$0x3], $0x80, s16, s5, $0xb8;
	[tilespmem:$0x1E800] =	vst v63  }
0x94: {  	_ =	swait.ge [sflag:s0], $0x4000  }
0x95: {  	[sflag:s0] =	ssyncset.done $0x0  }
0x96: {  	s15 =	simm.s32 $0x100;
	[sflag:s0] =	ssyncadd.s32 $0xFFFFC000  }
0x97: {  	[tilespmem:s31], [sflag:$0x1] =	stream.indirect.gather [hbm4b:s4+s5], $0x80, s15, s5, $0xb8;
	[tilespmem:$0x1E800] =	vst v63  }
0x98: {  	_ =	swait.ge [sflag:s8], $0x4000  }
0x99: {  	[sflag:s8] =	ssyncset.done $0x0  }
0x9a: {  	s16 =	simm.s32 $0x1480;
	[sflag:s8] =	ssyncadd.s32 $0xFFFFC000  }
0x9b: {  	[spmem:s1] =	stream.indirect.scatter.add.f32 [tilespmem:s6], [sflag:$0x3], $0x80, s16, s5, $0xb8;
	[tilespmem:$0x1E800] =	vst v63  }
0x9c: {  	_ =	swait.ge [sflag:s0], $0x4000  }
0x9d: {  	[sflag:s0] =	ssyncset.done $0x0  }
0x9e: {  	s12 =	simm.s32 $0x400;
	s15 =	simm.s32 $0x180;
	[sflag:s0] =	ssyncadd.s32 $0xFFFFC000  }
.LBB2_3:
0x9f: {  	[tilespmem:s6], [sflag:$0x2] =	stream.indirect.gather [hbm4b:s4+s5], $0x80, s15, s5, $0xb8;
	[tilespmem:$0x1E800] =	vst v63  }
0xa0: {  	s15 =	smov.u32 s12  }
0xa1: {  	p1 =	sne.s32 s12, $0x4800;
	s12 =	sadd.s32 $0x400, s12;
	_ =	swait.ge [sflag:s7], $0x4000  }
0xa2: {  	s15 =	sshra.s32 s15, $0x2;
	[sflag:s7] =	ssyncset.done $0x0  }
0xa3: {  	s16 =	sadd.s32 $0x1400, s15;
	[sflag:s7] =	ssyncadd.s32 $0xFFFFC000  }
0xa4: {  	[spmem:s1] =	stream.indirect.scatter.add.f32 [tilespmem:s31], [sflag:$0x3], $0x80, s16, s5, $0xb8;
	[tilespmem:$0x1E800] =	vst v63  }
0xa5: {  	_ =	swait.ge [sflag:s0], $0x4000  }
0xa6: {  	[sflag:s0] =	ssyncset.done $0x0  }
0xa7: {  	s16 =	sadd.s32 $0x100, s15;
	[sflag:s0] =	ssyncadd.s32 $0xFFFFC000  }
0xa8: {  	[tilespmem:s31], [sflag:$0x1] =	stream.indirect.gather [hbm4b:s4+s5], $0x80, s16, s5, $0xb8;
	[tilespmem:$0x1E800] =	vst v63  }
0xa9: {  	_ =	swait.ge [sflag:s8], $0x4000  }
0xaa: {  	[sflag:s8] =	ssyncset.done $0x0  }
.Ltmp3:
0xab: {  	s16 =	sadd.s32 $0x1480, s15;
	[sflag:s8] =	ssyncadd.s32 $0xFFFFC000;
	(pc) =	sbr.rel @p1 .LBB2_3-.Ltmp3, $4  }
0xac: {  	[spmem:s1] =	stream.indirect.scatter.add.f32 [tilespmem:s6], [sflag:$0x3], $0x80, s16, s5, $0xb8;
	[tilespmem:$0x1E800] =	vst v63  }
0xad: {  	_ =	swait.ge [sflag:s0], $0x4000  }
0xae: {  	[sflag:s0] =	ssyncset.done $0x0  }
0xaf: {  	s15 =	sadd.s32 $0x180, s15;
	[sflag:s0] =	ssyncadd.s32 $0xFFFFC000  }
0xb0: {  	[tilespmem:s6], [sflag:$0x2] =	stream.indirect.gather [hbm4b:s4+s5], $0x80, s15, s5, $0xb8;
	[tilespmem:$0x1E800] =	vst v63  }
0xb1: {  	_ =	swait.ge [sflag:s7], $0x4000  }
0xb2: {  	[sflag:s7] =	ssyncset.done $0x0  }
0xb3: {  	[sflag:s7] =	ssyncadd.s32 $0xFFFFC000  }
0xb4: {  	[spmem:s1] =	stream.indirect.scatter.add.f32 [tilespmem:s31], [sflag:$0x3], $0x80, s9, s5, $0xb8;
	[tilespmem:$0x1E800] =	vst v63  }
0xb5: {  	_ =	swait.ge [sflag:s0], $0x4000  }
0xb6: {  	[sflag:s0] =	ssyncset.done $0x0  }
0xb7: {  	[sflag:s0] =	ssyncadd.s32 $0xFFFFC000  }
0xb8: {  	_ =	swait.ge [sflag:s8], $0x4000  }
0xb9: {  	[sflag:s8] =	ssyncset.done $0x0  }
0xba: {  	[sflag:s8] =	ssyncadd.s32 $0xFFFFC000  }
0xbb: {  	[spmem:s1] =	stream.indirect.scatter.add.f32 [tilespmem:s6], [sflag:$0x3], $0x80, s10, s5, $0xb8;
	[tilespmem:$0x1E800] =	vst v63  }
0xbc: {  	_ =	swait.ge [sflag:s0], $0x4000  }
0xbd: {  	[sflag:s0] =	ssyncset.done $0x0  }
0xbe: {  	s12 =	simm.s32 $0x0;
	s16 =	rddreg [dreg:$0x7];
	[sflag:s0] =	ssyncadd.s32 $0xFFFFC000  }
0xbf: {  	[tilespmem:s12], [sflag:$0x3] =	stream.linear.gather [hbm4b:s16+s12], $0x1400, $0x38;
	[tilespmem:$0x1E800] =	vst v63  }
0xc0: {  	_ =	swait.ge [sflag:s0], $0x1400  }
0xc1: {  	[sflag:s0] =	ssyncset.done $0x0  }
0xc2: {  	s16 =	rddreg [dreg:$0x8];
	[sflag:s0] =	ssyncadd.s32 $0xFFFFEC00  }
0xc3: {  	[tilespmem:s3], [sflag:$0x3] =	stream.linear.gather [hbm4b:s16+s12], $0x1400, $0x38;
	[tilespmem:$0x1E800] =	vst v63  }
0xc4: {  	_ =	swait.ge [sflag:s0], $0x1400  }
0xc5: {  	[sflag:s0] =	ssyncset.done $0x0  }
0xc6: {  	[sflag:s0] =	ssyncadd.s32 $0xFFFFEC00  }
0xc7: {  	[tilespmem:s31], [sflag:$0x1] =	stream.indirect.gather [hbm4b:s4+s5], $0x80, s12, s5, $0xb8;
	[tilespmem:$0x1E800] =	vst v63  }
0xc8: {  	_ = 	snop  }
0xc9: {  	[tilespmem:s6], [sflag:$0x2] =	stream.indirect.gather [hbm4b:s4+s5], $0x80, s5, s5, $0xb8;
	[tilespmem:$0x1E800] =	vst v63  }
0xca: {  	_ =	swait.ge [sflag:s7], $0x4000  }
0xcb: {  	[sflag:s7] =	ssyncset.done $0x0  }
0xcc: {  	s16 =	simm.s32 $0x1400;
	[sflag:s7] =	ssyncadd.s32 $0xFFFFC000  }
0xcd: {  	[spmem:s1] =	stream.indirect.scatter.add.f32 [tilespmem:s31], [sflag:$0x3], $0x80, s16, s5, $0xb8;
	[tilespmem:$0x1E800] =	vst v63  }
0xce: {  	_ =	swait.ge [sflag:s0], $0x4000  }
0xcf: {  	[sflag:s0] =	ssyncset.done $0x0  }
0xd0: {  	s15 =	simm.s32 $0x100;
	[sflag:s0] =	ssyncadd.s32 $0xFFFFC000  }
0xd1: {  	[tilespmem:s31], [sflag:$0x1] =	stream.indirect.gather [hbm4b:s4+s5], $0x80, s15, s5, $0xb8;
	[tilespmem:$0x1E800] =	vst v63  }
0xd2: {  	_ =	swait.ge [sflag:s8], $0x4000  }
0xd3: {  	[sflag:s8] =	ssyncset.done $0x0  }
0xd4: {  	s16 =	simm.s32 $0x1480;
	[sflag:s8] =	ssyncadd.s32 $0xFFFFC000  }
0xd5: {  	[spmem:s1] =	stream.indirect.scatter.add.f32 [tilespmem:s6], [sflag:$0x3], $0x80, s16, s5, $0xb8;
	[tilespmem:$0x1E800] =	vst v63  }
0xd6: {  	_ =	swait.ge [sflag:s0], $0x4000  }
0xd7: {  	[sflag:s0] =	ssyncset.done $0x0  }
0xd8: {  	s12 =	simm.s32 $0x400;
	s15 =	simm.s32 $0x180;
	[sflag:s0] =	ssyncadd.s32 $0xFFFFC000  }
.LBB2_5:
0xd9: {  	[tilespmem:s6], [sflag:$0x2] =	stream.indirect.gather [hbm4b:s4+s5], $0x80, s15, s5, $0xb8;
	[tilespmem:$0x1E800] =	vst v63  }
0xda: {  	s15 =	smov.u32 s12  }
0xdb: {  	p1 =	sne.s32 s12, $0x4800;
	s12 =	sadd.s32 $0x400, s12;
	_ =	swait.ge [sflag:s7], $0x4000  }
0xdc: {  	s15 =	sshra.s32 s15, $0x2;
	[sflag:s7] =	ssyncset.done $0x0  }
0xdd: {  	s16 =	sadd.s32 $0x1400, s15;
	[sflag:s7] =	ssyncadd.s32 $0xFFFFC000  }
0xde: {  	[spmem:s1] =	stream.indirect.scatter.add.f32 [tilespmem:s31], [sflag:$0x3], $0x80, s16, s5, $0xb8;
	[tilespmem:$0x1E800] =	vst v63  }
0xdf: {  	_ =	swait.ge [sflag:s0], $0x4000  }
0xe0: {  	[sflag:s0] =	ssyncset.done $0x0  }
0xe1: {  	s16 =	sadd.s32 $0x100, s15;
	[sflag:s0] =	ssyncadd.s32 $0xFFFFC000  }
0xe2: {  	[tilespmem:s31], [sflag:$0x1] =	stream.indirect.gather [hbm4b:s4+s5], $0x80, s16, s5, $0xb8;
	[tilespmem:$0x1E800] =	vst v63  }
0xe3: {  	_ =	swait.ge [sflag:s8], $0x4000  }
0xe4: {  	[sflag:s8] =	ssyncset.done $0x0  }
.Ltmp4:
0xe5: {  	s16 =	sadd.s32 $0x1480, s15;
	[sflag:s8] =	ssyncadd.s32 $0xFFFFC000;
	(pc) =	sbr.rel @p1 .LBB2_5-.Ltmp4, $4  }
0xe6: {  	[spmem:s1] =	stream.indirect.scatter.add.f32 [tilespmem:s6], [sflag:$0x3], $0x80, s16, s5, $0xb8;
	[tilespmem:$0x1E800] =	vst v63  }
0xe7: {  	_ =	swait.ge [sflag:s0], $0x4000  }
0xe8: {  	[sflag:s0] =	ssyncset.done $0x0  }
0xe9: {  	s15 =	sadd.s32 $0x180, s15;
	[sflag:s0] =	ssyncadd.s32 $0xFFFFC000  }
0xea: {  	[tilespmem:s6], [sflag:$0x2] =	stream.indirect.gather [hbm4b:s4+s5], $0x80, s15, s5, $0xb8;
	[tilespmem:$0x1E800] =	vst v63  }
0xeb: {  	_ =	swait.ge [sflag:s7], $0x4000  }
0xec: {  	[sflag:s7] =	ssyncset.done $0x0  }
0xed: {  	[sflag:s7] =	ssyncadd.s32 $0xFFFFC000  }
0xee: {  	[spmem:s1] =	stream.indirect.scatter.add.f32 [tilespmem:s31], [sflag:$0x3], $0x80, s9, s5, $0xb8;
	[tilespmem:$0x1E800] =	vst v63  }
0xef: {  	_ =	swait.ge [sflag:s0], $0x4000  }
0xf0: {  	[sflag:s0] =	ssyncset.done $0x0  }
0xf1: {  	[sflag:s0] =	ssyncadd.s32 $0xFFFFC000  }
0xf2: {  	_ =	swait.ge [sflag:s8], $0x4000  }
0xf3: {  	[sflag:s8] =	ssyncset.done $0x0  }
0xf4: {  	[sflag:s8] =	ssyncadd.s32 $0xFFFFC000  }
0xf5: {  	[spmem:s1] =	stream.indirect.scatter.add.f32 [tilespmem:s6], [sflag:$0x3], $0x80, s10, s5, $0xb8;
	[tilespmem:$0x1E800] =	vst v63  }
0xf6: {  	_ =	swait.ge [sflag:s0], $0x4000  }
0xf7: {  	[sflag:s0] =	ssyncset.done $0x0  }
0xf8: {  	s12 =	simm.s32 $0x0;
	s16 =	rddreg [dreg:$0x9];
	[sflag:s0] =	ssyncadd.s32 $0xFFFFC000  }
0xf9: {  	[tilespmem:s12], [sflag:$0x3] =	stream.linear.gather [hbm4b:s16+s12], $0x1400, $0x38;
	[tilespmem:$0x1E800] =	vst v63  }
0xfa: {  	_ =	swait.ge [sflag:s0], $0x1400  }
0xfb: {  	[sflag:s0] =	ssyncset.done $0x0  }
0xfc: {  	s16 =	rddreg [dreg:$0xa];
	[sflag:s0] =	ssyncadd.s32 $0xFFFFEC00  }
0xfd: {  	[tilespmem:s3], [sflag:$0x3] =	stream.linear.gather [hbm4b:s16+s12], $0x1400, $0x38;
	[tilespmem:$0x1E800] =	vst v63  }
0xfe: {  	_ =	swait.ge [sflag:s0], $0x1400  }
0xff: {  	[sflag:s0] =	ssyncset.done $0x0  }
0x100: {  	[sflag:s0] =	ssyncadd.s32 $0xFFFFEC00  }
0x101: {  	[tilespmem:s31], [sflag:$0x1] =	stream.indirect.gather [hbm4b:s4+s5], $0x80, s12, s5, $0xb8;
	[tilespmem:$0x1E800] =	vst v63  }
0x102: {  	_ = 	snop  }
0x103: {  	[tilespmem:s6], [sflag:$0x2] =	stream.indirect.gather [hbm4b:s4+s5], $0x80, s5, s5, $0xb8;
	[tilespmem:$0x1E800] =	vst v63  }
0x104: {  	_ =	swait.ge [sflag:s7], $0x4000  }
0x105: {  	[sflag:s7] =	ssyncset.done $0x0  }
0x106: {  	s16 =	simm.s32 $0x1400;
	[sflag:s7] =	ssyncadd.s32 $0xFFFFC000  }
0x107: {  	[spmem:s1] =	stream.indirect.scatter.add.f32 [tilespmem:s31], [sflag:$0x3], $0x80, s16, s5, $0xb8;
	[tilespmem:$0x1E800] =	vst v63  }
0x108: {  	_ =	swait.ge [sflag:s0], $0x4000  }
0x109: {  	[sflag:s0] =	ssyncset.done $0x0  }
0x10a: {  	s15 =	simm.s32 $0x100;
	[sflag:s0] =	ssyncadd.s32 $0xFFFFC000  }
0x10b: {  	[tilespmem:s31], [sflag:$0x1] =	stream.indirect.gather [hbm4b:s4+s5], $0x80, s15, s5, $0xb8;
	[tilespmem:$0x1E800] =	vst v63  }
0x10c: {  	_ =	swait.ge [sflag:s8], $0x4000  }
0x10d: {  	[sflag:s8] =	ssyncset.done $0x0  }
0x10e: {  	s16 =	simm.s32 $0x1480;
	[sflag:s8] =	ssyncadd.s32 $0xFFFFC000  }
0x10f: {  	[spmem:s1] =	stream.indirect.scatter.add.f32 [tilespmem:s6], [sflag:$0x3], $0x80, s16, s5, $0xb8;
	[tilespmem:$0x1E800] =	vst v63  }
0x110: {  	_ =	swait.ge [sflag:s0], $0x4000  }
0x111: {  	[sflag:s0] =	ssyncset.done $0x0  }
0x112: {  	s12 =	simm.s32 $0x400;
	s15 =	simm.s32 $0x180;
	[sflag:s0] =	ssyncadd.s32 $0xFFFFC000  }
.LBB2_7:
0x113: {  	[tilespmem:s6], [sflag:$0x2] =	stream.indirect.gather [hbm4b:s4+s5], $0x80, s15, s5, $0xb8;
	[tilespmem:$0x1E800] =	vst v63  }
0x114: {  	s15 =	smov.u32 s12  }
0x115: {  	p1 =	seq.s32 s12, $0x4800;
	s12 =	sadd.s32 $0x400, s12;
	_ =	swait.ge [sflag:s7], $0x4000  }
0x116: {  	s15 =	sshra.s32 s15, $0x2;
	[sflag:s7] =	ssyncset.done $0x0  }
0x117: {  	s16 =	sadd.s32 $0x1400, s15;
	[sflag:s7] =	ssyncadd.s32 $0xFFFFC000  }
0x118: {  	[spmem:s1] =	stream.indirect.scatter.add.f32 [tilespmem:s31], [sflag:$0x3], $0x80, s16, s5, $0xb8;
	[tilespmem:$0x1E800] =	vst v63  }
0x119: {  	_ =	swait.ge [sflag:s0], $0x4000  }
0x11a: {  	[sflag:s0] =	ssyncset.done $0x0  }
0x11b: {  	s16 =	sadd.s32 $0x100, s15;
	[sflag:s0] =	ssyncadd.s32 $0xFFFFC000  }
0x11c: {  	[tilespmem:s31], [sflag:$0x1] =	stream.indirect.gather [hbm4b:s4+s5], $0x80, s16, s5, $0xb8;
	[tilespmem:$0x1E800] =	vst v63  }
0x11d: {  	_ =	swait.ge [sflag:s8], $0x4000  }
0x11e: {  	[sflag:s8] =	ssyncset.done $0x0  }
.Ltmp5:
0x11f: {  	s16 =	sadd.s32 $0x1480, s15;
	[sflag:s8] =	ssyncadd.s32 $0xFFFFC000;
	(pc) =	sbr.rel @!p1 .LBB2_7-.Ltmp5, $4  }
0x120: {  	[spmem:s1] =	stream.indirect.scatter.add.f32 [tilespmem:s6], [sflag:$0x3], $0x80, s16, s5, $0xb8;
	[tilespmem:$0x1E800] =	vst v63  }
0x121: {  	_ =	swait.ge [sflag:s0], $0x4000  }
0x122: {  	[sflag:s0] =	ssyncset.done $0x0  }
0x123: {  	s15 =	sadd.s32 $0x180, s15;
	[sflag:s0] =	ssyncadd.s32 $0xFFFFC000  }
.Ltmp6:
0x124: {  	(pc) =	sbr.rel .LBB2_12-.Ltmp6, $2  }
0x125: {  	_ =	sdelay $0x2  }
0x126: {  	[tilespmem:s6], [sflag:$0x2] =	stream.indirect.gather [hbm4b:s4+s5], $0x80, s15, s5, $0xb8;
	[tilespmem:$0x1E800] =	vst v63  }
.LBB2_9:
0x127: {  	s15 =	rddreg [dreg:$0x3]  }
0x128: {  	[tilespmem:s12], [sflag:$0x3] =	stream.linear.gather [hbm4b:s15+s12], $0x1400, $0x38;
	[tilespmem:$0x1E800] =	vst v63  }
0x129: {  	_ =	swait.ge [sflag:s0], $0x1400  }
0x12a: {  	[sflag:s0] =	ssyncset.done $0x0  }
0x12b: {  	s16 =	rddreg [dreg:$0x4];
	[sflag:s0] =	ssyncadd.s32 $0xFFFFEC00  }
0x12c: {  	[tilespmem:s3], [sflag:$0x3] =	stream.linear.gather [hbm4b:s16+s12], $0x1400, $0x38;
	[tilespmem:$0x1E800] =	vst v63  }
0x12d: {  	_ =	swait.ge [sflag:s0], $0x1400  }
0x12e: {  	[sflag:s0] =	ssyncset.done $0x0  }
0x12f: {  	[sflag:s0] =	ssyncadd.s32 $0xFFFFEC00  }
0x130: {  	[tilespmem:s31], [sflag:$0x1] =	stream.indirect.gather [hbm4b:s4+s5], $0x80, s12, s5, $0xb8;
	[tilespmem:$0x1E800] =	vst v63  }
0x131: {  	_ = 	snop  }
0x132: {  	[tilespmem:s6], [sflag:$0x2] =	stream.indirect.gather [hbm4b:s4+s5], $0x80, s5, s5, $0xb8;
	[tilespmem:$0x1E800] =	vst v63  }
0x133: {  	_ =	swait.ge [sflag:s7], $0x4000  }
0x134: {  	[sflag:s7] =	ssyncset.done $0x0  }
0x135: {  	s16 =	simm.s32 $0x1400;
	[sflag:s7] =	ssyncadd.s32 $0xFFFFC000  }
0x136: {  	[spmem:s1] =	stream.indirect.scatter.add.f32 [tilespmem:s31], [sflag:$0x3], $0x80, s16, s5, $0xb8;
	[tilespmem:$0x1E800] =	vst v63  }
0x137: {  	_ =	swait.ge [sflag:s0], $0x4000  }
0x138: {  	[sflag:s0] =	ssyncset.done $0x0  }
0x139: {  	s15 =	simm.s32 $0x100;
	[sflag:s0] =	ssyncadd.s32 $0xFFFFC000  }
0x13a: {  	[tilespmem:s31], [sflag:$0x1] =	stream.indirect.gather [hbm4b:s4+s5], $0x80, s15, s5, $0xb8;
	[tilespmem:$0x1E800] =	vst v63  }
0x13b: {  	_ =	swait.ge [sflag:s8], $0x4000  }
0x13c: {  	[sflag:s8] =	ssyncset.done $0x0  }
0x13d: {  	s16 =	simm.s32 $0x1480;
	[sflag:s8] =	ssyncadd.s32 $0xFFFFC000  }
0x13e: {  	[spmem:s1] =	stream.indirect.scatter.add.f32 [tilespmem:s6], [sflag:$0x3], $0x80, s16, s5, $0xb8;
	[tilespmem:$0x1E800] =	vst v63  }
0x13f: {  	_ =	swait.ge [sflag:s0], $0x4000  }
0x140: {  	[sflag:s0] =	ssyncset.done $0x0  }
0x141: {  	s12 =	simm.s32 $0x400;
	s15 =	simm.s32 $0x180;
	[sflag:s0] =	ssyncadd.s32 $0xFFFFC000  }
.LBB2_10:
0x142: {  	[tilespmem:s6], [sflag:$0x2] =	stream.indirect.gather [hbm4b:s4+s5], $0x80, s15, s5, $0xb8;
	[tilespmem:$0x1E800] =	vst v63  }
0x143: {  	s15 =	smov.u32 s12  }
0x144: {  	p1 =	sne.s32 s12, $0x4800;
	s12 =	sadd.s32 $0x400, s12;
	_ =	swait.ge [sflag:s7], $0x4000  }
0x145: {  	s15 =	sshra.s32 s15, $0x2;
	[sflag:s7] =	ssyncset.done $0x0  }
0x146: {  	s16 =	sadd.s32 $0x1400, s15;
	[sflag:s7] =	ssyncadd.s32 $0xFFFFC000  }
0x147: {  	[spmem:s1] =	stream.indirect.scatter.add.f32 [tilespmem:s31], [sflag:$0x3], $0x80, s16, s5, $0xb8;
	[tilespmem:$0x1E800] =	vst v63  }
0x148: {  	_ =	swait.ge [sflag:s0], $0x4000  }
0x149: {  	[sflag:s0] =	ssyncset.done $0x0  }
0x14a: {  	s16 =	sadd.s32 $0x100, s15;
	[sflag:s0] =	ssyncadd.s32 $0xFFFFC000  }
0x14b: {  	[tilespmem:s31], [sflag:$0x1] =	stream.indirect.gather [hbm4b:s4+s5], $0x80, s16, s5, $0xb8;
	[tilespmem:$0x1E800] =	vst v63  }
0x14c: {  	_ =	swait.ge [sflag:s8], $0x4000  }
0x14d: {  	[sflag:s8] =	ssyncset.done $0x0  }
.Ltmp7:
0x14e: {  	s16 =	sadd.s32 $0x1480, s15;
	[sflag:s8] =	ssyncadd.s32 $0xFFFFC000;
	(pc) =	sbr.rel @p1 .LBB2_10-.Ltmp7, $4  }
0x14f: {  	[spmem:s1] =	stream.indirect.scatter.add.f32 [tilespmem:s6], [sflag:$0x3], $0x80, s16, s5, $0xb8;
	[tilespmem:$0x1E800] =	vst v63  }
0x150: {  	_ =	swait.ge [sflag:s0], $0x4000  }
0x151: {  	[sflag:s0] =	ssyncset.done $0x0  }
0x152: {  	s15 =	sadd.s32 $0x180, s15;
	[sflag:s0] =	ssyncadd.s32 $0xFFFFC000  }
.Ltmp8:
0x153: {  	_ = 	snop;
	(pc) =	sbr.rel .LBB2_11-.Ltmp8, $1  }
0x154: {  	_ =	sdelay $0x3  }
.LBB2_13:
0x155: {  	_ =	sfence.sel $0x180000  }
0x156: {  	[bflag:$0x0] =	sbarrier.arrive $0xFFFF  }
0x157: {  	_ =	strace $0x9000004D  }
0x158: {  	s0 =	stileid.u32;
	[bflag:$0x2] =	sbarrier.arrive $0xFFFF  }
0x159: {  	p0 =	sne.s32 s0, $0x0;
	s0 =	rddreg [dreg:$0x2]  }
0x15a: {  	s0 =	sadd.s32 @!p0 $0x100000, s0  }
0x15b: {  	[sflag:s0] =	ssyncadd.tile.s32 @!p0 $0x1;
	_ =	shalt  }
.Lfunc_end2:
_tile_overlayer_lowered:
.L_overlay_start_2:
0x15c: {  	(tag) =	ssettag $0x2  }
0x15d: {  	s0 =	rddreg [dreg:$0x0];
	s2 =	stileid.u32  }
0x15e: {  	s1 =	rddreg [dreg:$0x1];
	p0 =	sne.s32 s2, $0x0  }
0x15f: {  	s3 =	rddreg [dreg:$0x2];
	[bflag:$0x3] =	sbarrier.arrive $0xFFFF;
	s2 =	simm.s32 @!p0 $0x1C03  }
0x160: {  	[timem:s3], [sflag:s2] =	dma.local @!p0 [hbm:s0], s1  }
0x161: {  	s0 =	simm.s32 @!p0 $0x3  }
0x162: {  	_ =	swait.ge @!p0 [sflag:s0], s1  }
0x163: {  	s1 =	ssub.s32 @!p0 $0x0, s1;
	[sflag:s0] =	ssyncset.done @!p0 $0x0  }
0x164: {  	[sflag:s0] =	ssyncadd.s32 @!p0 s1  }
0x165: {  	[bflag:$0x3] =	sbarrier.arrive $0xFFFF  }
0x166: {  	_ =	shalt  }

// kernel: kernel.8.cloned.1.call-start
scs
__scs_entry_jumppad:
0x0: {  	(pc) =	sbr.rel $0x88, $3  }
0x1: {  	(tag) =	ssettag $0x0;
	lr =	simm.s32 $0x1  }
0x2: {  	[smem:$0x3F94] =	sst lr;
	_ =	strace $0xD0000000  }
0x3: {  	_ = 	snop  }
0x4: {  	_ = 	snop  }
0x5: {  	_ = 	snop  }
0x6: {  	_ = 	snop  }
0x7: {  	_ = 	snop  }
__scs_overlays_trampoline_lowered:
0x8: {  	[smem:$0x3FA3] =	sst s0  }
0x9: {  	[smem:$0x3FA4] =	sst s1  }
0xa: {  	[smem:$0x3FA5] =	sst s2  }
0xb: {  	[smem:$0x3FA6] =	sst s3  }
0xc: {  	[smem:$0x3FA7] =	sst s4  }
0xd: {  	[smem:$0x3FA8] =	sst s5  }
0xe: {  	[smem:$0x3FA9] =	sst s6  }
0xf: {  	[smem:$0x3FAA] =	sst s7  }
0x10: {  	[smem:$0x3FAB] =	sst s8  }
0x11: {  	[smem:$0x3FAC] =	sst s9;
	s0 =	simm.s32 @!p0 $0x0  }
0x12: {  	s1 =	sld [smem:$0x3F92];
	s0 =	simm.s32 @p0 $0x1  }
0x13: {  	[smem:$0x3FAD] =	sst s0;
	s0 =	simm.s32 @!p1 $0x0  }
0x14: {  	s2 =	sld [smem:$0x3F91];
	s0 =	simm.s32 @p1 $0x1  }
0x15: {  	[smem:$0x3FAE] =	sst s0;
	s0 =	simm.s32 @!p2 $0x0  }
0x16: {  	s3 =	sld [smem:$0x3FDB];
	s0 =	simm.s32 @p2 $0x1  }
0x17: {  	s4 =	simm.s32 $0x1BF5;
	[smem:$0x3FB0] =	sst s0  }
0x18: {  	s0 =	sld [smem:$0x3F93];
	_ =	swait.ge [sflag:s4], $0x0  }
0x19: {  	s7 =	sld [smem:$0x3F94]  }
0x1a: {  	s8 =	sadd.s32 $0xFFFFE003, lr  }
0x1b: {  	s9 =	sadd.s32 $0xFFFFFEF7, lr;
	s5 =	simm.s32 $0xFFFFFFFF;
	p2 =	slt.u32 s8, $0xFFFFF086  }
0x1c: {  	p1 =	slt.u32 s9, $0xF7A;
	s5 =	simm.s32 @!p2 $0x0  }
0x1d: {  	s5 =	simm.s32 @p1 $0x1;
	p0 =	seq.s32 s7, s2  }
0x1e: {  	s7 =	smul.u32 @!p0 $0xF7A, s2;
	p2 =	seq.s32 @!p0 s5, $0x0  }
0x1f: {  	s9 =	smul.u32 $0xF7A, s1;
	s8 =	simm.s32 @!p0 $0x1BF5;
	p2 =	por !p2, p0  }
0x20: {  	[sflag:s8] =	ssyncset.s32 @!p0 $0xFFFFF086;
	s6 =	sadd.s32 @!p0 s3, s7;
	s7 =	simm.s32 @!p0 $0x108  }
0x21: {  	s3 =	sadd.s32 s3, s9;
	s6 =	sadd.s32 @!p0 $0x88, s6;
	s7 =	simm.s32 @p2 $0x1082  }
0x22: {  	[simem:s7], [sflag:s8] =	dma.local @!p0 [hbm:s6], $0xF7A  }
0x23: {  	s9 =	sor.u32 $0xD0000000, s2;
	s6 =	simm.s32 $0x108;
	_ =	swait.ge @!p0 [sflag:s8], $0x0  }
0x24: {  	s3 =	sadd.s32 $0x88, s3;
	s6 =	simm.s32 @!p1 $0x1082;
	[sflag:s4] =	ssyncset.s32 $0xFFFFF086  }
0x25: {  	[simem:s6], [sflag:s4] =	dma.local [hbm:s3], $0xF7A  }
0x26: {  	[smem:$0x3F94] =	sst s1;
	(tag) =	ssettag s2;
	_ =	strace s9  }
0x27: {  	s1 =	sld [smem:$0x3FA4]  }
0x28: {  	s2 =	sld [smem:$0x3FA5]  }
0x29: {  	s4 =	sld [smem:$0x3FA7]  }
0x2a: {  	p0 =	seq.s32 s5, $0x0;
	s5 =	sld [smem:$0x3FA8]  }
0x2b: {  	s6 =	sld [smem:$0x3FA9]  }
0x2c: {  	s7 =	sld [smem:$0x3FAA]  }
0x2d: {  	s3 =	simm.s32 $0x108;
	s8 =	sld [smem:$0x3FAB]  }
0x2e: {  	s3 =	simm.s32 @!p0 $0x1082;
	s9 =	sld [smem:$0x3FAC]  }
0x2f: {  	lr =	sadd.s32 s0, s3;
	s0 =	sld [smem:$0x3FA3]  }
0x30: {  	s3 =	sld [smem:$0x3FA6]  }
0x31: {  	[smem:$0x3FAF] =	sst s10  }
0x32: {  	s10 =	sld [smem:$0x3FAD];
	_ =	sdelay $0x3  }
0x33: {  	p0 =	seq.s32 s10, $0x1;
	s10 =	sld [smem:$0x3FAF];
	_ =	sdelay $0x3  }
0x34: {  	[smem:$0x3FAF] =	sst s10  }
0x35: {  	s10 =	sld [smem:$0x3FAE];
	_ =	sdelay $0x3  }
0x36: {  	p1 =	seq.s32 s10, $0x1;
	s10 =	sld [smem:$0x3FAF];
	_ =	sdelay $0x3  }
0x37: {  	[smem:$0x3FAF] =	sst s10  }
0x38: {  	s10 =	sld [smem:$0x3FB0]  }
0x39: {  	_ = 	snop;
	(pc) =	sbr.ind lr, $3  }
0x3a: {  	_ = 	snop  }
0x3b: {  	_ = 	snop  }
0x3c: {  	p2 =	seq.s32 s10, $0x1;
	s10 =	sld [smem:$0x3FAF]  }
0x3d: {  	_ =	shalt  }
0x3e: {  	_ =	shalt  }
0x3f: {  	_ =	shalt  }
0x40: {  	_ =	shalt  }
0x41: {  	_ =	shalt  }
0x42: {  	_ =	shalt  }
0x43: {  	_ =	shalt  }
0x44: {  	_ =	shalt  }
0x45: {  	_ =	shalt  }
0x46: {  	_ =	shalt  }
0x47: {  	_ =	shalt  }
0x48: {  	_ =	shalt  }
0x49: {  	_ =	shalt  }
0x4a: {  	_ =	shalt  }
0x4b: {  	_ =	shalt  }
0x4c: {  	_ =	shalt  }
0x4d: {  	_ =	shalt  }
0x4e: {  	_ =	shalt  }
0x4f: {  	_ =	shalt  }
0x50: {  	_ =	shalt  }
0x51: {  	_ =	shalt  }
0x52: {  	_ =	shalt  }
0x53: {  	_ =	shalt  }
0x54: {  	_ =	shalt  }
0x55: {  	_ =	shalt  }
0x56: {  	_ =	shalt  }
0x57: {  	_ =	shalt  }
0x58: {  	_ =	shalt  }
0x59: {  	_ =	shalt  }
0x5a: {  	_ =	shalt  }
0x5b: {  	_ =	shalt  }
0x5c: {  	_ =	shalt  }
0x5d: {  	_ =	shalt  }
0x5e: {  	_ =	shalt  }
0x5f: {  	_ =	shalt  }
0x60: {  	_ =	shalt  }
0x61: {  	_ =	shalt  }
0x62: {  	_ =	shalt  }
0x63: {  	_ =	shalt  }
0x64: {  	_ =	shalt  }
0x65: {  	_ =	shalt  }
0x66: {  	_ =	shalt  }
0x67: {  	_ =	shalt  }
0x68: {  	_ =	shalt  }
0x69: {  	_ =	shalt  }
0x6a: {  	_ =	shalt  }
0x6b: {  	_ =	shalt  }
0x6c: {  	_ =	shalt  }
0x6d: {  	_ =	shalt  }
0x6e: {  	_ =	shalt  }
0x6f: {  	_ =	shalt  }
0x70: {  	_ =	shalt  }
0x71: {  	_ =	shalt  }
0x72: {  	_ =	shalt  }
0x73: {  	_ =	shalt  }
0x74: {  	_ =	shalt  }
0x75: {  	_ =	shalt  }
0x76: {  	_ =	shalt  }
0x77: {  	_ =	shalt  }
0x78: {  	_ =	shalt  }
0x79: {  	_ =	shalt  }
0x7a: {  	_ =	shalt  }
0x7b: {  	_ =	shalt  }
0x7c: {  	_ =	shalt  }
0x7d: {  	_ =	shalt  }
0x7e: {  	_ =	shalt  }
0x7f: {  	_ =	shalt  }
0x80: {  	_ =	shalt  }
0x81: {  	_ =	shalt  }
0x82: {  	_ =	shalt  }
0x83: {  	_ =	shalt  }
0x84: {  	_ =	shalt  }
0x85: {  	_ =	shalt  }
0x86: {  	_ =	shalt  }
0x87: {  	_ =	shalt  }
.Lfunc_end0:
.L_simem_size_0:
called_computation_lowered:
.L_overlay_start_0:
0x88: {  	s2 =	sld [smem:$0x3FD9]  }
0x89: {  	s3 =	sld [smem:$0x3FFE];
	_ =	sdelay $0x1  }
0x8a: {  	s1 =	srdreg.scid  }
0x8b: {  	s0 =	sand.u32 $0x1, s1  }
0x8c: {  	s16 =	sshll.u32 s0, $0xA;
	s2 =	sadd.s32 s3, s2  }
0x8d: {  	s2 =	sadd.s32 s2, s16  }
0x8e: {  	[smem:$0x3FBB] =	sst s2  }
0x8f: {  	_ = 	snop  }
0x90: {  	(tm) =	ssettm $0x1  }
0x91: {  	s17 =	sld [smem:$0x3FFB];
	_ =	sdelay $0x3  }
0x92: {  	_ =	strace s17  }
0x93: {  	s2 =	sld [smem:$0x3FFC];
	_ =	sdelay $0x3  }
0x94: {  	_ =	strace s2  }
0x95: {  	s2 =	sld [smem:$0x3FFD];
	_ =	sdelay $0x3  }
0x96: {  	_ =	strace s2  }
0x97: {  	_ =	strace $0x8FFFFFFF  }
0x98: {  	s18 =	sld [smem:$0x3FDB];
	_ =	sdelay $0x1  }
0x99: {  	s19 =	simm.s32 $_scs_section_size  }
0x9a: {  	s4 =	simm.s32 $_size__tile_overlayer_lowered;
	s5 =	simm.s32 $_tile_overlayer_lowered  }
0x9b: {  	s22 =	simm.s32 $0x1BFF;
	s21 =	sshll.u32 s5, $0x1;
	s2 =	sadd.s32 s19, s18  }
0x9c: {  	s6 =	simm.s32 $0x0;
	s20 =	sshll.u32 s4, $0x1;
	s4 =	sadd.s32 s21, s2  }
0x9d: {  	[timem:s6], [sflag:s22] =	dma.local [hbm:s4], s20  }
0x9e: {  	_ =	swait.ge [sflag:s22], s20  }
0x9f: {  	s3 =	ssub.s32 $0x0, s20;
	[sflag:s22] =	ssyncset.done $0x0  }
0xa0: {  	[sflag:s22] =	ssyncadd.s32 s3;
	_ =	sdelay $0x1  }
0xa1: {  	s23 =	simm.s32 $0x1B8B  }
0xa2: {  	_ =	swait.ge [sflag:s23], $0x1  }
0xa3: {  	[sflag:s23] =	ssyncset.done $0x0  }
0xa4: {  	s25 =	simm.s32 $0x1B8E;
	s24 =	sld [smem:$0x3FFE];
	[sflag:s23] =	ssyncadd.s32 $0xFFFFFFFF  }
0xa5: {  	s26 =	simm.s32 $execute0_lowered;
	[smem:$0x3FD2] =	sst s25  }
0xa6: {  	s4 =	sshll.u32 s26, $0x1;
	_ =	strace $0x80000046;
	[dreg:$0x1] =	wrdreg $0xFFFFFFFF  }
0xa7: {  	s28 =	simm.s32 $_size_execute0_lowered;
	s2 =	sadd.s32 s2, s4;
	[dreg:$0x0] =	wrdreg $0x0  }
0xa8: {  	s4 =	sshll.u32 s28, $0x1;
	[dreg:$0x2] =	wrdreg s2  }
0xa9: {  	[dreg:$0x3] =	wrdreg s4  }
0xaa: {  	[dreg:$0x4] =	wrdreg $0xC0  }
0xab: {  	_ =	task [dreg:s6], $0x5FFFF  }
0xac: {  	[dreg:$0x1] =	wrdreg $0xFFFFFFFF  }
0xad: {  	[dreg:$0x0] =	wrdreg $0x60  }
0xae: {  	[dreg:$0x2] =	wrdreg s24  }
0xaf: {  	[dreg:$0x3] =	wrdreg $0x94000  }
0xb0: {  	[dreg:$0x4] =	wrdreg $0x9  }
0xb1: {  	_ =	task.clear_ibuf [dreg:s6], $0x5FFFF;
	_ =	strace $0x90000046  }
0xb2: {  	s29 =	simm.s32 $0x9;
	_ =	strace $0x80000048  }
0xb3: {  	_ =	swait.ge [sflag:s29], $0x1  }
0xb4: {  	[sflag:s29] =	ssyncadd.s32 $0xFFFFFFFF  }
0xb5: {  	_ =	strace $0x90000048  }
0xb6: {  	_ =	sfence  }
0xb7: {  	s30 =	sld [smem:$0x0];
	_ =	sdelay $0x2  }
0xb8: {  	s31 =	sshll.u32 s1, $0xD;
	s1 =	sshrl.u32 s1, $0x2  }
0xb9: {  	s3 =	sand.u32 $0x4000, s31;
	s1 =	sadd.s32 s1, s30  }
0xba: {  	s0 =	sor.u32 s3, s0;
	s1 =	sshll.u32 s1, $0x11  }
0xbb: {  	s0 =	sor.u32 s1, s0  }
0xbc: {  	s0 =	sadd.s32 $0x8F2B, s0  }
0xbd: {  	[sflag:s0] =	ssyncadd.remote.s32 $0x1  }
0xbe: {  	_ =	sfence.sel $0xFFFF  }
0xbf: {  	[dreg:$0x0] =	wrdreg $0xFFFFFFFF;
	(pc) =	sbr.abs _section_cstart, $3  }
0xc0: {  	[dreg:$0x1] =	wrdreg $0xFFFFFFFF  }
0xc1: {  	_ =	task.clear_ibuf [dreg:s6], $0x2FFFF;
	_ =	strace $0x9FFFFFFF  }
0xc2: {  	(tm) =	ssettm $0x7FFFFFFF  }
0xc3: {  	_ =	shalt  }
tec
execute0_lowered:
.L_overlay_start_1:
0x0: {  	(tag) =	ssettag $0x1  }
0x1: {  	s4 =	rddreg [dreg:$0x0]  }
0x2: {  	s1 =	srdreg.scid;
	s0 =	stileid.u32  }
0x3: {  	s2 =	rddreg [dreg:$0x1];
	s3 =	simm.s32 $0x0;
	s6 =	smul.u32 $0x5000, s0  }
0x4: {  	s23 =	simm.s32 $0x5400;
	s24 =	simm.s32 $0x1;
	s9 =	smul.u32 $0x50000, s0  }
0x5: {  	s25 =	simm.s32 $0x80;
	s5 =	sand.u32 $0x1, s1;
	s18 =	smul.u32 $0x280, s0  }
0x6: {  	s26 =	simm.s32 $0x1400;
	s28 =	simm.s32 $0x0;
	s7 =	smul.u32 $0x2800, s5  }
0x7: {  	[smem:$0x7FF] =	sst s3;
	s30 =	smul.u32 $0x28000, s5;
	s5 =	ssub.s32 $0x2, s5  }
0x8: {  	s21 =	sadd.s32 $0xCC00, s4;
	_ =	strace $0x80000047;
	s8 =	sshrl.u32 s5, $0x1  }
0x9: {  	s31 =	sshrl.u32 s9, $0x2;
	s12 =	sadd.s32 $0x80, s18;
	s16 =	sadd.s32 $0x100, s18  }
0xa: {  	s19 =	sadd.s32 $0x180, s18;
	s22 =	sadd.s32 $0x200, s18;
	s6 =	sadd.s32 s7, s6  }
0xb: {  	s7 =	sadd.s32 s30, s4;
	s10 =	ssub.s32 s5, s8;
	s5 =	smul.u32 $0x2800, s0  }
0xc: {  	s8 =	sadd.s32 s31, s2;
	s11 =	sshll.u32 s12, $0x4;
	s13 =	sshll.u32 s12, $0x7  }
0xd: {  	s14 =	sshll.u32 s16, $0x4;
	s16 =	sshll.u32 s16, $0x7;
	s17 =	sshll.u32 s19, $0x4  }
0xe: {  	s20 =	sshll.u32 s19, $0x7;
	s19 =	sshll.u32 s22, $0x4;
	s22 =	sshll.u32 s22, $0x7  }
0xf: {  	s6 =	sshrl.u32 s6, $0x3;
	s7 =	sadd.s32 $0x34C00, s7;
	s9 =	smax.u32 s10, $0x1  }
0x10: {  	s12 =	sadd.s32 s21, s11;
	s13 =	sadd.s32 s13, s2;
	s15 =	sadd.s32 s21, s14  }
0x11: {  	s16 =	sadd.s32 s16, s2;
	s18 =	sadd.s32 s21, s17;
	s20 =	sadd.s32 s20, s2  }
0x12: {  	s22 =	sadd.s32 s22, s2;
	s6 =	sadd.s32 s6, s4;
	s10 =	sadd.s32 s21, s5  }
0x13: {  	v0 =	vimm.f32 $1.000000000e+00;
	s21 =	sadd.s32 s21, s19;
	s4 =	sadd.s32 $0x2C00, s6;
	s6 =	sadd.s32 $0x2E80, s6  }
.LBB2_1:
0x14: {  	s29 =	sand.u32 $0xFE00, s3  }
0x15: {  	s30 =	sand.u32 $0x70, s3;
	s31 =	sshrl.u32 s29, $0x2  }
0x16: {  	s29 =	simm.s32 $0x40;
	s31 =	sor.u32 s30, s31;
	s30 =	simm.s32 $0x0  }
.LBB2_2:
0x17: {  	p0 =	sne.s32 s29, $0xFFC0  }
0x18: {  	[tilespmem:s31+$0x1400] =	vst v0;
	s30 =	sadd.s32 $0x10, s30;
	s31 =	smov.u32 s29;
	s29 =	sadd.s32 $0x40, s29  }
.Ltmp0:
0x19: {  	(pc) =	sbr.rel @p0 .LBB2_2-.Ltmp0, $4  }
0x1a: {  	_ = 	snop  }
0x1b: {  	s31 =	sand.u32 $0xFE00, s31  }
0x1c: {  	s1 =	sand.u32 $0x70, s30;
	s31 =	sshrl.u32 s31, $0x2  }
0x1d: {  	s31 =	sor.u32 s1, s31  }
0x1e: {  	[tilespmem:s31+$0x1400] =	vst v0;
	s1 =	simm.s32 $0x0  }
0x1f: {  	[tilespmem:s23], [sflag:$0x1] =	stream.linear.gather [hbm4b:s10+s1], $0x4000, $0x38;
	[tilespmem:$0x1D400] =	vst v63  }
0x20: {  	_ =	swait.ge [sflag:s24], $0x4000  }
0x21: {  	[sflag:s24] =	ssyncset.done $0x0  }
0x22: {  	[sflag:s24] =	ssyncadd.s32 $0xFFFFC000  }
0x23: {  	[spmem:s8] =	stream.linear.scatter [tilespmem:s23], [sflag:$0x1], $0x4000, $0x38;
	[tilespmem:$0x1D400] =	vst v63  }
0x24: {  	_ =	swait.ge [sflag:s24], $0x4000  }
0x25: {  	[sflag:s24] =	ssyncset.done $0x0  }
0x26: {  	[sflag:s24] =	ssyncadd.s32 $0xFFFFC000  }
0x27: {  	[tilespmem:s23], [sflag:$0x1] =	stream.linear.gather [hbm4b:s12+s1], $0x4000, $0x38;
	[tilespmem:$0x1D400] =	vst v63  }
0x28: {  	_ =	swait.ge [sflag:s24], $0x4000  }
0x29: {  	[sflag:s24] =	ssyncset.done $0x0  }
0x2a: {  	[sflag:s24] =	ssyncadd.s32 $0xFFFFC000  }
0x2b: {  	[spmem:s13] =	stream.linear.scatter [tilespmem:s23], [sflag:$0x1], $0x4000, $0x38;
	[tilespmem:$0x1D400] =	vst v63  }
0x2c: {  	_ =	swait.ge [sflag:s24], $0x4000  }
0x2d: {  	[sflag:s24] =	ssyncset.done $0x0  }
0x2e: {  	[sflag:s24] =	ssyncadd.s32 $0xFFFFC000  }
0x2f: {  	[tilespmem:s23], [sflag:$0x1] =	stream.linear.gather [hbm4b:s15+s1], $0x4000, $0x38;
	[tilespmem:$0x1D400] =	vst v63  }
0x30: {  	_ =	swait.ge [sflag:s24], $0x4000  }
0x31: {  	[sflag:s24] =	ssyncset.done $0x0  }
0x32: {  	[sflag:s24] =	ssyncadd.s32 $0xFFFFC000  }
0x33: {  	[spmem:s16] =	stream.linear.scatter [tilespmem:s23], [sflag:$0x1], $0x4000, $0x38;
	[tilespmem:$0x1D400] =	vst v63  }
0x34: {  	_ =	swait.ge [sflag:s24], $0x4000  }
0x35: {  	[sflag:s24] =	ssyncset.done $0x0  }
0x36: {  	[sflag:s24] =	ssyncadd.s32 $0xFFFFC000  }
0x37: {  	[tilespmem:s23], [sflag:$0x1] =	stream.linear.gather [hbm4b:s18+s1], $0x4000, $0x38;
	[tilespmem:$0x1D400] =	vst v63  }
0x38: {  	_ =	swait.ge [sflag:s24], $0x4000  }
0x39: {  	[sflag:s24] =	ssyncset.done $0x0  }
0x3a: {  	[sflag:s24] =	ssyncadd.s32 $0xFFFFC000  }
0x3b: {  	[spmem:s20] =	stream.linear.scatter [tilespmem:s23], [sflag:$0x1], $0x4000, $0x38;
	[tilespmem:$0x1D400] =	vst v63  }
0x3c: {  	_ =	swait.ge [sflag:s24], $0x4000  }
0x3d: {  	[sflag:s24] =	ssyncset.done $0x0  }
0x3e: {  	[sflag:s24] =	ssyncadd.s32 $0xFFFFC000  }
0x3f: {  	[tilespmem:s23], [sflag:$0x1] =	stream.linear.gather [hbm4b:s21+s1], $0x4000, $0x38;
	[tilespmem:$0x1D400] =	vst v63  }
0x40: {  	_ =	swait.ge [sflag:s24], $0x4000  }
0x41: {  	[sflag:s24] =	ssyncset.done $0x0  }
0x42: {  	[sflag:s24] =	ssyncadd.s32 $0xFFFFC000  }
0x43: {  	[spmem:s22] =	stream.linear.scatter [tilespmem:s23], [sflag:$0x1], $0x4000, $0x38;
	[tilespmem:$0x1D400] =	vst v63  }
0x44: {  	_ =	swait.ge [sflag:s24], $0x4000  }
0x45: {  	[sflag:s24] =	ssyncset.done $0x0  }
0x46: {  	[sflag:s24] =	ssyncadd.s32 $0xFFFFC000  }
0x47: {  	[bflag:$0x0] =	sbarrier.arrive $0xFFFF  }
0x48: {  	[tilespmem:s1], [sflag:$0x1] =	stream.linear.gather [hbm4b:s4+s1], $0x1400, $0x38;
	[tilespmem:$0x1D400] =	vst v63  }
0x49: {  	_ =	swait.ge [sflag:s24], $0x1400  }
0x4a: {  	[sflag:s24] =	ssyncset.done $0x0  }
0x4b: {  	s31 =	simm.s32 $0x0;
	[sflag:s24] =	ssyncadd.s32 $0xFFFFEC00  }
0x4c: {  	[spmem:s2] =	stream.indirect.scatter.add.f32 [tilespmem:s26], [sflag:$0x1], $0x80, s31, s25, $0xb8;
	[tilespmem:$0x1D400] =	vst v63  }
0x4d: {  	_ =	swait.ge [sflag:s24], $0x4000  }
0x4e: {  	s29 =	simm.s32 $0x200;
	[sflag:s24] =	ssyncset.done $0x0  }
.LBB2_4:
0x4f: {  	s1 =	sshra.s32 s29, $0x2;
	[sflag:s24] =	ssyncadd.s32 $0xFFFFC000;
	p0 =	sne.s32 s29, $0x4E00  }
0x50: {  	[spmem:s2] =	stream.indirect.scatter.add.f32 [tilespmem:s26], [sflag:$0x1], $0x80, s1, s25, $0xb8;
	[tilespmem:$0x1D400] =	vst v63  }
.Ltmp1:
0x51: {  	_ = 	snop;
	(pc) =	sbr.rel @p0 .LBB2_4-.Ltmp1, $4  }
0x52: {  	_ = 	snop  }
0x53: {  	s29 =	sadd.s32 $0x200, s29  }
0x54: {  	_ =	swait.ge [sflag:s24], $0x4000  }
0x55: {  	[sflag:s24] =	ssyncset.done $0x0  }
0x56: {  	[sflag:s24] =	ssyncadd.s32 $0xFFFFC000;
	s1 =	simm.s32 $0x0  }
0x57: {  	[tilespmem:s1], [sflag:$0x1] =	stream.linear.gather [hbm4b:s6+s1], $0x1400, $0x38;
	[tilespmem:$0x1D400] =	vst v63  }
0x58: {  	_ =	swait.ge [sflag:s24], $0x1400  }
0x59: {  	[sflag:s24] =	ssyncset.done $0x0  }
0x5a: {  	s31 =	simm.s32 $0x0;
	[sflag:s24] =	ssyncadd.s32 $0xFFFFEC00  }
0x5b: {  	[spmem:s2] =	stream.indirect.scatter.add.f32 [tilespmem:s26], [sflag:$0x1], $0x80, s31, s25, $0xb8;
	[tilespmem:$0x1D400] =	vst v63  }
0x5c: {  	_ =	swait.ge [sflag:s24], $0x4000  }
0x5d: {  	s29 =	simm.s32 $0x200;
	[sflag:s24] =	ssyncset.done $0x0  }
.LBB2_6:
0x5e: {  	s1 =	sshra.s32 s29, $0x2;
	[sflag:s24] =	ssyncadd.s32 $0xFFFFC000;
	p0 =	sne.s32 s29, $0x4E00  }
0x5f: {  	[spmem:s2] =	stream.indirect.scatter.add.f32 [tilespmem:s26], [sflag:$0x1], $0x80, s1, s25, $0xb8;
	[tilespmem:$0x1D400] =	vst v63  }
.Ltmp2:
0x60: {  	_ = 	snop;
	(pc) =	sbr.rel @p0 .LBB2_6-.Ltmp2, $4  }
0x61: {  	_ = 	snop  }
0x62: {  	s29 =	sadd.s32 $0x200, s29  }
0x63: {  	_ =	swait.ge [sflag:s24], $0x4000  }
0x64: {  	[sflag:s24] =	ssyncset.done $0x0  }
0x65: {  	[sflag:s24] =	ssyncadd.s32 $0xFFFFC000  }
0x66: {  	[bflag:$0x0] =	sbarrier.arrive $0xFFFF  }
0x67: {  	[tilespmem:s23], [sflag:$0x1] =	stream.linear.gather [spmem:s8], $0x4000, $0x38;
	[tilespmem:$0x1D400] =	vst v63  }
0x68: {  	_ =	swait.ge [sflag:s24], $0x4000  }
0x69: {  	[sflag:s24] =	ssyncset.done $0x0  }
0x6a: {  	s1 =	sadd.s32 s5, s7;
	[sflag:s24] =	ssyncadd.s32 $0xFFFFC000  }
0x6b: {  	[hbm4b:s1+s3] =	stream.linear.scatter [tilespmem:s23], [sflag:$0x1], $0x4000, $0x38;
	[tilespmem:$0x1D400] =	vst v63  }
0x6c: {  	_ =	swait.ge [sflag:s24], $0x4000  }
0x6d: {  	[sflag:s24] =	ssyncset.done $0x0  }
0x6e: {  	[sflag:s24] =	ssyncadd.s32 $0xFFFFC000  }
0x6f: {  	[tilespmem:s23], [sflag:$0x1] =	stream.linear.gather [spmem:s13], $0x4000, $0x38;
	[tilespmem:$0x1D400] =	vst v63  }
0x70: {  	_ =	swait.ge [sflag:s24], $0x4000  }
0x71: {  	[sflag:s24] =	ssyncset.done $0x0  }
0x72: {  	s31 =	sadd.s32 s11, s7;
	[sflag:s24] =	ssyncadd.s32 $0xFFFFC000  }
0x73: {  	[hbm4b:s31+s3] =	stream.linear.scatter [tilespmem:s23], [sflag:$0x1], $0x4000, $0x38;
	[tilespmem:$0x1D400] =	vst v63  }
0x74: {  	_ =	swait.ge [sflag:s24], $0x4000  }
0x75: {  	[sflag:s24] =	ssyncset.done $0x0  }
0x76: {  	[sflag:s24] =	ssyncadd.s32 $0xFFFFC000  }
0x77: {  	[tilespmem:s23], [sflag:$0x1] =	stream.linear.gather [spmem:s16], $0x4000, $0x38;
	[tilespmem:$0x1D400] =	vst v63  }
0x78: {  	_ =	swait.ge [sflag:s24], $0x4000  }
0x79: {  	[sflag:s24] =	ssyncset.done $0x0  }
0x7a: {  	s29 =	sadd.s32 s14, s7;
	[sflag:s24] =	ssyncadd.s32 $0xFFFFC000  }
0x7b: {  	[hbm4b:s29+s3] =	stream.linear.scatter [tilespmem:s23], [sflag:$0x1], $0x4000, $0x38;
	[tilespmem:$0x1D400] =	vst v63  }
0x7c: {  	_ =	swait.ge [sflag:s24], $0x4000  }
0x7d: {  	[sflag:s24] =	ssyncset.done $0x0  }
0x7e: {  	[sflag:s24] =	ssyncadd.s32 $0xFFFFC000  }
0x7f: {  	[tilespmem:s23], [sflag:$0x1] =	stream.linear.gather [spmem:s20], $0x4000, $0x38;
	[tilespmem:$0x1D400] =	vst v63  }
0x80: {  	_ =	swait.ge [sflag:s24], $0x4000  }
0x81: {  	[sflag:s24] =	ssyncset.done $0x0  }
0x82: {  	s30 =	sadd.s32 s17, s7;
	[sflag:s24] =	ssyncadd.s32 $0xFFFFC000  }
0x83: {  	[hbm4b:s30+s3] =	stream.linear.scatter [tilespmem:s23], [sflag:$0x1], $0x4000, $0x38;
	[tilespmem:$0x1D400] =	vst v63  }
0x84: {  	_ =	swait.ge [sflag:s24], $0x4000  }
0x85: {  	[sflag:s24] =	ssyncset.done $0x0  }
0x86: {  	[sflag:s24] =	ssyncadd.s32 $0xFFFFC000  }
0x87: {  	[tilespmem:s23], [sflag:$0x1] =	stream.linear.gather [spmem:s22], $0x4000, $0x38;
	[tilespmem:$0x1D400] =	vst v63  }
0x88: {  	s28 =	sadd.s32 $0x1, s28;
	_ =	swait.ge [sflag:s24], $0x4000  }
0x89: {  	p0 =	sne.s32 s28, s9;
	[sflag:s24] =	ssyncset.done $0x0  }
.Ltmp3:
0x8a: {  	s31 =	sadd.s32 s19, s7;
	[sflag:s24] =	ssyncadd.s32 $0xFFFFC000;
	(pc) =	sbr.rel @p0 .LBB2_1-.Ltmp3, $4  }
0x8b: {  	[hbm4b:s31+s3] =	stream.linear.scatter [tilespmem:s23], [sflag:$0x1], $0x4000, $0x38;
	[tilespmem:$0x1D400] =	vst v63  }
0x8c: {  	_ =	swait.ge [sflag:s24], $0x4000  }
0x8d: {  	[sflag:s24] =	ssyncset.done $0x0  }
0x8e: {  	[sflag:s24] =	ssyncadd.s32 $0xFFFFC000  }
0x8f: {  	_ =	sfence.sel $0x180000  }
0x90: {  	[bflag:$0x0] =	sbarrier.arrive $0xFFFF  }
0x91: {  	_ =	strace $0x90000047  }
0x92: {  	[bflag:$0x2] =	sbarrier.arrive $0xFFFF  }
0x93: {  	p0 =	sne.s32 s0, $0x0;
	s0 =	rddreg [dreg:$0x2]  }
0x94: {  	s0 =	sadd.s32 @!p0 $0x100000, s0  }
0x95: {  	[sflag:s0] =	ssyncadd.tile.s32 @!p0 $0x1;
	_ =	shalt  }
.Lfunc_end2:
_tile_overlayer_lowered:
.L_overlay_start_2:
0x96: {  	(tag) =	ssettag $0x2  }
0x97: {  	s0 =	rddreg [dreg:$0x0];
	s2 =	stileid.u32  }
0x98: {  	s1 =	rddreg [dreg:$0x1];
	p0 =	sne.s32 s2, $0x0  }
0x99: {  	s3 =	rddreg [dreg:$0x2];
	[bflag:$0x3] =	sbarrier.arrive $0xFFFF;
	s2 =	simm.s32 @!p0 $0x1C01  }
0x9a: {  	[timem:s3], [sflag:s2] =	dma.local @!p0 [hbm:s0], s1  }
0x9b: {  	s0 =	simm.s32 @!p0 $0x1  }
0x9c: {  	_ =	swait.ge @!p0 [sflag:s0], s1  }
0x9d: {  	s1 =	ssub.s32 @!p0 $0x0, s1;
	[sflag:s0] =	ssyncset.done @!p0 $0x0  }
0x9e: {  	[sflag:s0] =	ssyncadd.s32 @!p0 s1  }
0x9f: {  	[bflag:$0x3] =	sbarrier.arrive $0xFFFF  }
0xa0: {  	_ =	shalt  }

</sc_bundles>
